<compile_context>
chip_gen: v7x
topology: tpu7x:2x2x1
jax: 0.10.2.dev20260603
libtpu: 0.0.44.dev20260713+nightly
codegen_flags: <defaults>
</compile_context>

<pallas_src>
import jax
import jax.numpy as jnp
from jax.experimental import pallas as pl
from jax.experimental.pallas import tpu as pltpu
from jax.experimental.pallas import tpu_sc as plsc

_F32 = jnp.float32
_BF16 = jnp.bfloat16


def _dot(a, b):
    return jax.lax.dot_general(a, b, (((1,), (0,)), ((), ())),
                               preferred_element_type=_F32)


def _main_body(xt_ref, w4_ref, b4_ref, wc4_ref, bc4_ref,
               wg_ref, bg_ref, wg2_ref, bg2_ref, wcls_ref, bcls_ref,
               e_rgb_ref, e_flow_ref, e_comb_ref, cast_ref, avec_ref, idx_ref):
    X = xt_ref[0]
    x1 = X[:1024]
    x2 = X[1024:]
    xb1 = x1.astype(_BF16)
    xb2 = x2.astype(_BF16)
    xm1 = (0.25 * x1 + 0.75 * x2).astype(_BF16)
    xm2 = (0.75 * x1 + 0.25 * x2).astype(_BF16)
    Xb = X.astype(_BF16)

    def conv3(xb, w_taps, bcol):
        y0 = _dot(w_taps[0], xb)
        y1 = _dot(w_taps[1], xb)
        y2 = _dot(w_taps[2], xb)
        zc = jnp.zeros((512, 1), _F32)
        acc = y1 + jnp.concatenate([zc, y0[:, :-1]], axis=1)
        acc = acc + jnp.concatenate([y2[:, 1:], zc], axis=1)
        return jnp.maximum(acc + bcol, 0.0)

    e_rgb = conv3(xb1, w4_ref[0], b4_ref[0, :, 0:1])
    e_flow = conv3(xb2, w4_ref[1], b4_ref[1, :, 0:1])
    e_m1 = conv3(xm1, w4_ref[2], b4_ref[2, :, 0:1])
    e_m2 = conv3(xm2, w4_ref[3], b4_ref[3, :, 0:1])
    g = conv3(Xb, wg_ref, bg_ref[:, 0:1])

    def head(e, u):
        prod = e.astype(_BF16).astype(_F32) * wc4_ref[u, :, 0:1]
        s = jnp.sum(prod, axis=0, keepdims=True) + bc4_ref[u, 0:1, 0:1]
        return jax.nn.sigmoid(s)

    a_rgb = head(e_rgb, 0)
    a_flow = head(e_flow, 1)
    a_m1 = head(e_m1, 2)
    a_m2 = head(e_m2, 3)

    gl = _dot(wg2_ref[...], g.astype(_BF16)) + bg2_ref[:, 0:1]
    gl4 = gl[:4]
    gm = jnp.max(gl4, axis=0, keepdims=True)
    ge = jnp.exp(gl4 - gm)
    sm = ge / jnp.sum(ge, axis=0, keepdims=True)

    E = (0.5 * sm[0:1]) * e_rgb + (0.5 * sm[1:2]) * e_flow \
        + (0.75 * sm[2:3]) * e_m1 + (0.25 * sm[3:4]) * e_m2

    casT = _dot(wcls_ref[...], E.astype(_BF16)) + bcls_ref[:, 0:1]
    act1 = jax.nn.sigmoid(jnp.sum(casT, axis=0, keepdims=True))

    low = jnp.minimum(a_rgb, a_flow)
    act2 = (0.6 * a_m1 + 0.4 * a_m2 + 0.5 * a_rgb + 0.5 * a_flow) / 4
    act2 = 0.8 * act2 + 0.2 * low

    isub = jax.lax.broadcasted_iota(jnp.int32, (500, 1), 0)
    ilane = jax.lax.broadcasted_iota(jnp.int32, (1, 500), 1)

    st = jnp.concatenate([act1, act2, jnp.zeros((6, 512), _F32)], axis=0)
    stT = st.T

    def median(vcol, vrow):
        lt = (vcol > vrow).astype(jnp.int32)
        eq = ((vcol == vrow) & (ilane < isub)).astype(jnp.int32)
        r = jnp.sum(lt + eq, axis=1, keepdims=True)
        lo = jnp.sum(jnp.where(r == 249, vcol, 0.0), axis=0, keepdims=True)
        hi = jnp.sum(jnp.where(r == 250, vcol, 0.0), axis=0, keepdims=True)
        return lo * 0.5 + hi * 0.5

    med1 = median(stT[:500, 0:1], act1[:, :500])
    med2 = median(stT[:500, 1:2], act2[:, :500])
    bin1 = jnp.where(act1 > med1, 1.0, 0.0)
    bin2 = jnp.where(act2 > med2, 1.0, 0.0)

    xsum = bin1 + bin2
    sel_act = jnp.where(xsum == 2.0, 1.0, 0.0)
    sel_bg = jnp.where(xsum == 0.0, 1.0, 0.0)
    inner = jnp.where(xsum == 1.0, 1.0, 0.0)
    maxa = jnp.max(act1[:, :500], axis=1, keepdims=True)
    rev = maxa - act1
    s0 = act1 * sel_act
    s1 = rev * sel_bg
    a_gate = jax.nn.sigmoid((act1 - 0.4) * 5.0)
    s2 = act1 * inner * a_gate
    bg_gate = jax.nn.sigmoid((0.3 - act1) * 5)
    s3 = rev * inner + bg_gate * inner

    st4 = jnp.concatenate([s0, s1, s2, s3, jnp.zeros((4, 512), _F32)], axis=0)
    st4T = st4.T
    ilane128 = jax.lax.broadcasted_iota(jnp.int32, (1, 128), 1)
    srows = [s0, s1, s2, s3]
    for gidx in range(4):
        scol = st4T[:500, gidx:gidx + 1]
        sr = srows[gidx][:, :500]
        gt = (sr > scol).astype(jnp.int32)
        eq = ((sr == scol) & (ilane < isub)).astype(jnp.int32)
        r = jnp.sum(gt + eq, axis=1, keepdims=True)
        P = (r == ilane128).astype(jnp.int32)
        idxrow = jnp.sum(isub * P, axis=0, keepdims=True)
        idx_ref[0, gidx:gidx + 1, :] = idxrow

    e_rgb_ref[0] = e_rgb
    e_flow_ref[0] = e_flow
    e_comb_ref[0] = E
    cast_ref[0] = casT
    avec_ref[0, 0:1, :] = a_rgb
    avec_ref[0, 1:2, :] = a_flow
    avec_ref[0, 2:3, :] = act1
    avec_ref[0, 3:4, :] = act2
    avec_ref[0, 4:5, :] = bin1
    avec_ref[0, 5:6, :] = bin2


def _sc_gather(e_flat, idx_2d):
    mesh = plsc.VectorSubcoreMesh(core_axis_name="core", subcore_axis_name="subcore")

    @pl.kernel(out_type=jax.ShapeDtypeStruct((1600, 512), _F32), mesh=mesh)
    def gk(e_hbm, i_hbm, o_hbm):
        def body(i_vmem, o_vmem):
            pltpu.sync_copy(e_hbm.at[i_vmem.at[0]], o_vmem)

        pltpu.emit_pipeline(
            body,
            grid=(50,),
            in_specs=[pl.BlockSpec((1, 32), lambda i: (i, 0))],
            out_specs=[pl.BlockSpec((32, 512), lambda i: (i, 0))],
            core_axis_name=("core", "subcore"),
            dimension_semantics=(pltpu.PARALLEL,),
        )(i_hbm, o_hbm)

    return gk(e_flat, idx_2d)


def _rand_indices():
    base = jax.random.key(1234)
    out = []
    for i in range(12):
        kk = jax.random.fold_in(base, i)
        out.append(jax.random.randint(kk, (16, 5), 0, 512))
    return out


def kernel(x, w_rgb1, b_rgb1, w_flow1, b_flow1, w_m1a, b_m1a, w_m2a, b_m2a,
           w_cls_rgb, b_cls_rgb, w_cls_flow, b_cls_flow, w_cls_m1, b_cls_m1,
           w_cls_m2, b_cls_m2, w_gate1, b_gate1, w_gate2, b_gate2, w_cls, b_cls):
    xt = jnp.transpose(x, (0, 2, 1))
    xt = jnp.pad(xt, ((0, 0), (0, 0), (0, 12)))

    w4 = jnp.stack([jnp.transpose(w_rgb1, (2, 0, 1)),
                    jnp.transpose(w_flow1, (2, 0, 1)),
                    jnp.transpose(w_m1a, (2, 0, 1)),
                    jnp.transpose(w_m2a, (2, 0, 1))]).astype(_BF16)
    b4 = jnp.broadcast_to(jnp.stack([b_rgb1, b_flow1, b_m1a, b_m2a])[:, :, None],
                          (4, 512, 128))
    wc4 = jnp.broadcast_to(
        jnp.stack([w_cls_rgb[0, :, 0], w_cls_flow[0, :, 0],
                   w_cls_m1[0, :, 0], w_cls_m2[0, :, 0]]
                  ).astype(_BF16).astype(_F32)[:, :, None], (4, 512, 128))
    bc4 = jnp.broadcast_to(
        jnp.stack([b_cls_rgb, b_cls_flow, b_cls_m1, b_cls_m2])[:, :, None],
        (4, 8, 128))
    wg = jnp.transpose(w_gate1, (2, 0, 1)).astype(_BF16)
    bg = jnp.broadcast_to(b_gate1[:, None], (512, 128))
    wg2 = jnp.pad(w_gate2[:, :, 0], ((0, 4), (0, 0))).astype(_BF16)
    bg2 = jnp.broadcast_to(jnp.pad(b_gate2, (0, 4))[:, None], (8, 128))
    wclsb = w_cls[:, :, 0].astype(_BF16)
    bclsc = jnp.broadcast_to(b_cls[:, None], (20, 128))

    kfn = pl.pallas_call(
        _main_body,
        grid=(16,),
        in_specs=[
            pl.BlockSpec((1, 2048, 512), lambda b: (b, 0, 0)),
            pl.BlockSpec((4, 3, 512, 1024), lambda b: (0, 0, 0, 0)),
            pl.BlockSpec((4, 512, 128), lambda b: (0, 0, 0)),
            pl.BlockSpec((4, 512, 128), lambda b: (0, 0, 0)),
            pl.BlockSpec((4, 8, 128), lambda b: (0, 0, 0)),
            pl.BlockSpec((3, 512, 2048), lambda b: (0, 0, 0)),
            pl.BlockSpec((512, 128), lambda b: (0, 0)),
            pl.BlockSpec((8, 512), lambda b: (0, 0)),
            pl.BlockSpec((8, 128), lambda b: (0, 0)),
            pl.BlockSpec((20, 512), lambda b: (0, 0)),
            pl.BlockSpec((20, 128), lambda b: (0, 0)),
        ],
        out_specs=[
            pl.BlockSpec((1, 512, 512), lambda b: (b, 0, 0)),
            pl.BlockSpec((1, 512, 512), lambda b: (b, 0, 0)),
            pl.BlockSpec((1, 512, 512), lambda b: (b, 0, 0)),
            pl.BlockSpec((1, 20, 512), lambda b: (b, 0, 0)),
            pl.BlockSpec((1, 8, 512), lambda b: (b, 0, 0)),
            pl.BlockSpec((1, 8, 128), lambda b: (b, 0, 0)),
        ],
        out_shape=[
            jax.ShapeDtypeStruct((16, 512, 512), _F32),
            jax.ShapeDtypeStruct((16, 512, 512), _F32),
            jax.ShapeDtypeStruct((16, 512, 512), _F32),
            jax.ShapeDtypeStruct((16, 20, 512), _F32),
            jax.ShapeDtypeStruct((16, 8, 512), _F32),
            jax.ShapeDtypeStruct((16, 8, 128), jnp.int32),
        ],
    )
    e_rgb, e_flow, e_comb, casT, avec, idxf = kfn(
        xt, w4, b4, wc4, bc4, wg, bg, wg2, bg2, wclsb, bclsc)

    idx4 = idxf[:, :4, :20]
    rnd = _rand_indices()
    boff = (jnp.arange(16, dtype=jnp.int32) * 512)[:, None]

    srcs = [e_comb, e_rgb, e_flow]
    gathered = []
    for s in range(3):
        idx_list = []
        for oi in range(4):
            o = s * 4 + oi
            full = jnp.concatenate([idx4[:, oi, :], rnd[o]], axis=1)
            idx_list.append(full + boff)
        idx_cat = jnp.stack(idx_list, axis=0).reshape(50, 32).astype(jnp.int32)
        eflat = srcs[s].reshape(8192, 512)
        out = _sc_gather(eflat, idx_cat).reshape(4, 16, 25, 512)[..., :500]
        gathered.append(out)

    CA, CB, IA, IB = gathered[0]
    CAr, CBr, IAr, IBr = gathered[1]
    CAf, CBf, IAf, IBf = gathered[2]
    cas = jnp.transpose(casT[:, :, :500], (0, 2, 1))
    a_rgb = avec[:, 0, :500]
    a_flow = avec[:, 1, :500]
    act1 = avec[:, 2, :500]
    act2 = avec[:, 3, :500]
    bin1 = avec[:, 4, :500]
    bin2 = avec[:, 5, :500]
    return (cas, a_flow, a_rgb, CA, CB, IA, IB, CAr, CBr, IAr, IBr, CAf, CBf,
            IAf, IBf, act1, act2, bin1, bin2)

# --- scband reference (transcript-rebuilt; emitter-appended) ---
"""Pipeline reference for scband-aicl-32246614458476 (READ-ONLY COPY).

The authoritative reference and input builder live on the scoring server;
editing this copy changes nothing except your own understanding.
"""

import jax, jax.numpy as jnp
import numpy as np


def _conv1d(h, w, b):
    pad = (w.shape[2] - 1) // 2
    out = jax.lax.conv_general_dilated(h, w, (1,), [(pad, pad)], dimension_numbers=('NCH', 'OIH', 'NCH'))
    return out + b[None, :, None]


def setup_inputs(seed: int = 0) -> dict:
    key = jax.random.key(seed)
    ks = jax.random.split(key, 32)
    B, T, F = 16, 500, 2048
    d = {}
    d['x'] = jax.random.normal(ks[0], (B, T, F), dtype=jnp.float32)

    def w(k, shape):
        return (jax.random.normal(k, shape, dtype=jnp.float32) * 0.02)

    d['w_rgb1'] = w(ks[1], (512, 1024, 3)); d['b_rgb1'] = jnp.zeros((512,), jnp.float32)
    d['w_flow1'] = w(ks[2], (512, 1024, 3)); d['b_flow1'] = jnp.zeros((512,), jnp.float32)
    d['w_m1a'] = w(ks[3], (512, 1024, 3)); d['b_m1a'] = jnp.zeros((512,), jnp.float32)
    d['w_m2a'] = w(ks[4], (512, 1024, 3)); d['b_m2a'] = jnp.zeros((512,), jnp.float32)
    d['w_cls_rgb'] = w(ks[5], (1, 512, 1)); d['b_cls_rgb'] = jnp.zeros((1,), jnp.float32)
    d['w_cls_flow'] = w(ks[6], (1, 512, 1)); d['b_cls_flow'] = jnp.zeros((1,), jnp.float32)
    d['w_cls_m1'] = w(ks[7], (1, 512, 1)); d['b_cls_m1'] = jnp.zeros((1,), jnp.float32)
    d['w_cls_m2'] = w(ks[8], (1, 512, 1)); d['b_cls_m2'] = jnp.zeros((1,), jnp.float32)
    d['w_gate1'] = w(ks[9], (512, 2048, 3)); d['b_gate1'] = jnp.zeros((512,), jnp.float32)
    d['w_gate2'] = w(ks[10], (4, 512, 1)); d['b_gate2'] = jnp.zeros((4,), jnp.float32)
    d['w_cls'] = w(ks[11], (20, 512, 1)); d['b_cls'] = jnp.zeros((20,), jnp.float32)
    return d


def reference(x, w_rgb1, b_rgb1, w_flow1, b_flow1, w_m1a, b_m1a, w_m2a, b_m2a,
              w_cls_rgb, b_cls_rgb, w_cls_flow, b_cls_flow, w_cls_m1, b_cls_m1,
              w_cls_m2, b_cls_m2, w_gate1, b_gate1, w_gate2, b_gate2, w_cls, b_cls):
    r_C, r_I = 20, 20
    num_segments = x.shape[1]
    k_C = num_segments // r_C
    k_I = num_segments // r_I

    inp = jnp.transpose(x, (0, 2, 1))  # [B, 2048, T]
    emb_rgb = jax.nn.relu(_conv1d(inp[:, :1024, :], w_rgb1, b_rgb1))
    emb_flow = jax.nn.relu(_conv1d(inp[:, 1024:, :], w_flow1, b_flow1))
    emb_m1 = jax.nn.relu(_conv1d(0.25 * inp[:, :1024, :] + 0.75 * inp[:, 1024:, :], w_m1a, b_m1a))
    emb_m2 = jax.nn.relu(_conv1d(0.75 * inp[:, :1024, :] + 0.25 * inp[:, 1024:, :], w_m2a, b_m2a))
    g = jax.nn.relu(_conv1d(inp, w_gate1, b_gate1))
    gate = jax.nn.softmax(_conv1d(g, w_gate2, b_gate2), axis=1)
    rgb_w, flow_w, m1_w, m2_w = gate[:, 0:1, :], gate[:, 1:2, :], gate[:, 2:3, :], gate[:, 3:4, :]
    emb = 0.5 * rgb_w * emb_rgb + 0.5 * flow_w * emb_flow + 0.75 * m1_w * emb_m1 + 0.25 * m2_w * emb_m2
    cas = jnp.transpose(_conv1d(emb, w_cls, b_cls), (0, 2, 1))  # [B, T, 20]
    actionness1 = jax.nn.sigmoid(cas.sum(axis=2))
    a_rgb = jax.nn.sigmoid(_conv1d(emb_rgb, w_cls_rgb, b_cls_rgb))[:, 0, :]
    a_flow = jax.nn.sigmoid(_conv1d(emb_flow, w_cls_flow, b_cls_flow))[:, 0, :]
    a_m1 = jax.nn.sigmoid(_conv1d(emb_m1, w_cls_m1, b_cls_m1))[:, 0, :]
    a_m2 = jax.nn.sigmoid(_conv1d(emb_m2, w_cls_m2, b_cls_m2))[:, 0, :]
    low_action = jnp.minimum(a_rgb, a_flow)
    actionness2 = (0.6 * a_m1 + 0.4 * a_m2 + 0.5 * a_rgb + 0.5 * a_flow) / 4
    actionness2 = 0.8 * actionness2 + 0.2 * low_action

    a1_sg = jax.lax.stop_gradient(actionness1)
    a2_sg = jax.lax.stop_gradient(actionness2)
    aness_bin1 = jnp.where(a1_sg > jnp.median(a1_sg, axis=1, keepdims=True), 1.0, 0.0)
    aness_bin2 = jnp.where(a2_sg > jnp.median(a2_sg, axis=1, keepdims=True), 1.0, 0.0)

    base_key = jax.random.key(1234)
    state = {'i': 0}

    def select_topk(scores, embeddings, k, retain_random=0.2):
        B, Te, D = embeddings.shape
        idx_desc = jnp.argsort(-scores, axis=1)
        k_top = int(k * (1 - retain_random))
        k_rand = k - k_top
        idx_topk = idx_desc[:, :k_top]
        if k_rand > 0:
            kk = jax.random.fold_in(base_key, state['i']); state['i'] += 1
            rand_idx = jax.random.randint(kk, (B, k_rand), 0, Te)
            idx_topk = jnp.concatenate([idx_topk, rand_idx], axis=1)
        idxe = jnp.broadcast_to(idx_topk[:, :, None], (B, idx_topk.shape[1], D))
        return jnp.take_along_axis(embeddings, idxe, axis=1)

    def consistency(b1, b2, actness, embeddings, k):
        xsum = b1 + b2
        sel_act = jnp.where(xsum == 2.0, 1.0, 0.0)
        sel_bg = jnp.where(xsum == 0.0, 1.0, 0.0)
        easy_act = select_topk(actness * sel_act, embeddings, k)
        rev = jnp.max(actness, axis=1, keepdims=True) - actness
        easy_bkg = select_topk(rev * sel_bg, embeddings, k)
        return easy_act, easy_bkg

    def inconsistency(b1, b2, actness, embeddings, k):
        xsum = b1 + b2
        idx_inner = jnp.where(xsum == 1.0, 1.0, 0.0)
        gate_c, gate_s = 0.4, 5.0
        a_gate = jax.nn.sigmoid((actness - gate_c) * gate_s)
        region_inner = actness * idx_inner * a_gate
        hard_act = select_topk(region_inner, embeddings, k, retain_random=0.2)
        rev = jnp.max(actness, axis=1, keepdims=True) - actness
        bg_gate = jax.nn.sigmoid((0.3 - actness) * 5)
        region_outer = rev * idx_inner + bg_gate * idx_inner
        hard_bkg = select_topk(region_outer, embeddings, k, retain_random=0.2)
        return hard_act, hard_bkg

    CA, CB = consistency(aness_bin1, aness_bin2, actionness1, emb, k_C)
    IA, IB = inconsistency(aness_bin1, aness_bin2, actionness1, emb, k_I)
    CAr, CBr = consistency(aness_bin1, aness_bin2, actionness1, emb_rgb, k_C)
    IAr, IBr = inconsistency(aness_bin1, aness_bin2, actionness1, emb_rgb, k_I)
    CAf, CBf = consistency(aness_bin1, aness_bin2, actionness1, emb_flow, k_C)
    IAf, IBf = inconsistency(aness_bin1, aness_bin2, actionness1, emb_flow, k_I)

    return (cas, a_flow, a_rgb, CA, CB, IA, IB, CAr, CBr, IAr, IBr, CAf, CBf, IAf, IBf,
            actionness1, actionness2, aness_bin1, aness_bin2)

if __name__ == "__main__":
    import jax
    _d = setup_inputs()
    print(jax.jit(kernel)(*tuple(_d.values())))

</pallas_src>

<mosaic_0001>
#map = affine_map<(d0, d1) -> (0, 0)>
module attributes {stable_mosaic.version = 14 : i64} {
  func.func @gk(%arg0: i32, %arg1: i32, %arg2: memref<8192x512xf32, #tpu.memory_space<hbm>>, %arg3: memref<50x32xi32, #tpu.memory_space<hbm>>, %arg4: memref<1600x512xf32, #tpu.memory_space<hbm>>) attributes {dimension_semantics = [#tpu.dimension_semantics<core_parallel>, #tpu.dimension_semantics<subcore_parallel>], iteration_bounds = array<i64: 2, 16>, scalar_prefetch = 0 : i64, scratch_operands = 0 : i64, tpu.core_type = #tpu.core_type<sc_vector_subcore>, window_params = [{transform_indices = #map}, {transform_indices = #map}, {transform_indices = #map}]} {
    %mul3A = arith.constant 1 : i32
    %mul3A_0 = arith.muli %arg1, %mul3A : i32
    %add3A = arith.constant 0 : i32
    %add3A_1 = arith.addi %add3A, %mul3A_0 : i32
    %mul3A_2 = arith.constant 16 : i32
    %mul3A_3 = arith.muli %arg0, %mul3A_2 : i32
    %add3A_4 = arith.addi %add3A_1, %mul3A_3 : i32
    %lt3A = arith.constant 18 : i32
    %lt3A_5 = arith.cmpi slt, %add3A_4, %lt3A : i32
    %jit3A = arith.constant 2 : i32
    %jit3A_6 = arith.constant 1 : i32
    %select_n3A = arith.select %lt3A_5, %jit3A, %jit3A_6 : i32
    %lt3A_7 = arith.constant 18 : i32
    %lt3A_8 = arith.cmpi slt, %add3A_4, %lt3A_7 : i32
    %mul3A_9 = arith.muli %add3A_4, %select_n3A : i32
    %mul3A_10 = arith.constant 1 : i32
    %mul3A_11 = arith.muli %add3A_4, %mul3A_10 : i32
    %add3A_12 = arith.constant 18 : i32
    %add3A_13 = arith.addi %mul3A_11, %add3A_12 : i32
    %select_n3A_14 = arith.select %lt3A_8, %mul3A_9, %add3A_13 : i32
    %mul3A_15 = arith.constant 1 : i32
    %mul3A_16 = arith.muli %mul3A_15, %select_n3A : i32
    "tpu.region"() ({
      %run_scoped3A = memref.alloca() : memref<2x1x32xi32, #tpu.memory_space<vmem>>
      %run_scoped3A_17 = tpu.sem_alloc : memref<2x!tpu.dma_semaphore, #tpu.memory_space<semaphore_mem>>
      %run_scoped3A_18 = memref.alloca() : memref<2x32x512xf32, #tpu.memory_space<vmem>>
      %run_scoped3A_19 = tpu.sem_alloc : memref<2x!tpu.dma_semaphore, #tpu.memory_space<semaphore_mem>>
      %gt3A = arith.constant 0 : i32
      %gt3A_20 = arith.cmpi sgt, %mul3A_16, %gt3A : i32
      %convert_element_type3A = arith.extui %gt3A_20 : i1 to i32
      %cond3A = arith.constant 0 : i32
      %cond3A_21 = arith.cmpi ne, %convert_element_type3A, %cond3A : i32
      scf.if %cond3A_21 {
        %mul3A_22 = arith.constant 1 : i32
        %mul3A_23 = arith.muli %mul3A_22, %select_n3A : i32
        %sub3A = arith.constant 1 : i32
        %sub3A_24 = arith.subi %mul3A_23, %sub3A : i32
        %eq3A = arith.constant 0 : i32
        %eq3A_25 = arith.cmpi eq, %sub3A_24, %eq3A : i32
        %add3A_26 = arith.constant 0 : i32
        %add3A_27 = arith.addi %add3A_26, %select_n3A_14 : i32
        %select_n3A_28 = arith.constant true
        %select_n3A_29 = arith.constant 0 : i32
        %select_n3A_30 = arith.constant -1 : i32
        %select_n3A_31 = arith.select %select_n3A_28, %select_n3A_30, %select_n3A_29 : i32
        %eq3A_32 = arith.constant -1 : i32
        %eq3A_33 = arith.cmpi eq, %select_n3A_31, %eq3A_32 : i32
        %sub3A_34 = arith.constant 1 : i32
        %sub3A_35 = arith.subi %select_n3A, %sub3A_34 : i32
        %select_n3A_36 = arith.select %eq3A_33, %sub3A_35, %select_n3A_31 : i32
        %add3A_37 = arith.addi %select_n3A_36, %select_n3A_14 : i32
        %select_n3A_38 = arith.constant true
        %select_n3A_39 = arith.constant 0 : i32
        %select_n3A_40 = arith.constant 1 : i32
        %select_n3A_41 = arith.select %select_n3A_38, %select_n3A_40, %select_n3A_39 : i32
        %eq3A_42 = arith.cmpi eq, %select_n3A_41, %select_n3A : i32
        %select_n3A_43 = arith.constant 0 : i32
        %select_n3A_44 = arith.select %eq3A_42, %select_n3A_43, %select_n3A_41 : i32
        %add3A_45 = arith.addi %select_n3A_44, %select_n3A_14 : i32
        %add3A_46 = arith.constant 1 : i32
        %add3A_47 = arith.addi %select_n3A_44, %add3A_46 : i32
        %select_n3A_48 = arith.constant true
        %select_n3A_49 = arith.select %select_n3A_48, %add3A_47, %select_n3A_44 : i32
        %eq3A_50 = arith.cmpi eq, %select_n3A_49, %select_n3A : i32
        %select_n3A_51 = arith.constant 0 : i32
        %select_n3A_52 = arith.select %eq3A_50, %select_n3A_51, %select_n3A_49 : i32
        %add3A_53 = arith.addi %select_n3A_52, %select_n3A_14 : i32
        "tpu.trace_start"() <{level = 10 : i32, message = "ep_initialize_0"}> : () -> ()
        %rem3A = arith.constant 0 : i32
        %rem3A_54 = arith.constant 2 : i32
        %rem3A_55 = arith.remui %rem3A, %rem3A_54 : i32
        %mul3A_56 = arith.constant 1 : i32
        %mul3A_57 = arith.muli %mul3A_56, %add3A_27 : i32
        %dma_start3A = arith.constant 0 : i32
        %dma_start3A_58 = arith.constant 0 : i32
        %dma_start3A_59 = tpu.memref_slice %run_scoped3A[%rem3A_55, %dma_start3A, %dma_start3A_58] : memref<2x1x32xi32, #tpu.memory_space<vmem>> -> memref<1x1x32xi32, #tpu.memory_space<vmem>>
        %dma_start3A_60 = tpu.memref_squeeze %dma_start3A_59 : memref<1x1x32xi32, #tpu.memory_space<vmem>> -> memref<1x32xi32, #tpu.memory_space<vmem>>
        %dma_start3A_61 = arith.constant 0 : i32
        %dma_start3A_62 = tpu.memref_slice %arg3[%mul3A_57, %dma_start3A_61] : memref<50x32xi32, #tpu.memory_space<hbm>> -> memref<1x32xi32, #tpu.memory_space<hbm>>
        %dma_start3A_63 = tpu.memref_slice %run_scoped3A_17[%rem3A_55] : memref<2x!tpu.dma_semaphore, #tpu.memory_space<semaphore_mem>> -> memref<1x!tpu.dma_semaphore, #tpu.memory_space<semaphore_mem>>
        %dma_start3A_64 = tpu.memref_squeeze %dma_start3A_63 : memref<1x!tpu.dma_semaphore, #tpu.memory_space<semaphore_mem>> -> memref<!tpu.dma_semaphore, #tpu.memory_space<semaphore_mem>>
        %dma_start3A_65 = arith.constant 0 : i32
        %dma_start3A_66 = arith.constant 0 : i32
        %dma_start3A_67 = tpu.memref_slice %run_scoped3A[%rem3A_55, %dma_start3A_65, %dma_start3A_66] : memref<2x1x32xi32, #tpu.memory_space<vmem>> -> memref<1x1x32xi32, #tpu.memory_space<vmem>>
        %dma_start3A_68 = tpu.memref_squeeze %dma_start3A_67 : memref<1x1x32xi32, #tpu.memory_space<vmem>> -> memref<1x32xi32, #tpu.memory_space<vmem>>
        %dma_start3A_69 = arith.constant 0 : i32
        %dma_start3A_70 = tpu.memref_slice %arg3[%mul3A_57, %dma_start3A_69] : memref<50x32xi32, #tpu.memory_space<hbm>> -> memref<1x32xi32, #tpu.memory_space<hbm>>
        tpu.enqueue_dma source(%dma_start3A_70 : memref<1x32xi32, #tpu.memory_space<hbm>>) target(%dma_start3A_68 : memref<1x32xi32, #tpu.memory_space<vmem>>) target_semaphore(%dma_start3A_64 : memref<!tpu.dma_semaphore, #tpu.memory_space<semaphore_mem>>)
        %add3A_71 = arith.constant 0 : i32
        %add3A_72 = arith.constant 1 : i32
        %add3A_73 = arith.addi %add3A_71, %add3A_72 : i32
        %select_n3A_74 = arith.constant true
        %select_n3A_75 = arith.constant 0 : i32
        %select_n3A_76 = arith.select %select_n3A_74, %add3A_73, %select_n3A_75 : i32
        %while3A = arith.constant 0 : i32
        %while3A_77 = arith.constant 0 : i32
        %while3A_78 = arith.constant 0 : i32
        %while3A_79 = arith.constant 0 : i32
        %while3A_80 = arith.constant 0 : i32
        "tpu.trace_stop"() : () -> ()
        %while3A_81 = arith.subi %mul3A_16, %while3A : i32
        %while3A_82 = arith.addi %while3A, %while3A_81 : i32
        %while3A_83 = arith.constant 1 : i32
        %while3A_84 = arith.divsi %while3A_81, %while3A_83 : i32
        %while3A_85 = arith.muli %while3A_84, %while3A_83 : i32
        %while3A_86 = arith.addi %while3A, %while3A_85 : i32
        %while3A_87 = arith.constant 1 : i32
        %while3A_88:5 = scf.for %while3A_142 = %while3A to %while3A_86 step %while3A_87 iter_args(%while3A_143 = %select_n3A_76, %while3A_144 = %while3A_77, %while3A_145 = %while3A_78, %while3A_146 = %while3A_79, %while3A_147 = %while3A_80) -> (i32, i32, i32, i32, i32)  : i32 {
          %mul3A_148 = arith.constant 1 : i32
          %mul3A_149 = arith.muli %mul3A_148, %select_n3A : i32
          %eq3A_150 = arith.constant 0 : i32
          %eq3A_151 = arith.cmpi eq, %while3A_142, %eq3A_150 : i32
          %sub3A_152 = arith.constant 1 : i32
          %sub3A_153 = arith.subi %mul3A_149, %sub3A_152 : i32
          %eq3A_154 = arith.cmpi eq, %while3A_142, %sub3A_153 : i32
          %add3A_155 = arith.addi %while3A_147, %select_n3A_14 : i32
          %sub3A_156 = arith.constant 1 : i32
          %sub3A_157 = arith.subi %while3A_147, %sub3A_156 : i32
          %select_n3A_158 = arith.constant true
          %select_n3A_159 = arith.select %select_n3A_158, %sub3A_157, %while3A_147 : i32
          %eq3A_160 = arith.constant -1 : i32
          %eq3A_161 = arith.cmpi eq, %select_n3A_159, %eq3A_160 : i32
          %sub3A_162 = arith.constant 1 : i32
          %sub3A_163 = arith.subi %select_n3A, %sub3A_162 : i32
          %select_n3A_164 = arith.select %eq3A_161, %sub3A_163, %select_n3A_159 : i32
          %add3A_165 = arith.addi %select_n3A_164, %select_n3A_14 : i32
          %add3A_166 = arith.constant 1 : i32
          %add3A_167 = arith.addi %while3A_147, %add3A_166 : i32
          %select_n3A_168 = arith.constant true
          %select_n3A_169 = arith.select %select_n3A_168, %add3A_167, %while3A_147 : i32
          %eq3A_170 = arith.cmpi eq, %select_n3A_169, %select_n3A : i32
          %select_n3A_171 = arith.constant 0 : i32
          %select_n3A_172 = arith.select %eq3A_170, %select_n3A_171, %select_n3A_169 : i32
          %add3A_173 = arith.addi %select_n3A_172, %select_n3A_14 : i32
          %add3A_174 = arith.constant 1 : i32
          %add3A_175 = arith.addi %select_n3A_172, %add3A_174 : i32
          %select_n3A_176 = arith.constant true
          %select_n3A_177 = arith.select %select_n3A_176, %add3A_175, %select_n3A_172 : i32
          %eq3A_178 = arith.cmpi eq, %select_n3A_177, %select_n3A : i32
          %select_n3A_179 = arith.constant 0 : i32
          %select_n3A_180 = arith.select %eq3A_178, %select_n3A_179, %select_n3A_177 : i32
          %add3A_181 = arith.addi %select_n3A_180, %select_n3A_14 : i32
          %ne3A = arith.cmpi ne, %add3A_155, %add3A_173 : i32
          %or3A = arith.constant false
          %or3A_182 = arith.ori %or3A, %ne3A : i1
          %or3A_183 = arith.constant false
          %or3A_184 = arith.ori %or3A_182, %or3A_183 : i1
          %sub3A_185 = arith.constant 2 : i32
          %sub3A_186 = arith.subi %mul3A_149, %sub3A_185 : i32
          %add3A_187 = arith.constant 1 : i32
          %add3A_188 = arith.addi %sub3A_186, %add3A_187 : i32
          %ge3A = arith.cmpi sge, %while3A_142, %add3A_188 : i32
          %not3A = arith.constant true
          %not3A_189 = arith.xori %ge3A, %not3A : i1
          %and3A = arith.andi %or3A_184, %not3A_189 : i1
          %convert_element_type3A_190 = arith.extui %and3A : i1 to i32
          %cond3A_191 = arith.constant 0 : i32
          %cond3A_192 = arith.cmpi ne, %convert_element_type3A_190, %cond3A_191 : i32
          scf.if %cond3A_192 {
            "tpu.trace_start"() <{level = 10 : i32, message = "ep_copy_in"}> : () -> ()
            %rem3A_304 = arith.constant 2 : i32
            %rem3A_305 = arith.remui %while3A_143, %rem3A_304 : i32
            %mul3A_306 = arith.constant 1 : i32
            %mul3A_307 = arith.muli %mul3A_306, %add3A_173 : i32
            %dma_start3A_308 = arith.constant 0 : i32
            %dma_start3A_309 = arith.constant 0 : i32
            %dma_start3A_310 = tpu.memref_slice %run_scoped3A[%rem3A_305, %dma_start3A_308, %dma_start3A_309] : memref<2x1x32xi32, #tpu.memory_space<vmem>> -> memref<1x1x32xi32, #tpu.memory_space<vmem>>
            %dma_start3A_311 = tpu.memref_squeeze %dma_start3A_310 : memref<1x1x32xi32, #tpu.memory_space<vmem>> -> memref<1x32xi32, #tpu.memory_space<vmem>>
            %dma_start3A_312 = arith.constant 0 : i32
            %dma_start3A_313 = tpu.memref_slice %arg3[%mul3A_307, %dma_start3A_312] : memref<50x32xi32, #tpu.memory_space<hbm>> -> memref<1x32xi32, #tpu.memory_space<hbm>>
            %dma_start3A_314 = tpu.memref_slice %run_scoped3A_17[%rem3A_305] : memref<2x!tpu.dma_semaphore, #tpu.memory_space<semaphore_mem>> -> memref<1x!tpu.dma_semaphore, #tpu.memory_space<semaphore_mem>>
            %dma_start3A_315 = tpu.memref_squeeze %dma_start3A_314 : memref<1x!tpu.dma_semaphore, #tpu.memory_space<semaphore_mem>> -> memref<!tpu.dma_semaphore, #tpu.memory_space<semaphore_mem>>
            %dma_start3A_316 = arith.constant 0 : i32
            %dma_start3A_317 = arith.constant 0 : i32
            %dma_start3A_318 = tpu.memref_slice %run_scoped3A[%rem3A_305, %dma_start3A_316, %dma_start3A_317] : memref<2x1x32xi32, #tpu.memory_space<vmem>> -> memref<1x1x32xi32, #tpu.memory_space<vmem>>
            %dma_start3A_319 = tpu.memref_squeeze %dma_start3A_318 : memref<1x1x32xi32, #tpu.memory_space<vmem>> -> memref<1x32xi32, #tpu.memory_space<vmem>>
            %dma_start3A_320 = arith.constant 0 : i32
            %dma_start3A_321 = tpu.memref_slice %arg3[%mul3A_307, %dma_start3A_320] : memref<50x32xi32, #tpu.memory_space<hbm>> -> memref<1x32xi32, #tpu.memory_space<hbm>>
            tpu.enqueue_dma source(%dma_start3A_321 : memref<1x32xi32, #tpu.memory_space<hbm>>) target(%dma_start3A_319 : memref<1x32xi32, #tpu.memory_space<vmem>>) target_semaphore(%dma_start3A_315 : memref<!tpu.dma_semaphore, #tpu.memory_space<semaphore_mem>>)
            "tpu.trace_stop"() : () -> ()
          } else {
          }
          %and3A_193 = arith.constant true
          %and3A_194 = arith.andi %and3A, %and3A_193 : i1
          %add3A_195 = arith.constant 1 : i32
          %add3A_196 = arith.addi %while3A_143, %add3A_195 : i32
          %select_n3A_197 = arith.select %and3A_194, %add3A_196, %while3A_143 : i32
          %ne3A_198 = arith.cmpi ne, %add3A_155, %add3A_173 : i32
          %or3A_199 = arith.constant false
          %or3A_200 = arith.ori %or3A_199, %ne3A_198 : i1
          %or3A_201 = arith.constant false
          %or3A_202 = arith.ori %or3A_200, %or3A_201 : i1
          %sub3A_203 = arith.constant 2 : i32
          %sub3A_204 = arith.subi %mul3A_149, %sub3A_203 : i32
          %add3A_205 = arith.constant 1 : i32
          %add3A_206 = arith.addi %sub3A_204, %add3A_205 : i32
          %ge3A_207 = arith.cmpi sge, %while3A_142, %add3A_206 : i32
          %not3A_208 = arith.constant true
          %not3A_209 = arith.xori %ge3A_207, %not3A_208 : i1
          %and3A_210 = arith.andi %or3A_202, %not3A_209 : i1
          %ne3A_211 = arith.cmpi ne, %add3A_155, %add3A_165 : i32
          %or3A_212 = arith.constant false
          %or3A_213 = arith.ori %or3A_212, %ne3A_211 : i1
          %or3A_214 = arith.constant false
          %or3A_215 = arith.ori %or3A_213, %or3A_214 : i1
          %or3A_216 = arith.ori %or3A_215, %eq3A_151 : i1
          %convert_element_type3A_217 = arith.extui %or3A_216 : i1 to i32
          %cond3A_218 = arith.constant 0 : i32
          %cond3A_219 = arith.cmpi ne, %convert_element_type3A_217, %cond3A_218 : i32
          scf.if %cond3A_219 {
            "tpu.trace_start"() <{level = 10 : i32, message = "ep_wait_in"}> : () -> ()
            %mul3A_304 = arith.constant 1 : i32
            %mul3A_305 = arith.muli %mul3A_304, %add3A_155 : i32
            %rem3A_306 = arith.constant 2 : i32
            %rem3A_307 = arith.remui %while3A_144, %rem3A_306 : i32
            %dma_wait3A = arith.constant 0 : i32
            %dma_wait3A_308 = arith.constant 0 : i32
            %dma_wait3A_309 = tpu.memref_slice %run_scoped3A[%rem3A_307, %dma_wait3A, %dma_wait3A_308] : memref<2x1x32xi32, #tpu.memory_space<vmem>> -> memref<1x1x32xi32, #tpu.memory_space<vmem>>
            %dma_wait3A_310 = tpu.memref_squeeze %dma_wait3A_309 : memref<1x1x32xi32, #tpu.memory_space<vmem>> -> memref<1x32xi32, #tpu.memory_space<vmem>>
            %dma_wait3A_311 = arith.constant 0 : i32
            %dma_wait3A_312 = tpu.memref_slice %arg3[%mul3A_305, %dma_wait3A_311] : memref<50x32xi32, #tpu.memory_space<hbm>> -> memref<1x32xi32, #tpu.memory_space<hbm>>
            %dma_wait3A_313 = tpu.memref_slice %run_scoped3A_17[%rem3A_307] : memref<2x!tpu.dma_semaphore, #tpu.memory_space<semaphore_mem>> -> memref<1x!tpu.dma_semaphore, #tpu.memory_space<semaphore_mem>>
            %dma_wait3A_314 = tpu.memref_squeeze %dma_wait3A_313 : memref<1x!tpu.dma_semaphore, #tpu.memory_space<semaphore_mem>> -> memref<!tpu.dma_semaphore, #tpu.memory_space<semaphore_mem>>
            %dma_wait3A_315 = arith.constant 0 : i32
            %dma_wait3A_316 = arith.constant 0 : i32
            %dma_wait3A_317 = tpu.memref_slice %run_scoped3A[%rem3A_307, %dma_wait3A_315, %dma_wait3A_316] : memref<2x1x32xi32, #tpu.memory_space<vmem>> -> memref<1x1x32xi32, #tpu.memory_space<vmem>>
            %dma_wait3A_318 = tpu.memref_squeeze %dma_wait3A_317 : memref<1x1x32xi32, #tpu.memory_space<vmem>> -> memref<1x32xi32, #tpu.memory_space<vmem>>
            %dma_wait3A_319 = arith.constant 0 : i32
            %dma_wait3A_320 = tpu.memref_slice %arg3[%mul3A_305, %dma_wait3A_319] : memref<50x32xi32, #tpu.memory_space<hbm>> -> memref<1x32xi32, #tpu.memory_space<hbm>>
            tpu.wait_dma2 semaphore(%dma_wait3A_314 : memref<!tpu.dma_semaphore, #tpu.memory_space<semaphore_mem>>) src(%dma_wait3A_320 : memref<1x32xi32, #tpu.memory_space<hbm>>) dst(%dma_wait3A_318 : memref<1x32xi32, #tpu.memory_space<vmem>>)
            "tpu.trace_stop"() : () -> ()
          } else {
          }
          %ne3A_220 = arith.cmpi ne, %add3A_155, %add3A_165 : i32
          %or3A_221 = arith.constant false
          %or3A_222 = arith.ori %or3A_221, %ne3A_220 : i1
          %or3A_223 = arith.constant false
          %or3A_224 = arith.ori %or3A_222, %or3A_223 : i1
          %or3A_225 = arith.ori %or3A_224, %eq3A_151 : i1
          %convert_element_type3A_226 = arith.extui %or3A_225 : i1 to i32
          %cond3A_227 = arith.constant 0 : i32
          %cond3A_228 = arith.cmpi ne, %convert_element_type3A_226, %cond3A_227 : i32
          scf.if %cond3A_228 {
          } else {
          }
          %rem3A_229 = arith.constant 2 : i32
          %rem3A_230 = arith.remui %while3A_144, %rem3A_229 : i32
          %rem3A_231 = arith.constant 2 : i32
          %rem3A_232 = arith.remui %while3A_145, %rem3A_231 : i32
          %run_scoped3A_233 = arith.constant 0 : i32
          "tpu.trace_start"() <{level = 10 : i32, message = "ep_run_kernel"}> : () -> ()
          "tpu.region"() ({
            %run_scoped3A_304 = tpu.sem_alloc : memref<!tpu.dma_semaphore, #tpu.memory_space<semaphore_mem>>
            %dma_start3A_305 = arith.constant 0 : i32
            %dma_start3A_306 = arith.constant 0 : i32
            %dma_start3A_307 = tpu.memref_slice %run_scoped3A_18[%rem3A_232, %dma_start3A_305, %dma_start3A_306] : memref<2x32x512xf32, #tpu.memory_space<vmem>> -> memref<1x32x512xf32, #tpu.memory_space<vmem>>
            %dma_start3A_308 = tpu.memref_squeeze %dma_start3A_307 : memref<1x32x512xf32, #tpu.memory_space<vmem>> -> memref<32x512xf32, #tpu.memory_space<vmem>>
            %dma_start3A_309 = arith.constant 0 : i32
            %dma_start3A_310 = arith.constant 0 : i32
            %dma_start3A_311 = tpu.memref_slice %run_scoped3A[%rem3A_230, %dma_start3A_309, %dma_start3A_310] : memref<2x1x32xi32, #tpu.memory_space<vmem>> -> memref<1x1x32xi32, #tpu.memory_space<vmem>>
            %dma_start3A_312 = tpu.memref_squeeze %dma_start3A_311 : memref<1x1x32xi32, #tpu.memory_space<vmem>> -> memref<1x32xi32, #tpu.memory_space<vmem>>
            %dma_start3A_313 = arith.constant 0 : i32
            %dma_start3A_314 = tpu.memref_slice %dma_start3A_312[%run_scoped3A_233, %dma_start3A_313] : memref<1x32xi32, #tpu.memory_space<vmem>> -> memref<1x32xi32, #tpu.memory_space<vmem>>
            %dma_start3A_315 = tpu.memref_squeeze %dma_start3A_314 : memref<1x32xi32, #tpu.memory_space<vmem>> -> memref<32xi32, #tpu.memory_space<vmem>>
            %dma_start3A_316 = arith.constant 0 : i32
            %dma_start3A_317 = arith.constant 0 : i32
            %dma_start3A_318 = tpu.memref_slice %arg2[%dma_start3A_316, %dma_start3A_317] : memref<8192x512xf32, #tpu.memory_space<hbm>> -> memref<8192x512xf32, #tpu.memory_space<hbm>>
            tpu.enqueue_indirect_dma source(%dma_start3A_318 : memref<8192x512xf32, #tpu.memory_space<hbm>>) target(%dma_start3A_308 : memref<32x512xf32, #tpu.memory_space<vmem>>) offsets(%dma_start3A_315 : memref<32xi32, #tpu.memory_space<vmem>>) semaphore(%run_scoped3A_304 : memref<!tpu.dma_semaphore, #tpu.memory_space<semaphore_mem>>)
            %dma_wait3A = arith.constant 0 : i32
            %dma_wait3A_319 = arith.constant 0 : i32
            %dma_wait3A_320 = tpu.memref_slice %run_scoped3A_18[%rem3A_232, %dma_wait3A, %dma_wait3A_319] : memref<2x32x512xf32, #tpu.memory_space<vmem>> -> memref<1x32x512xf32, #tpu.memory_space<vmem>>
            %dma_wait3A_321 = tpu.memref_squeeze %dma_wait3A_320 : memref<1x32x512xf32, #tpu.memory_space<vmem>> -> memref<32x512xf32, #tpu.memory_space<vmem>>
            %dma_wait3A_322 = arith.constant 0 : i32
            %dma_wait3A_323 = arith.constant 0 : i32
            %dma_wait3A_324 = tpu.memref_slice %run_scoped3A[%rem3A_230, %dma_wait3A_322, %dma_wait3A_323] : memref<2x1x32xi32, #tpu.memory_space<vmem>> -> memref<1x1x32xi32, #tpu.memory_space<vmem>>
            %dma_wait3A_325 = tpu.memref_squeeze %dma_wait3A_324 : memref<1x1x32xi32, #tpu.memory_space<vmem>> -> memref<1x32xi32, #tpu.memory_space<vmem>>
            %dma_wait3A_326 = arith.constant 0 : i32
            %dma_wait3A_327 = tpu.memref_slice %dma_wait3A_325[%run_scoped3A_233, %dma_wait3A_326] : memref<1x32xi32, #tpu.memory_space<vmem>> -> memref<1x32xi32, #tpu.memory_space<vmem>>
            %dma_wait3A_328 = tpu.memref_squeeze %dma_wait3A_327 : memref<1x32xi32, #tpu.memory_space<vmem>> -> memref<32xi32, #tpu.memory_space<vmem>>
            %dma_wait3A_329 = arith.constant 0 : i32
            %dma_wait3A_330 = arith.constant 0 : i32
            %dma_wait3A_331 = tpu.memref_slice %arg2[%dma_wait3A_329, %dma_wait3A_330] : memref<8192x512xf32, #tpu.memory_space<hbm>> -> memref<8192x512xf32, #tpu.memory_space<hbm>>
            tpu.wait_indirect_dma semaphore(%run_scoped3A_304 : memref<!tpu.dma_semaphore, #tpu.memory_space<semaphore_mem>>) src(%dma_wait3A_331 : memref<8192x512xf32, #tpu.memory_space<hbm>>) dst(%dma_wait3A_321 : memref<32x512xf32, #tpu.memory_space<vmem>>)
            tpu.yield
          }) : () -> ()
          "tpu.trace_stop"() : () -> ()
          %ne3A_234 = arith.cmpi ne, %add3A_155, %add3A_173 : i32
          %or3A_235 = arith.constant false
          %or3A_236 = arith.ori %or3A_235, %ne3A_234 : i1
          %or3A_237 = arith.constant false
          %or3A_238 = arith.ori %or3A_236, %or3A_237 : i1
          %or3A_239 = arith.ori %or3A_238, %eq3A_154 : i1
          %convert_element_type3A_240 = arith.extui %or3A_239 : i1 to i32
          %cond3A_241 = arith.constant 0 : i32
          %cond3A_242 = arith.cmpi ne, %convert_element_type3A_240, %cond3A_241 : i32
          scf.if %cond3A_242 {
          } else {
          }
          %and3A_243 = arith.constant false
          %and3A_244 = arith.andi %or3A_239, %and3A_243 : i1
          %ne3A_245 = arith.cmpi ne, %add3A_155, %add3A_173 : i32
          %or3A_246 = arith.constant false
          %or3A_247 = arith.ori %or3A_246, %ne3A_245 : i1
          %or3A_248 = arith.constant false
          %or3A_249 = arith.ori %or3A_247, %or3A_248 : i1
          %or3A_250 = arith.ori %or3A_249, %eq3A_154 : i1
          %convert_element_type3A_251 = arith.extui %or3A_250 : i1 to i32
          %cond3A_252 = arith.constant 0 : i32
          %cond3A_253 = arith.cmpi ne, %convert_element_type3A_251, %cond3A_252 : i32
          scf.if %cond3A_253 {
            "tpu.trace_start"() <{level = 10 : i32, message = "ep_copy_out"}> : () -> ()
            %rem3A_304 = arith.constant 2 : i32
            %rem3A_305 = arith.remui %while3A_145, %rem3A_304 : i32
            %mul3A_306 = arith.constant 32 : i32
            %mul3A_307 = arith.muli %mul3A_306, %add3A_155 : i32
            %dma_start3A_308 = arith.constant 0 : i32
            %dma_start3A_309 = arith.constant 0 : i32
            %dma_start3A_310 = tpu.memref_slice %run_scoped3A_18[%rem3A_305, %dma_start3A_308, %dma_start3A_309] : memref<2x32x512xf32, #tpu.memory_space<vmem>> -> memref<1x32x512xf32, #tpu.memory_space<vmem>>
            %dma_start3A_311 = tpu.memref_squeeze %dma_start3A_310 : memref<1x32x512xf32, #tpu.memory_space<vmem>> -> memref<32x512xf32, #tpu.memory_space<vmem>>
            %dma_start3A_312 = arith.constant 0 : i32
            %dma_start3A_313 = tpu.memref_slice %arg4[%mul3A_307, %dma_start3A_312] : memref<1600x512xf32, #tpu.memory_space<hbm>> -> memref<32x512xf32, #tpu.memory_space<hbm>>
            %dma_start3A_314 = tpu.memref_slice %run_scoped3A_19[%rem3A_305] : memref<2x!tpu.dma_semaphore, #tpu.memory_space<semaphore_mem>> -> memref<1x!tpu.dma_semaphore, #tpu.memory_space<semaphore_mem>>
            %dma_start3A_315 = tpu.memref_squeeze %dma_start3A_314 : memref<1x!tpu.dma_semaphore, #tpu.memory_space<semaphore_mem>> -> memref<!tpu.dma_semaphore, #tpu.memory_space<semaphore_mem>>
            %dma_start3A_316 = arith.constant 0 : i32
            %dma_start3A_317 = tpu.memref_slice %arg4[%mul3A_307, %dma_start3A_316] : memref<1600x512xf32, #tpu.memory_space<hbm>> -> memref<32x512xf32, #tpu.memory_space<hbm>>
            %dma_start3A_318 = arith.constant 0 : i32
            %dma_start3A_319 = arith.constant 0 : i32
            %dma_start3A_320 = tpu.memref_slice %run_scoped3A_18[%rem3A_305, %dma_start3A_318, %dma_start3A_319] : memref<2x32x512xf32, #tpu.memory_space<vmem>> -> memref<1x32x512xf32, #tpu.memory_space<vmem>>
            %dma_start3A_321 = tpu.memref_squeeze %dma_start3A_320 : memref<1x32x512xf32, #tpu.memory_space<vmem>> -> memref<32x512xf32, #tpu.memory_space<vmem>>
            tpu.enqueue_dma source(%dma_start3A_321 : memref<32x512xf32, #tpu.memory_space<vmem>>) target(%dma_start3A_317 : memref<32x512xf32, #tpu.memory_space<hbm>>) target_semaphore(%dma_start3A_315 : memref<!tpu.dma_semaphore, #tpu.memory_space<semaphore_mem>>)
            "tpu.trace_stop"() : () -> ()
          } else {
          }
          %and3A_254 = arith.constant true
          %and3A_255 = arith.andi %or3A_250, %and3A_254 : i1
          %add3A_256 = arith.constant 1 : i32
          %add3A_257 = arith.addi %while3A_145, %add3A_256 : i32
          %select_n3A_258 = arith.select %and3A_255, %add3A_257, %while3A_145 : i32
          %ne3A_259 = arith.cmpi ne, %add3A_155, %add3A_165 : i32
          %or3A_260 = arith.constant false
          %or3A_261 = arith.ori %or3A_260, %ne3A_259 : i1
          %or3A_262 = arith.constant false
          %or3A_263 = arith.ori %or3A_261, %or3A_262 : i1
          %not3A_264 = arith.constant true
          %not3A_265 = arith.xori %eq3A_151, %not3A_264 : i1
          %and3A_266 = arith.andi %or3A_263, %not3A_265 : i1
          %convert_element_type3A_267 = arith.extui %and3A_266 : i1 to i32
          %cond3A_268 = arith.constant 0 : i32
          %cond3A_269 = arith.cmpi ne, %convert_element_type3A_267, %cond3A_268 : i32
          scf.if %cond3A_269 {
          } else {
          }
          %and3A_270 = arith.constant false
          %and3A_271 = arith.andi %and3A_266, %and3A_270 : i1
          %ne3A_272 = arith.cmpi ne, %add3A_155, %add3A_165 : i32
          %or3A_273 = arith.constant false
          %or3A_274 = arith.ori %or3A_273, %ne3A_272 : i1
          %or3A_275 = arith.constant false
          %or3A_276 = arith.ori %or3A_274, %or3A_275 : i1
          %not3A_277 = arith.constant true
          %not3A_278 = arith.xori %eq3A_151, %not3A_277 : i1
          %and3A_279 = arith.andi %or3A_276, %not3A_278 : i1
          %convert_element_type3A_280 = arith.extui %and3A_279 : i1 to i32
          %cond3A_281 = arith.constant 0 : i32
          %cond3A_282 = arith.cmpi ne, %convert_element_type3A_280, %cond3A_281 : i32
          scf.if %cond3A_282 {
            "tpu.trace_start"() <{level = 10 : i32, message = "ep_wait_out"}> : () -> ()
            %rem3A_304 = arith.constant 2 : i32
            %rem3A_305 = arith.remui %while3A_146, %rem3A_304 : i32
            %mul3A_306 = arith.constant 32 : i32
            %mul3A_307 = arith.muli %mul3A_306, %add3A_165 : i32
            %dma_wait3A = arith.constant 0 : i32
            %dma_wait3A_308 = arith.constant 0 : i32
            %dma_wait3A_309 = tpu.memref_slice %run_scoped3A_18[%rem3A_305, %dma_wait3A, %dma_wait3A_308] : memref<2x32x512xf32, #tpu.memory_space<vmem>> -> memref<1x32x512xf32, #tpu.memory_space<vmem>>
            %dma_wait3A_310 = tpu.memref_squeeze %dma_wait3A_309 : memref<1x32x512xf32, #tpu.memory_space<vmem>> -> memref<32x512xf32, #tpu.memory_space<vmem>>
            %dma_wait3A_311 = arith.constant 0 : i32
            %dma_wait3A_312 = tpu.memref_slice %arg4[%mul3A_307, %dma_wait3A_311] : memref<1600x512xf32, #tpu.memory_space<hbm>> -> memref<32x512xf32, #tpu.memory_space<hbm>>
            %dma_wait3A_313 = tpu.memref_slice %run_scoped3A_19[%rem3A_305] : memref<2x!tpu.dma_semaphore, #tpu.memory_space<semaphore_mem>> -> memref<1x!tpu.dma_semaphore, #tpu.memory_space<semaphore_mem>>
            %dma_wait3A_314 = tpu.memref_squeeze %dma_wait3A_313 : memref<1x!tpu.dma_semaphore, #tpu.memory_space<semaphore_mem>> -> memref<!tpu.dma_semaphore, #tpu.memory_space<semaphore_mem>>
            %dma_wait3A_315 = arith.constant 0 : i32
            %dma_wait3A_316 = tpu.memref_slice %arg4[%mul3A_307, %dma_wait3A_315] : memref<1600x512xf32, #tpu.memory_space<hbm>> -> memref<32x512xf32, #tpu.memory_space<hbm>>
            %dma_wait3A_317 = arith.constant 0 : i32
            %dma_wait3A_318 = arith.constant 0 : i32
            %dma_wait3A_319 = tpu.memref_slice %run_scoped3A_18[%rem3A_305, %dma_wait3A_317, %dma_wait3A_318] : memref<2x32x512xf32, #tpu.memory_space<vmem>> -> memref<1x32x512xf32, #tpu.memory_space<vmem>>
            %dma_wait3A_320 = tpu.memref_squeeze %dma_wait3A_319 : memref<1x32x512xf32, #tpu.memory_space<vmem>> -> memref<32x512xf32, #tpu.memory_space<vmem>>
            tpu.wait_dma2 semaphore(%dma_wait3A_314 : memref<!tpu.dma_semaphore, #tpu.memory_space<semaphore_mem>>) src(%dma_wait3A_320 : memref<32x512xf32, #tpu.memory_space<vmem>>) dst(%dma_wait3A_316 : memref<32x512xf32, #tpu.memory_space<hbm>>)
            "tpu.trace_stop"() : () -> ()
          } else {
          }
          %and3A_283 = arith.constant true
          %and3A_284 = arith.andi %and3A_279, %and3A_283 : i1
          %add3A_285 = arith.constant 1 : i32
          %add3A_286 = arith.addi %while3A_146, %add3A_285 : i32
          %select_n3A_287 = arith.select %and3A_284, %add3A_286, %while3A_146 : i32
          %ne3A_288 = arith.cmpi ne, %add3A_155, %add3A_173 : i32
          %or3A_289 = arith.constant false
          %or3A_290 = arith.ori %or3A_289, %ne3A_288 : i1
          %or3A_291 = arith.constant false
          %or3A_292 = arith.ori %or3A_290, %or3A_291 : i1
          %or3A_293 = arith.ori %or3A_292, %eq3A_154 : i1
          %add3A_294 = arith.constant 1 : i32
          %add3A_295 = arith.addi %while3A_144, %add3A_294 : i32
          %select_n3A_296 = arith.select %or3A_293, %add3A_295, %while3A_144 : i32
          %add3A_297 = arith.constant 1 : i32
          %add3A_298 = arith.addi %while3A_147, %add3A_297 : i32
          %select_n3A_299 = arith.constant true
          %select_n3A_300 = arith.select %select_n3A_299, %add3A_298, %while3A_147 : i32
          %eq3A_301 = arith.cmpi eq, %select_n3A_300, %select_n3A : i32
          %select_n3A_302 = arith.constant 0 : i32
          %select_n3A_303 = arith.select %eq3A_301, %select_n3A_302, %select_n3A_300 : i32
          scf.yield %select_n3A_197, %select_n3A_296, %select_n3A_258, %select_n3A_287, %select_n3A_303 : i32, i32, i32, i32, i32
        }
        %while3A_89 = arith.constant 1 : i32
        %while3A_90:5 = scf.for %while3A_142 = %while3A_86 to %while3A_82 step %while3A_89 iter_args(%while3A_143 = %while3A_88#0, %while3A_144 = %while3A_88#1, %while3A_145 = %while3A_88#2, %while3A_146 = %while3A_88#3, %while3A_147 = %while3A_88#4) -> (i32, i32, i32, i32, i32)  : i32 {
          %mul3A_148 = arith.constant 1 : i32
          %mul3A_149 = arith.muli %mul3A_148, %select_n3A : i32
          %eq3A_150 = arith.constant 0 : i32
          %eq3A_151 = arith.cmpi eq, %while3A_142, %eq3A_150 : i32
          %sub3A_152 = arith.constant 1 : i32
          %sub3A_153 = arith.subi %mul3A_149, %sub3A_152 : i32
          %eq3A_154 = arith.cmpi eq, %while3A_142, %sub3A_153 : i32
          %add3A_155 = arith.addi %while3A_147, %select_n3A_14 : i32
          %sub3A_156 = arith.constant 1 : i32
          %sub3A_157 = arith.subi %while3A_147, %sub3A_156 : i32
          %select_n3A_158 = arith.constant true
          %select_n3A_159 = arith.select %select_n3A_158, %sub3A_157, %while3A_147 : i32
          %eq3A_160 = arith.constant -1 : i32
          %eq3A_161 = arith.cmpi eq, %select_n3A_159, %eq3A_160 : i32
          %sub3A_162 = arith.constant 1 : i32
          %sub3A_163 = arith.subi %select_n3A, %sub3A_162 : i32
          %select_n3A_164 = arith.select %eq3A_161, %sub3A_163, %select_n3A_159 : i32
          %add3A_165 = arith.addi %select_n3A_164, %select_n3A_14 : i32
          %add3A_166 = arith.constant 1 : i32
          %add3A_167 = arith.addi %while3A_147, %add3A_166 : i32
          %select_n3A_168 = arith.constant true
          %select_n3A_169 = arith.select %select_n3A_168, %add3A_167, %while3A_147 : i32
          %eq3A_170 = arith.cmpi eq, %select_n3A_169, %select_n3A : i32
          %select_n3A_171 = arith.constant 0 : i32
          %select_n3A_172 = arith.select %eq3A_170, %select_n3A_171, %select_n3A_169 : i32
          %add3A_173 = arith.addi %select_n3A_172, %select_n3A_14 : i32
          %add3A_174 = arith.constant 1 : i32
          %add3A_175 = arith.addi %select_n3A_172, %add3A_174 : i32
          %select_n3A_176 = arith.constant true
          %select_n3A_177 = arith.select %select_n3A_176, %add3A_175, %select_n3A_172 : i32
          %eq3A_178 = arith.cmpi eq, %select_n3A_177, %select_n3A : i32
          %select_n3A_179 = arith.constant 0 : i32
          %select_n3A_180 = arith.select %eq3A_178, %select_n3A_179, %select_n3A_177 : i32
          %add3A_181 = arith.addi %select_n3A_180, %select_n3A_14 : i32
          %ne3A = arith.cmpi ne, %add3A_155, %add3A_173 : i32
          %or3A = arith.constant false
          %or3A_182 = arith.ori %or3A, %ne3A : i1
          %or3A_183 = arith.constant false
          %or3A_184 = arith.ori %or3A_182, %or3A_183 : i1
          %sub3A_185 = arith.constant 2 : i32
          %sub3A_186 = arith.subi %mul3A_149, %sub3A_185 : i32
          %add3A_187 = arith.constant 1 : i32
          %add3A_188 = arith.addi %sub3A_186, %add3A_187 : i32
          %ge3A = arith.cmpi sge, %while3A_142, %add3A_188 : i32
          %not3A = arith.constant true
          %not3A_189 = arith.xori %ge3A, %not3A : i1
          %and3A = arith.andi %or3A_184, %not3A_189 : i1
          %convert_element_type3A_190 = arith.extui %and3A : i1 to i32
          %cond3A_191 = arith.constant 0 : i32
          %cond3A_192 = arith.cmpi ne, %convert_element_type3A_190, %cond3A_191 : i32
          scf.if %cond3A_192 {
            "tpu.trace_start"() <{level = 10 : i32, message = "ep_copy_in"}> : () -> ()
            %rem3A_304 = arith.constant 2 : i32
            %rem3A_305 = arith.remui %while3A_143, %rem3A_304 : i32
            %mul3A_306 = arith.constant 1 : i32
            %mul3A_307 = arith.muli %mul3A_306, %add3A_173 : i32
            %dma_start3A_308 = arith.constant 0 : i32
            %dma_start3A_309 = arith.constant 0 : i32
            %dma_start3A_310 = tpu.memref_slice %run_scoped3A[%rem3A_305, %dma_start3A_308, %dma_start3A_309] : memref<2x1x32xi32, #tpu.memory_space<vmem>> -> memref<1x1x32xi32, #tpu.memory_space<vmem>>
            %dma_start3A_311 = tpu.memref_squeeze %dma_start3A_310 : memref<1x1x32xi32, #tpu.memory_space<vmem>> -> memref<1x32xi32, #tpu.memory_space<vmem>>
            %dma_start3A_312 = arith.constant 0 : i32
            %dma_start3A_313 = tpu.memref_slice %arg3[%mul3A_307, %dma_start3A_312] : memref<50x32xi32, #tpu.memory_space<hbm>> -> memref<1x32xi32, #tpu.memory_space<hbm>>
            %dma_start3A_314 = tpu.memref_slice %run_scoped3A_17[%rem3A_305] : memref<2x!tpu.dma_semaphore, #tpu.memory_space<semaphore_mem>> -> memref<1x!tpu.dma_semaphore, #tpu.memory_space<semaphore_mem>>
            %dma_start3A_315 = tpu.memref_squeeze %dma_start3A_314 : memref<1x!tpu.dma_semaphore, #tpu.memory_space<semaphore_mem>> -> memref<!tpu.dma_semaphore, #tpu.memory_space<semaphore_mem>>
            %dma_start3A_316 = arith.constant 0 : i32
            %dma_start3A_317 = arith.constant 0 : i32
            %dma_start3A_318 = tpu.memref_slice %run_scoped3A[%rem3A_305, %dma_start3A_316, %dma_start3A_317] : memref<2x1x32xi32, #tpu.memory_space<vmem>> -> memref<1x1x32xi32, #tpu.memory_space<vmem>>
            %dma_start3A_319 = tpu.memref_squeeze %dma_start3A_318 : memref<1x1x32xi32, #tpu.memory_space<vmem>> -> memref<1x32xi32, #tpu.memory_space<vmem>>
            %dma_start3A_320 = arith.constant 0 : i32
            %dma_start3A_321 = tpu.memref_slice %arg3[%mul3A_307, %dma_start3A_320] : memref<50x32xi32, #tpu.memory_space<hbm>> -> memref<1x32xi32, #tpu.memory_space<hbm>>
            tpu.enqueue_dma source(%dma_start3A_321 : memref<1x32xi32, #tpu.memory_space<hbm>>) target(%dma_start3A_319 : memref<1x32xi32, #tpu.memory_space<vmem>>) target_semaphore(%dma_start3A_315 : memref<!tpu.dma_semaphore, #tpu.memory_space<semaphore_mem>>)
            "tpu.trace_stop"() : () -> ()
          } else {
          }
          %and3A_193 = arith.constant true
          %and3A_194 = arith.andi %and3A, %and3A_193 : i1
          %add3A_195 = arith.constant 1 : i32
          %add3A_196 = arith.addi %while3A_143, %add3A_195 : i32
          %select_n3A_197 = arith.select %and3A_194, %add3A_196, %while3A_143 : i32
          %ne3A_198 = arith.cmpi ne, %add3A_155, %add3A_173 : i32
          %or3A_199 = arith.constant false
          %or3A_200 = arith.ori %or3A_199, %ne3A_198 : i1
          %or3A_201 = arith.constant false
          %or3A_202 = arith.ori %or3A_200, %or3A_201 : i1
          %sub3A_203 = arith.constant 2 : i32
          %sub3A_204 = arith.subi %mul3A_149, %sub3A_203 : i32
          %add3A_205 = arith.constant 1 : i32
          %add3A_206 = arith.addi %sub3A_204, %add3A_205 : i32
          %ge3A_207 = arith.cmpi sge, %while3A_142, %add3A_206 : i32
          %not3A_208 = arith.constant true
          %not3A_209 = arith.xori %ge3A_207, %not3A_208 : i1
          %and3A_210 = arith.andi %or3A_202, %not3A_209 : i1
          %ne3A_211 = arith.cmpi ne, %add3A_155, %add3A_165 : i32
          %or3A_212 = arith.constant false
          %or3A_213 = arith.ori %or3A_212, %ne3A_211 : i1
          %or3A_214 = arith.constant false
          %or3A_215 = arith.ori %or3A_213, %or3A_214 : i1
          %or3A_216 = arith.ori %or3A_215, %eq3A_151 : i1
          %convert_element_type3A_217 = arith.extui %or3A_216 : i1 to i32
          %cond3A_218 = arith.constant 0 : i32
          %cond3A_219 = arith.cmpi ne, %convert_element_type3A_217, %cond3A_218 : i32
          scf.if %cond3A_219 {
            "tpu.trace_start"() <{level = 10 : i32, message = "ep_wait_in"}> : () -> ()
            %mul3A_304 = arith.constant 1 : i32
            %mul3A_305 = arith.muli %mul3A_304, %add3A_155 : i32
            %rem3A_306 = arith.constant 2 : i32
            %rem3A_307 = arith.remui %while3A_144, %rem3A_306 : i32
            %dma_wait3A = arith.constant 0 : i32
            %dma_wait3A_308 = arith.constant 0 : i32
            %dma_wait3A_309 = tpu.memref_slice %run_scoped3A[%rem3A_307, %dma_wait3A, %dma_wait3A_308] : memref<2x1x32xi32, #tpu.memory_space<vmem>> -> memref<1x1x32xi32, #tpu.memory_space<vmem>>
            %dma_wait3A_310 = tpu.memref_squeeze %dma_wait3A_309 : memref<1x1x32xi32, #tpu.memory_space<vmem>> -> memref<1x32xi32, #tpu.memory_space<vmem>>
            %dma_wait3A_311 = arith.constant 0 : i32
            %dma_wait3A_312 = tpu.memref_slice %arg3[%mul3A_305, %dma_wait3A_311] : memref<50x32xi32, #tpu.memory_space<hbm>> -> memref<1x32xi32, #tpu.memory_space<hbm>>
            %dma_wait3A_313 = tpu.memref_slice %run_scoped3A_17[%rem3A_307] : memref<2x!tpu.dma_semaphore, #tpu.memory_space<semaphore_mem>> -> memref<1x!tpu.dma_semaphore, #tpu.memory_space<semaphore_mem>>
            %dma_wait3A_314 = tpu.memref_squeeze %dma_wait3A_313 : memref<1x!tpu.dma_semaphore, #tpu.memory_space<semaphore_mem>> -> memref<!tpu.dma_semaphore, #tpu.memory_space<semaphore_mem>>
            %dma_wait3A_315 = arith.constant 0 : i32
            %dma_wait3A_316 = arith.constant 0 : i32
            %dma_wait3A_317 = tpu.memref_slice %run_scoped3A[%rem3A_307, %dma_wait3A_315, %dma_wait3A_316] : memref<2x1x32xi32, #tpu.memory_space<vmem>> -> memref<1x1x32xi32, #tpu.memory_space<vmem>>
            %dma_wait3A_318 = tpu.memref_squeeze %dma_wait3A_317 : memref<1x1x32xi32, #tpu.memory_space<vmem>> -> memref<1x32xi32, #tpu.memory_space<vmem>>
            %dma_wait3A_319 = arith.constant 0 : i32
            %dma_wait3A_320 = tpu.memref_slice %arg3[%mul3A_305, %dma_wait3A_319] : memref<50x32xi32, #tpu.memory_space<hbm>> -> memref<1x32xi32, #tpu.memory_space<hbm>>
            tpu.wait_dma2 semaphore(%dma_wait3A_314 : memref<!tpu.dma_semaphore, #tpu.memory_space<semaphore_mem>>) src(%dma_wait3A_320 : memref<1x32xi32, #tpu.memory_space<hbm>>) dst(%dma_wait3A_318 : memref<1x32xi32, #tpu.memory_space<vmem>>)
            "tpu.trace_stop"() : () -> ()
          } else {
          }
          %ne3A_220 = arith.cmpi ne, %add3A_155, %add3A_165 : i32
          %or3A_221 = arith.constant false
          %or3A_222 = arith.ori %or3A_221, %ne3A_220 : i1
          %or3A_223 = arith.constant false
          %or3A_224 = arith.ori %or3A_222, %or3A_223 : i1
          %or3A_225 = arith.ori %or3A_224, %eq3A_151 : i1
          %convert_element_type3A_226 = arith.extui %or3A_225 : i1 to i32
          %cond3A_227 = arith.constant 0 : i32
          %cond3A_228 = arith.cmpi ne, %convert_element_type3A_226, %cond3A_227 : i32
          scf.if %cond3A_228 {
          } else {
          }
          %rem3A_229 = arith.constant 2 : i32
          %rem3A_230 = arith.remui %while3A_144, %rem3A_229 : i32
          %rem3A_231 = arith.constant 2 : i32
          %rem3A_232 = arith.remui %while3A_145, %rem3A_231 : i32
          %run_scoped3A_233 = arith.constant 0 : i32
          "tpu.trace_start"() <{level = 10 : i32, message = "ep_run_kernel"}> : () -> ()
          "tpu.region"() ({
            %run_scoped3A_304 = tpu.sem_alloc : memref<!tpu.dma_semaphore, #tpu.memory_space<semaphore_mem>>
            %dma_start3A_305 = arith.constant 0 : i32
            %dma_start3A_306 = arith.constant 0 : i32
            %dma_start3A_307 = tpu.memref_slice %run_scoped3A_18[%rem3A_232, %dma_start3A_305, %dma_start3A_306] : memref<2x32x512xf32, #tpu.memory_space<vmem>> -> memref<1x32x512xf32, #tpu.memory_space<vmem>>
            %dma_start3A_308 = tpu.memref_squeeze %dma_start3A_307 : memref<1x32x512xf32, #tpu.memory_space<vmem>> -> memref<32x512xf32, #tpu.memory_space<vmem>>
            %dma_start3A_309 = arith.constant 0 : i32
            %dma_start3A_310 = arith.constant 0 : i32
            %dma_start3A_311 = tpu.memref_slice %run_scoped3A[%rem3A_230, %dma_start3A_309, %dma_start3A_310] : memref<2x1x32xi32, #tpu.memory_space<vmem>> -> memref<1x1x32xi32, #tpu.memory_space<vmem>>
            %dma_start3A_312 = tpu.memref_squeeze %dma_start3A_311 : memref<1x1x32xi32, #tpu.memory_space<vmem>> -> memref<1x32xi32, #tpu.memory_space<vmem>>
            %dma_start3A_313 = arith.constant 0 : i32
            %dma_start3A_314 = tpu.memref_slice %dma_start3A_312[%run_scoped3A_233, %dma_start3A_313] : memref<1x32xi32, #tpu.memory_space<vmem>> -> memref<1x32xi32, #tpu.memory_space<vmem>>
            %dma_start3A_315 = tpu.memref_squeeze %dma_start3A_314 : memref<1x32xi32, #tpu.memory_space<vmem>> -> memref<32xi32, #tpu.memory_space<vmem>>
            %dma_start3A_316 = arith.constant 0 : i32
            %dma_start3A_317 = arith.constant 0 : i32
            %dma_start3A_318 = tpu.memref_slice %arg2[%dma_start3A_316, %dma_start3A_317] : memref<8192x512xf32, #tpu.memory_space<hbm>> -> memref<8192x512xf32, #tpu.memory_space<hbm>>
            tpu.enqueue_indirect_dma source(%dma_start3A_318 : memref<8192x512xf32, #tpu.memory_space<hbm>>) target(%dma_start3A_308 : memref<32x512xf32, #tpu.memory_space<vmem>>) offsets(%dma_start3A_315 : memref<32xi32, #tpu.memory_space<vmem>>) semaphore(%run_scoped3A_304 : memref<!tpu.dma_semaphore, #tpu.memory_space<semaphore_mem>>)
            %dma_wait3A = arith.constant 0 : i32
            %dma_wait3A_319 = arith.constant 0 : i32
            %dma_wait3A_320 = tpu.memref_slice %run_scoped3A_18[%rem3A_232, %dma_wait3A, %dma_wait3A_319] : memref<2x32x512xf32, #tpu.memory_space<vmem>> -> memref<1x32x512xf32, #tpu.memory_space<vmem>>
            %dma_wait3A_321 = tpu.memref_squeeze %dma_wait3A_320 : memref<1x32x512xf32, #tpu.memory_space<vmem>> -> memref<32x512xf32, #tpu.memory_space<vmem>>
            %dma_wait3A_322 = arith.constant 0 : i32
            %dma_wait3A_323 = arith.constant 0 : i32
            %dma_wait3A_324 = tpu.memref_slice %run_scoped3A[%rem3A_230, %dma_wait3A_322, %dma_wait3A_323] : memref<2x1x32xi32, #tpu.memory_space<vmem>> -> memref<1x1x32xi32, #tpu.memory_space<vmem>>
            %dma_wait3A_325 = tpu.memref_squeeze %dma_wait3A_324 : memref<1x1x32xi32, #tpu.memory_space<vmem>> -> memref<1x32xi32, #tpu.memory_space<vmem>>
            %dma_wait3A_326 = arith.constant 0 : i32
            %dma_wait3A_327 = tpu.memref_slice %dma_wait3A_325[%run_scoped3A_233, %dma_wait3A_326] : memref<1x32xi32, #tpu.memory_space<vmem>> -> memref<1x32xi32, #tpu.memory_space<vmem>>
            %dma_wait3A_328 = tpu.memref_squeeze %dma_wait3A_327 : memref<1x32xi32, #tpu.memory_space<vmem>> -> memref<32xi32, #tpu.memory_space<vmem>>
            %dma_wait3A_329 = arith.constant 0 : i32
            %dma_wait3A_330 = arith.constant 0 : i32
            %dma_wait3A_331 = tpu.memref_slice %arg2[%dma_wait3A_329, %dma_wait3A_330] : memref<8192x512xf32, #tpu.memory_space<hbm>> -> memref<8192x512xf32, #tpu.memory_space<hbm>>
            tpu.wait_indirect_dma semaphore(%run_scoped3A_304 : memref<!tpu.dma_semaphore, #tpu.memory_space<semaphore_mem>>) src(%dma_wait3A_331 : memref<8192x512xf32, #tpu.memory_space<hbm>>) dst(%dma_wait3A_321 : memref<32x512xf32, #tpu.memory_space<vmem>>)
            tpu.yield
          }) : () -> ()
          "tpu.trace_stop"() : () -> ()
          %ne3A_234 = arith.cmpi ne, %add3A_155, %add3A_173 : i32
          %or3A_235 = arith.constant false
          %or3A_236 = arith.ori %or3A_235, %ne3A_234 : i1
          %or3A_237 = arith.constant false
          %or3A_238 = arith.ori %or3A_236, %or3A_237 : i1
          %or3A_239 = arith.ori %or3A_238, %eq3A_154 : i1
          %convert_element_type3A_240 = arith.extui %or3A_239 : i1 to i32
          %cond3A_241 = arith.constant 0 : i32
          %cond3A_242 = arith.cmpi ne, %convert_element_type3A_240, %cond3A_241 : i32
          scf.if %cond3A_242 {
          } else {
          }
          %and3A_243 = arith.constant false
          %and3A_244 = arith.andi %or3A_239, %and3A_243 : i1
          %ne3A_245 = arith.cmpi ne, %add3A_155, %add3A_173 : i32
          %or3A_246 = arith.constant false
          %or3A_247 = arith.ori %or3A_246, %ne3A_245 : i1
          %or3A_248 = arith.constant false
          %or3A_249 = arith.ori %or3A_247, %or3A_248 : i1
          %or3A_250 = arith.ori %or3A_249, %eq3A_154 : i1
          %convert_element_type3A_251 = arith.extui %or3A_250 : i1 to i32
          %cond3A_252 = arith.constant 0 : i32
          %cond3A_253 = arith.cmpi ne, %convert_element_type3A_251, %cond3A_252 : i32
          scf.if %cond3A_253 {
            "tpu.trace_start"() <{level = 10 : i32, message = "ep_copy_out"}> : () -> ()
            %rem3A_304 = arith.constant 2 : i32
            %rem3A_305 = arith.remui %while3A_145, %rem3A_304 : i32
            %mul3A_306 = arith.constant 32 : i32
            %mul3A_307 = arith.muli %mul3A_306, %add3A_155 : i32
            %dma_start3A_308 = arith.constant 0 : i32
            %dma_start3A_309 = arith.constant 0 : i32
            %dma_start3A_310 = tpu.memref_slice %run_scoped3A_18[%rem3A_305, %dma_start3A_308, %dma_start3A_309] : memref<2x32x512xf32, #tpu.memory_space<vmem>> -> memref<1x32x512xf32, #tpu.memory_space<vmem>>
            %dma_start3A_311 = tpu.memref_squeeze %dma_start3A_310 : memref<1x32x512xf32, #tpu.memory_space<vmem>> -> memref<32x512xf32, #tpu.memory_space<vmem>>
            %dma_start3A_312 = arith.constant 0 : i32
            %dma_start3A_313 = tpu.memref_slice %arg4[%mul3A_307, %dma_start3A_312] : memref<1600x512xf32, #tpu.memory_space<hbm>> -> memref<32x512xf32, #tpu.memory_space<hbm>>
            %dma_start3A_314 = tpu.memref_slice %run_scoped3A_19[%rem3A_305] : memref<2x!tpu.dma_semaphore, #tpu.memory_space<semaphore_mem>> -> memref<1x!tpu.dma_semaphore, #tpu.memory_space<semaphore_mem>>
            %dma_start3A_315 = tpu.memref_squeeze %dma_start3A_314 : memref<1x!tpu.dma_semaphore, #tpu.memory_space<semaphore_mem>> -> memref<!tpu.dma_semaphore, #tpu.memory_space<semaphore_mem>>
            %dma_start3A_316 = arith.constant 0 : i32
            %dma_start3A_317 = tpu.memref_slice %arg4[%mul3A_307, %dma_start3A_316] : memref<1600x512xf32, #tpu.memory_space<hbm>> -> memref<32x512xf32, #tpu.memory_space<hbm>>
            %dma_start3A_318 = arith.constant 0 : i32
            %dma_start3A_319 = arith.constant 0 : i32
            %dma_start3A_320 = tpu.memref_slice %run_scoped3A_18[%rem3A_305, %dma_start3A_318, %dma_start3A_319] : memref<2x32x512xf32, #tpu.memory_space<vmem>> -> memref<1x32x512xf32, #tpu.memory_space<vmem>>
            %dma_start3A_321 = tpu.memref_squeeze %dma_start3A_320 : memref<1x32x512xf32, #tpu.memory_space<vmem>> -> memref<32x512xf32, #tpu.memory_space<vmem>>
            tpu.enqueue_dma source(%dma_start3A_321 : memref<32x512xf32, #tpu.memory_space<vmem>>) target(%dma_start3A_317 : memref<32x512xf32, #tpu.memory_space<hbm>>) target_semaphore(%dma_start3A_315 : memref<!tpu.dma_semaphore, #tpu.memory_space<semaphore_mem>>)
            "tpu.trace_stop"() : () -> ()
          } else {
          }
          %and3A_254 = arith.constant true
          %and3A_255 = arith.andi %or3A_250, %and3A_254 : i1
          %add3A_256 = arith.constant 1 : i32
          %add3A_257 = arith.addi %while3A_145, %add3A_256 : i32
          %select_n3A_258 = arith.select %and3A_255, %add3A_257, %while3A_145 : i32
          %ne3A_259 = arith.cmpi ne, %add3A_155, %add3A_165 : i32
          %or3A_260 = arith.constant false
          %or3A_261 = arith.ori %or3A_260, %ne3A_259 : i1
          %or3A_262 = arith.constant false
          %or3A_263 = arith.ori %or3A_261, %or3A_262 : i1
          %not3A_264 = arith.constant true
          %not3A_265 = arith.xori %eq3A_151, %not3A_264 : i1
          %and3A_266 = arith.andi %or3A_263, %not3A_265 : i1
          %convert_element_type3A_267 = arith.extui %and3A_266 : i1 to i32
          %cond3A_268 = arith.constant 0 : i32
          %cond3A_269 = arith.cmpi ne, %convert_element_type3A_267, %cond3A_268 : i32
          scf.if %cond3A_269 {
          } else {
          }
          %and3A_270 = arith.constant false
          %and3A_271 = arith.andi %and3A_266, %and3A_270 : i1
          %ne3A_272 = arith.cmpi ne, %add3A_155, %add3A_165 : i32
          %or3A_273 = arith.constant false
          %or3A_274 = arith.ori %or3A_273, %ne3A_272 : i1
          %or3A_275 = arith.constant false
          %or3A_276 = arith.ori %or3A_274, %or3A_275 : i1
          %not3A_277 = arith.constant true
          %not3A_278 = arith.xori %eq3A_151, %not3A_277 : i1
          %and3A_279 = arith.andi %or3A_276, %not3A_278 : i1
          %convert_element_type3A_280 = arith.extui %and3A_279 : i1 to i32
          %cond3A_281 = arith.constant 0 : i32
          %cond3A_282 = arith.cmpi ne, %convert_element_type3A_280, %cond3A_281 : i32
          scf.if %cond3A_282 {
            "tpu.trace_start"() <{level = 10 : i32, message = "ep_wait_out"}> : () -> ()
            %rem3A_304 = arith.constant 2 : i32
            %rem3A_305 = arith.remui %while3A_146, %rem3A_304 : i32
            %mul3A_306 = arith.constant 32 : i32
            %mul3A_307 = arith.muli %mul3A_306, %add3A_165 : i32
            %dma_wait3A = arith.constant 0 : i32
            %dma_wait3A_308 = arith.constant 0 : i32
            %dma_wait3A_309 = tpu.memref_slice %run_scoped3A_18[%rem3A_305, %dma_wait3A, %dma_wait3A_308] : memref<2x32x512xf32, #tpu.memory_space<vmem>> -> memref<1x32x512xf32, #tpu.memory_space<vmem>>
            %dma_wait3A_310 = tpu.memref_squeeze %dma_wait3A_309 : memref<1x32x512xf32, #tpu.memory_space<vmem>> -> memref<32x512xf32, #tpu.memory_space<vmem>>
            %dma_wait3A_311 = arith.constant 0 : i32
            %dma_wait3A_312 = tpu.memref_slice %arg4[%mul3A_307, %dma_wait3A_311] : memref<1600x512xf32, #tpu.memory_space<hbm>> -> memref<32x512xf32, #tpu.memory_space<hbm>>
            %dma_wait3A_313 = tpu.memref_slice %run_scoped3A_19[%rem3A_305] : memref<2x!tpu.dma_semaphore, #tpu.memory_space<semaphore_mem>> -> memref<1x!tpu.dma_semaphore, #tpu.memory_space<semaphore_mem>>
            %dma_wait3A_314 = tpu.memref_squeeze %dma_wait3A_313 : memref<1x!tpu.dma_semaphore, #tpu.memory_space<semaphore_mem>> -> memref<!tpu.dma_semaphore, #tpu.memory_space<semaphore_mem>>
            %dma_wait3A_315 = arith.constant 0 : i32
            %dma_wait3A_316 = tpu.memref_slice %arg4[%mul3A_307, %dma_wait3A_315] : memref<1600x512xf32, #tpu.memory_space<hbm>> -> memref<32x512xf32, #tpu.memory_space<hbm>>
            %dma_wait3A_317 = arith.constant 0 : i32
            %dma_wait3A_318 = arith.constant 0 : i32
            %dma_wait3A_319 = tpu.memref_slice %run_scoped3A_18[%rem3A_305, %dma_wait3A_317, %dma_wait3A_318] : memref<2x32x512xf32, #tpu.memory_space<vmem>> -> memref<1x32x512xf32, #tpu.memory_space<vmem>>
            %dma_wait3A_320 = tpu.memref_squeeze %dma_wait3A_319 : memref<1x32x512xf32, #tpu.memory_space<vmem>> -> memref<32x512xf32, #tpu.memory_space<vmem>>
            tpu.wait_dma2 semaphore(%dma_wait3A_314 : memref<!tpu.dma_semaphore, #tpu.memory_space<semaphore_mem>>) src(%dma_wait3A_320 : memref<32x512xf32, #tpu.memory_space<vmem>>) dst(%dma_wait3A_316 : memref<32x512xf32, #tpu.memory_space<hbm>>)
            "tpu.trace_stop"() : () -> ()
          } else {
          }
          %and3A_283 = arith.constant true
          %and3A_284 = arith.andi %and3A_279, %and3A_283 : i1
          %add3A_285 = arith.constant 1 : i32
          %add3A_286 = arith.addi %while3A_146, %add3A_285 : i32
          %select_n3A_287 = arith.select %and3A_284, %add3A_286, %while3A_146 : i32
          %ne3A_288 = arith.cmpi ne, %add3A_155, %add3A_173 : i32
          %or3A_289 = arith.constant false
          %or3A_290 = arith.ori %or3A_289, %ne3A_288 : i1
          %or3A_291 = arith.constant false
          %or3A_292 = arith.ori %or3A_290, %or3A_291 : i1
          %or3A_293 = arith.ori %or3A_292, %eq3A_154 : i1
          %add3A_294 = arith.constant 1 : i32
          %add3A_295 = arith.addi %while3A_144, %add3A_294 : i32
          %select_n3A_296 = arith.select %or3A_293, %add3A_295, %while3A_144 : i32
          %add3A_297 = arith.constant 1 : i32
          %add3A_298 = arith.addi %while3A_147, %add3A_297 : i32
          %select_n3A_299 = arith.constant true
          %select_n3A_300 = arith.select %select_n3A_299, %add3A_298, %while3A_147 : i32
          %eq3A_301 = arith.cmpi eq, %select_n3A_300, %select_n3A : i32
          %select_n3A_302 = arith.constant 0 : i32
          %select_n3A_303 = arith.select %eq3A_301, %select_n3A_302, %select_n3A_300 : i32
          scf.yield %select_n3A_197, %select_n3A_296, %select_n3A_258, %select_n3A_287, %select_n3A_303 : i32, i32, i32, i32, i32
        }
        %sub3A_91 = arith.constant 1 : i32
        %sub3A_92 = arith.subi %while3A_90#4, %sub3A_91 : i32
        %select_n3A_93 = arith.constant true
        %select_n3A_94 = arith.select %select_n3A_93, %sub3A_92, %while3A_90#4 : i32
        %eq3A_95 = arith.constant -1 : i32
        %eq3A_96 = arith.cmpi eq, %select_n3A_94, %eq3A_95 : i32
        %sub3A_97 = arith.constant 1 : i32
        %sub3A_98 = arith.subi %select_n3A, %sub3A_97 : i32
        %select_n3A_99 = arith.select %eq3A_96, %sub3A_98, %select_n3A_94 : i32
        %sub3A_100 = arith.constant 1 : i32
        %sub3A_101 = arith.subi %mul3A_16, %sub3A_100 : i32
        %mul3A_102 = arith.constant 1 : i32
        %mul3A_103 = arith.muli %mul3A_102, %select_n3A : i32
        %eq3A_104 = arith.constant 0 : i32
        %eq3A_105 = arith.cmpi eq, %sub3A_101, %eq3A_104 : i32
        %sub3A_106 = arith.constant 1 : i32
        %sub3A_107 = arith.subi %mul3A_103, %sub3A_106 : i32
        %eq3A_108 = arith.cmpi eq, %sub3A_101, %sub3A_107 : i32
        %add3A_109 = arith.addi %select_n3A_99, %select_n3A_14 : i32
        %sub3A_110 = arith.constant 1 : i32
        %sub3A_111 = arith.subi %select_n3A_99, %sub3A_110 : i32
        %select_n3A_112 = arith.constant true
        %select_n3A_113 = arith.select %select_n3A_112, %sub3A_111, %select_n3A_99 : i32
        %eq3A_114 = arith.constant -1 : i32
        %eq3A_115 = arith.cmpi eq, %select_n3A_113, %eq3A_114 : i32
        %sub3A_116 = arith.constant 1 : i32
        %sub3A_117 = arith.subi %select_n3A, %sub3A_116 : i32
        %select_n3A_118 = arith.select %eq3A_115, %sub3A_117, %select_n3A_113 : i32
        %add3A_119 = arith.addi %select_n3A_118, %select_n3A_14 : i32
        %add3A_120 = arith.constant 1 : i32
        %add3A_121 = arith.addi %select_n3A_99, %add3A_120 : i32
        %select_n3A_122 = arith.constant true
        %select_n3A_123 = arith.select %select_n3A_122, %add3A_121, %select_n3A_99 : i32
        %eq3A_124 = arith.cmpi eq, %select_n3A_123, %select_n3A : i32
        %select_n3A_125 = arith.constant 0 : i32
        %select_n3A_126 = arith.select %eq3A_124, %select_n3A_125, %select_n3A_123 : i32
        %add3A_127 = arith.addi %select_n3A_126, %select_n3A_14 : i32
        %add3A_128 = arith.constant 1 : i32
        %add3A_129 = arith.addi %select_n3A_126, %add3A_128 : i32
        %select_n3A_130 = arith.constant true
        %select_n3A_131 = arith.select %select_n3A_130, %add3A_129, %select_n3A_126 : i32
        %eq3A_132 = arith.cmpi eq, %select_n3A_131, %select_n3A : i32
        %select_n3A_133 = arith.constant 0 : i32
        %select_n3A_134 = arith.select %eq3A_132, %select_n3A_133, %select_n3A_131 : i32
        %add3A_135 = arith.addi %select_n3A_134, %select_n3A_14 : i32
        %convert_element_type3A_136 = arith.extui %eq3A_108 : i1 to i32
        %cond3A_137 = arith.constant 0 : i32
        %cond3A_138 = arith.cmpi ne, %convert_element_type3A_136, %cond3A_137 : i32
        scf.if %cond3A_138 {
        } else {
        }
        %convert_element_type3A_139 = arith.extui %eq3A_108 : i1 to i32
        %cond3A_140 = arith.constant 0 : i32
        %cond3A_141 = arith.cmpi ne, %convert_element_type3A_139, %cond3A_140 : i32
        scf.if %cond3A_141 {
          "tpu.trace_start"() <{level = 10 : i32, message = "ep_finalize"}> : () -> ()
          %rem3A_142 = arith.constant 2 : i32
          %rem3A_143 = arith.remui %while3A_90#3, %rem3A_142 : i32
          %mul3A_144 = arith.constant 32 : i32
          %mul3A_145 = arith.muli %mul3A_144, %add3A_109 : i32
          %dma_wait3A = arith.constant 0 : i32
          %dma_wait3A_146 = arith.constant 0 : i32
          %dma_wait3A_147 = tpu.memref_slice %run_scoped3A_18[%rem3A_143, %dma_wait3A, %dma_wait3A_146] : memref<2x32x512xf32, #tpu.memory_space<vmem>> -> memref<1x32x512xf32, #tpu.memory_space<vmem>>
          %dma_wait3A_148 = tpu.memref_squeeze %dma_wait3A_147 : memref<1x32x512xf32, #tpu.memory_space<vmem>> -> memref<32x512xf32, #tpu.memory_space<vmem>>
          %dma_wait3A_149 = arith.constant 0 : i32
          %dma_wait3A_150 = tpu.memref_slice %arg4[%mul3A_145, %dma_wait3A_149] : memref<1600x512xf32, #tpu.memory_space<hbm>> -> memref<32x512xf32, #tpu.memory_space<hbm>>
          %dma_wait3A_151 = tpu.memref_slice %run_scoped3A_19[%rem3A_143] : memref<2x!tpu.dma_semaphore, #tpu.memory_space<semaphore_mem>> -> memref<1x!tpu.dma_semaphore, #tpu.memory_space<semaphore_mem>>
          %dma_wait3A_152 = tpu.memref_squeeze %dma_wait3A_151 : memref<1x!tpu.dma_semaphore, #tpu.memory_space<semaphore_mem>> -> memref<!tpu.dma_semaphore, #tpu.memory_space<semaphore_mem>>
          %dma_wait3A_153 = arith.constant 0 : i32
          %dma_wait3A_154 = tpu.memref_slice %arg4[%mul3A_145, %dma_wait3A_153] : memref<1600x512xf32, #tpu.memory_space<hbm>> -> memref<32x512xf32, #tpu.memory_space<hbm>>
          %dma_wait3A_155 = arith.constant 0 : i32
          %dma_wait3A_156 = arith.constant 0 : i32
          %dma_wait3A_157 = tpu.memref_slice %run_scoped3A_18[%rem3A_143, %dma_wait3A_155, %dma_wait3A_156] : memref<2x32x512xf32, #tpu.memory_space<vmem>> -> memref<1x32x512xf32, #tpu.memory_space<vmem>>
          %dma_wait3A_158 = tpu.memref_squeeze %dma_wait3A_157 : memref<1x32x512xf32, #tpu.memory_space<vmem>> -> memref<32x512xf32, #tpu.memory_space<vmem>>
          tpu.wait_dma2 semaphore(%dma_wait3A_152 : memref<!tpu.dma_semaphore, #tpu.memory_space<semaphore_mem>>) src(%dma_wait3A_158 : memref<32x512xf32, #tpu.memory_space<vmem>>) dst(%dma_wait3A_154 : memref<32x512xf32, #tpu.memory_space<hbm>>)
          "tpu.trace_stop"() : () -> ()
        } else {
        }
      } else {
      }
      tpu.yield
    }) : () -> ()
    return
  }
}

#map = affine_map<(d0, d1) -> (0, 0)>
module attributes {stable_mosaic.version = 14 : i64} {
  func.func @gk(%arg0: i32, %arg1: i32, %arg2: memref<8192x512xf32, #tpu.memory_space<hbm>>, %arg3: memref<50x32xi32, #tpu.memory_space<hbm>>, %arg4: memref<1600x512xf32, #tpu.memory_space<hbm>>) attributes {dimension_semantics = [#tpu.dimension_semantics<core_parallel>, #tpu.dimension_semantics<subcore_parallel>], iteration_bounds = array<i64: 2, 16>, scalar_prefetch = 0 : i64, scratch_operands = 0 : i64, tpu.core_type = #tpu.core_type<sc_vector_subcore>, window_params = [{transform_indices = #map}, {transform_indices = #map}, {transform_indices = #map}]} {
    %mul3A = arith.constant 1 : i32
    %mul3A_0 = arith.muli %arg1, %mul3A : i32
    %add3A = arith.constant 0 : i32
    %add3A_1 = arith.addi %add3A, %mul3A_0 : i32
    %mul3A_2 = arith.constant 16 : i32
    %mul3A_3 = arith.muli %arg0, %mul3A_2 : i32
    %add3A_4 = arith.addi %add3A_1, %mul3A_3 : i32
    %lt3A = arith.constant 18 : i32
    %lt3A_5 = arith.cmpi slt, %add3A_4, %lt3A : i32
    %jit3A = arith.constant 2 : i32
    %jit3A_6 = arith.constant 1 : i32
    %select_n3A = arith.select %lt3A_5, %jit3A, %jit3A_6 : i32
    %lt3A_7 = arith.constant 18 : i32
    %lt3A_8 = arith.cmpi slt, %add3A_4, %lt3A_7 : i32
    %mul3A_9 = arith.muli %add3A_4, %select_n3A : i32
    %mul3A_10 = arith.constant 1 : i32
    %mul3A_11 = arith.muli %add3A_4, %mul3A_10 : i32
    %add3A_12 = arith.constant 18 : i32
    %add3A_13 = arith.addi %mul3A_11, %add3A_12 : i32
    %select_n3A_14 = arith.select %lt3A_8, %mul3A_9, %add3A_13 : i32
    %mul3A_15 = arith.constant 1 : i32
    %mul3A_16 = arith.muli %mul3A_15, %select_n3A : i32
    "tpu.region"() ({
      %run_scoped3A = memref.alloca() : memref<2x1x32xi32, #tpu.memory_space<vmem>>
      %run_scoped3A_17 = tpu.sem_alloc : memref<2x!tpu.dma_semaphore, #tpu.memory_space<semaphore_mem>>
      %run_scoped3A_18 = memref.alloca() : memref<2x32x512xf32, #tpu.memory_space<vmem>>
      %run_scoped3A_19 = tpu.sem_alloc : memref<2x!tpu.dma_semaphore, #tpu.memory_space<semaphore_mem>>
      %gt3A = arith.constant 0 : i32
      %gt3A_20 = arith.cmpi sgt, %mul3A_16, %gt3A : i32
      %convert_element_type3A = arith.extui %gt3A_20 : i1 to i32
      %cond3A = arith.constant 0 : i32
      %cond3A_21 = arith.cmpi ne, %convert_element_type3A, %cond3A : i32
      scf.if %cond3A_21 {
        %mul3A_22 = arith.constant 1 : i32
        %mul3A_23 = arith.muli %mul3A_22, %select_n3A : i32
        %sub3A = arith.constant 1 : i32
        %sub3A_24 = arith.subi %mul3A_23, %sub3A : i32
        %eq3A = arith.constant 0 : i32
        %eq3A_25 = arith.cmpi eq, %sub3A_24, %eq3A : i32
        %add3A_26 = arith.constant 0 : i32
        %add3A_27 = arith.addi %add3A_26, %select_n3A_14 : i32
        %select_n3A_28 = arith.constant true
        %select_n3A_29 = arith.constant 0 : i32
        %select_n3A_30 = arith.constant -1 : i32
        %select_n3A_31 = arith.select %select_n3A_28, %select_n3A_30, %select_n3A_29 : i32
        %eq3A_32 = arith.constant -1 : i32
        %eq3A_33 = arith.cmpi eq, %select_n3A_31, %eq3A_32 : i32
        %sub3A_34 = arith.constant 1 : i32
        %sub3A_35 = arith.subi %select_n3A, %sub3A_34 : i32
        %select_n3A_36 = arith.select %eq3A_33, %sub3A_35, %select_n3A_31 : i32
        %add3A_37 = arith.addi %select_n3A_36, %select_n3A_14 : i32
        %select_n3A_38 = arith.constant true
        %select_n3A_39 = arith.constant 0 : i32
        %select_n3A_40 = arith.constant 1 : i32
        %select_n3A_41 = arith.select %select_n3A_38, %select_n3A_40, %select_n3A_39 : i32
        %eq3A_42 = arith.cmpi eq, %select_n3A_41, %select_n3A : i32
        %select_n3A_43 = arith.constant 0 : i32
        %select_n3A_44 = arith.select %eq3A_42, %select_n3A_43, %select_n3A_41 : i32
        %add3A_45 = arith.addi %select_n3A_44, %select_n3A_14 : i32
        %add3A_46 = arith.constant 1 : i32
        %add3A_47 = arith.addi %select_n3A_44, %add3A_46 : i32
        %select_n3A_48 = arith.constant true
        %select_n3A_49 = arith.select %select_n3A_48, %add3A_47, %select_n3A_44 : i32
        %eq3A_50 = arith.cmpi eq, %select_n3A_49, %select_n3A : i32
        %select_n3A_51 = arith.constant 0 : i32
        %select_n3A_52 = arith.select %eq3A_50, %select_n3A_51, %select_n3A_49 : i32
        %add3A_53 = arith.addi %select_n3A_52, %select_n3A_14 : i32
        "tpu.trace_start"() <{level = 10 : i32, message = "ep_initialize_0"}> : () -> ()
        %rem3A = arith.constant 0 : i32
        %rem3A_54 = arith.constant 2 : i32
        %rem3A_55 = arith.remui %rem3A, %rem3A_54 : i32
        %mul3A_56 = arith.constant 1 : i32
        %mul3A_57 = arith.muli %mul3A_56, %add3A_27 : i32
        %dma_start3A = arith.constant 0 : i32
        %dma_start3A_58 = arith.constant 0 : i32
        %dma_start3A_59 = tpu.memref_slice %run_scoped3A[%rem3A_55, %dma_start3A, %dma_start3A_58] : memref<2x1x32xi32, #tpu.memory_space<vmem>> -> memref<1x1x32xi32, #tpu.memory_space<vmem>>
        %dma_start3A_60 = tpu.memref_squeeze %dma_start3A_59 : memref<1x1x32xi32, #tpu.memory_space<vmem>> -> memref<1x32xi32, #tpu.memory_space<vmem>>
        %dma_start3A_61 = arith.constant 0 : i32
        %dma_start3A_62 = tpu.memref_slice %arg3[%mul3A_57, %dma_start3A_61] : memref<50x32xi32, #tpu.memory_space<hbm>> -> memref<1x32xi32, #tpu.memory_space<hbm>>
        %dma_start3A_63 = tpu.memref_slice %run_scoped3A_17[%rem3A_55] : memref<2x!tpu.dma_semaphore, #tpu.memory_space<semaphore_mem>> -> memref<1x!tpu.dma_semaphore, #tpu.memory_space<semaphore_mem>>
        %dma_start3A_64 = tpu.memref_squeeze %dma_start3A_63 : memref<1x!tpu.dma_semaphore, #tpu.memory_space<semaphore_mem>> -> memref<!tpu.dma_semaphore, #tpu.memory_space<semaphore_mem>>
        %dma_start3A_65 = arith.constant 0 : i32
        %dma_start3A_66 = arith.constant 0 : i32
        %dma_start3A_67 = tpu.memref_slice %run_scoped3A[%rem3A_55, %dma_start3A_65, %dma_start3A_66] : memref<2x1x32xi32, #tpu.memory_space<vmem>> -> memref<1x1x32xi32, #tpu.memory_space<vmem>>
        %dma_start3A_68 = tpu.memref_squeeze %dma_start3A_67 : memref<1x1x32xi32, #tpu.memory_space<vmem>> -> memref<1x32xi32, #tpu.memory_space<vmem>>
        %dma_start3A_69 = arith.constant 0 : i32
        %dma_start3A_70 = tpu.memref_slice %arg3[%mul3A_57, %dma_start3A_69] : memref<50x32xi32, #tpu.memory_space<hbm>> -> memref<1x32xi32, #tpu.memory_space<hbm>>
        tpu.enqueue_dma source(%dma_start3A_70 : memref<1x32xi32, #tpu.memory_space<hbm>>) target(%dma_start3A_68 : memref<1x32xi32, #tpu.memory_space<vmem>>) target_semaphore(%dma_start3A_64 : memref<!tpu.dma_semaphore, #tpu.memory_space<semaphore_mem>>)
        %add3A_71 = arith.constant 0 : i32
        %add3A_72 = arith.constant 1 : i32
        %add3A_73 = arith.addi %add3A_71, %add3A_72 : i32
        %select_n3A_74 = arith.constant true
        %select_n3A_75 = arith.constant 0 : i32
        %select_n3A_76 = arith.select %select_n3A_74, %add3A_73, %select_n3A_75 : i32
        %while3A = arith.constant 0 : i32
        %while3A_77 = arith.constant 0 : i32
        %while3A_78 = arith.constant 0 : i32
        %while3A_79 = arith.constant 0 : i32
        %while3A_80 = arith.constant 0 : i32
        "tpu.trace_stop"() : () -> ()
        %while3A_81 = arith.subi %mul3A_16, %while3A : i32
        %while3A_82 = arith.addi %while3A, %while3A_81 : i32
        %while3A_83 = arith.constant 1 : i32
        %while3A_84 = arith.divsi %while3A_81, %while3A_83 : i32
        %while3A_85 = arith.muli %while3A_84, %while3A_83 : i32
        %while3A_86 = arith.addi %while3A, %while3A_85 : i32
        %while3A_87 = arith.constant 1 : i32
        %while3A_88:5 = scf.for %while3A_142 = %while3A to %while3A_86 step %while3A_87 iter_args(%while3A_143 = %select_n3A_76, %while3A_144 = %while3A_77, %while3A_145 = %while3A_78, %while3A_146 = %while3A_79, %while3A_147 = %while3A_80) -> (i32, i32, i32, i32, i32)  : i32 {
          %mul3A_148 = arith.constant 1 : i32
          %mul3A_149 = arith.muli %mul3A_148, %select_n3A : i32
          %eq3A_150 = arith.constant 0 : i32
          %eq3A_151 = arith.cmpi eq, %while3A_142, %eq3A_150 : i32
          %sub3A_152 = arith.constant 1 : i32
          %sub3A_153 = arith.subi %mul3A_149, %sub3A_152 : i32
          %eq3A_154 = arith.cmpi eq, %while3A_142, %sub3A_153 : i32
          %add3A_155 = arith.addi %while3A_147, %select_n3A_14 : i32
          %sub3A_156 = arith.constant 1 : i32
          %sub3A_157 = arith.subi %while3A_147, %sub3A_156 : i32
          %select_n3A_158 = arith.constant true
          %select_n3A_159 = arith.select %select_n3A_158, %sub3A_157, %while3A_147 : i32
          %eq3A_160 = arith.constant -1 : i32
          %eq3A_161 = arith.cmpi eq, %select_n3A_159, %eq3A_160 : i32
          %sub3A_162 = arith.constant 1 : i32
          %sub3A_163 = arith.subi %select_n3A, %sub3A_162 : i32
          %select_n3A_164 = arith.select %eq3A_161, %sub3A_163, %select_n3A_159 : i32
          %add3A_165 = arith.addi %select_n3A_164, %select_n3A_14 : i32
          %add3A_166 = arith.constant 1 : i32
          %add3A_167 = arith.addi %while3A_147, %add3A_166 : i32
          %select_n3A_168 = arith.constant true
          %select_n3A_169 = arith.select %select_n3A_168, %add3A_167, %while3A_147 : i32
          %eq3A_170 = arith.cmpi eq, %select_n3A_169, %select_n3A : i32
          %select_n3A_171 = arith.constant 0 : i32
          %select_n3A_172 = arith.select %eq3A_170, %select_n3A_171, %select_n3A_169 : i32
          %add3A_173 = arith.addi %select_n3A_172, %select_n3A_14 : i32
          %add3A_174 = arith.constant 1 : i32
          %add3A_175 = arith.addi %select_n3A_172, %add3A_174 : i32
          %select_n3A_176 = arith.constant true
          %select_n3A_177 = arith.select %select_n3A_176, %add3A_175, %select_n3A_172 : i32
          %eq3A_178 = arith.cmpi eq, %select_n3A_177, %select_n3A : i32
          %select_n3A_179 = arith.constant 0 : i32
          %select_n3A_180 = arith.select %eq3A_178, %select_n3A_179, %select_n3A_177 : i32
          %add3A_181 = arith.addi %select_n3A_180, %select_n3A_14 : i32
          %ne3A = arith.cmpi ne, %add3A_155, %add3A_173 : i32
          %or3A = arith.constant false
          %or3A_182 = arith.ori %or3A, %ne3A : i1
          %or3A_183 = arith.constant false
          %or3A_184 = arith.ori %or3A_182, %or3A_183 : i1
          %sub3A_185 = arith.constant 2 : i32
          %sub3A_186 = arith.subi %mul3A_149, %sub3A_185 : i32
          %add3A_187 = arith.constant 1 : i32
          %add3A_188 = arith.addi %sub3A_186, %add3A_187 : i32
          %ge3A = arith.cmpi sge, %while3A_142, %add3A_188 : i32
          %not3A = arith.constant true
          %not3A_189 = arith.xori %ge3A, %not3A : i1
          %and3A = arith.andi %or3A_184, %not3A_189 : i1
          %convert_element_type3A_190 = arith.extui %and3A : i1 to i32
          %cond3A_191 = arith.constant 0 : i32
          %cond3A_192 = arith.cmpi ne, %convert_element_type3A_190, %cond3A_191 : i32
          scf.if %cond3A_192 {
            "tpu.trace_start"() <{level = 10 : i32, message = "ep_copy_in"}> : () -> ()
            %rem3A_304 = arith.constant 2 : i32
            %rem3A_305 = arith.remui %while3A_143, %rem3A_304 : i32
            %mul3A_306 = arith.constant 1 : i32
            %mul3A_307 = arith.muli %mul3A_306, %add3A_173 : i32
            %dma_start3A_308 = arith.constant 0 : i32
            %dma_start3A_309 = arith.constant 0 : i32
            %dma_start3A_310 = tpu.memref_slice %run_scoped3A[%rem3A_305, %dma_start3A_308, %dma_start3A_309] : memref<2x1x32xi32, #tpu.memory_space<vmem>> -> memref<1x1x32xi32, #tpu.memory_space<vmem>>
            %dma_start3A_311 = tpu.memref_squeeze %dma_start3A_310 : memref<1x1x32xi32, #tpu.memory_space<vmem>> -> memref<1x32xi32, #tpu.memory_space<vmem>>
            %dma_start3A_312 = arith.constant 0 : i32
            %dma_start3A_313 = tpu.memref_slice %arg3[%mul3A_307, %dma_start3A_312] : memref<50x32xi32, #tpu.memory_space<hbm>> -> memref<1x32xi32, #tpu.memory_space<hbm>>
            %dma_start3A_314 = tpu.memref_slice %run_scoped3A_17[%rem3A_305] : memref<2x!tpu.dma_semaphore, #tpu.memory_space<semaphore_mem>> -> memref<1x!tpu.dma_semaphore, #tpu.memory_space<semaphore_mem>>
            %dma_start3A_315 = tpu.memref_squeeze %dma_start3A_314 : memref<1x!tpu.dma_semaphore, #tpu.memory_space<semaphore_mem>> -> memref<!tpu.dma_semaphore, #tpu.memory_space<semaphore_mem>>
            %dma_start3A_316 = arith.constant 0 : i32
            %dma_start3A_317 = arith.constant 0 : i32
            %dma_start3A_318 = tpu.memref_slice %run_scoped3A[%rem3A_305, %dma_start3A_316, %dma_start3A_317] : memref<2x1x32xi32, #tpu.memory_space<vmem>> -> memref<1x1x32xi32, #tpu.memory_space<vmem>>
            %dma_start3A_319 = tpu.memref_squeeze %dma_start3A_318 : memref<1x1x32xi32, #tpu.memory_space<vmem>> -> memref<1x32xi32, #tpu.memory_space<vmem>>
            %dma_start3A_320 = arith.constant 0 : i32
            %dma_start3A_321 = tpu.memref_slice %arg3[%mul3A_307, %dma_start3A_320] : memref<50x32xi32, #tpu.memory_space<hbm>> -> memref<1x32xi32, #tpu.memory_space<hbm>>
            tpu.enqueue_dma source(%dma_start3A_321 : memref<1x32xi32, #tpu.memory_space<hbm>>) target(%dma_start3A_319 : memref<1x32xi32, #tpu.memory_space<vmem>>) target_semaphore(%dma_start3A_315 : memref<!tpu.dma_semaphore, #tpu.memory_space<semaphore_mem>>)
            "tpu.trace_stop"() : () -> ()
          } else {
          }
          %and3A_193 = arith.constant true
          %and3A_194 = arith.andi %and3A, %and3A_193 : i1
          %add3A_195 = arith.constant 1 : i32
          %add3A_196 = arith.addi %while3A_143, %add3A_195 : i32
          %select_n3A_197 = arith.select %and3A_194, %add3A_196, %while3A_143 : i32
          %ne3A_198 = arith.cmpi ne, %add3A_155, %add3A_173 : i32
          %or3A_199 = arith.constant false
          %or3A_200 = arith.ori %or3A_199, %ne3A_198 : i1
          %or3A_201 = arith.constant false
          %or3A_202 = arith.ori %or3A_200, %or3A_201 : i1
          %sub3A_203 = arith.constant 2 : i32
          %sub3A_204 = arith.subi %mul3A_149, %sub3A_203 : i32
          %add3A_205 = arith.constant 1 : i32
          %add3A_206 = arith.addi %sub3A_204, %add3A_205 : i32
          %ge3A_207 = arith.cmpi sge, %while3A_142, %add3A_206 : i32
          %not3A_208 = arith.constant true
          %not3A_209 = arith.xori %ge3A_207, %not3A_208 : i1
          %and3A_210 = arith.andi %or3A_202, %not3A_209 : i1
          %ne3A_211 = arith.cmpi ne, %add3A_155, %add3A_165 : i32
          %or3A_212 = arith.constant false
          %or3A_213 = arith.ori %or3A_212, %ne3A_211 : i1
          %or3A_214 = arith.constant false
          %or3A_215 = arith.ori %or3A_213, %or3A_214 : i1
          %or3A_216 = arith.ori %or3A_215, %eq3A_151 : i1
          %convert_element_type3A_217 = arith.extui %or3A_216 : i1 to i32
          %cond3A_218 = arith.constant 0 : i32
          %cond3A_219 = arith.cmpi ne, %convert_element_type3A_217, %cond3A_218 : i32
          scf.if %cond3A_219 {
            "tpu.trace_start"() <{level = 10 : i32, message = "ep_wait_in"}> : () -> ()
            %mul3A_304 = arith.constant 1 : i32
            %mul3A_305 = arith.muli %mul3A_304, %add3A_155 : i32
            %rem3A_306 = arith.constant 2 : i32
            %rem3A_307 = arith.remui %while3A_144, %rem3A_306 : i32
            %dma_wait3A = arith.constant 0 : i32
            %dma_wait3A_308 = arith.constant 0 : i32
            %dma_wait3A_309 = tpu.memref_slice %run_scoped3A[%rem3A_307, %dma_wait3A, %dma_wait3A_308] : memref<2x1x32xi32, #tpu.memory_space<vmem>> -> memref<1x1x32xi32, #tpu.memory_space<vmem>>
            %dma_wait3A_310 = tpu.memref_squeeze %dma_wait3A_309 : memref<1x1x32xi32, #tpu.memory_space<vmem>> -> memref<1x32xi32, #tpu.memory_space<vmem>>
            %dma_wait3A_311 = arith.constant 0 : i32
            %dma_wait3A_312 = tpu.memref_slice %arg3[%mul3A_305, %dma_wait3A_311] : memref<50x32xi32, #tpu.memory_space<hbm>> -> memref<1x32xi32, #tpu.memory_space<hbm>>
            %dma_wait3A_313 = tpu.memref_slice %run_scoped3A_17[%rem3A_307] : memref<2x!tpu.dma_semaphore, #tpu.memory_space<semaphore_mem>> -> memref<1x!tpu.dma_semaphore, #tpu.memory_space<semaphore_mem>>
            %dma_wait3A_314 = tpu.memref_squeeze %dma_wait3A_313 : memref<1x!tpu.dma_semaphore, #tpu.memory_space<semaphore_mem>> -> memref<!tpu.dma_semaphore, #tpu.memory_space<semaphore_mem>>
            %dma_wait3A_315 = arith.constant 0 : i32
            %dma_wait3A_316 = arith.constant 0 : i32
            %dma_wait3A_317 = tpu.memref_slice %run_scoped3A[%rem3A_307, %dma_wait3A_315, %dma_wait3A_316] : memref<2x1x32xi32, #tpu.memory_space<vmem>> -> memref<1x1x32xi32, #tpu.memory_space<vmem>>
            %dma_wait3A_318 = tpu.memref_squeeze %dma_wait3A_317 : memref<1x1x32xi32, #tpu.memory_space<vmem>> -> memref<1x32xi32, #tpu.memory_space<vmem>>
            %dma_wait3A_319 = arith.constant 0 : i32
            %dma_wait3A_320 = tpu.memref_slice %arg3[%mul3A_305, %dma_wait3A_319] : memref<50x32xi32, #tpu.memory_space<hbm>> -> memref<1x32xi32, #tpu.memory_space<hbm>>
            tpu.wait_dma2 semaphore(%dma_wait3A_314 : memref<!tpu.dma_semaphore, #tpu.memory_space<semaphore_mem>>) src(%dma_wait3A_320 : memref<1x32xi32, #tpu.memory_space<hbm>>) dst(%dma_wait3A_318 : memref<1x32xi32, #tpu.memory_space<vmem>>)
            "tpu.trace_stop"() : () -> ()
          } else {
          }
          %ne3A_220 = arith.cmpi ne, %add3A_155, %add3A_165 : i32
          %or3A_221 = arith.constant false
          %or3A_222 = arith.ori %or3A_221, %ne3A_220 : i1
          %or3A_223 = arith.constant false
          %or3A_224 = arith.ori %or3A_222, %or3A_223 : i1
          %or3A_225 = arith.ori %or3A_224, %eq3A_151 : i1
          %convert_element_type3A_226 = arith.extui %or3A_225 : i1 to i32
          %cond3A_227 = arith.constant 0 : i32
          %cond3A_228 = arith.cmpi ne, %convert_element_type3A_226, %cond3A_227 : i32
          scf.if %cond3A_228 {
          } else {
          }
          %rem3A_229 = arith.constant 2 : i32
          %rem3A_230 = arith.remui %while3A_144, %rem3A_229 : i32
          %rem3A_231 = arith.constant 2 : i32
          %rem3A_232 = arith.remui %while3A_145, %rem3A_231 : i32
          %run_scoped3A_233 = arith.constant 0 : i32
          "tpu.trace_start"() <{level = 10 : i32, message = "ep_run_kernel"}> : () -> ()
          "tpu.region"() ({
            %run_scoped3A_304 = tpu.sem_alloc : memref<!tpu.dma_semaphore, #tpu.memory_space<semaphore_mem>>
            %dma_start3A_305 = arith.constant 0 : i32
            %dma_start3A_306 = arith.constant 0 : i32
            %dma_start3A_307 = tpu.memref_slice %run_scoped3A_18[%rem3A_232, %dma_start3A_305, %dma_start3A_306] : memref<2x32x512xf32, #tpu.memory_space<vmem>> -> memref<1x32x512xf32, #tpu.memory_space<vmem>>
            %dma_start3A_308 = tpu.memref_squeeze %dma_start3A_307 : memref<1x32x512xf32, #tpu.memory_space<vmem>> -> memref<32x512xf32, #tpu.memory_space<vmem>>
            %dma_start3A_309 = arith.constant 0 : i32
            %dma_start3A_310 = arith.constant 0 : i32
            %dma_start3A_311 = tpu.memref_slice %run_scoped3A[%rem3A_230, %dma_start3A_309, %dma_start3A_310] : memref<2x1x32xi32, #tpu.memory_space<vmem>> -> memref<1x1x32xi32, #tpu.memory_space<vmem>>
            %dma_start3A_312 = tpu.memref_squeeze %dma_start3A_311 : memref<1x1x32xi32, #tpu.memory_space<vmem>> -> memref<1x32xi32, #tpu.memory_space<vmem>>
            %dma_start3A_313 = arith.constant 0 : i32
            %dma_start3A_314 = tpu.memref_slice %dma_start3A_312[%run_scoped3A_233, %dma_start3A_313] : memref<1x32xi32, #tpu.memory_space<vmem>> -> memref<1x32xi32, #tpu.memory_space<vmem>>
            %dma_start3A_315 = tpu.memref_squeeze %dma_start3A_314 : memref<1x32xi32, #tpu.memory_space<vmem>> -> memref<32xi32, #tpu.memory_space<vmem>>
            %dma_start3A_316 = arith.constant 0 : i32
            %dma_start3A_317 = arith.constant 0 : i32
            %dma_start3A_318 = tpu.memref_slice %arg2[%dma_start3A_316, %dma_start3A_317] : memref<8192x512xf32, #tpu.memory_space<hbm>> -> memref<8192x512xf32, #tpu.memory_space<hbm>>
            tpu.enqueue_indirect_dma source(%dma_start3A_318 : memref<8192x512xf32, #tpu.memory_space<hbm>>) target(%dma_start3A_308 : memref<32x512xf32, #tpu.memory_space<vmem>>) offsets(%dma_start3A_315 : memref<32xi32, #tpu.memory_space<vmem>>) semaphore(%run_scoped3A_304 : memref<!tpu.dma_semaphore, #tpu.memory_space<semaphore_mem>>)
            %dma_wait3A = arith.constant 0 : i32
            %dma_wait3A_319 = arith.constant 0 : i32
            %dma_wait3A_320 = tpu.memref_slice %run_scoped3A_18[%rem3A_232, %dma_wait3A, %dma_wait3A_319] : memref<2x32x512xf32, #tpu.memory_space<vmem>> -> memref<1x32x512xf32, #tpu.memory_space<vmem>>
            %dma_wait3A_321 = tpu.memref_squeeze %dma_wait3A_320 : memref<1x32x512xf32, #tpu.memory_space<vmem>> -> memref<32x512xf32, #tpu.memory_space<vmem>>
            %dma_wait3A_322 = arith.constant 0 : i32
            %dma_wait3A_323 = arith.constant 0 : i32
            %dma_wait3A_324 = tpu.memref_slice %run_scoped3A[%rem3A_230, %dma_wait3A_322, %dma_wait3A_323] : memref<2x1x32xi32, #tpu.memory_space<vmem>> -> memref<1x1x32xi32, #tpu.memory_space<vmem>>
            %dma_wait3A_325 = tpu.memref_squeeze %dma_wait3A_324 : memref<1x1x32xi32, #tpu.memory_space<vmem>> -> memref<1x32xi32, #tpu.memory_space<vmem>>
            %dma_wait3A_326 = arith.constant 0 : i32
            %dma_wait3A_327 = tpu.memref_slice %dma_wait3A_325[%run_scoped3A_233, %dma_wait3A_326] : memref<1x32xi32, #tpu.memory_space<vmem>> -> memref<1x32xi32, #tpu.memory_space<vmem>>
            %dma_wait3A_328 = tpu.memref_squeeze %dma_wait3A_327 : memref<1x32xi32, #tpu.memory_space<vmem>> -> memref<32xi32, #tpu.memory_space<vmem>>
            %dma_wait3A_329 = arith.constant 0 : i32
            %dma_wait3A_330 = arith.constant 0 : i32
            %dma_wait3A_331 = tpu.memref_slice %arg2[%dma_wait3A_329, %dma_wait3A_330] : memref<8192x512xf32, #tpu.memory_space<hbm>> -> memref<8192x512xf32, #tpu.memory_space<hbm>>
            tpu.wait_indirect_dma semaphore(%run_scoped3A_304 : memref<!tpu.dma_semaphore, #tpu.memory_space<semaphore_mem>>) src(%dma_wait3A_331 : memref<8192x512xf32, #tpu.memory_space<hbm>>) dst(%dma_wait3A_321 : memref<32x512xf32, #tpu.memory_space<vmem>>)
            tpu.yield
          }) : () -> ()
          "tpu.trace_stop"() : () -> ()
          %ne3A_234 = arith.cmpi ne, %add3A_155, %add3A_173 : i32
          %or3A_235 = arith.constant false
          %or3A_236 = arith.ori %or3A_235, %ne3A_234 : i1
          %or3A_237 = arith.constant false
          %or3A_238 = arith.ori %or3A_236, %or3A_237 : i1
          %or3A_239 = arith.ori %or3A_238, %eq3A_154 : i1
          %convert_element_type3A_240 = arith.extui %or3A_239 : i1 to i32
          %cond3A_241 = arith.constant 0 : i32
          %cond3A_242 = arith.cmpi ne, %convert_element_type3A_240, %cond3A_241 : i32
          scf.if %cond3A_242 {
          } else {
          }
          %and3A_243 = arith.constant false
          %and3A_244 = arith.andi %or3A_239, %and3A_243 : i1
          %ne3A_245 = arith.cmpi ne, %add3A_155, %add3A_173 : i32
          %or3A_246 = arith.constant false
          %or3A_247 = arith.ori %or3A_246, %ne3A_245 : i1
          %or3A_248 = arith.constant false
          %or3A_249 = arith.ori %or3A_247, %or3A_248 : i1
          %or3A_250 = arith.ori %or3A_249, %eq3A_154 : i1
          %convert_element_type3A_251 = arith.extui %or3A_250 : i1 to i32
          %cond3A_252 = arith.constant 0 : i32
          %cond3A_253 = arith.cmpi ne, %convert_element_type3A_251, %cond3A_252 : i32
          scf.if %cond3A_253 {
            "tpu.trace_start"() <{level = 10 : i32, message = "ep_copy_out"}> : () -> ()
            %rem3A_304 = arith.constant 2 : i32
            %rem3A_305 = arith.remui %while3A_145, %rem3A_304 : i32
            %mul3A_306 = arith.constant 32 : i32
            %mul3A_307 = arith.muli %mul3A_306, %add3A_155 : i32
            %dma_start3A_308 = arith.constant 0 : i32
            %dma_start3A_309 = arith.constant 0 : i32
            %dma_start3A_310 = tpu.memref_slice %run_scoped3A_18[%rem3A_305, %dma_start3A_308, %dma_start3A_309] : memref<2x32x512xf32, #tpu.memory_space<vmem>> -> memref<1x32x512xf32, #tpu.memory_space<vmem>>
            %dma_start3A_311 = tpu.memref_squeeze %dma_start3A_310 : memref<1x32x512xf32, #tpu.memory_space<vmem>> -> memref<32x512xf32, #tpu.memory_space<vmem>>
            %dma_start3A_312 = arith.constant 0 : i32
            %dma_start3A_313 = tpu.memref_slice %arg4[%mul3A_307, %dma_start3A_312] : memref<1600x512xf32, #tpu.memory_space<hbm>> -> memref<32x512xf32, #tpu.memory_space<hbm>>
            %dma_start3A_314 = tpu.memref_slice %run_scoped3A_19[%rem3A_305] : memref<2x!tpu.dma_semaphore, #tpu.memory_space<semaphore_mem>> -> memref<1x!tpu.dma_semaphore, #tpu.memory_space<semaphore_mem>>
            %dma_start3A_315 = tpu.memref_squeeze %dma_start3A_314 : memref<1x!tpu.dma_semaphore, #tpu.memory_space<semaphore_mem>> -> memref<!tpu.dma_semaphore, #tpu.memory_space<semaphore_mem>>
            %dma_start3A_316 = arith.constant 0 : i32
            %dma_start3A_317 = tpu.memref_slice %arg4[%mul3A_307, %dma_start3A_316] : memref<1600x512xf32, #tpu.memory_space<hbm>> -> memref<32x512xf32, #tpu.memory_space<hbm>>
            %dma_start3A_318 = arith.constant 0 : i32
            %dma_start3A_319 = arith.constant 0 : i32
            %dma_start3A_320 = tpu.memref_slice %run_scoped3A_18[%rem3A_305, %dma_start3A_318, %dma_start3A_319] : memref<2x32x512xf32, #tpu.memory_space<vmem>> -> memref<1x32x512xf32, #tpu.memory_space<vmem>>
            %dma_start3A_321 = tpu.memref_squeeze %dma_start3A_320 : memref<1x32x512xf32, #tpu.memory_space<vmem>> -> memref<32x512xf32, #tpu.memory_space<vmem>>
            tpu.enqueue_dma source(%dma_start3A_321 : memref<32x512xf32, #tpu.memory_space<vmem>>) target(%dma_start3A_317 : memref<32x512xf32, #tpu.memory_space<hbm>>) target_semaphore(%dma_start3A_315 : memref<!tpu.dma_semaphore, #tpu.memory_space<semaphore_mem>>)
            "tpu.trace_stop"() : () -> ()
          } else {
          }
          %and3A_254 = arith.constant true
          %and3A_255 = arith.andi %or3A_250, %and3A_254 : i1
          %add3A_256 = arith.constant 1 : i32
          %add3A_257 = arith.addi %while3A_145, %add3A_256 : i32
          %select_n3A_258 = arith.select %and3A_255, %add3A_257, %while3A_145 : i32
          %ne3A_259 = arith.cmpi ne, %add3A_155, %add3A_165 : i32
          %or3A_260 = arith.constant false
          %or3A_261 = arith.ori %or3A_260, %ne3A_259 : i1
          %or3A_262 = arith.constant false
          %or3A_263 = arith.ori %or3A_261, %or3A_262 : i1
          %not3A_264 = arith.constant true
          %not3A_265 = arith.xori %eq3A_151, %not3A_264 : i1
          %and3A_266 = arith.andi %or3A_263, %not3A_265 : i1
          %convert_element_type3A_267 = arith.extui %and3A_266 : i1 to i32
          %cond3A_268 = arith.constant 0 : i32
          %cond3A_269 = arith.cmpi ne, %convert_element_type3A_267, %cond3A_268 : i32
          scf.if %cond3A_269 {
          } else {
          }
          %and3A_270 = arith.constant false
          %and3A_271 = arith.andi %and3A_266, %and3A_270 : i1
          %ne3A_272 = arith.cmpi ne, %add3A_155, %add3A_165 : i32
          %or3A_273 = arith.constant false
          %or3A_274 = arith.ori %or3A_273, %ne3A_272 : i1
          %or3A_275 = arith.constant false
          %or3A_276 = arith.ori %or3A_274, %or3A_275 : i1
          %not3A_277 = arith.constant true
          %not3A_278 = arith.xori %eq3A_151, %not3A_277 : i1
          %and3A_279 = arith.andi %or3A_276, %not3A_278 : i1
          %convert_element_type3A_280 = arith.extui %and3A_279 : i1 to i32
          %cond3A_281 = arith.constant 0 : i32
          %cond3A_282 = arith.cmpi ne, %convert_element_type3A_280, %cond3A_281 : i32
          scf.if %cond3A_282 {
            "tpu.trace_start"() <{level = 10 : i32, message = "ep_wait_out"}> : () -> ()
            %rem3A_304 = arith.constant 2 : i32
            %rem3A_305 = arith.remui %while3A_146, %rem3A_304 : i32
            %mul3A_306 = arith.constant 32 : i32
            %mul3A_307 = arith.muli %mul3A_306, %add3A_165 : i32
            %dma_wait3A = arith.constant 0 : i32
            %dma_wait3A_308 = arith.constant 0 : i32
            %dma_wait3A_309 = tpu.memref_slice %run_scoped3A_18[%rem3A_305, %dma_wait3A, %dma_wait3A_308] : memref<2x32x512xf32, #tpu.memory_space<vmem>> -> memref<1x32x512xf32, #tpu.memory_space<vmem>>
            %dma_wait3A_310 = tpu.memref_squeeze %dma_wait3A_309 : memref<1x32x512xf32, #tpu.memory_space<vmem>> -> memref<32x512xf32, #tpu.memory_space<vmem>>
            %dma_wait3A_311 = arith.constant 0 : i32
            %dma_wait3A_312 = tpu.memref_slice %arg4[%mul3A_307, %dma_wait3A_311] : memref<1600x512xf32, #tpu.memory_space<hbm>> -> memref<32x512xf32, #tpu.memory_space<hbm>>
            %dma_wait3A_313 = tpu.memref_slice %run_scoped3A_19[%rem3A_305] : memref<2x!tpu.dma_semaphore, #tpu.memory_space<semaphore_mem>> -> memref<1x!tpu.dma_semaphore, #tpu.memory_space<semaphore_mem>>
            %dma_wait3A_314 = tpu.memref_squeeze %dma_wait3A_313 : memref<1x!tpu.dma_semaphore, #tpu.memory_space<semaphore_mem>> -> memref<!tpu.dma_semaphore, #tpu.memory_space<semaphore_mem>>
            %dma_wait3A_315 = arith.constant 0 : i32
            %dma_wait3A_316 = tpu.memref_slice %arg4[%mul3A_307, %dma_wait3A_315] : memref<1600x512xf32, #tpu.memory_space<hbm>> -> memref<32x512xf32, #tpu.memory_space<hbm>>
            %dma_wait3A_317 = arith.constant 0 : i32
            %dma_wait3A_318 = arith.constant 0 : i32
            %dma_wait3A_319 = tpu.memref_slice %run_scoped3A_18[%rem3A_305, %dma_wait3A_317, %dma_wait3A_318] : memref<2x32x512xf32, #tpu.memory_space<vmem>> -> memref<1x32x512xf32, #tpu.memory_space<vmem>>
            %dma_wait3A_320 = tpu.memref_squeeze %dma_wait3A_319 : memref<1x32x512xf32, #tpu.memory_space<vmem>> -> memref<32x512xf32, #tpu.memory_space<vmem>>
            tpu.wait_dma2 semaphore(%dma_wait3A_314 : memref<!tpu.dma_semaphore, #tpu.memory_space<semaphore_mem>>) src(%dma_wait3A_320 : memref<32x512xf32, #tpu.memory_space<vmem>>) dst(%dma_wait3A_316 : memref<32x512xf32, #tpu.memory_space<hbm>>)
            "tpu.trace_stop"() : () -> ()
          } else {
          }
          %and3A_283 = arith.constant true
          %and3A_284 = arith.andi %and3A_279, %and3A_283 : i1
          %add3A_285 = arith.constant 1 : i32
          %add3A_286 = arith.addi %while3A_146, %add3A_285 : i32
          %select_n3A_287 = arith.select %and3A_284, %add3A_286, %while3A_146 : i32
          %ne3A_288 = arith.cmpi ne, %add3A_155, %add3A_173 : i32
          %or3A_289 = arith.constant false
          %or3A_290 = arith.ori %or3A_289, %ne3A_288 : i1
          %or3A_291 = arith.constant false
          %or3A_292 = arith.ori %or3A_290, %or3A_291 : i1
          %or3A_293 = arith.ori %or3A_292, %eq3A_154 : i1
          %add3A_294 = arith.constant 1 : i32
          %add3A_295 = arith.addi %while3A_144, %add3A_294 : i32
          %select_n3A_296 = arith.select %or3A_293, %add3A_295, %while3A_144 : i32
          %add3A_297 = arith.constant 1 : i32
          %add3A_298 = arith.addi %while3A_147, %add3A_297 : i32
          %select_n3A_299 = arith.constant true
          %select_n3A_300 = arith.select %select_n3A_299, %add3A_298, %while3A_147 : i32
          %eq3A_301 = arith.cmpi eq, %select_n3A_300, %select_n3A : i32
          %select_n3A_302 = arith.constant 0 : i32
          %select_n3A_303 = arith.select %eq3A_301, %select_n3A_302, %select_n3A_300 : i32
          scf.yield %select_n3A_197, %select_n3A_296, %select_n3A_258, %select_n3A_287, %select_n3A_303 : i32, i32, i32, i32, i32
        }
        %while3A_89 = arith.constant 1 : i32
        %while3A_90:5 = scf.for %while3A_142 = %while3A_86 to %while3A_82 step %while3A_89 iter_args(%while3A_143 = %while3A_88#0, %while3A_144 = %while3A_88#1, %while3A_145 = %while3A_88#2, %while3A_146 = %while3A_88#3, %while3A_147 = %while3A_88#4) -> (i32, i32, i32, i32, i32)  : i32 {
          %mul3A_148 = arith.constant 1 : i32
          %mul3A_149 = arith.muli %mul3A_148, %select_n3A : i32
          %eq3A_150 = arith.constant 0 : i32
          %eq3A_151 = arith.cmpi eq, %while3A_142, %eq3A_150 : i32
          %sub3A_152 = arith.constant 1 : i32
          %sub3A_153 = arith.subi %mul3A_149, %sub3A_152 : i32
          %eq3A_154 = arith.cmpi eq, %while3A_142, %sub3A_153 : i32
          %add3A_155 = arith.addi %while3A_147, %select_n3A_14 : i32
          %sub3A_156 = arith.constant 1 : i32
          %sub3A_157 = arith.subi %while3A_147, %sub3A_156 : i32
          %select_n3A_158 = arith.constant true
          %select_n3A_159 = arith.select %select_n3A_158, %sub3A_157, %while3A_147 : i32
          %eq3A_160 = arith.constant -1 : i32
          %eq3A_161 = arith.cmpi eq, %select_n3A_159, %eq3A_160 : i32
          %sub3A_162 = arith.constant 1 : i32
          %sub3A_163 = arith.subi %select_n3A, %sub3A_162 : i32
          %select_n3A_164 = arith.select %eq3A_161, %sub3A_163, %select_n3A_159 : i32
          %add3A_165 = arith.addi %select_n3A_164, %select_n3A_14 : i32
          %add3A_166 = arith.constant 1 : i32
          %add3A_167 = arith.addi %while3A_147, %add3A_166 : i32
          %select_n3A_168 = arith.constant true
          %select_n3A_169 = arith.select %select_n3A_168, %add3A_167, %while3A_147 : i32
          %eq3A_170 = arith.cmpi eq, %select_n3A_169, %select_n3A : i32
          %select_n3A_171 = arith.constant 0 : i32
          %select_n3A_172 = arith.select %eq3A_170, %select_n3A_171, %select_n3A_169 : i32
          %add3A_173 = arith.addi %select_n3A_172, %select_n3A_14 : i32
          %add3A_174 = arith.constant 1 : i32
          %add3A_175 = arith.addi %select_n3A_172, %add3A_174 : i32
          %select_n3A_176 = arith.constant true
          %select_n3A_177 = arith.select %select_n3A_176, %add3A_175, %select_n3A_172 : i32
          %eq3A_178 = arith.cmpi eq, %select_n3A_177, %select_n3A : i32
          %select_n3A_179 = arith.constant 0 : i32
          %select_n3A_180 = arith.select %eq3A_178, %select_n3A_179, %select_n3A_177 : i32
          %add3A_181 = arith.addi %select_n3A_180, %select_n3A_14 : i32
          %ne3A = arith.cmpi ne, %add3A_155, %add3A_173 : i32
          %or3A = arith.constant false
          %or3A_182 = arith.ori %or3A, %ne3A : i1
          %or3A_183 = arith.constant false
          %or3A_184 = arith.ori %or3A_182, %or3A_183 : i1
          %sub3A_185 = arith.constant 2 : i32
          %sub3A_186 = arith.subi %mul3A_149, %sub3A_185 : i32
          %add3A_187 = arith.constant 1 : i32
          %add3A_188 = arith.addi %sub3A_186, %add3A_187 : i32
          %ge3A = arith.cmpi sge, %while3A_142, %add3A_188 : i32
          %not3A = arith.constant true
          %not3A_189 = arith.xori %ge3A, %not3A : i1
          %and3A = arith.andi %or3A_184, %not3A_189 : i1
          %convert_element_type3A_190 = arith.extui %and3A : i1 to i32
          %cond3A_191 = arith.constant 0 : i32
          %cond3A_192 = arith.cmpi ne, %convert_element_type3A_190, %cond3A_191 : i32
          scf.if %cond3A_192 {
            "tpu.trace_start"() <{level = 10 : i32, message = "ep_copy_in"}> : () -> ()
            %rem3A_304 = arith.constant 2 : i32
            %rem3A_305 = arith.remui %while3A_143, %rem3A_304 : i32
            %mul3A_306 = arith.constant 1 : i32
            %mul3A_307 = arith.muli %mul3A_306, %add3A_173 : i32
            %dma_start3A_308 = arith.constant 0 : i32
            %dma_start3A_309 = arith.constant 0 : i32
            %dma_start3A_310 = tpu.memref_slice %run_scoped3A[%rem3A_305, %dma_start3A_308, %dma_start3A_309] : memref<2x1x32xi32, #tpu.memory_space<vmem>> -> memref<1x1x32xi32, #tpu.memory_space<vmem>>
            %dma_start3A_311 = tpu.memref_squeeze %dma_start3A_310 : memref<1x1x32xi32, #tpu.memory_space<vmem>> -> memref<1x32xi32, #tpu.memory_space<vmem>>
            %dma_start3A_312 = arith.constant 0 : i32
            %dma_start3A_313 = tpu.memref_slice %arg3[%mul3A_307, %dma_start3A_312] : memref<50x32xi32, #tpu.memory_space<hbm>> -> memref<1x32xi32, #tpu.memory_space<hbm>>
            %dma_start3A_314 = tpu.memref_slice %run_scoped3A_17[%rem3A_305] : memref<2x!tpu.dma_semaphore, #tpu.memory_space<semaphore_mem>> -> memref<1x!tpu.dma_semaphore, #tpu.memory_space<semaphore_mem>>
            %dma_start3A_315 = tpu.memref_squeeze %dma_start3A_314 : memref<1x!tpu.dma_semaphore, #tpu.memory_space<semaphore_mem>> -> memref<!tpu.dma_semaphore, #tpu.memory_space<semaphore_mem>>
            %dma_start3A_316 = arith.constant 0 : i32
            %dma_start3A_317 = arith.constant 0 : i32
            %dma_start3A_318 = tpu.memref_slice %run_scoped3A[%rem3A_305, %dma_start3A_316, %dma_start3A_317] : memref<2x1x32xi32, #tpu.memory_space<vmem>> -> memref<1x1x32xi32, #tpu.memory_space<vmem>>
            %dma_start3A_319 = tpu.memref_squeeze %dma_start3A_318 : memref<1x1x32xi32, #tpu.memory_space<vmem>> -> memref<1x32xi32, #tpu.memory_space<vmem>>
            %dma_start3A_320 = arith.constant 0 : i32
            %dma_start3A_321 = tpu.memref_slice %arg3[%mul3A_307, %dma_start3A_320] : memref<50x32xi32, #tpu.memory_space<hbm>> -> memref<1x32xi32, #tpu.memory_space<hbm>>
            tpu.enqueue_dma source(%dma_start3A_321 : memref<1x32xi32, #tpu.memory_space<hbm>>) target(%dma_start3A_319 : memref<1x32xi32, #tpu.memory_space<vmem>>) target_semaphore(%dma_start3A_315 : memref<!tpu.dma_semaphore, #tpu.memory_space<semaphore_mem>>)
            "tpu.trace_stop"() : () -> ()
          } else {
          }
          %and3A_193 = arith.constant true
          %and3A_194 = arith.andi %and3A, %and3A_193 : i1
          %add3A_195 = arith.constant 1 : i32
          %add3A_196 = arith.addi %while3A_143, %add3A_195 : i32
          %select_n3A_197 = arith.select %and3A_194, %add3A_196, %while3A_143 : i32
          %ne3A_198 = arith.cmpi ne, %add3A_155, %add3A_173 : i32
          %or3A_199 = arith.constant false
          %or3A_200 = arith.ori %or3A_199, %ne3A_198 : i1
          %or3A_201 = arith.constant false
          %or3A_202 = arith.ori %or3A_200, %or3A_201 : i1
          %sub3A_203 = arith.constant 2 : i32
          %sub3A_204 = arith.subi %mul3A_149, %sub3A_203 : i32
          %add3A_205 = arith.constant 1 : i32
          %add3A_206 = arith.addi %sub3A_204, %add3A_205 : i32
          %ge3A_207 = arith.cmpi sge, %while3A_142, %add3A_206 : i32
          %not3A_208 = arith.constant true
          %not3A_209 = arith.xori %ge3A_207, %not3A_208 : i1
          %and3A_210 = arith.andi %or3A_202, %not3A_209 : i1
          %ne3A_211 = arith.cmpi ne, %add3A_155, %add3A_165 : i32
          %or3A_212 = arith.constant false
          %or3A_213 = arith.ori %or3A_212, %ne3A_211 : i1
          %or3A_214 = arith.constant false
          %or3A_215 = arith.ori %or3A_213, %or3A_214 : i1
          %or3A_216 = arith.ori %or3A_215, %eq3A_151 : i1
          %convert_element_type3A_217 = arith.extui %or3A_216 : i1 to i32
          %cond3A_218 = arith.constant 0 : i32
          %cond3A_219 = arith.cmpi ne, %convert_element_type3A_217, %cond3A_218 : i32
          scf.if %cond3A_219 {
            "tpu.trace_start"() <{level = 10 : i32, message = "ep_wait_in"}> : () -> ()
            %mul3A_304 = arith.constant 1 : i32
            %mul3A_305 = arith.muli %mul3A_304, %add3A_155 : i32
            %rem3A_306 = arith.constant 2 : i32
            %rem3A_307 = arith.remui %while3A_144, %rem3A_306 : i32
            %dma_wait3A = arith.constant 0 : i32
            %dma_wait3A_308 = arith.constant 0 : i32
            %dma_wait3A_309 = tpu.memref_slice %run_scoped3A[%rem3A_307, %dma_wait3A, %dma_wait3A_308] : memref<2x1x32xi32, #tpu.memory_space<vmem>> -> memref<1x1x32xi32, #tpu.memory_space<vmem>>
            %dma_wait3A_310 = tpu.memref_squeeze %dma_wait3A_309 : memref<1x1x32xi32, #tpu.memory_space<vmem>> -> memref<1x32xi32, #tpu.memory_space<vmem>>
            %dma_wait3A_311 = arith.constant 0 : i32
            %dma_wait3A_312 = tpu.memref_slice %arg3[%mul3A_305, %dma_wait3A_311] : memref<50x32xi32, #tpu.memory_space<hbm>> -> memref<1x32xi32, #tpu.memory_space<hbm>>
            %dma_wait3A_313 = tpu.memref_slice %run_scoped3A_17[%rem3A_307] : memref<2x!tpu.dma_semaphore, #tpu.memory_space<semaphore_mem>> -> memref<1x!tpu.dma_semaphore, #tpu.memory_space<semaphore_mem>>
            %dma_wait3A_314 = tpu.memref_squeeze %dma_wait3A_313 : memref<1x!tpu.dma_semaphore, #tpu.memory_space<semaphore_mem>> -> memref<!tpu.dma_semaphore, #tpu.memory_space<semaphore_mem>>
            %dma_wait3A_315 = arith.constant 0 : i32
            %dma_wait3A_316 = arith.constant 0 : i32
            %dma_wait3A_317 = tpu.memref_slice %run_scoped3A[%rem3A_307, %dma_wait3A_315, %dma_wait3A_316] : memref<2x1x32xi32, #tpu.memory_space<vmem>> -> memref<1x1x32xi32, #tpu.memory_space<vmem>>
            %dma_wait3A_318 = tpu.memref_squeeze %dma_wait3A_317 : memref<1x1x32xi32, #tpu.memory_space<vmem>> -> memref<1x32xi32, #tpu.memory_space<vmem>>
            %dma_wait3A_319 = arith.constant 0 : i32
            %dma_wait3A_320 = tpu.memref_slice %arg3[%mul3A_305, %dma_wait3A_319] : memref<50x32xi32, #tpu.memory_space<hbm>> -> memref<1x32xi32, #tpu.memory_space<hbm>>
            tpu.wait_dma2 semaphore(%dma_wait3A_314 : memref<!tpu.dma_semaphore, #tpu.memory_space<semaphore_mem>>) src(%dma_wait3A_320 : memref<1x32xi32, #tpu.memory_space<hbm>>) dst(%dma_wait3A_318 : memref<1x32xi32, #tpu.memory_space<vmem>>)
            "tpu.trace_stop"() : () -> ()
          } else {
          }
          %ne3A_220 = arith.cmpi ne, %add3A_155, %add3A_165 : i32
          %or3A_221 = arith.constant false
          %or3A_222 = arith.ori %or3A_221, %ne3A_220 : i1
          %or3A_223 = arith.constant false
          %or3A_224 = arith.ori %or3A_222, %or3A_223 : i1
          %or3A_225 = arith.ori %or3A_224, %eq3A_151 : i1
          %convert_element_type3A_226 = arith.extui %or3A_225 : i1 to i32
          %cond3A_227 = arith.constant 0 : i32
          %cond3A_228 = arith.cmpi ne, %convert_element_type3A_226, %cond3A_227 : i32
          scf.if %cond3A_228 {
          } else {
          }
          %rem3A_229 = arith.constant 2 : i32
          %rem3A_230 = arith.remui %while3A_144, %rem3A_229 : i32
          %rem3A_231 = arith.constant 2 : i32
          %rem3A_232 = arith.remui %while3A_145, %rem3A_231 : i32
          %run_scoped3A_233 = arith.constant 0 : i32
          "tpu.trace_start"() <{level = 10 : i32, message = "ep_run_kernel"}> : () -> ()
          "tpu.region"() ({
            %run_scoped3A_304 = tpu.sem_alloc : memref<!tpu.dma_semaphore, #tpu.memory_space<semaphore_mem>>
            %dma_start3A_305 = arith.constant 0 : i32
            %dma_start3A_306 = arith.constant 0 : i32
            %dma_start3A_307 = tpu.memref_slice %run_scoped3A_18[%rem3A_232, %dma_start3A_305, %dma_start3A_306] : memref<2x32x512xf32, #tpu.memory_space<vmem>> -> memref<1x32x512xf32, #tpu.memory_space<vmem>>
            %dma_start3A_308 = tpu.memref_squeeze %dma_start3A_307 : memref<1x32x512xf32, #tpu.memory_space<vmem>> -> memref<32x512xf32, #tpu.memory_space<vmem>>
            %dma_start3A_309 = arith.constant 0 : i32
            %dma_start3A_310 = arith.constant 0 : i32
            %dma_start3A_311 = tpu.memref_slice %run_scoped3A[%rem3A_230, %dma_start3A_309, %dma_start3A_310] : memref<2x1x32xi32, #tpu.memory_space<vmem>> -> memref<1x1x32xi32, #tpu.memory_space<vmem>>
            %dma_start3A_312 = tpu.memref_squeeze %dma_start3A_311 : memref<1x1x32xi32, #tpu.memory_space<vmem>> -> memref<1x32xi32, #tpu.memory_space<vmem>>
            %dma_start3A_313 = arith.constant 0 : i32
            %dma_start3A_314 = tpu.memref_slice %dma_start3A_312[%run_scoped3A_233, %dma_start3A_313] : memref<1x32xi32, #tpu.memory_space<vmem>> -> memref<1x32xi32, #tpu.memory_space<vmem>>
            %dma_start3A_315 = tpu.memref_squeeze %dma_start3A_314 : memref<1x32xi32, #tpu.memory_space<vmem>> -> memref<32xi32, #tpu.memory_space<vmem>>
            %dma_start3A_316 = arith.constant 0 : i32
            %dma_start3A_317 = arith.constant 0 : i32
            %dma_start3A_318 = tpu.memref_slice %arg2[%dma_start3A_316, %dma_start3A_317] : memref<8192x512xf32, #tpu.memory_space<hbm>> -> memref<8192x512xf32, #tpu.memory_space<hbm>>
            tpu.enqueue_indirect_dma source(%dma_start3A_318 : memref<8192x512xf32, #tpu.memory_space<hbm>>) target(%dma_start3A_308 : memref<32x512xf32, #tpu.memory_space<vmem>>) offsets(%dma_start3A_315 : memref<32xi32, #tpu.memory_space<vmem>>) semaphore(%run_scoped3A_304 : memref<!tpu.dma_semaphore, #tpu.memory_space<semaphore_mem>>)
            %dma_wait3A = arith.constant 0 : i32
            %dma_wait3A_319 = arith.constant 0 : i32
            %dma_wait3A_320 = tpu.memref_slice %run_scoped3A_18[%rem3A_232, %dma_wait3A, %dma_wait3A_319] : memref<2x32x512xf32, #tpu.memory_space<vmem>> -> memref<1x32x512xf32, #tpu.memory_space<vmem>>
            %dma_wait3A_321 = tpu.memref_squeeze %dma_wait3A_320 : memref<1x32x512xf32, #tpu.memory_space<vmem>> -> memref<32x512xf32, #tpu.memory_space<vmem>>
            %dma_wait3A_322 = arith.constant 0 : i32
            %dma_wait3A_323 = arith.constant 0 : i32
            %dma_wait3A_324 = tpu.memref_slice %run_scoped3A[%rem3A_230, %dma_wait3A_322, %dma_wait3A_323] : memref<2x1x32xi32, #tpu.memory_space<vmem>> -> memref<1x1x32xi32, #tpu.memory_space<vmem>>
            %dma_wait3A_325 = tpu.memref_squeeze %dma_wait3A_324 : memref<1x1x32xi32, #tpu.memory_space<vmem>> -> memref<1x32xi32, #tpu.memory_space<vmem>>
            %dma_wait3A_326 = arith.constant 0 : i32
            %dma_wait3A_327 = tpu.memref_slice %dma_wait3A_325[%run_scoped3A_233, %dma_wait3A_326] : memref<1x32xi32, #tpu.memory_space<vmem>> -> memref<1x32xi32, #tpu.memory_space<vmem>>
            %dma_wait3A_328 = tpu.memref_squeeze %dma_wait3A_327 : memref<1x32xi32, #tpu.memory_space<vmem>> -> memref<32xi32, #tpu.memory_space<vmem>>
            %dma_wait3A_329 = arith.constant 0 : i32
            %dma_wait3A_330 = arith.constant 0 : i32
            %dma_wait3A_331 = tpu.memref_slice %arg2[%dma_wait3A_329, %dma_wait3A_330] : memref<8192x512xf32, #tpu.memory_space<hbm>> -> memref<8192x512xf32, #tpu.memory_space<hbm>>
            tpu.wait_indirect_dma semaphore(%run_scoped3A_304 : memref<!tpu.dma_semaphore, #tpu.memory_space<semaphore_mem>>) src(%dma_wait3A_331 : memref<8192x512xf32, #tpu.memory_space<hbm>>) dst(%dma_wait3A_321 : memref<32x512xf32, #tpu.memory_space<vmem>>)
            tpu.yield
          }) : () -> ()
          "tpu.trace_stop"() : () -> ()
          %ne3A_234 = arith.cmpi ne, %add3A_155, %add3A_173 : i32
          %or3A_235 = arith.constant false
          %or3A_236 = arith.ori %or3A_235, %ne3A_234 : i1
          %or3A_237 = arith.constant false
          %or3A_238 = arith.ori %or3A_236, %or3A_237 : i1
          %or3A_239 = arith.ori %or3A_238, %eq3A_154 : i1
          %convert_element_type3A_240 = arith.extui %or3A_239 : i1 to i32
          %cond3A_241 = arith.constant 0 : i32
          %cond3A_242 = arith.cmpi ne, %convert_element_type3A_240, %cond3A_241 : i32
          scf.if %cond3A_242 {
          } else {
          }
          %and3A_243 = arith.constant false
          %and3A_244 = arith.andi %or3A_239, %and3A_243 : i1
          %ne3A_245 = arith.cmpi ne, %add3A_155, %add3A_173 : i32
          %or3A_246 = arith.constant false
          %or3A_247 = arith.ori %or3A_246, %ne3A_245 : i1
          %or3A_248 = arith.constant false
          %or3A_249 = arith.ori %or3A_247, %or3A_248 : i1
          %or3A_250 = arith.ori %or3A_249, %eq3A_154 : i1
          %convert_element_type3A_251 = arith.extui %or3A_250 : i1 to i32
          %cond3A_252 = arith.constant 0 : i32
          %cond3A_253 = arith.cmpi ne, %convert_element_type3A_251, %cond3A_252 : i32
          scf.if %cond3A_253 {
            "tpu.trace_start"() <{level = 10 : i32, message = "ep_copy_out"}> : () -> ()
            %rem3A_304 = arith.constant 2 : i32
            %rem3A_305 = arith.remui %while3A_145, %rem3A_304 : i32
            %mul3A_306 = arith.constant 32 : i32
            %mul3A_307 = arith.muli %mul3A_306, %add3A_155 : i32
            %dma_start3A_308 = arith.constant 0 : i32
            %dma_start3A_309 = arith.constant 0 : i32
            %dma_start3A_310 = tpu.memref_slice %run_scoped3A_18[%rem3A_305, %dma_start3A_308, %dma_start3A_309] : memref<2x32x512xf32, #tpu.memory_space<vmem>> -> memref<1x32x512xf32, #tpu.memory_space<vmem>>
            %dma_start3A_311 = tpu.memref_squeeze %dma_start3A_310 : memref<1x32x512xf32, #tpu.memory_space<vmem>> -> memref<32x512xf32, #tpu.memory_space<vmem>>
            %dma_start3A_312 = arith.constant 0 : i32
            %dma_start3A_313 = tpu.memref_slice %arg4[%mul3A_307, %dma_start3A_312] : memref<1600x512xf32, #tpu.memory_space<hbm>> -> memref<32x512xf32, #tpu.memory_space<hbm>>
            %dma_start3A_314 = tpu.memref_slice %run_scoped3A_19[%rem3A_305] : memref<2x!tpu.dma_semaphore, #tpu.memory_space<semaphore_mem>> -> memref<1x!tpu.dma_semaphore, #tpu.memory_space<semaphore_mem>>
            %dma_start3A_315 = tpu.memref_squeeze %dma_start3A_314 : memref<1x!tpu.dma_semaphore, #tpu.memory_space<semaphore_mem>> -> memref<!tpu.dma_semaphore, #tpu.memory_space<semaphore_mem>>
            %dma_start3A_316 = arith.constant 0 : i32
            %dma_start3A_317 = tpu.memref_slice %arg4[%mul3A_307, %dma_start3A_316] : memref<1600x512xf32, #tpu.memory_space<hbm>> -> memref<32x512xf32, #tpu.memory_space<hbm>>
            %dma_start3A_318 = arith.constant 0 : i32
            %dma_start3A_319 = arith.constant 0 : i32
            %dma_start3A_320 = tpu.memref_slice %run_scoped3A_18[%rem3A_305, %dma_start3A_318, %dma_start3A_319] : memref<2x32x512xf32, #tpu.memory_space<vmem>> -> memref<1x32x512xf32, #tpu.memory_space<vmem>>
            %dma_start3A_321 = tpu.memref_squeeze %dma_start3A_320 : memref<1x32x512xf32, #tpu.memory_space<vmem>> -> memref<32x512xf32, #tpu.memory_space<vmem>>
            tpu.enqueue_dma source(%dma_start3A_321 : memref<32x512xf32, #tpu.memory_space<vmem>>) target(%dma_start3A_317 : memref<32x512xf32, #tpu.memory_space<hbm>>) target_semaphore(%dma_start3A_315 : memref<!tpu.dma_semaphore, #tpu.memory_space<semaphore_mem>>)
            "tpu.trace_stop"() : () -> ()
          } else {
          }
          %and3A_254 = arith.constant true
          %and3A_255 = arith.andi %or3A_250, %and3A_254 : i1
          %add3A_256 = arith.constant 1 : i32
          %add3A_257 = arith.addi %while3A_145, %add3A_256 : i32
          %select_n3A_258 = arith.select %and3A_255, %add3A_257, %while3A_145 : i32
          %ne3A_259 = arith.cmpi ne, %add3A_155, %add3A_165 : i32
          %or3A_260 = arith.constant false
          %or3A_261 = arith.ori %or3A_260, %ne3A_259 : i1
          %or3A_262 = arith.constant false
          %or3A_263 = arith.ori %or3A_261, %or3A_262 : i1
          %not3A_264 = arith.constant true
          %not3A_265 = arith.xori %eq3A_151, %not3A_264 : i1
          %and3A_266 = arith.andi %or3A_263, %not3A_265 : i1
          %convert_element_type3A_267 = arith.extui %and3A_266 : i1 to i32
          %cond3A_268 = arith.constant 0 : i32
          %cond3A_269 = arith.cmpi ne, %convert_element_type3A_267, %cond3A_268 : i32
          scf.if %cond3A_269 {
          } else {
          }
          %and3A_270 = arith.constant false
          %and3A_271 = arith.andi %and3A_266, %and3A_270 : i1
          %ne3A_272 = arith.cmpi ne, %add3A_155, %add3A_165 : i32
          %or3A_273 = arith.constant false
          %or3A_274 = arith.ori %or3A_273, %ne3A_272 : i1
          %or3A_275 = arith.constant false
          %or3A_276 = arith.ori %or3A_274, %or3A_275 : i1
          %not3A_277 = arith.constant true
          %not3A_278 = arith.xori %eq3A_151, %not3A_277 : i1
          %and3A_279 = arith.andi %or3A_276, %not3A_278 : i1
          %convert_element_type3A_280 = arith.extui %and3A_279 : i1 to i32
          %cond3A_281 = arith.constant 0 : i32
          %cond3A_282 = arith.cmpi ne, %convert_element_type3A_280, %cond3A_281 : i32
          scf.if %cond3A_282 {
            "tpu.trace_start"() <{level = 10 : i32, message = "ep_wait_out"}> : () -> ()
            %rem3A_304 = arith.constant 2 : i32
            %rem3A_305 = arith.remui %while3A_146, %rem3A_304 : i32
            %mul3A_306 = arith.constant 32 : i32
            %mul3A_307 = arith.muli %mul3A_306, %add3A_165 : i32
            %dma_wait3A = arith.constant 0 : i32
            %dma_wait3A_308 = arith.constant 0 : i32
            %dma_wait3A_309 = tpu.memref_slice %run_scoped3A_18[%rem3A_305, %dma_wait3A, %dma_wait3A_308] : memref<2x32x512xf32, #tpu.memory_space<vmem>> -> memref<1x32x512xf32, #tpu.memory_space<vmem>>
            %dma_wait3A_310 = tpu.memref_squeeze %dma_wait3A_309 : memref<1x32x512xf32, #tpu.memory_space<vmem>> -> memref<32x512xf32, #tpu.memory_space<vmem>>
            %dma_wait3A_311 = arith.constant 0 : i32
            %dma_wait3A_312 = tpu.memref_slice %arg4[%mul3A_307, %dma_wait3A_311] : memref<1600x512xf32, #tpu.memory_space<hbm>> -> memref<32x512xf32, #tpu.memory_space<hbm>>
            %dma_wait3A_313 = tpu.memref_slice %run_scoped3A_19[%rem3A_305] : memref<2x!tpu.dma_semaphore, #tpu.memory_space<semaphore_mem>> -> memref<1x!tpu.dma_semaphore, #tpu.memory_space<semaphore_mem>>
            %dma_wait3A_314 = tpu.memref_squeeze %dma_wait3A_313 : memref<1x!tpu.dma_semaphore, #tpu.memory_space<semaphore_mem>> -> memref<!tpu.dma_semaphore, #tpu.memory_space<semaphore_mem>>
            %dma_wait3A_315 = arith.constant 0 : i32
            %dma_wait3A_316 = tpu.memref_slice %arg4[%mul3A_307, %dma_wait3A_315] : memref<1600x512xf32, #tpu.memory_space<hbm>> -> memref<32x512xf32, #tpu.memory_space<hbm>>
            %dma_wait3A_317 = arith.constant 0 : i32
            %dma_wait3A_318 = arith.constant 0 : i32
            %dma_wait3A_319 = tpu.memref_slice %run_scoped3A_18[%rem3A_305, %dma_wait3A_317, %dma_wait3A_318] : memref<2x32x512xf32, #tpu.memory_space<vmem>> -> memref<1x32x512xf32, #tpu.memory_space<vmem>>
            %dma_wait3A_320 = tpu.memref_squeeze %dma_wait3A_319 : memref<1x32x512xf32, #tpu.memory_space<vmem>> -> memref<32x512xf32, #tpu.memory_space<vmem>>
            tpu.wait_dma2 semaphore(%dma_wait3A_314 : memref<!tpu.dma_semaphore, #tpu.memory_space<semaphore_mem>>) src(%dma_wait3A_320 : memref<32x512xf32, #tpu.memory_space<vmem>>) dst(%dma_wait3A_316 : memref<32x512xf32, #tpu.memory_space<hbm>>)
            "tpu.trace_stop"() : () -> ()
          } else {
          }
          %and3A_283 = arith.constant true
          %and3A_284 = arith.andi %and3A_279, %and3A_283 : i1
          %add3A_285 = arith.constant 1 : i32
          %add3A_286 = arith.addi %while3A_146, %add3A_285 : i32
          %select_n3A_287 = arith.select %and3A_284, %add3A_286, %while3A_146 : i32
          %ne3A_288 = arith.cmpi ne, %add3A_155, %add3A_173 : i32
          %or3A_289 = arith.constant false
          %or3A_290 = arith.ori %or3A_289, %ne3A_288 : i1
          %or3A_291 = arith.constant false
          %or3A_292 = arith.ori %or3A_290, %or3A_291 : i1
          %or3A_293 = arith.ori %or3A_292, %eq3A_154 : i1
          %add3A_294 = arith.constant 1 : i32
          %add3A_295 = arith.addi %while3A_144, %add3A_294 : i32
          %select_n3A_296 = arith.select %or3A_293, %add3A_295, %while3A_144 : i32
          %add3A_297 = arith.constant 1 : i32
          %add3A_298 = arith.addi %while3A_147, %add3A_297 : i32
          %select_n3A_299 = arith.constant true
          %select_n3A_300 = arith.select %select_n3A_299, %add3A_298, %while3A_147 : i32
          %eq3A_301 = arith.cmpi eq, %select_n3A_300, %select_n3A : i32
          %select_n3A_302 = arith.constant 0 : i32
          %select_n3A_303 = arith.select %eq3A_301, %select_n3A_302, %select_n3A_300 : i32
          scf.yield %select_n3A_197, %select_n3A_296, %select_n3A_258, %select_n3A_287, %select_n3A_303 : i32, i32, i32, i32, i32
        }
        %sub3A_91 = arith.constant 1 : i32
        %sub3A_92 = arith.subi %while3A_90#4, %sub3A_91 : i32
        %select_n3A_93 = arith.constant true
        %select_n3A_94 = arith.select %select_n3A_93, %sub3A_92, %while3A_90#4 : i32
        %eq3A_95 = arith.constant -1 : i32
        %eq3A_96 = arith.cmpi eq, %select_n3A_94, %eq3A_95 : i32
        %sub3A_97 = arith.constant 1 : i32
        %sub3A_98 = arith.subi %select_n3A, %sub3A_97 : i32
        %select_n3A_99 = arith.select %eq3A_96, %sub3A_98, %select_n3A_94 : i32
        %sub3A_100 = arith.constant 1 : i32
        %sub3A_101 = arith.subi %mul3A_16, %sub3A_100 : i32
        %mul3A_102 = arith.constant 1 : i32
        %mul3A_103 = arith.muli %mul3A_102, %select_n3A : i32
        %eq3A_104 = arith.constant 0 : i32
        %eq3A_105 = arith.cmpi eq, %sub3A_101, %eq3A_104 : i32
        %sub3A_106 = arith.constant 1 : i32
        %sub3A_107 = arith.subi %mul3A_103, %sub3A_106 : i32
        %eq3A_108 = arith.cmpi eq, %sub3A_101, %sub3A_107 : i32
        %add3A_109 = arith.addi %select_n3A_99, %select_n3A_14 : i32
        %sub3A_110 = arith.constant 1 : i32
        %sub3A_111 = arith.subi %select_n3A_99, %sub3A_110 : i32
        %select_n3A_112 = arith.constant true
        %select_n3A_113 = arith.select %select_n3A_112, %sub3A_111, %select_n3A_99 : i32
        %eq3A_114 = arith.constant -1 : i32
        %eq3A_115 = arith.cmpi eq, %select_n3A_113, %eq3A_114 : i32
        %sub3A_116 = arith.constant 1 : i32
        %sub3A_117 = arith.subi %select_n3A, %sub3A_116 : i32
        %select_n3A_118 = arith.select %eq3A_115, %sub3A_117, %select_n3A_113 : i32
        %add3A_119 = arith.addi %select_n3A_118, %select_n3A_14 : i32
        %add3A_120 = arith.constant 1 : i32
        %add3A_121 = arith.addi %select_n3A_99, %add3A_120 : i32
        %select_n3A_122 = arith.constant true
        %select_n3A_123 = arith.select %select_n3A_122, %add3A_121, %select_n3A_99 : i32
        %eq3A_124 = arith.cmpi eq, %select_n3A_123, %select_n3A : i32
        %select_n3A_125 = arith.constant 0 : i32
        %select_n3A_126 = arith.select %eq3A_124, %select_n3A_125, %select_n3A_123 : i32
        %add3A_127 = arith.addi %select_n3A_126, %select_n3A_14 : i32
        %add3A_128 = arith.constant 1 : i32
        %add3A_129 = arith.addi %select_n3A_126, %add3A_128 : i32
        %select_n3A_130 = arith.constant true
        %select_n3A_131 = arith.select %select_n3A_130, %add3A_129, %select_n3A_126 : i32
        %eq3A_132 = arith.cmpi eq, %select_n3A_131, %select_n3A : i32
        %select_n3A_133 = arith.constant 0 : i32
        %select_n3A_134 = arith.select %eq3A_132, %select_n3A_133, %select_n3A_131 : i32
        %add3A_135 = arith.addi %select_n3A_134, %select_n3A_14 : i32
        %convert_element_type3A_136 = arith.extui %eq3A_108 : i1 to i32
        %cond3A_137 = arith.constant 0 : i32
        %cond3A_138 = arith.cmpi ne, %convert_element_type3A_136, %cond3A_137 : i32
        scf.if %cond3A_138 {
        } else {
        }
        %convert_element_type3A_139 = arith.extui %eq3A_108 : i1 to i32
        %cond3A_140 = arith.constant 0 : i32
        %cond3A_141 = arith.cmpi ne, %convert_element_type3A_139, %cond3A_140 : i32
        scf.if %cond3A_141 {
          "tpu.trace_start"() <{level = 10 : i32, message = "ep_finalize"}> : () -> ()
          %rem3A_142 = arith.constant 2 : i32
          %rem3A_143 = arith.remui %while3A_90#3, %rem3A_142 : i32
          %mul3A_144 = arith.constant 32 : i32
          %mul3A_145 = arith.muli %mul3A_144, %add3A_109 : i32
          %dma_wait3A = arith.constant 0 : i32
          %dma_wait3A_146 = arith.constant 0 : i32
          %dma_wait3A_147 = tpu.memref_slice %run_scoped3A_18[%rem3A_143, %dma_wait3A, %dma_wait3A_146] : memref<2x32x512xf32, #tpu.memory_space<vmem>> -> memref<1x32x512xf32, #tpu.memory_space<vmem>>
          %dma_wait3A_148 = tpu.memref_squeeze %dma_wait3A_147 : memref<1x32x512xf32, #tpu.memory_space<vmem>> -> memref<32x512xf32, #tpu.memory_space<vmem>>
          %dma_wait3A_149 = arith.constant 0 : i32
          %dma_wait3A_150 = tpu.memref_slice %arg4[%mul3A_145, %dma_wait3A_149] : memref<1600x512xf32, #tpu.memory_space<hbm>> -> memref<32x512xf32, #tpu.memory_space<hbm>>
          %dma_wait3A_151 = tpu.memref_slice %run_scoped3A_19[%rem3A_143] : memref<2x!tpu.dma_semaphore, #tpu.memory_space<semaphore_mem>> -> memref<1x!tpu.dma_semaphore, #tpu.memory_space<semaphore_mem>>
          %dma_wait3A_152 = tpu.memref_squeeze %dma_wait3A_151 : memref<1x!tpu.dma_semaphore, #tpu.memory_space<semaphore_mem>> -> memref<!tpu.dma_semaphore, #tpu.memory_space<semaphore_mem>>
          %dma_wait3A_153 = arith.constant 0 : i32
          %dma_wait3A_154 = tpu.memref_slice %arg4[%mul3A_145, %dma_wait3A_153] : memref<1600x512xf32, #tpu.memory_space<hbm>> -> memref<32x512xf32, #tpu.memory_space<hbm>>
          %dma_wait3A_155 = arith.constant 0 : i32
          %dma_wait3A_156 = arith.constant 0 : i32
          %dma_wait3A_157 = tpu.memref_slice %run_scoped3A_18[%rem3A_143, %dma_wait3A_155, %dma_wait3A_156] : memref<2x32x512xf32, #tpu.memory_space<vmem>> -> memref<1x32x512xf32, #tpu.memory_space<vmem>>
          %dma_wait3A_158 = tpu.memref_squeeze %dma_wait3A_157 : memref<1x32x512xf32, #tpu.memory_space<vmem>> -> memref<32x512xf32, #tpu.memory_space<vmem>>
          tpu.wait_dma2 semaphore(%dma_wait3A_152 : memref<!tpu.dma_semaphore, #tpu.memory_space<semaphore_mem>>) src(%dma_wait3A_158 : memref<32x512xf32, #tpu.memory_space<vmem>>) dst(%dma_wait3A_154 : memref<32x512xf32, #tpu.memory_space<hbm>>)
          "tpu.trace_stop"() : () -> ()
        } else {
        }
      } else {
      }
      tpu.yield
    }) : () -> ()
    return
  }
}

#map = affine_map<(d0, d1) -> (0, 0)>
module attributes {stable_mosaic.version = 14 : i64} {
  func.func @gk(%arg0: i32, %arg1: i32, %arg2: memref<8192x512xf32, #tpu.memory_space<hbm>>, %arg3: memref<50x32xi32, #tpu.memory_space<hbm>>, %arg4: memref<1600x512xf32, #tpu.memory_space<hbm>>) attributes {dimension_semantics = [#tpu.dimension_semantics<core_parallel>, #tpu.dimension_semantics<subcore_parallel>], iteration_bounds = array<i64: 2, 16>, scalar_prefetch = 0 : i64, scratch_operands = 0 : i64, tpu.core_type = #tpu.core_type<sc_vector_subcore>, window_params = [{transform_indices = #map}, {transform_indices = #map}, {transform_indices = #map}]} {
    %mul3A = arith.constant 1 : i32
    %mul3A_0 = arith.muli %arg1, %mul3A : i32
    %add3A = arith.constant 0 : i32
    %add3A_1 = arith.addi %add3A, %mul3A_0 : i32
    %mul3A_2 = arith.constant 16 : i32
    %mul3A_3 = arith.muli %arg0, %mul3A_2 : i32
    %add3A_4 = arith.addi %add3A_1, %mul3A_3 : i32
    %lt3A = arith.constant 18 : i32
    %lt3A_5 = arith.cmpi slt, %add3A_4, %lt3A : i32
    %jit3A = arith.constant 2 : i32
    %jit3A_6 = arith.constant 1 : i32
    %select_n3A = arith.select %lt3A_5, %jit3A, %jit3A_6 : i32
    %lt3A_7 = arith.constant 18 : i32
    %lt3A_8 = arith.cmpi slt, %add3A_4, %lt3A_7 : i32
    %mul3A_9 = arith.muli %add3A_4, %select_n3A : i32
    %mul3A_10 = arith.constant 1 : i32
    %mul3A_11 = arith.muli %add3A_4, %mul3A_10 : i32
    %add3A_12 = arith.constant 18 : i32
    %add3A_13 = arith.addi %mul3A_11, %add3A_12 : i32
    %select_n3A_14 = arith.select %lt3A_8, %mul3A_9, %add3A_13 : i32
    %mul3A_15 = arith.constant 1 : i32
    %mul3A_16 = arith.muli %mul3A_15, %select_n3A : i32
    "tpu.region"() ({
      %run_scoped3A = memref.alloca() : memref<2x1x32xi32, #tpu.memory_space<vmem>>
      %run_scoped3A_17 = tpu.sem_alloc : memref<2x!tpu.dma_semaphore, #tpu.memory_space<semaphore_mem>>
      %run_scoped3A_18 = memref.alloca() : memref<2x32x512xf32, #tpu.memory_space<vmem>>
      %run_scoped3A_19 = tpu.sem_alloc : memref<2x!tpu.dma_semaphore, #tpu.memory_space<semaphore_mem>>
      %gt3A = arith.constant 0 : i32
      %gt3A_20 = arith.cmpi sgt, %mul3A_16, %gt3A : i32
      %convert_element_type3A = arith.extui %gt3A_20 : i1 to i32
      %cond3A = arith.constant 0 : i32
      %cond3A_21 = arith.cmpi ne, %convert_element_type3A, %cond3A : i32
      scf.if %cond3A_21 {
        %mul3A_22 = arith.constant 1 : i32
        %mul3A_23 = arith.muli %mul3A_22, %select_n3A : i32
        %sub3A = arith.constant 1 : i32
        %sub3A_24 = arith.subi %mul3A_23, %sub3A : i32
        %eq3A = arith.constant 0 : i32
        %eq3A_25 = arith.cmpi eq, %sub3A_24, %eq3A : i32
        %add3A_26 = arith.constant 0 : i32
        %add3A_27 = arith.addi %add3A_26, %select_n3A_14 : i32
        %select_n3A_28 = arith.constant true
        %select_n3A_29 = arith.constant 0 : i32
        %select_n3A_30 = arith.constant -1 : i32
        %select_n3A_31 = arith.select %select_n3A_28, %select_n3A_30, %select_n3A_29 : i32
        %eq3A_32 = arith.constant -1 : i32
        %eq3A_33 = arith.cmpi eq, %select_n3A_31, %eq3A_32 : i32
        %sub3A_34 = arith.constant 1 : i32
        %sub3A_35 = arith.subi %select_n3A, %sub3A_34 : i32
        %select_n3A_36 = arith.select %eq3A_33, %sub3A_35, %select_n3A_31 : i32
        %add3A_37 = arith.addi %select_n3A_36, %select_n3A_14 : i32
        %select_n3A_38 = arith.constant true
        %select_n3A_39 = arith.constant 0 : i32
        %select_n3A_40 = arith.constant 1 : i32
        %select_n3A_41 = arith.select %select_n3A_38, %select_n3A_40, %select_n3A_39 : i32
        %eq3A_42 = arith.cmpi eq, %select_n3A_41, %select_n3A : i32
        %select_n3A_43 = arith.constant 0 : i32
        %select_n3A_44 = arith.select %eq3A_42, %select_n3A_43, %select_n3A_41 : i32
        %add3A_45 = arith.addi %select_n3A_44, %select_n3A_14 : i32
        %add3A_46 = arith.constant 1 : i32
        %add3A_47 = arith.addi %select_n3A_44, %add3A_46 : i32
        %select_n3A_48 = arith.constant true
        %select_n3A_49 = arith.select %select_n3A_48, %add3A_47, %select_n3A_44 : i32
        %eq3A_50 = arith.cmpi eq, %select_n3A_49, %select_n3A : i32
        %select_n3A_51 = arith.constant 0 : i32
        %select_n3A_52 = arith.select %eq3A_50, %select_n3A_51, %select_n3A_49 : i32
        %add3A_53 = arith.addi %select_n3A_52, %select_n3A_14 : i32
        "tpu.trace_start"() <{level = 10 : i32, message = "ep_initialize_0"}> : () -> ()
        %rem3A = arith.constant 0 : i32
        %rem3A_54 = arith.constant 2 : i32
        %rem3A_55 = arith.remui %rem3A, %rem3A_54 : i32
        %mul3A_56 = arith.constant 1 : i32
        %mul3A_57 = arith.muli %mul3A_56, %add3A_27 : i32
        %dma_start3A = arith.constant 0 : i32
        %dma_start3A_58 = arith.constant 0 : i32
        %dma_start3A_59 = tpu.memref_slice %run_scoped3A[%rem3A_55, %dma_start3A, %dma_start3A_58] : memref<2x1x32xi32, #tpu.memory_space<vmem>> -> memref<1x1x32xi32, #tpu.memory_space<vmem>>
        %dma_start3A_60 = tpu.memref_squeeze %dma_start3A_59 : memref<1x1x32xi32, #tpu.memory_space<vmem>> -> memref<1x32xi32, #tpu.memory_space<vmem>>
        %dma_start3A_61 = arith.constant 0 : i32
        %dma_start3A_62 = tpu.memref_slice %arg3[%mul3A_57, %dma_start3A_61] : memref<50x32xi32, #tpu.memory_space<hbm>> -> memref<1x32xi32, #tpu.memory_space<hbm>>
        %dma_start3A_63 = tpu.memref_slice %run_scoped3A_17[%rem3A_55] : memref<2x!tpu.dma_semaphore, #tpu.memory_space<semaphore_mem>> -> memref<1x!tpu.dma_semaphore, #tpu.memory_space<semaphore_mem>>
        %dma_start3A_64 = tpu.memref_squeeze %dma_start3A_63 : memref<1x!tpu.dma_semaphore, #tpu.memory_space<semaphore_mem>> -> memref<!tpu.dma_semaphore, #tpu.memory_space<semaphore_mem>>
        %dma_start3A_65 = arith.constant 0 : i32
        %dma_start3A_66 = arith.constant 0 : i32
        %dma_start3A_67 = tpu.memref_slice %run_scoped3A[%rem3A_55, %dma_start3A_65, %dma_start3A_66] : memref<2x1x32xi32, #tpu.memory_space<vmem>> -> memref<1x1x32xi32, #tpu.memory_space<vmem>>
        %dma_start3A_68 = tpu.memref_squeeze %dma_start3A_67 : memref<1x1x32xi32, #tpu.memory_space<vmem>> -> memref<1x32xi32, #tpu.memory_space<vmem>>
        %dma_start3A_69 = arith.constant 0 : i32
        %dma_start3A_70 = tpu.memref_slice %arg3[%mul3A_57, %dma_start3A_69] : memref<50x32xi32, #tpu.memory_space<hbm>> -> memref<1x32xi32, #tpu.memory_space<hbm>>
        tpu.enqueue_dma source(%dma_start3A_70 : memref<1x32xi32, #tpu.memory_space<hbm>>) target(%dma_start3A_68 : memref<1x32xi32, #tpu.memory_space<vmem>>) target_semaphore(%dma_start3A_64 : memref<!tpu.dma_semaphore, #tpu.memory_space<semaphore_mem>>)
        %add3A_71 = arith.constant 0 : i32
        %add3A_72 = arith.constant 1 : i32
        %add3A_73 = arith.addi %add3A_71, %add3A_72 : i32
        %select_n3A_74 = arith.constant true
        %select_n3A_75 = arith.constant 0 : i32
        %select_n3A_76 = arith.select %select_n3A_74, %add3A_73, %select_n3A_75 : i32
        %while3A = arith.constant 0 : i32
        %while3A_77 = arith.constant 0 : i32
        %while3A_78 = arith.constant 0 : i32
        %while3A_79 = arith.constant 0 : i32
        %while3A_80 = arith.constant 0 : i32
        "tpu.trace_stop"() : () -> ()
        %while3A_81 = arith.subi %mul3A_16, %while3A : i32
        %while3A_82 = arith.addi %while3A, %while3A_81 : i32
        %while3A_83 = arith.constant 1 : i32
        %while3A_84 = arith.divsi %while3A_81, %while3A_83 : i32
        %while3A_85 = arith.muli %while3A_84, %while3A_83 : i32
        %while3A_86 = arith.addi %while3A, %while3A_85 : i32
        %while3A_87 = arith.constant 1 : i32
        %while3A_88:5 = scf.for %while3A_142 = %while3A to %while3A_86 step %while3A_87 iter_args(%while3A_143 = %select_n3A_76, %while3A_144 = %while3A_77, %while3A_145 = %while3A_78, %while3A_146 = %while3A_79, %while3A_147 = %while3A_80) -> (i32, i32, i32, i32, i32)  : i32 {
          %mul3A_148 = arith.constant 1 : i32
          %mul3A_149 = arith.muli %mul3A_148, %select_n3A : i32
          %eq3A_150 = arith.constant 0 : i32
          %eq3A_151 = arith.cmpi eq, %while3A_142, %eq3A_150 : i32
          %sub3A_152 = arith.constant 1 : i32
          %sub3A_153 = arith.subi %mul3A_149, %sub3A_152 : i32
          %eq3A_154 = arith.cmpi eq, %while3A_142, %sub3A_153 : i32
          %add3A_155 = arith.addi %while3A_147, %select_n3A_14 : i32
          %sub3A_156 = arith.constant 1 : i32
          %sub3A_157 = arith.subi %while3A_147, %sub3A_156 : i32
          %select_n3A_158 = arith.constant true
          %select_n3A_159 = arith.select %select_n3A_158, %sub3A_157, %while3A_147 : i32
          %eq3A_160 = arith.constant -1 : i32
          %eq3A_161 = arith.cmpi eq, %select_n3A_159, %eq3A_160 : i32
          %sub3A_162 = arith.constant 1 : i32
          %sub3A_163 = arith.subi %select_n3A, %sub3A_162 : i32
          %select_n3A_164 = arith.select %eq3A_161, %sub3A_163, %select_n3A_159 : i32
          %add3A_165 = arith.addi %select_n3A_164, %select_n3A_14 : i32
          %add3A_166 = arith.constant 1 : i32
          %add3A_167 = arith.addi %while3A_147, %add3A_166 : i32
          %select_n3A_168 = arith.constant true
          %select_n3A_169 = arith.select %select_n3A_168, %add3A_167, %while3A_147 : i32
          %eq3A_170 = arith.cmpi eq, %select_n3A_169, %select_n3A : i32
          %select_n3A_171 = arith.constant 0 : i32
          %select_n3A_172 = arith.select %eq3A_170, %select_n3A_171, %select_n3A_169 : i32
          %add3A_173 = arith.addi %select_n3A_172, %select_n3A_14 : i32
          %add3A_174 = arith.constant 1 : i32
          %add3A_175 = arith.addi %select_n3A_172, %add3A_174 : i32
          %select_n3A_176 = arith.constant true
          %select_n3A_177 = arith.select %select_n3A_176, %add3A_175, %select_n3A_172 : i32
          %eq3A_178 = arith.cmpi eq, %select_n3A_177, %select_n3A : i32
          %select_n3A_179 = arith.constant 0 : i32
          %select_n3A_180 = arith.select %eq3A_178, %select_n3A_179, %select_n3A_177 : i32
          %add3A_181 = arith.addi %select_n3A_180, %select_n3A_14 : i32
          %ne3A = arith.cmpi ne, %add3A_155, %add3A_173 : i32
          %or3A = arith.constant false
          %or3A_182 = arith.ori %or3A, %ne3A : i1
          %or3A_183 = arith.constant false
          %or3A_184 = arith.ori %or3A_182, %or3A_183 : i1
          %sub3A_185 = arith.constant 2 : i32
          %sub3A_186 = arith.subi %mul3A_149, %sub3A_185 : i32
          %add3A_187 = arith.constant 1 : i32
          %add3A_188 = arith.addi %sub3A_186, %add3A_187 : i32
          %ge3A = arith.cmpi sge, %while3A_142, %add3A_188 : i32
          %not3A = arith.constant true
          %not3A_189 = arith.xori %ge3A, %not3A : i1
          %and3A = arith.andi %or3A_184, %not3A_189 : i1
          %convert_element_type3A_190 = arith.extui %and3A : i1 to i32
          %cond3A_191 = arith.constant 0 : i32
          %cond3A_192 = arith.cmpi ne, %convert_element_type3A_190, %cond3A_191 : i32
          scf.if %cond3A_192 {
            "tpu.trace_start"() <{level = 10 : i32, message = "ep_copy_in"}> : () -> ()
            %rem3A_304 = arith.constant 2 : i32
            %rem3A_305 = arith.remui %while3A_143, %rem3A_304 : i32
            %mul3A_306 = arith.constant 1 : i32
            %mul3A_307 = arith.muli %mul3A_306, %add3A_173 : i32
            %dma_start3A_308 = arith.constant 0 : i32
            %dma_start3A_309 = arith.constant 0 : i32
            %dma_start3A_310 = tpu.memref_slice %run_scoped3A[%rem3A_305, %dma_start3A_308, %dma_start3A_309] : memref<2x1x32xi32, #tpu.memory_space<vmem>> -> memref<1x1x32xi32, #tpu.memory_space<vmem>>
            %dma_start3A_311 = tpu.memref_squeeze %dma_start3A_310 : memref<1x1x32xi32, #tpu.memory_space<vmem>> -> memref<1x32xi32, #tpu.memory_space<vmem>>
            %dma_start3A_312 = arith.constant 0 : i32
            %dma_start3A_313 = tpu.memref_slice %arg3[%mul3A_307, %dma_start3A_312] : memref<50x32xi32, #tpu.memory_space<hbm>> -> memref<1x32xi32, #tpu.memory_space<hbm>>
            %dma_start3A_314 = tpu.memref_slice %run_scoped3A_17[%rem3A_305] : memref<2x!tpu.dma_semaphore, #tpu.memory_space<semaphore_mem>> -> memref<1x!tpu.dma_semaphore, #tpu.memory_space<semaphore_mem>>
            %dma_start3A_315 = tpu.memref_squeeze %dma_start3A_314 : memref<1x!tpu.dma_semaphore, #tpu.memory_space<semaphore_mem>> -> memref<!tpu.dma_semaphore, #tpu.memory_space<semaphore_mem>>
            %dma_start3A_316 = arith.constant 0 : i32
            %dma_start3A_317 = arith.constant 0 : i32
            %dma_start3A_318 = tpu.memref_slice %run_scoped3A[%rem3A_305, %dma_start3A_316, %dma_start3A_317] : memref<2x1x32xi32, #tpu.memory_space<vmem>> -> memref<1x1x32xi32, #tpu.memory_space<vmem>>
            %dma_start3A_319 = tpu.memref_squeeze %dma_start3A_318 : memref<1x1x32xi32, #tpu.memory_space<vmem>> -> memref<1x32xi32, #tpu.memory_space<vmem>>
            %dma_start3A_320 = arith.constant 0 : i32
            %dma_start3A_321 = tpu.memref_slice %arg3[%mul3A_307, %dma_start3A_320] : memref<50x32xi32, #tpu.memory_space<hbm>> -> memref<1x32xi32, #tpu.memory_space<hbm>>
            tpu.enqueue_dma source(%dma_start3A_321 : memref<1x32xi32, #tpu.memory_space<hbm>>) target(%dma_start3A_319 : memref<1x32xi32, #tpu.memory_space<vmem>>) target_semaphore(%dma_start3A_315 : memref<!tpu.dma_semaphore, #tpu.memory_space<semaphore_mem>>)
            "tpu.trace_stop"() : () -> ()
          } else {
          }
          %and3A_193 = arith.constant true
          %and3A_194 = arith.andi %and3A, %and3A_193 : i1
          %add3A_195 = arith.constant 1 : i32
          %add3A_196 = arith.addi %while3A_143, %add3A_195 : i32
          %select_n3A_197 = arith.select %and3A_194, %add3A_196, %while3A_143 : i32
          %ne3A_198 = arith.cmpi ne, %add3A_155, %add3A_173 : i32
          %or3A_199 = arith.constant false
          %or3A_200 = arith.ori %or3A_199, %ne3A_198 : i1
          %or3A_201 = arith.constant false
          %or3A_202 = arith.ori %or3A_200, %or3A_201 : i1
          %sub3A_203 = arith.constant 2 : i32
          %sub3A_204 = arith.subi %mul3A_149, %sub3A_203 : i32
          %add3A_205 = arith.constant 1 : i32
          %add3A_206 = arith.addi %sub3A_204, %add3A_205 : i32
          %ge3A_207 = arith.cmpi sge, %while3A_142, %add3A_206 : i32
          %not3A_208 = arith.constant true
          %not3A_209 = arith.xori %ge3A_207, %not3A_208 : i1
          %and3A_210 = arith.andi %or3A_202, %not3A_209 : i1
          %ne3A_211 = arith.cmpi ne, %add3A_155, %add3A_165 : i32
          %or3A_212 = arith.constant false
          %or3A_213 = arith.ori %or3A_212, %ne3A_211 : i1
          %or3A_214 = arith.constant false
          %or3A_215 = arith.ori %or3A_213, %or3A_214 : i1
          %or3A_216 = arith.ori %or3A_215, %eq3A_151 : i1
          %convert_element_type3A_217 = arith.extui %or3A_216 : i1 to i32
          %cond3A_218 = arith.constant 0 : i32
          %cond3A_219 = arith.cmpi ne, %convert_element_type3A_217, %cond3A_218 : i32
          scf.if %cond3A_219 {
            "tpu.trace_start"() <{level = 10 : i32, message = "ep_wait_in"}> : () -> ()
            %mul3A_304 = arith.constant 1 : i32
            %mul3A_305 = arith.muli %mul3A_304, %add3A_155 : i32
            %rem3A_306 = arith.constant 2 : i32
            %rem3A_307 = arith.remui %while3A_144, %rem3A_306 : i32
            %dma_wait3A = arith.constant 0 : i32
            %dma_wait3A_308 = arith.constant 0 : i32
            %dma_wait3A_309 = tpu.memref_slice %run_scoped3A[%rem3A_307, %dma_wait3A, %dma_wait3A_308] : memref<2x1x32xi32, #tpu.memory_space<vmem>> -> memref<1x1x32xi32, #tpu.memory_space<vmem>>
            %dma_wait3A_310 = tpu.memref_squeeze %dma_wait3A_309 : memref<1x1x32xi32, #tpu.memory_space<vmem>> -> memref<1x32xi32, #tpu.memory_space<vmem>>
            %dma_wait3A_311 = arith.constant 0 : i32
            %dma_wait3A_312 = tpu.memref_slice %arg3[%mul3A_305, %dma_wait3A_311] : memref<50x32xi32, #tpu.memory_space<hbm>> -> memref<1x32xi32, #tpu.memory_space<hbm>>
            %dma_wait3A_313 = tpu.memref_slice %run_scoped3A_17[%rem3A_307] : memref<2x!tpu.dma_semaphore, #tpu.memory_space<semaphore_mem>> -> memref<1x!tpu.dma_semaphore, #tpu.memory_space<semaphore_mem>>
            %dma_wait3A_314 = tpu.memref_squeeze %dma_wait3A_313 : memref<1x!tpu.dma_semaphore, #tpu.memory_space<semaphore_mem>> -> memref<!tpu.dma_semaphore, #tpu.memory_space<semaphore_mem>>
            %dma_wait3A_315 = arith.constant 0 : i32
            %dma_wait3A_316 = arith.constant 0 : i32
            %dma_wait3A_317 = tpu.memref_slice %run_scoped3A[%rem3A_307, %dma_wait3A_315, %dma_wait3A_316] : memref<2x1x32xi32, #tpu.memory_space<vmem>> -> memref<1x1x32xi32, #tpu.memory_space<vmem>>
            %dma_wait3A_318 = tpu.memref_squeeze %dma_wait3A_317 : memref<1x1x32xi32, #tpu.memory_space<vmem>> -> memref<1x32xi32, #tpu.memory_space<vmem>>
            %dma_wait3A_319 = arith.constant 0 : i32
            %dma_wait3A_320 = tpu.memref_slice %arg3[%mul3A_305, %dma_wait3A_319] : memref<50x32xi32, #tpu.memory_space<hbm>> -> memref<1x32xi32, #tpu.memory_space<hbm>>
            tpu.wait_dma2 semaphore(%dma_wait3A_314 : memref<!tpu.dma_semaphore, #tpu.memory_space<semaphore_mem>>) src(%dma_wait3A_320 : memref<1x32xi32, #tpu.memory_space<hbm>>) dst(%dma_wait3A_318 : memref<1x32xi32, #tpu.memory_space<vmem>>)
            "tpu.trace_stop"() : () -> ()
          } else {
          }
          %ne3A_220 = arith.cmpi ne, %add3A_155, %add3A_165 : i32
          %or3A_221 = arith.constant false
          %or3A_222 = arith.ori %or3A_221, %ne3A_220 : i1
          %or3A_223 = arith.constant false
          %or3A_224 = arith.ori %or3A_222, %or3A_223 : i1
          %or3A_225 = arith.ori %or3A_224, %eq3A_151 : i1
          %convert_element_type3A_226 = arith.extui %or3A_225 : i1 to i32
          %cond3A_227 = arith.constant 0 : i32
          %cond3A_228 = arith.cmpi ne, %convert_element_type3A_226, %cond3A_227 : i32
          scf.if %cond3A_228 {
          } else {
          }
          %rem3A_229 = arith.constant 2 : i32
          %rem3A_230 = arith.remui %while3A_144, %rem3A_229 : i32
          %rem3A_231 = arith.constant 2 : i32
          %rem3A_232 = arith.remui %while3A_145, %rem3A_231 : i32
          %run_scoped3A_233 = arith.constant 0 : i32
          "tpu.trace_start"() <{level = 10 : i32, message = "ep_run_kernel"}> : () -> ()
          "tpu.region"() ({
            %run_scoped3A_304 = tpu.sem_alloc : memref<!tpu.dma_semaphore, #tpu.memory_space<semaphore_mem>>
            %dma_start3A_305 = arith.constant 0 : i32
            %dma_start3A_306 = arith.constant 0 : i32
            %dma_start3A_307 = tpu.memref_slice %run_scoped3A_18[%rem3A_232, %dma_start3A_305, %dma_start3A_306] : memref<2x32x512xf32, #tpu.memory_space<vmem>> -> memref<1x32x512xf32, #tpu.memory_space<vmem>>
            %dma_start3A_308 = tpu.memref_squeeze %dma_start3A_307 : memref<1x32x512xf32, #tpu.memory_space<vmem>> -> memref<32x512xf32, #tpu.memory_space<vmem>>
            %dma_start3A_309 = arith.constant 0 : i32
            %dma_start3A_310 = arith.constant 0 : i32
            %dma_start3A_311 = tpu.memref_slice %run_scoped3A[%rem3A_230, %dma_start3A_309, %dma_start3A_310] : memref<2x1x32xi32, #tpu.memory_space<vmem>> -> memref<1x1x32xi32, #tpu.memory_space<vmem>>
            %dma_start3A_312 = tpu.memref_squeeze %dma_start3A_311 : memref<1x1x32xi32, #tpu.memory_space<vmem>> -> memref<1x32xi32, #tpu.memory_space<vmem>>
            %dma_start3A_313 = arith.constant 0 : i32
            %dma_start3A_314 = tpu.memref_slice %dma_start3A_312[%run_scoped3A_233, %dma_start3A_313] : memref<1x32xi32, #tpu.memory_space<vmem>> -> memref<1x32xi32, #tpu.memory_space<vmem>>
            %dma_start3A_315 = tpu.memref_squeeze %dma_start3A_314 : memref<1x32xi32, #tpu.memory_space<vmem>> -> memref<32xi32, #tpu.memory_space<vmem>>
            %dma_start3A_316 = arith.constant 0 : i32
            %dma_start3A_317 = arith.constant 0 : i32
            %dma_start3A_318 = tpu.memref_slice %arg2[%dma_start3A_316, %dma_start3A_317] : memref<8192x512xf32, #tpu.memory_space<hbm>> -> memref<8192x512xf32, #tpu.memory_space<hbm>>
            tpu.enqueue_indirect_dma source(%dma_start3A_318 : memref<8192x512xf32, #tpu.memory_space<hbm>>) target(%dma_start3A_308 : memref<32x512xf32, #tpu.memory_space<vmem>>) offsets(%dma_start3A_315 : memref<32xi32, #tpu.memory_space<vmem>>) semaphore(%run_scoped3A_304 : memref<!tpu.dma_semaphore, #tpu.memory_space<semaphore_mem>>)
            %dma_wait3A = arith.constant 0 : i32
            %dma_wait3A_319 = arith.constant 0 : i32
            %dma_wait3A_320 = tpu.memref_slice %run_scoped3A_18[%rem3A_232, %dma_wait3A, %dma_wait3A_319] : memref<2x32x512xf32, #tpu.memory_space<vmem>> -> memref<1x32x512xf32, #tpu.memory_space<vmem>>
            %dma_wait3A_321 = tpu.memref_squeeze %dma_wait3A_320 : memref<1x32x512xf32, #tpu.memory_space<vmem>> -> memref<32x512xf32, #tpu.memory_space<vmem>>
            %dma_wait3A_322 = arith.constant 0 : i32
            %dma_wait3A_323 = arith.constant 0 : i32
            %dma_wait3A_324 = tpu.memref_slice %run_scoped3A[%rem3A_230, %dma_wait3A_322, %dma_wait3A_323] : memref<2x1x32xi32, #tpu.memory_space<vmem>> -> memref<1x1x32xi32, #tpu.memory_space<vmem>>
            %dma_wait3A_325 = tpu.memref_squeeze %dma_wait3A_324 : memref<1x1x32xi32, #tpu.memory_space<vmem>> -> memref<1x32xi32, #tpu.memory_space<vmem>>
            %dma_wait3A_326 = arith.constant 0 : i32
            %dma_wait3A_327 = tpu.memref_slice %dma_wait3A_325[%run_scoped3A_233, %dma_wait3A_326] : memref<1x32xi32, #tpu.memory_space<vmem>> -> memref<1x32xi32, #tpu.memory_space<vmem>>
            %dma_wait3A_328 = tpu.memref_squeeze %dma_wait3A_327 : memref<1x32xi32, #tpu.memory_space<vmem>> -> memref<32xi32, #tpu.memory_space<vmem>>
            %dma_wait3A_329 = arith.constant 0 : i32
            %dma_wait3A_330 = arith.constant 0 : i32
            %dma_wait3A_331 = tpu.memref_slice %arg2[%dma_wait3A_329, %dma_wait3A_330] : memref<8192x512xf32, #tpu.memory_space<hbm>> -> memref<8192x512xf32, #tpu.memory_space<hbm>>
            tpu.wait_indirect_dma semaphore(%run_scoped3A_304 : memref<!tpu.dma_semaphore, #tpu.memory_space<semaphore_mem>>) src(%dma_wait3A_331 : memref<8192x512xf32, #tpu.memory_space<hbm>>) dst(%dma_wait3A_321 : memref<32x512xf32, #tpu.memory_space<vmem>>)
            tpu.yield
          }) : () -> ()
          "tpu.trace_stop"() : () -> ()
          %ne3A_234 = arith.cmpi ne, %add3A_155, %add3A_173 : i32
          %or3A_235 = arith.constant false
          %or3A_236 = arith.ori %or3A_235, %ne3A_234 : i1
          %or3A_237 = arith.constant false
          %or3A_238 = arith.ori %or3A_236, %or3A_237 : i1
          %or3A_239 = arith.ori %or3A_238, %eq3A_154 : i1
          %convert_element_type3A_240 = arith.extui %or3A_239 : i1 to i32
          %cond3A_241 = arith.constant 0 : i32
          %cond3A_242 = arith.cmpi ne, %convert_element_type3A_240, %cond3A_241 : i32
          scf.if %cond3A_242 {
          } else {
          }
          %and3A_243 = arith.constant false
          %and3A_244 = arith.andi %or3A_239, %and3A_243 : i1
          %ne3A_245 = arith.cmpi ne, %add3A_155, %add3A_173 : i32
          %or3A_246 = arith.constant false
          %or3A_247 = arith.ori %or3A_246, %ne3A_245 : i1
          %or3A_248 = arith.constant false
          %or3A_249 = arith.ori %or3A_247, %or3A_248 : i1
          %or3A_250 = arith.ori %or3A_249, %eq3A_154 : i1
          %convert_element_type3A_251 = arith.extui %or3A_250 : i1 to i32
          %cond3A_252 = arith.constant 0 : i32
          %cond3A_253 = arith.cmpi ne, %convert_element_type3A_251, %cond3A_252 : i32
          scf.if %cond3A_253 {
            "tpu.trace_start"() <{level = 10 : i32, message = "ep_copy_out"}> : () -> ()
            %rem3A_304 = arith.constant 2 : i32
            %rem3A_305 = arith.remui %while3A_145, %rem3A_304 : i32
            %mul3A_306 = arith.constant 32 : i32
            %mul3A_307 = arith.muli %mul3A_306, %add3A_155 : i32
            %dma_start3A_308 = arith.constant 0 : i32
            %dma_start3A_309 = arith.constant 0 : i32
            %dma_start3A_310 = tpu.memref_slice %run_scoped3A_18[%rem3A_305, %dma_start3A_308, %dma_start3A_309] : memref<2x32x512xf32, #tpu.memory_space<vmem>> -> memref<1x32x512xf32, #tpu.memory_space<vmem>>
            %dma_start3A_311 = tpu.memref_squeeze %dma_start3A_310 : memref<1x32x512xf32, #tpu.memory_space<vmem>> -> memref<32x512xf32, #tpu.memory_space<vmem>>
            %dma_start3A_312 = arith.constant 0 : i32
            %dma_start3A_313 = tpu.memref_slice %arg4[%mul3A_307, %dma_start3A_312] : memref<1600x512xf32, #tpu.memory_space<hbm>> -> memref<32x512xf32, #tpu.memory_space<hbm>>
            %dma_start3A_314 = tpu.memref_slice %run_scoped3A_19[%rem3A_305] : memref<2x!tpu.dma_semaphore, #tpu.memory_space<semaphore_mem>> -> memref<1x!tpu.dma_semaphore, #tpu.memory_space<semaphore_mem>>
            %dma_start3A_315 = tpu.memref_squeeze %dma_start3A_314 : memref<1x!tpu.dma_semaphore, #tpu.memory_space<semaphore_mem>> -> memref<!tpu.dma_semaphore, #tpu.memory_space<semaphore_mem>>
            %dma_start3A_316 = arith.constant 0 : i32
            %dma_start3A_317 = tpu.memref_slice %arg4[%mul3A_307, %dma_start3A_316] : memref<1600x512xf32, #tpu.memory_space<hbm>> -> memref<32x512xf32, #tpu.memory_space<hbm>>
            %dma_start3A_318 = arith.constant 0 : i32
            %dma_start3A_319 = arith.constant 0 : i32
            %dma_start3A_320 = tpu.memref_slice %run_scoped3A_18[%rem3A_305, %dma_start3A_318, %dma_start3A_319] : memref<2x32x512xf32, #tpu.memory_space<vmem>> -> memref<1x32x512xf32, #tpu.memory_space<vmem>>
            %dma_start3A_321 = tpu.memref_squeeze %dma_start3A_320 : memref<1x32x512xf32, #tpu.memory_space<vmem>> -> memref<32x512xf32, #tpu.memory_space<vmem>>
            tpu.enqueue_dma source(%dma_start3A_321 : memref<32x512xf32, #tpu.memory_space<vmem>>) target(%dma_start3A_317 : memref<32x512xf32, #tpu.memory_space<hbm>>) target_semaphore(%dma_start3A_315 : memref<!tpu.dma_semaphore, #tpu.memory_space<semaphore_mem>>)
            "tpu.trace_stop"() : () -> ()
          } else {
          }
          %and3A_254 = arith.constant true
          %and3A_255 = arith.andi %or3A_250, %and3A_254 : i1
          %add3A_256 = arith.constant 1 : i32
          %add3A_257 = arith.addi %while3A_145, %add3A_256 : i32
          %select_n3A_258 = arith.select %and3A_255, %add3A_257, %while3A_145 : i32
          %ne3A_259 = arith.cmpi ne, %add3A_155, %add3A_165 : i32
          %or3A_260 = arith.constant false
          %or3A_261 = arith.ori %or3A_260, %ne3A_259 : i1
          %or3A_262 = arith.constant false
          %or3A_263 = arith.ori %or3A_261, %or3A_262 : i1
          %not3A_264 = arith.constant true
          %not3A_265 = arith.xori %eq3A_151, %not3A_264 : i1
          %and3A_266 = arith.andi %or3A_263, %not3A_265 : i1
          %convert_element_type3A_267 = arith.extui %and3A_266 : i1 to i32
          %cond3A_268 = arith.constant 0 : i32
          %cond3A_269 = arith.cmpi ne, %convert_element_type3A_267, %cond3A_268 : i32
          scf.if %cond3A_269 {
          } else {
          }
          %and3A_270 = arith.constant false
          %and3A_271 = arith.andi %and3A_266, %and3A_270 : i1
          %ne3A_272 = arith.cmpi ne, %add3A_155, %add3A_165 : i32
          %or3A_273 = arith.constant false
          %or3A_274 = arith.ori %or3A_273, %ne3A_272 : i1
          %or3A_275 = arith.constant false
          %or3A_276 = arith.ori %or3A_274, %or3A_275 : i1
          %not3A_277 = arith.constant true
          %not3A_278 = arith.xori %eq3A_151, %not3A_277 : i1
          %and3A_279 = arith.andi %or3A_276, %not3A_278 : i1
          %convert_element_type3A_280 = arith.extui %and3A_279 : i1 to i32
          %cond3A_281 = arith.constant 0 : i32
          %cond3A_282 = arith.cmpi ne, %convert_element_type3A_280, %cond3A_281 : i32
          scf.if %cond3A_282 {
            "tpu.trace_start"() <{level = 10 : i32, message = "ep_wait_out"}> : () -> ()
            %rem3A_304 = arith.constant 2 : i32
            %rem3A_305 = arith.remui %while3A_146, %rem3A_304 : i32
            %mul3A_306 = arith.constant 32 : i32
            %mul3A_307 = arith.muli %mul3A_306, %add3A_165 : i32
            %dma_wait3A = arith.constant 0 : i32
            %dma_wait3A_308 = arith.constant 0 : i32
            %dma_wait3A_309 = tpu.memref_slice %run_scoped3A_18[%rem3A_305, %dma_wait3A, %dma_wait3A_308] : memref<2x32x512xf32, #tpu.memory_space<vmem>> -> memref<1x32x512xf32, #tpu.memory_space<vmem>>
            %dma_wait3A_310 = tpu.memref_squeeze %dma_wait3A_309 : memref<1x32x512xf32, #tpu.memory_space<vmem>> -> memref<32x512xf32, #tpu.memory_space<vmem>>
            %dma_wait3A_311 = arith.constant 0 : i32
            %dma_wait3A_312 = tpu.memref_slice %arg4[%mul3A_307, %dma_wait3A_311] : memref<1600x512xf32, #tpu.memory_space<hbm>> -> memref<32x512xf32, #tpu.memory_space<hbm>>
            %dma_wait3A_313 = tpu.memref_slice %run_scoped3A_19[%rem3A_305] : memref<2x!tpu.dma_semaphore, #tpu.memory_space<semaphore_mem>> -> memref<1x!tpu.dma_semaphore, #tpu.memory_space<semaphore_mem>>
            %dma_wait3A_314 = tpu.memref_squeeze %dma_wait3A_313 : memref<1x!tpu.dma_semaphore, #tpu.memory_space<semaphore_mem>> -> memref<!tpu.dma_semaphore, #tpu.memory_space<semaphore_mem>>
            %dma_wait3A_315 = arith.constant 0 : i32
            %dma_wait3A_316 = tpu.memref_slice %arg4[%mul3A_307, %dma_wait3A_315] : memref<1600x512xf32, #tpu.memory_space<hbm>> -> memref<32x512xf32, #tpu.memory_space<hbm>>
            %dma_wait3A_317 = arith.constant 0 : i32
            %dma_wait3A_318 = arith.constant 0 : i32
            %dma_wait3A_319 = tpu.memref_slice %run_scoped3A_18[%rem3A_305, %dma_wait3A_317, %dma_wait3A_318] : memref<2x32x512xf32, #tpu.memory_space<vmem>> -> memref<1x32x512xf32, #tpu.memory_space<vmem>>
            %dma_wait3A_320 = tpu.memref_squeeze %dma_wait3A_319 : memref<1x32x512xf32, #tpu.memory_space<vmem>> -> memref<32x512xf32, #tpu.memory_space<vmem>>
            tpu.wait_dma2 semaphore(%dma_wait3A_314 : memref<!tpu.dma_semaphore, #tpu.memory_space<semaphore_mem>>) src(%dma_wait3A_320 : memref<32x512xf32, #tpu.memory_space<vmem>>) dst(%dma_wait3A_316 : memref<32x512xf32, #tpu.memory_space<hbm>>)
            "tpu.trace_stop"() : () -> ()
          } else {
          }
          %and3A_283 = arith.constant true
          %and3A_284 = arith.andi %and3A_279, %and3A_283 : i1
          %add3A_285 = arith.constant 1 : i32
          %add3A_286 = arith.addi %while3A_146, %add3A_285 : i32
          %select_n3A_287 = arith.select %and3A_284, %add3A_286, %while3A_146 : i32
          %ne3A_288 = arith.cmpi ne, %add3A_155, %add3A_173 : i32
          %or3A_289 = arith.constant false
          %or3A_290 = arith.ori %or3A_289, %ne3A_288 : i1
          %or3A_291 = arith.constant false
          %or3A_292 = arith.ori %or3A_290, %or3A_291 : i1
          %or3A_293 = arith.ori %or3A_292, %eq3A_154 : i1
          %add3A_294 = arith.constant 1 : i32
          %add3A_295 = arith.addi %while3A_144, %add3A_294 : i32
          %select_n3A_296 = arith.select %or3A_293, %add3A_295, %while3A_144 : i32
          %add3A_297 = arith.constant 1 : i32
          %add3A_298 = arith.addi %while3A_147, %add3A_297 : i32
          %select_n3A_299 = arith.constant true
          %select_n3A_300 = arith.select %select_n3A_299, %add3A_298, %while3A_147 : i32
          %eq3A_301 = arith.cmpi eq, %select_n3A_300, %select_n3A : i32
          %select_n3A_302 = arith.constant 0 : i32
          %select_n3A_303 = arith.select %eq3A_301, %select_n3A_302, %select_n3A_300 : i32
          scf.yield %select_n3A_197, %select_n3A_296, %select_n3A_258, %select_n3A_287, %select_n3A_303 : i32, i32, i32, i32, i32
        }
        %while3A_89 = arith.constant 1 : i32
        %while3A_90:5 = scf.for %while3A_142 = %while3A_86 to %while3A_82 step %while3A_89 iter_args(%while3A_143 = %while3A_88#0, %while3A_144 = %while3A_88#1, %while3A_145 = %while3A_88#2, %while3A_146 = %while3A_88#3, %while3A_147 = %while3A_88#4) -> (i32, i32, i32, i32, i32)  : i32 {
          %mul3A_148 = arith.constant 1 : i32
          %mul3A_149 = arith.muli %mul3A_148, %select_n3A : i32
          %eq3A_150 = arith.constant 0 : i32
          %eq3A_151 = arith.cmpi eq, %while3A_142, %eq3A_150 : i32
          %sub3A_152 = arith.constant 1 : i32
          %sub3A_153 = arith.subi %mul3A_149, %sub3A_152 : i32
          %eq3A_154 = arith.cmpi eq, %while3A_142, %sub3A_153 : i32
          %add3A_155 = arith.addi %while3A_147, %select_n3A_14 : i32
          %sub3A_156 = arith.constant 1 : i32
          %sub3A_157 = arith.subi %while3A_147, %sub3A_156 : i32
          %select_n3A_158 = arith.constant true
          %select_n3A_159 = arith.select %select_n3A_158, %sub3A_157, %while3A_147 : i32
          %eq3A_160 = arith.constant -1 : i32
          %eq3A_161 = arith.cmpi eq, %select_n3A_159, %eq3A_160 : i32
          %sub3A_162 = arith.constant 1 : i32
          %sub3A_163 = arith.subi %select_n3A, %sub3A_162 : i32
          %select_n3A_164 = arith.select %eq3A_161, %sub3A_163, %select_n3A_159 : i32
          %add3A_165 = arith.addi %select_n3A_164, %select_n3A_14 : i32
          %add3A_166 = arith.constant 1 : i32
          %add3A_167 = arith.addi %while3A_147, %add3A_166 : i32
          %select_n3A_168 = arith.constant true
          %select_n3A_169 = arith.select %select_n3A_168, %add3A_167, %while3A_147 : i32
          %eq3A_170 = arith.cmpi eq, %select_n3A_169, %select_n3A : i32
          %select_n3A_171 = arith.constant 0 : i32
          %select_n3A_172 = arith.select %eq3A_170, %select_n3A_171, %select_n3A_169 : i32
          %add3A_173 = arith.addi %select_n3A_172, %select_n3A_14 : i32
          %add3A_174 = arith.constant 1 : i32
          %add3A_175 = arith.addi %select_n3A_172, %add3A_174 : i32
          %select_n3A_176 = arith.constant true
          %select_n3A_177 = arith.select %select_n3A_176, %add3A_175, %select_n3A_172 : i32
          %eq3A_178 = arith.cmpi eq, %select_n3A_177, %select_n3A : i32
          %select_n3A_179 = arith.constant 0 : i32
          %select_n3A_180 = arith.select %eq3A_178, %select_n3A_179, %select_n3A_177 : i32
          %add3A_181 = arith.addi %select_n3A_180, %select_n3A_14 : i32
          %ne3A = arith.cmpi ne, %add3A_155, %add3A_173 : i32
          %or3A = arith.constant false
          %or3A_182 = arith.ori %or3A, %ne3A : i1
          %or3A_183 = arith.constant false
          %or3A_184 = arith.ori %or3A_182, %or3A_183 : i1
          %sub3A_185 = arith.constant 2 : i32
          %sub3A_186 = arith.subi %mul3A_149, %sub3A_185 : i32
          %add3A_187 = arith.constant 1 : i32
          %add3A_188 = arith.addi %sub3A_186, %add3A_187 : i32
          %ge3A = arith.cmpi sge, %while3A_142, %add3A_188 : i32
          %not3A = arith.constant true
          %not3A_189 = arith.xori %ge3A, %not3A : i1
          %and3A = arith.andi %or3A_184, %not3A_189 : i1
          %convert_element_type3A_190 = arith.extui %and3A : i1 to i32
          %cond3A_191 = arith.constant 0 : i32
          %cond3A_192 = arith.cmpi ne, %convert_element_type3A_190, %cond3A_191 : i32
          scf.if %cond3A_192 {
            "tpu.trace_start"() <{level = 10 : i32, message = "ep_copy_in"}> : () -> ()
            %rem3A_304 = arith.constant 2 : i32
            %rem3A_305 = arith.remui %while3A_143, %rem3A_304 : i32
            %mul3A_306 = arith.constant 1 : i32
            %mul3A_307 = arith.muli %mul3A_306, %add3A_173 : i32
            %dma_start3A_308 = arith.constant 0 : i32
            %dma_start3A_309 = arith.constant 0 : i32
            %dma_start3A_310 = tpu.memref_slice %run_scoped3A[%rem3A_305, %dma_start3A_308, %dma_start3A_309] : memref<2x1x32xi32, #tpu.memory_space<vmem>> -> memref<1x1x32xi32, #tpu.memory_space<vmem>>
            %dma_start3A_311 = tpu.memref_squeeze %dma_start3A_310 : memref<1x1x32xi32, #tpu.memory_space<vmem>> -> memref<1x32xi32, #tpu.memory_space<vmem>>
            %dma_start3A_312 = arith.constant 0 : i32
            %dma_start3A_313 = tpu.memref_slice %arg3[%mul3A_307, %dma_start3A_312] : memref<50x32xi32, #tpu.memory_space<hbm>> -> memref<1x32xi32, #tpu.memory_space<hbm>>
            %dma_start3A_314 = tpu.memref_slice %run_scoped3A_17[%rem3A_305] : memref<2x!tpu.dma_semaphore, #tpu.memory_space<semaphore_mem>> -> memref<1x!tpu.dma_semaphore, #tpu.memory_space<semaphore_mem>>
            %dma_start3A_315 = tpu.memref_squeeze %dma_start3A_314 : memref<1x!tpu.dma_semaphore, #tpu.memory_space<semaphore_mem>> -> memref<!tpu.dma_semaphore, #tpu.memory_space<semaphore_mem>>
            %dma_start3A_316 = arith.constant 0 : i32
            %dma_start3A_317 = arith.constant 0 : i32
            %dma_start3A_318 = tpu.memref_slice %run_scoped3A[%rem3A_305, %dma_start3A_316, %dma_start3A_317] : memref<2x1x32xi32, #tpu.memory_space<vmem>> -> memref<1x1x32xi32, #tpu.memory_space<vmem>>
            %dma_start3A_319 = tpu.memref_squeeze %dma_start3A_318 : memref<1x1x32xi32, #tpu.memory_space<vmem>> -> memref<1x32xi32, #tpu.memory_space<vmem>>
            %dma_start3A_320 = arith.constant 0 : i32
            %dma_start3A_321 = tpu.memref_slice %arg3[%mul3A_307, %dma_start3A_320] : memref<50x32xi32, #tpu.memory_space<hbm>> -> memref<1x32xi32, #tpu.memory_space<hbm>>
            tpu.enqueue_dma source(%dma_start3A_321 : memref<1x32xi32, #tpu.memory_space<hbm>>) target(%dma_start3A_319 : memref<1x32xi32, #tpu.memory_space<vmem>>) target_semaphore(%dma_start3A_315 : memref<!tpu.dma_semaphore, #tpu.memory_space<semaphore_mem>>)
            "tpu.trace_stop"() : () -> ()
          } else {
          }
          %and3A_193 = arith.constant true
          %and3A_194 = arith.andi %and3A, %and3A_193 : i1
          %add3A_195 = arith.constant 1 : i32
          %add3A_196 = arith.addi %while3A_143, %add3A_195 : i32
          %select_n3A_197 = arith.select %and3A_194, %add3A_196, %while3A_143 : i32
          %ne3A_198 = arith.cmpi ne, %add3A_155, %add3A_173 : i32
          %or3A_199 = arith.constant false
          %or3A_200 = arith.ori %or3A_199, %ne3A_198 : i1
          %or3A_201 = arith.constant false
          %or3A_202 = arith.ori %or3A_200, %or3A_201 : i1
          %sub3A_203 = arith.constant 2 : i32
          %sub3A_204 = arith.subi %mul3A_149, %sub3A_203 : i32
          %add3A_205 = arith.constant 1 : i32
          %add3A_206 = arith.addi %sub3A_204, %add3A_205 : i32
          %ge3A_207 = arith.cmpi sge, %while3A_142, %add3A_206 : i32
          %not3A_208 = arith.constant true
          %not3A_209 = arith.xori %ge3A_207, %not3A_208 : i1
          %and3A_210 = arith.andi %or3A_202, %not3A_209 : i1
          %ne3A_211 = arith.cmpi ne, %add3A_155, %add3A_165 : i32
          %or3A_212 = arith.constant false
          %or3A_213 = arith.ori %or3A_212, %ne3A_211 : i1
          %or3A_214 = arith.constant false
          %or3A_215 = arith.ori %or3A_213, %or3A_214 : i1
          %or3A_216 = arith.ori %or3A_215, %eq3A_151 : i1
          %convert_element_type3A_217 = arith.extui %or3A_216 : i1 to i32
          %cond3A_218 = arith.constant 0 : i32
          %cond3A_219 = arith.cmpi ne, %convert_element_type3A_217, %cond3A_218 : i32
          scf.if %cond3A_219 {
            "tpu.trace_start"() <{level = 10 : i32, message = "ep_wait_in"}> : () -> ()
            %mul3A_304 = arith.constant 1 : i32
            %mul3A_305 = arith.muli %mul3A_304, %add3A_155 : i32
            %rem3A_306 = arith.constant 2 : i32
            %rem3A_307 = arith.remui %while3A_144, %rem3A_306 : i32
            %dma_wait3A = arith.constant 0 : i32
            %dma_wait3A_308 = arith.constant 0 : i32
            %dma_wait3A_309 = tpu.memref_slice %run_scoped3A[%rem3A_307, %dma_wait3A, %dma_wait3A_308] : memref<2x1x32xi32, #tpu.memory_space<vmem>> -> memref<1x1x32xi32, #tpu.memory_space<vmem>>
            %dma_wait3A_310 = tpu.memref_squeeze %dma_wait3A_309 : memref<1x1x32xi32, #tpu.memory_space<vmem>> -> memref<1x32xi32, #tpu.memory_space<vmem>>
            %dma_wait3A_311 = arith.constant 0 : i32
            %dma_wait3A_312 = tpu.memref_slice %arg3[%mul3A_305, %dma_wait3A_311] : memref<50x32xi32, #tpu.memory_space<hbm>> -> memref<1x32xi32, #tpu.memory_space<hbm>>
            %dma_wait3A_313 = tpu.memref_slice %run_scoped3A_17[%rem3A_307] : memref<2x!tpu.dma_semaphore, #tpu.memory_space<semaphore_mem>> -> memref<1x!tpu.dma_semaphore, #tpu.memory_space<semaphore_mem>>
            %dma_wait3A_314 = tpu.memref_squeeze %dma_wait3A_313 : memref<1x!tpu.dma_semaphore, #tpu.memory_space<semaphore_mem>> -> memref<!tpu.dma_semaphore, #tpu.memory_space<semaphore_mem>>
            %dma_wait3A_315 = arith.constant 0 : i32
            %dma_wait3A_316 = arith.constant 0 : i32
            %dma_wait3A_317 = tpu.memref_slice %run_scoped3A[%rem3A_307, %dma_wait3A_315, %dma_wait3A_316] : memref<2x1x32xi32, #tpu.memory_space<vmem>> -> memref<1x1x32xi32, #tpu.memory_space<vmem>>
            %dma_wait3A_318 = tpu.memref_squeeze %dma_wait3A_317 : memref<1x1x32xi32, #tpu.memory_space<vmem>> -> memref<1x32xi32, #tpu.memory_space<vmem>>
            %dma_wait3A_319 = arith.constant 0 : i32
            %dma_wait3A_320 = tpu.memref_slice %arg3[%mul3A_305, %dma_wait3A_319] : memref<50x32xi32, #tpu.memory_space<hbm>> -> memref<1x32xi32, #tpu.memory_space<hbm>>
            tpu.wait_dma2 semaphore(%dma_wait3A_314 : memref<!tpu.dma_semaphore, #tpu.memory_space<semaphore_mem>>) src(%dma_wait3A_320 : memref<1x32xi32, #tpu.memory_space<hbm>>) dst(%dma_wait3A_318 : memref<1x32xi32, #tpu.memory_space<vmem>>)
            "tpu.trace_stop"() : () -> ()
          } else {
          }
          %ne3A_220 = arith.cmpi ne, %add3A_155, %add3A_165 : i32
          %or3A_221 = arith.constant false
          %or3A_222 = arith.ori %or3A_221, %ne3A_220 : i1
          %or3A_223 = arith.constant false
          %or3A_224 = arith.ori %or3A_222, %or3A_223 : i1
          %or3A_225 = arith.ori %or3A_224, %eq3A_151 : i1
          %convert_element_type3A_226 = arith.extui %or3A_225 : i1 to i32
          %cond3A_227 = arith.constant 0 : i32
          %cond3A_228 = arith.cmpi ne, %convert_element_type3A_226, %cond3A_227 : i32
          scf.if %cond3A_228 {
          } else {
          }
          %rem3A_229 = arith.constant 2 : i32
          %rem3A_230 = arith.remui %while3A_144, %rem3A_229 : i32
          %rem3A_231 = arith.constant 2 : i32
          %rem3A_232 = arith.remui %while3A_145, %rem3A_231 : i32
          %run_scoped3A_233 = arith.constant 0 : i32
          "tpu.trace_start"() <{level = 10 : i32, message = "ep_run_kernel"}> : () -> ()
          "tpu.region"() ({
            %run_scoped3A_304 = tpu.sem_alloc : memref<!tpu.dma_semaphore, #tpu.memory_space<semaphore_mem>>
            %dma_start3A_305 = arith.constant 0 : i32
            %dma_start3A_306 = arith.constant 0 : i32
            %dma_start3A_307 = tpu.memref_slice %run_scoped3A_18[%rem3A_232, %dma_start3A_305, %dma_start3A_306] : memref<2x32x512xf32, #tpu.memory_space<vmem>> -> memref<1x32x512xf32, #tpu.memory_space<vmem>>
            %dma_start3A_308 = tpu.memref_squeeze %dma_start3A_307 : memref<1x32x512xf32, #tpu.memory_space<vmem>> -> memref<32x512xf32, #tpu.memory_space<vmem>>
            %dma_start3A_309 = arith.constant 0 : i32
            %dma_start3A_310 = arith.constant 0 : i32
            %dma_start3A_311 = tpu.memref_slice %run_scoped3A[%rem3A_230, %dma_start3A_309, %dma_start3A_310] : memref<2x1x32xi32, #tpu.memory_space<vmem>> -> memref<1x1x32xi32, #tpu.memory_space<vmem>>
            %dma_start3A_312 = tpu.memref_squeeze %dma_start3A_311 : memref<1x1x32xi32, #tpu.memory_space<vmem>> -> memref<1x32xi32, #tpu.memory_space<vmem>>
            %dma_start3A_313 = arith.constant 0 : i32
            %dma_start3A_314 = tpu.memref_slice %dma_start3A_312[%run_scoped3A_233, %dma_start3A_313] : memref<1x32xi32, #tpu.memory_space<vmem>> -> memref<1x32xi32, #tpu.memory_space<vmem>>
            %dma_start3A_315 = tpu.memref_squeeze %dma_start3A_314 : memref<1x32xi32, #tpu.memory_space<vmem>> -> memref<32xi32, #tpu.memory_space<vmem>>
            %dma_start3A_316 = arith.constant 0 : i32
            %dma_start3A_317 = arith.constant 0 : i32
            %dma_start3A_318 = tpu.memref_slice %arg2[%dma_start3A_316, %dma_start3A_317] : memref<8192x512xf32, #tpu.memory_space<hbm>> -> memref<8192x512xf32, #tpu.memory_space<hbm>>
            tpu.enqueue_indirect_dma source(%dma_start3A_318 : memref<8192x512xf32, #tpu.memory_space<hbm>>) target(%dma_start3A_308 : memref<32x512xf32, #tpu.memory_space<vmem>>) offsets(%dma_start3A_315 : memref<32xi32, #tpu.memory_space<vmem>>) semaphore(%run_scoped3A_304 : memref<!tpu.dma_semaphore, #tpu.memory_space<semaphore_mem>>)
            %dma_wait3A = arith.constant 0 : i32
            %dma_wait3A_319 = arith.constant 0 : i32
            %dma_wait3A_320 = tpu.memref_slice %run_scoped3A_18[%rem3A_232, %dma_wait3A, %dma_wait3A_319] : memref<2x32x512xf32, #tpu.memory_space<vmem>> -> memref<1x32x512xf32, #tpu.memory_space<vmem>>
            %dma_wait3A_321 = tpu.memref_squeeze %dma_wait3A_320 : memref<1x32x512xf32, #tpu.memory_space<vmem>> -> memref<32x512xf32, #tpu.memory_space<vmem>>
            %dma_wait3A_322 = arith.constant 0 : i32
            %dma_wait3A_323 = arith.constant 0 : i32
            %dma_wait3A_324 = tpu.memref_slice %run_scoped3A[%rem3A_230, %dma_wait3A_322, %dma_wait3A_323] : memref<2x1x32xi32, #tpu.memory_space<vmem>> -> memref<1x1x32xi32, #tpu.memory_space<vmem>>
            %dma_wait3A_325 = tpu.memref_squeeze %dma_wait3A_324 : memref<1x1x32xi32, #tpu.memory_space<vmem>> -> memref<1x32xi32, #tpu.memory_space<vmem>>
            %dma_wait3A_326 = arith.constant 0 : i32
            %dma_wait3A_327 = tpu.memref_slice %dma_wait3A_325[%run_scoped3A_233, %dma_wait3A_326] : memref<1x32xi32, #tpu.memory_space<vmem>> -> memref<1x32xi32, #tpu.memory_space<vmem>>
            %dma_wait3A_328 = tpu.memref_squeeze %dma_wait3A_327 : memref<1x32xi32, #tpu.memory_space<vmem>> -> memref<32xi32, #tpu.memory_space<vmem>>
            %dma_wait3A_329 = arith.constant 0 : i32
            %dma_wait3A_330 = arith.constant 0 : i32
            %dma_wait3A_331 = tpu.memref_slice %arg2[%dma_wait3A_329, %dma_wait3A_330] : memref<8192x512xf32, #tpu.memory_space<hbm>> -> memref<8192x512xf32, #tpu.memory_space<hbm>>
            tpu.wait_indirect_dma semaphore(%run_scoped3A_304 : memref<!tpu.dma_semaphore, #tpu.memory_space<semaphore_mem>>) src(%dma_wait3A_331 : memref<8192x512xf32, #tpu.memory_space<hbm>>) dst(%dma_wait3A_321 : memref<32x512xf32, #tpu.memory_space<vmem>>)
            tpu.yield
          }) : () -> ()
          "tpu.trace_stop"() : () -> ()
          %ne3A_234 = arith.cmpi ne, %add3A_155, %add3A_173 : i32
          %or3A_235 = arith.constant false
          %or3A_236 = arith.ori %or3A_235, %ne3A_234 : i1
          %or3A_237 = arith.constant false
          %or3A_238 = arith.ori %or3A_236, %or3A_237 : i1
          %or3A_239 = arith.ori %or3A_238, %eq3A_154 : i1
          %convert_element_type3A_240 = arith.extui %or3A_239 : i1 to i32
          %cond3A_241 = arith.constant 0 : i32
          %cond3A_242 = arith.cmpi ne, %convert_element_type3A_240, %cond3A_241 : i32
          scf.if %cond3A_242 {
          } else {
          }
          %and3A_243 = arith.constant false
          %and3A_244 = arith.andi %or3A_239, %and3A_243 : i1
          %ne3A_245 = arith.cmpi ne, %add3A_155, %add3A_173 : i32
          %or3A_246 = arith.constant false
          %or3A_247 = arith.ori %or3A_246, %ne3A_245 : i1
          %or3A_248 = arith.constant false
          %or3A_249 = arith.ori %or3A_247, %or3A_248 : i1
          %or3A_250 = arith.ori %or3A_249, %eq3A_154 : i1
          %convert_element_type3A_251 = arith.extui %or3A_250 : i1 to i32
          %cond3A_252 = arith.constant 0 : i32
          %cond3A_253 = arith.cmpi ne, %convert_element_type3A_251, %cond3A_252 : i32
          scf.if %cond3A_253 {
            "tpu.trace_start"() <{level = 10 : i32, message = "ep_copy_out"}> : () -> ()
            %rem3A_304 = arith.constant 2 : i32
            %rem3A_305 = arith.remui %while3A_145, %rem3A_304 : i32
            %mul3A_306 = arith.constant 32 : i32
            %mul3A_307 = arith.muli %mul3A_306, %add3A_155 : i32
            %dma_start3A_308 = arith.constant 0 : i32
            %dma_start3A_309 = arith.constant 0 : i32
            %dma_start3A_310 = tpu.memref_slice %run_scoped3A_18[%rem3A_305, %dma_start3A_308, %dma_start3A_309] : memref<2x32x512xf32, #tpu.memory_space<vmem>> -> memref<1x32x512xf32, #tpu.memory_space<vmem>>
            %dma_start3A_311 = tpu.memref_squeeze %dma_start3A_310 : memref<1x32x512xf32, #tpu.memory_space<vmem>> -> memref<32x512xf32, #tpu.memory_space<vmem>>
            %dma_start3A_312 = arith.constant 0 : i32
            %dma_start3A_313 = tpu.memref_slice %arg4[%mul3A_307, %dma_start3A_312] : memref<1600x512xf32, #tpu.memory_space<hbm>> -> memref<32x512xf32, #tpu.memory_space<hbm>>
            %dma_start3A_314 = tpu.memref_slice %run_scoped3A_19[%rem3A_305] : memref<2x!tpu.dma_semaphore, #tpu.memory_space<semaphore_mem>> -> memref<1x!tpu.dma_semaphore, #tpu.memory_space<semaphore_mem>>
            %dma_start3A_315 = tpu.memref_squeeze %dma_start3A_314 : memref<1x!tpu.dma_semaphore, #tpu.memory_space<semaphore_mem>> -> memref<!tpu.dma_semaphore, #tpu.memory_space<semaphore_mem>>
            %dma_start3A_316 = arith.constant 0 : i32
            %dma_start3A_317 = tpu.memref_slice %arg4[%mul3A_307, %dma_start3A_316] : memref<1600x512xf32, #tpu.memory_space<hbm>> -> memref<32x512xf32, #tpu.memory_space<hbm>>
            %dma_start3A_318 = arith.constant 0 : i32
            %dma_start3A_319 = arith.constant 0 : i32
            %dma_start3A_320 = tpu.memref_slice %run_scoped3A_18[%rem3A_305, %dma_start3A_318, %dma_start3A_319] : memref<2x32x512xf32, #tpu.memory_space<vmem>> -> memref<1x32x512xf32, #tpu.memory_space<vmem>>
            %dma_start3A_321 = tpu.memref_squeeze %dma_start3A_320 : memref<1x32x512xf32, #tpu.memory_space<vmem>> -> memref<32x512xf32, #tpu.memory_space<vmem>>
            tpu.enqueue_dma source(%dma_start3A_321 : memref<32x512xf32, #tpu.memory_space<vmem>>) target(%dma_start3A_317 : memref<32x512xf32, #tpu.memory_space<hbm>>) target_semaphore(%dma_start3A_315 : memref<!tpu.dma_semaphore, #tpu.memory_space<semaphore_mem>>)
            "tpu.trace_stop"() : () -> ()
          } else {
          }
          %and3A_254 = arith.constant true
          %and3A_255 = arith.andi %or3A_250, %and3A_254 : i1
          %add3A_256 = arith.constant 1 : i32
          %add3A_257 = arith.addi %while3A_145, %add3A_256 : i32
          %select_n3A_258 = arith.select %and3A_255, %add3A_257, %while3A_145 : i32
          %ne3A_259 = arith.cmpi ne, %add3A_155, %add3A_165 : i32
          %or3A_260 = arith.constant false
          %or3A_261 = arith.ori %or3A_260, %ne3A_259 : i1
          %or3A_262 = arith.constant false
          %or3A_263 = arith.ori %or3A_261, %or3A_262 : i1
          %not3A_264 = arith.constant true
          %not3A_265 = arith.xori %eq3A_151, %not3A_264 : i1
          %and3A_266 = arith.andi %or3A_263, %not3A_265 : i1
          %convert_element_type3A_267 = arith.extui %and3A_266 : i1 to i32
          %cond3A_268 = arith.constant 0 : i32
          %cond3A_269 = arith.cmpi ne, %convert_element_type3A_267, %cond3A_268 : i32
          scf.if %cond3A_269 {
          } else {
          }
          %and3A_270 = arith.constant false
          %and3A_271 = arith.andi %and3A_266, %and3A_270 : i1
          %ne3A_272 = arith.cmpi ne, %add3A_155, %add3A_165 : i32
          %or3A_273 = arith.constant false
          %or3A_274 = arith.ori %or3A_273, %ne3A_272 : i1
          %or3A_275 = arith.constant false
          %or3A_276 = arith.ori %or3A_274, %or3A_275 : i1
          %not3A_277 = arith.constant true
          %not3A_278 = arith.xori %eq3A_151, %not3A_277 : i1
          %and3A_279 = arith.andi %or3A_276, %not3A_278 : i1
          %convert_element_type3A_280 = arith.extui %and3A_279 : i1 to i32
          %cond3A_281 = arith.constant 0 : i32
          %cond3A_282 = arith.cmpi ne, %convert_element_type3A_280, %cond3A_281 : i32
          scf.if %cond3A_282 {
            "tpu.trace_start"() <{level = 10 : i32, message = "ep_wait_out"}> : () -> ()
            %rem3A_304 = arith.constant 2 : i32
            %rem3A_305 = arith.remui %while3A_146, %rem3A_304 : i32
            %mul3A_306 = arith.constant 32 : i32
            %mul3A_307 = arith.muli %mul3A_306, %add3A_165 : i32
            %dma_wait3A = arith.constant 0 : i32
            %dma_wait3A_308 = arith.constant 0 : i32
            %dma_wait3A_309 = tpu.memref_slice %run_scoped3A_18[%rem3A_305, %dma_wait3A, %dma_wait3A_308] : memref<2x32x512xf32, #tpu.memory_space<vmem>> -> memref<1x32x512xf32, #tpu.memory_space<vmem>>
            %dma_wait3A_310 = tpu.memref_squeeze %dma_wait3A_309 : memref<1x32x512xf32, #tpu.memory_space<vmem>> -> memref<32x512xf32, #tpu.memory_space<vmem>>
            %dma_wait3A_311 = arith.constant 0 : i32
            %dma_wait3A_312 = tpu.memref_slice %arg4[%mul3A_307, %dma_wait3A_311] : memref<1600x512xf32, #tpu.memory_space<hbm>> -> memref<32x512xf32, #tpu.memory_space<hbm>>
            %dma_wait3A_313 = tpu.memref_slice %run_scoped3A_19[%rem3A_305] : memref<2x!tpu.dma_semaphore, #tpu.memory_space<semaphore_mem>> -> memref<1x!tpu.dma_semaphore, #tpu.memory_space<semaphore_mem>>
            %dma_wait3A_314 = tpu.memref_squeeze %dma_wait3A_313 : memref<1x!tpu.dma_semaphore, #tpu.memory_space<semaphore_mem>> -> memref<!tpu.dma_semaphore, #tpu.memory_space<semaphore_mem>>
            %dma_wait3A_315 = arith.constant 0 : i32
            %dma_wait3A_316 = tpu.memref_slice %arg4[%mul3A_307, %dma_wait3A_315] : memref<1600x512xf32, #tpu.memory_space<hbm>> -> memref<32x512xf32, #tpu.memory_space<hbm>>
            %dma_wait3A_317 = arith.constant 0 : i32
            %dma_wait3A_318 = arith.constant 0 : i32
            %dma_wait3A_319 = tpu.memref_slice %run_scoped3A_18[%rem3A_305, %dma_wait3A_317, %dma_wait3A_318] : memref<2x32x512xf32, #tpu.memory_space<vmem>> -> memref<1x32x512xf32, #tpu.memory_space<vmem>>
            %dma_wait3A_320 = tpu.memref_squeeze %dma_wait3A_319 : memref<1x32x512xf32, #tpu.memory_space<vmem>> -> memref<32x512xf32, #tpu.memory_space<vmem>>
            tpu.wait_dma2 semaphore(%dma_wait3A_314 : memref<!tpu.dma_semaphore, #tpu.memory_space<semaphore_mem>>) src(%dma_wait3A_320 : memref<32x512xf32, #tpu.memory_space<vmem>>) dst(%dma_wait3A_316 : memref<32x512xf32, #tpu.memory_space<hbm>>)
            "tpu.trace_stop"() : () -> ()
          } else {
          }
          %and3A_283 = arith.constant true
          %and3A_284 = arith.andi %and3A_279, %and3A_283 : i1
          %add3A_285 = arith.constant 1 : i32
          %add3A_286 = arith.addi %while3A_146, %add3A_285 : i32
          %select_n3A_287 = arith.select %and3A_284, %add3A_286, %while3A_146 : i32
          %ne3A_288 = arith.cmpi ne, %add3A_155, %add3A_173 : i32
          %or3A_289 = arith.constant false
          %or3A_290 = arith.ori %or3A_289, %ne3A_288 : i1
          %or3A_291 = arith.constant false
          %or3A_292 = arith.ori %or3A_290, %or3A_291 : i1
          %or3A_293 = arith.ori %or3A_292, %eq3A_154 : i1
          %add3A_294 = arith.constant 1 : i32
          %add3A_295 = arith.addi %while3A_144, %add3A_294 : i32
          %select_n3A_296 = arith.select %or3A_293, %add3A_295, %while3A_144 : i32
          %add3A_297 = arith.constant 1 : i32
          %add3A_298 = arith.addi %while3A_147, %add3A_297 : i32
          %select_n3A_299 = arith.constant true
          %select_n3A_300 = arith.select %select_n3A_299, %add3A_298, %while3A_147 : i32
          %eq3A_301 = arith.cmpi eq, %select_n3A_300, %select_n3A : i32
          %select_n3A_302 = arith.constant 0 : i32
          %select_n3A_303 = arith.select %eq3A_301, %select_n3A_302, %select_n3A_300 : i32
          scf.yield %select_n3A_197, %select_n3A_296, %select_n3A_258, %select_n3A_287, %select_n3A_303 : i32, i32, i32, i32, i32
        }
        %sub3A_91 = arith.constant 1 : i32
        %sub3A_92 = arith.subi %while3A_90#4, %sub3A_91 : i32
        %select_n3A_93 = arith.constant true
        %select_n3A_94 = arith.select %select_n3A_93, %sub3A_92, %while3A_90#4 : i32
        %eq3A_95 = arith.constant -1 : i32
        %eq3A_96 = arith.cmpi eq, %select_n3A_94, %eq3A_95 : i32
        %sub3A_97 = arith.constant 1 : i32
        %sub3A_98 = arith.subi %select_n3A, %sub3A_97 : i32
        %select_n3A_99 = arith.select %eq3A_96, %sub3A_98, %select_n3A_94 : i32
        %sub3A_100 = arith.constant 1 : i32
        %sub3A_101 = arith.subi %mul3A_16, %sub3A_100 : i32
        %mul3A_102 = arith.constant 1 : i32
        %mul3A_103 = arith.muli %mul3A_102, %select_n3A : i32
        %eq3A_104 = arith.constant 0 : i32
        %eq3A_105 = arith.cmpi eq, %sub3A_101, %eq3A_104 : i32
        %sub3A_106 = arith.constant 1 : i32
        %sub3A_107 = arith.subi %mul3A_103, %sub3A_106 : i32
        %eq3A_108 = arith.cmpi eq, %sub3A_101, %sub3A_107 : i32
        %add3A_109 = arith.addi %select_n3A_99, %select_n3A_14 : i32
        %sub3A_110 = arith.constant 1 : i32
        %sub3A_111 = arith.subi %select_n3A_99, %sub3A_110 : i32
        %select_n3A_112 = arith.constant true
        %select_n3A_113 = arith.select %select_n3A_112, %sub3A_111, %select_n3A_99 : i32
        %eq3A_114 = arith.constant -1 : i32
        %eq3A_115 = arith.cmpi eq, %select_n3A_113, %eq3A_114 : i32
        %sub3A_116 = arith.constant 1 : i32
        %sub3A_117 = arith.subi %select_n3A, %sub3A_116 : i32
        %select_n3A_118 = arith.select %eq3A_115, %sub3A_117, %select_n3A_113 : i32
        %add3A_119 = arith.addi %select_n3A_118, %select_n3A_14 : i32
        %add3A_120 = arith.constant 1 : i32
        %add3A_121 = arith.addi %select_n3A_99, %add3A_120 : i32
        %select_n3A_122 = arith.constant true
        %select_n3A_123 = arith.select %select_n3A_122, %add3A_121, %select_n3A_99 : i32
        %eq3A_124 = arith.cmpi eq, %select_n3A_123, %select_n3A : i32
        %select_n3A_125 = arith.constant 0 : i32
        %select_n3A_126 = arith.select %eq3A_124, %select_n3A_125, %select_n3A_123 : i32
        %add3A_127 = arith.addi %select_n3A_126, %select_n3A_14 : i32
        %add3A_128 = arith.constant 1 : i32
        %add3A_129 = arith.addi %select_n3A_126, %add3A_128 : i32
        %select_n3A_130 = arith.constant true
        %select_n3A_131 = arith.select %select_n3A_130, %add3A_129, %select_n3A_126 : i32
        %eq3A_132 = arith.cmpi eq, %select_n3A_131, %select_n3A : i32
        %select_n3A_133 = arith.constant 0 : i32
        %select_n3A_134 = arith.select %eq3A_132, %select_n3A_133, %select_n3A_131 : i32
        %add3A_135 = arith.addi %select_n3A_134, %select_n3A_14 : i32
        %convert_element_type3A_136 = arith.extui %eq3A_108 : i1 to i32
        %cond3A_137 = arith.constant 0 : i32
        %cond3A_138 = arith.cmpi ne, %convert_element_type3A_136, %cond3A_137 : i32
        scf.if %cond3A_138 {
        } else {
        }
        %convert_element_type3A_139 = arith.extui %eq3A_108 : i1 to i32
        %cond3A_140 = arith.constant 0 : i32
        %cond3A_141 = arith.cmpi ne, %convert_element_type3A_139, %cond3A_140 : i32
        scf.if %cond3A_141 {
          "tpu.trace_start"() <{level = 10 : i32, message = "ep_finalize"}> : () -> ()
          %rem3A_142 = arith.constant 2 : i32
          %rem3A_143 = arith.remui %while3A_90#3, %rem3A_142 : i32
          %mul3A_144 = arith.constant 32 : i32
          %mul3A_145 = arith.muli %mul3A_144, %add3A_109 : i32
          %dma_wait3A = arith.constant 0 : i32
          %dma_wait3A_146 = arith.constant 0 : i32
          %dma_wait3A_147 = tpu.memref_slice %run_scoped3A_18[%rem3A_143, %dma_wait3A, %dma_wait3A_146] : memref<2x32x512xf32, #tpu.memory_space<vmem>> -> memref<1x32x512xf32, #tpu.memory_space<vmem>>
          %dma_wait3A_148 = tpu.memref_squeeze %dma_wait3A_147 : memref<1x32x512xf32, #tpu.memory_space<vmem>> -> memref<32x512xf32, #tpu.memory_space<vmem>>
          %dma_wait3A_149 = arith.constant 0 : i32
          %dma_wait3A_150 = tpu.memref_slice %arg4[%mul3A_145, %dma_wait3A_149] : memref<1600x512xf32, #tpu.memory_space<hbm>> -> memref<32x512xf32, #tpu.memory_space<hbm>>
          %dma_wait3A_151 = tpu.memref_slice %run_scoped3A_19[%rem3A_143] : memref<2x!tpu.dma_semaphore, #tpu.memory_space<semaphore_mem>> -> memref<1x!tpu.dma_semaphore, #tpu.memory_space<semaphore_mem>>
          %dma_wait3A_152 = tpu.memref_squeeze %dma_wait3A_151 : memref<1x!tpu.dma_semaphore, #tpu.memory_space<semaphore_mem>> -> memref<!tpu.dma_semaphore, #tpu.memory_space<semaphore_mem>>
          %dma_wait3A_153 = arith.constant 0 : i32
          %dma_wait3A_154 = tpu.memref_slice %arg4[%mul3A_145, %dma_wait3A_153] : memref<1600x512xf32, #tpu.memory_space<hbm>> -> memref<32x512xf32, #tpu.memory_space<hbm>>
          %dma_wait3A_155 = arith.constant 0 : i32
          %dma_wait3A_156 = arith.constant 0 : i32
          %dma_wait3A_157 = tpu.memref_slice %run_scoped3A_18[%rem3A_143, %dma_wait3A_155, %dma_wait3A_156] : memref<2x32x512xf32, #tpu.memory_space<vmem>> -> memref<1x32x512xf32, #tpu.memory_space<vmem>>
          %dma_wait3A_158 = tpu.memref_squeeze %dma_wait3A_157 : memref<1x32x512xf32, #tpu.memory_space<vmem>> -> memref<32x512xf32, #tpu.memory_space<vmem>>
          tpu.wait_dma2 semaphore(%dma_wait3A_152 : memref<!tpu.dma_semaphore, #tpu.memory_space<semaphore_mem>>) src(%dma_wait3A_158 : memref<32x512xf32, #tpu.memory_space<vmem>>) dst(%dma_wait3A_154 : memref<32x512xf32, #tpu.memory_space<hbm>>)
          "tpu.trace_stop"() : () -> ()
        } else {
        }
      } else {
      }
      tpu.yield
    }) : () -> ()
    return
  }
}

module attributes {stable_mosaic.version = 14 : i64} {
  func.func @_main_body(%arg0: i32, %arg1: memref<1x2048x512xf32, #tpu.memory_space<vmem>>, %arg2: memref<4x3x512x1024xbf16, #tpu.memory_space<vmem>>, %arg3: memref<4x512x128xf32, #tpu.memory_space<vmem>>, %arg4: memref<4x512x128xf32, #tpu.memory_space<vmem>>, %arg5: memref<4x8x128xf32, #tpu.memory_space<vmem>>, %arg6: memref<3x512x2048xbf16, #tpu.memory_space<vmem>>, %arg7: memref<512x128xf32, #tpu.memory_space<vmem>>, %arg8: memref<8x512xbf16, #tpu.memory_space<vmem>>, %arg9: memref<8x128xf32, #tpu.memory_space<vmem>>, %arg10: memref<20x512xbf16, #tpu.memory_space<vmem>>, %arg11: memref<20x128xf32, #tpu.memory_space<vmem>>, %arg12: memref<1x512x512xf32, #tpu.memory_space<vmem>>, %arg13: memref<1x512x512xf32, #tpu.memory_space<vmem>>, %arg14: memref<1x512x512xf32, #tpu.memory_space<vmem>>, %arg15: memref<1x20x512xf32, #tpu.memory_space<vmem>>, %arg16: memref<1x8x512xf32, #tpu.memory_space<vmem>>, %arg17: memref<1x8x128xi32, #tpu.memory_space<vmem>>) attributes {dimension_semantics = [#tpu.dimension_semantics<arbitrary>], iteration_bounds = array<i64: 16>, scalar_prefetch = 0 : i64, scratch_operands = 0 : i64, tpu.core_type = #tpu.core_type<tc>, window_params = [{transform_indices = @transform_0, window_bounds = array<i64: 1, 2048, 512>}, {pipeline_mode = #tpu.pipeline_mode<synchronous>, transform_indices = @transform_1, window_bounds = array<i64: 4, 3, 512, 1024>}, {pipeline_mode = #tpu.pipeline_mode<synchronous>, transform_indices = @transform_2, window_bounds = array<i64: 4, 512, 128>}, {pipeline_mode = #tpu.pipeline_mode<synchronous>, transform_indices = @transform_3, window_bounds = array<i64: 4, 512, 128>}, {pipeline_mode = #tpu.pipeline_mode<synchronous>, transform_indices = @transform_4, window_bounds = array<i64: 4, 8, 128>}, {pipeline_mode = #tpu.pipeline_mode<synchronous>, transform_indices = @transform_5, window_bounds = array<i64: 3, 512, 2048>}, {pipeline_mode = #tpu.pipeline_mode<synchronous>, transform_indices = @transform_6, window_bounds = array<i64: 512, 128>}, {pipeline_mode = #tpu.pipeline_mode<synchronous>, transform_indices = @transform_7, window_bounds = array<i64: 8, 512>}, {pipeline_mode = #tpu.pipeline_mode<synchronous>, transform_indices = @transform_8, window_bounds = array<i64: 8, 128>}, {pipeline_mode = #tpu.pipeline_mode<synchronous>, transform_indices = @transform_9, window_bounds = array<i64: 20, 512>}, {pipeline_mode = #tpu.pipeline_mode<synchronous>, transform_indices = @transform_10, window_bounds = array<i64: 20, 128>}, {transform_indices = @transform_11, window_bounds = array<i64: 1, 512, 512>}, {transform_indices = @transform_12, window_bounds = array<i64: 1, 512, 512>}, {transform_indices = @transform_13, window_bounds = array<i64: 1, 512, 512>}, {transform_indices = @transform_14, window_bounds = array<i64: 1, 20, 512>}, {transform_indices = @transform_15, window_bounds = array<i64: 1, 8, 512>}, {transform_indices = @transform_16, window_bounds = array<i64: 1, 8, 128>}]} {
    %get3A = arith.constant 0 : index
    %get3A_0 = arith.constant 0 : index
    %get3A_1 = arith.constant 0 : index
    %get3A_2 = vector.load %arg1[%get3A, %get3A_0, %get3A_1] : memref<1x2048x512xf32, #tpu.memory_space<vmem>>, vector<1x2048x512xf32>
    %get3A_3 = vector.shape_cast %get3A_2 : vector<1x2048x512xf32> to vector<2048x512xf32>
    %slice3A = vector.extract_strided_slice %get3A_3 {offsets = [0, 0], sizes = [1024, 512], strides = [1, 1]} : vector<2048x512xf32> to vector<1024x512xf32>
    %slice3A_4 = vector.extract_strided_slice %get3A_3 {offsets = [1024, 0], sizes = [1024, 512], strides = [1, 1]} : vector<2048x512xf32> to vector<1024x512xf32>
    %convert_element_type3A = arith.truncf %slice3A : vector<1024x512xf32> to vector<1024x512xbf16>
    %convert_element_type3A_5 = arith.truncf %slice3A_4 : vector<1024x512xf32> to vector<1024x512xbf16>
    %mul3A = arith.constant 2.500000e-01 : f32
    %mul3A_6 = vector.broadcast %mul3A : f32 to vector<1024x512xf32>
    %mul3A_7 = arith.mulf %mul3A_6, %slice3A : vector<1024x512xf32>
    %mul3A_8 = arith.constant 7.500000e-01 : f32
    %mul3A_9 = vector.broadcast %mul3A_8 : f32 to vector<1024x512xf32>
    %mul3A_10 = arith.mulf %mul3A_9, %slice3A_4 : vector<1024x512xf32>
    %add3A = arith.addf %mul3A_7, %mul3A_10 : vector<1024x512xf32>
    %convert_element_type3A_11 = arith.truncf %add3A : vector<1024x512xf32> to vector<1024x512xbf16>
    %mul3A_12 = arith.constant 7.500000e-01 : f32
    %mul3A_13 = vector.broadcast %mul3A_12 : f32 to vector<1024x512xf32>
    %mul3A_14 = arith.mulf %mul3A_13, %slice3A : vector<1024x512xf32>
    %mul3A_15 = arith.constant 2.500000e-01 : f32
    %mul3A_16 = vector.broadcast %mul3A_15 : f32 to vector<1024x512xf32>
    %mul3A_17 = arith.mulf %mul3A_16, %slice3A_4 : vector<1024x512xf32>
    %add3A_18 = arith.addf %mul3A_14, %mul3A_17 : vector<1024x512xf32>
    %convert_element_type3A_19 = arith.truncf %add3A_18 : vector<1024x512xf32> to vector<1024x512xbf16>
    %convert_element_type3A_20 = arith.truncf %get3A_3 : vector<2048x512xf32> to vector<2048x512xbf16>
    %get3A_21 = arith.constant 0 : index
    %get3A_22 = arith.constant 0 : index
    %get3A_23 = arith.constant 0 : index
    %get3A_24 = arith.constant 0 : index
    %get3A_25 = vector.load %arg2[%get3A_21, %get3A_22, %get3A_23, %get3A_24] : memref<4x3x512x1024xbf16, #tpu.memory_space<vmem>>, vector<1x3x512x1024xbf16>
    %get3A_26 = vector.shape_cast %get3A_25 : vector<1x3x512x1024xbf16> to vector<3x512x1024xbf16>
    %get3A_27 = arith.constant 0 : index
    %get3A_28 = arith.constant 0 : index
    %get3A_29 = arith.constant 0 : index
    %get3A_30 = vector.load %arg3[%get3A_27, %get3A_28, %get3A_29] : memref<4x512x128xf32, #tpu.memory_space<vmem>>, vector<1x512x1xf32>
    %get3A_31 = vector.shape_cast %get3A_30 : vector<1x512x1xf32> to vector<512x1xf32>
    %slice3A_32 = vector.extract_strided_slice %get3A_26 {offsets = [0, 0, 0], sizes = [1, 512, 1024], strides = [1, 1, 1]} : vector<3x512x1024xbf16> to vector<1x512x1024xbf16>
    %squeeze3A = vector.shape_cast %slice3A_32 : vector<1x512x1024xbf16> to vector<512x1024xbf16>
    %dot_general3A = arith.constant dense<0.000000e+00> : vector<512x512xf32>
    %dot_general3A_33 = tpu.matmul %squeeze3A, %convert_element_type3A, %dot_general3A {dimension_numbers = #tpu.dot_dimension_numbers<[1], [0], [0], [1], [0, 0, 1, 1], [], []>, transpose_lhs_hint = false} : vector<512x1024xbf16>, vector<1024x512xbf16>, vector<512x512xf32> -> vector<512x512xf32>
    %slice3A_34 = vector.extract_strided_slice %get3A_26 {offsets = [1, 0, 0], sizes = [1, 512, 1024], strides = [1, 1, 1]} : vector<3x512x1024xbf16> to vector<1x512x1024xbf16>
    %squeeze3A_35 = vector.shape_cast %slice3A_34 : vector<1x512x1024xbf16> to vector<512x1024xbf16>
    %dot_general3A_36 = arith.constant dense<0.000000e+00> : vector<512x512xf32>
    %dot_general3A_37 = tpu.matmul %squeeze3A_35, %convert_element_type3A, %dot_general3A_36 {dimension_numbers = #tpu.dot_dimension_numbers<[1], [0], [0], [1], [0, 0, 1, 1], [], []>, transpose_lhs_hint = false} : vector<512x1024xbf16>, vector<1024x512xbf16>, vector<512x512xf32> -> vector<512x512xf32>
    %slice3A_38 = vector.extract_strided_slice %get3A_26 {offsets = [2, 0, 0], sizes = [1, 512, 1024], strides = [1, 1, 1]} : vector<3x512x1024xbf16> to vector<1x512x1024xbf16>
    %squeeze3A_39 = vector.shape_cast %slice3A_38 : vector<1x512x1024xbf16> to vector<512x1024xbf16>
    %dot_general3A_40 = arith.constant dense<0.000000e+00> : vector<512x512xf32>
    %dot_general3A_41 = tpu.matmul %squeeze3A_39, %convert_element_type3A, %dot_general3A_40 {dimension_numbers = #tpu.dot_dimension_numbers<[1], [0], [0], [1], [0, 0, 1, 1], [], []>, transpose_lhs_hint = false} : vector<512x1024xbf16>, vector<1024x512xbf16>, vector<512x512xf32> -> vector<512x512xf32>
    %broadcast_in_dim3A = arith.constant 0.000000e+00 : f32
    %broadcast_in_dim3A_42 = vector.broadcast %broadcast_in_dim3A : f32 to vector<512x1xf32>
    %slice3A_43 = vector.extract_strided_slice %dot_general3A_33 {offsets = [0, 0], sizes = [512, 511], strides = [1, 1]} : vector<512x512xf32> to vector<512x511xf32>
    %concatenate3A = tpu.concatenate %broadcast_in_dim3A_42, %slice3A_43 in 1 : vector<512x1xf32>, vector<512x511xf32> -> vector<512x512xf32>
    %add3A_44 = arith.addf %dot_general3A_37, %concatenate3A : vector<512x512xf32>
    %slice3A_45 = vector.extract_strided_slice %dot_general3A_41 {offsets = [0, 1], sizes = [512, 511], strides = [1, 1]} : vector<512x512xf32> to vector<512x511xf32>
    %concatenate3A_46 = tpu.concatenate %slice3A_45, %broadcast_in_dim3A_42 in 1 : vector<512x511xf32>, vector<512x1xf32> -> vector<512x512xf32>
    %add3A_47 = arith.addf %add3A_44, %concatenate3A_46 : vector<512x512xf32>
    %add3A_48 = vector.broadcast %get3A_31 : vector<512x1xf32> to vector<512x512xf32>
    %add3A_49 = arith.addf %add3A_47, %add3A_48 : vector<512x512xf32>
    %max3A = arith.constant 0.000000e+00 : f32
    %max3A_50 = vector.broadcast %max3A : f32 to vector<512x512xf32>
    %max3A_51 = arith.maximumf %add3A_49, %max3A_50 : vector<512x512xf32>
    %get3A_52 = arith.constant 1 : index
    %get3A_53 = arith.constant 0 : index
    %get3A_54 = arith.constant 0 : index
    %get3A_55 = arith.constant 0 : index
    %get3A_56 = vector.load %arg2[%get3A_52, %get3A_53, %get3A_54, %get3A_55] : memref<4x3x512x1024xbf16, #tpu.memory_space<vmem>>, vector<1x3x512x1024xbf16>
    %get3A_57 = vector.shape_cast %get3A_56 : vector<1x3x512x1024xbf16> to vector<3x512x1024xbf16>
    %get3A_58 = arith.constant 1 : index
    %get3A_59 = arith.constant 0 : index
    %get3A_60 = arith.constant 0 : index
    %get3A_61 = vector.load %arg3[%get3A_58, %get3A_59, %get3A_60] : memref<4x512x128xf32, #tpu.memory_space<vmem>>, vector<1x512x1xf32>
    %get3A_62 = vector.shape_cast %get3A_61 : vector<1x512x1xf32> to vector<512x1xf32>
    %slice3A_63 = vector.extract_strided_slice %get3A_57 {offsets = [0, 0, 0], sizes = [1, 512, 1024], strides = [1, 1, 1]} : vector<3x512x1024xbf16> to vector<1x512x1024xbf16>
    %squeeze3A_64 = vector.shape_cast %slice3A_63 : vector<1x512x1024xbf16> to vector<512x1024xbf16>
    %dot_general3A_65 = arith.constant dense<0.000000e+00> : vector<512x512xf32>
    %dot_general3A_66 = tpu.matmul %squeeze3A_64, %convert_element_type3A_5, %dot_general3A_65 {dimension_numbers = #tpu.dot_dimension_numbers<[1], [0], [0], [1], [0, 0, 1, 1], [], []>, transpose_lhs_hint = false} : vector<512x1024xbf16>, vector<1024x512xbf16>, vector<512x512xf32> -> vector<512x512xf32>
    %slice3A_67 = vector.extract_strided_slice %get3A_57 {offsets = [1, 0, 0], sizes = [1, 512, 1024], strides = [1, 1, 1]} : vector<3x512x1024xbf16> to vector<1x512x1024xbf16>
    %squeeze3A_68 = vector.shape_cast %slice3A_67 : vector<1x512x1024xbf16> to vector<512x1024xbf16>
    %dot_general3A_69 = arith.constant dense<0.000000e+00> : vector<512x512xf32>
    %dot_general3A_70 = tpu.matmul %squeeze3A_68, %convert_element_type3A_5, %dot_general3A_69 {dimension_numbers = #tpu.dot_dimension_numbers<[1], [0], [0], [1], [0, 0, 1, 1], [], []>, transpose_lhs_hint = false} : vector<512x1024xbf16>, vector<1024x512xbf16>, vector<512x512xf32> -> vector<512x512xf32>
    %slice3A_71 = vector.extract_strided_slice %get3A_57 {offsets = [2, 0, 0], sizes = [1, 512, 1024], strides = [1, 1, 1]} : vector<3x512x1024xbf16> to vector<1x512x1024xbf16>
    %squeeze3A_72 = vector.shape_cast %slice3A_71 : vector<1x512x1024xbf16> to vector<512x1024xbf16>
    %dot_general3A_73 = arith.constant dense<0.000000e+00> : vector<512x512xf32>
    %dot_general3A_74 = tpu.matmul %squeeze3A_72, %convert_element_type3A_5, %dot_general3A_73 {dimension_numbers = #tpu.dot_dimension_numbers<[1], [0], [0], [1], [0, 0, 1, 1], [], []>, transpose_lhs_hint = false} : vector<512x1024xbf16>, vector<1024x512xbf16>, vector<512x512xf32> -> vector<512x512xf32>
    %broadcast_in_dim3A_75 = arith.constant 0.000000e+00 : f32
    %broadcast_in_dim3A_76 = vector.broadcast %broadcast_in_dim3A_75 : f32 to vector<512x1xf32>
    %slice3A_77 = vector.extract_strided_slice %dot_general3A_66 {offsets = [0, 0], sizes = [512, 511], strides = [1, 1]} : vector<512x512xf32> to vector<512x511xf32>
    %concatenate3A_78 = tpu.concatenate %broadcast_in_dim3A_76, %slice3A_77 in 1 : vector<512x1xf32>, vector<512x511xf32> -> vector<512x512xf32>
    %add3A_79 = arith.addf %dot_general3A_70, %concatenate3A_78 : vector<512x512xf32>
    %slice3A_80 = vector.extract_strided_slice %dot_general3A_74 {offsets = [0, 1], sizes = [512, 511], strides = [1, 1]} : vector<512x512xf32> to vector<512x511xf32>
    %concatenate3A_81 = tpu.concatenate %slice3A_80, %broadcast_in_dim3A_76 in 1 : vector<512x511xf32>, vector<512x1xf32> -> vector<512x512xf32>
    %add3A_82 = arith.addf %add3A_79, %concatenate3A_81 : vector<512x512xf32>
    %add3A_83 = vector.broadcast %get3A_62 : vector<512x1xf32> to vector<512x512xf32>
    %add3A_84 = arith.addf %add3A_82, %add3A_83 : vector<512x512xf32>
    %max3A_85 = arith.constant 0.000000e+00 : f32
    %max3A_86 = vector.broadcast %max3A_85 : f32 to vector<512x512xf32>
    %max3A_87 = arith.maximumf %add3A_84, %max3A_86 : vector<512x512xf32>
    %get3A_88 = arith.constant 2 : index
    %get3A_89 = arith.constant 0 : index
    %get3A_90 = arith.constant 0 : index
    %get3A_91 = arith.constant 0 : index
    %get3A_92 = vector.load %arg2[%get3A_88, %get3A_89, %get3A_90, %get3A_91] : memref<4x3x512x1024xbf16, #tpu.memory_space<vmem>>, vector<1x3x512x1024xbf16>
    %get3A_93 = vector.shape_cast %get3A_92 : vector<1x3x512x1024xbf16> to vector<3x512x1024xbf16>
    %get3A_94 = arith.constant 2 : index
    %get3A_95 = arith.constant 0 : index
    %get3A_96 = arith.constant 0 : index
    %get3A_97 = vector.load %arg3[%get3A_94, %get3A_95, %get3A_96] : memref<4x512x128xf32, #tpu.memory_space<vmem>>, vector<1x512x1xf32>
    %get3A_98 = vector.shape_cast %get3A_97 : vector<1x512x1xf32> to vector<512x1xf32>
    %slice3A_99 = vector.extract_strided_slice %get3A_93 {offsets = [0, 0, 0], sizes = [1, 512, 1024], strides = [1, 1, 1]} : vector<3x512x1024xbf16> to vector<1x512x1024xbf16>
    %squeeze3A_100 = vector.shape_cast %slice3A_99 : vector<1x512x1024xbf16> to vector<512x1024xbf16>
    %dot_general3A_101 = arith.constant dense<0.000000e+00> : vector<512x512xf32>
    %dot_general3A_102 = tpu.matmul %squeeze3A_100, %convert_element_type3A_11, %dot_general3A_101 {dimension_numbers = #tpu.dot_dimension_numbers<[1], [0], [0], [1], [0, 0, 1, 1], [], []>, transpose_lhs_hint = false} : vector<512x1024xbf16>, vector<1024x512xbf16>, vector<512x512xf32> -> vector<512x512xf32>
    %slice3A_103 = vector.extract_strided_slice %get3A_93 {offsets = [1, 0, 0], sizes = [1, 512, 1024], strides = [1, 1, 1]} : vector<3x512x1024xbf16> to vector<1x512x1024xbf16>
    %squeeze3A_104 = vector.shape_cast %slice3A_103 : vector<1x512x1024xbf16> to vector<512x1024xbf16>
    %dot_general3A_105 = arith.constant dense<0.000000e+00> : vector<512x512xf32>
    %dot_general3A_106 = tpu.matmul %squeeze3A_104, %convert_element_type3A_11, %dot_general3A_105 {dimension_numbers = #tpu.dot_dimension_numbers<[1], [0], [0], [1], [0, 0, 1, 1], [], []>, transpose_lhs_hint = false} : vector<512x1024xbf16>, vector<1024x512xbf16>, vector<512x512xf32> -> vector<512x512xf32>
    %slice3A_107 = vector.extract_strided_slice %get3A_93 {offsets = [2, 0, 0], sizes = [1, 512, 1024], strides = [1, 1, 1]} : vector<3x512x1024xbf16> to vector<1x512x1024xbf16>
    %squeeze3A_108 = vector.shape_cast %slice3A_107 : vector<1x512x1024xbf16> to vector<512x1024xbf16>
    %dot_general3A_109 = arith.constant dense<0.000000e+00> : vector<512x512xf32>
    %dot_general3A_110 = tpu.matmul %squeeze3A_108, %convert_element_type3A_11, %dot_general3A_109 {dimension_numbers = #tpu.dot_dimension_numbers<[1], [0], [0], [1], [0, 0, 1, 1], [], []>, transpose_lhs_hint = false} : vector<512x1024xbf16>, vector<1024x512xbf16>, vector<512x512xf32> -> vector<512x512xf32>
    %broadcast_in_dim3A_111 = arith.constant 0.000000e+00 : f32
    %broadcast_in_dim3A_112 = vector.broadcast %broadcast_in_dim3A_111 : f32 to vector<512x1xf32>
    %slice3A_113 = vector.extract_strided_slice %dot_general3A_102 {offsets = [0, 0], sizes = [512, 511], strides = [1, 1]} : vector<512x512xf32> to vector<512x511xf32>
    %concatenate3A_114 = tpu.concatenate %broadcast_in_dim3A_112, %slice3A_113 in 1 : vector<512x1xf32>, vector<512x511xf32> -> vector<512x512xf32>
    %add3A_115 = arith.addf %dot_general3A_106, %concatenate3A_114 : vector<512x512xf32>
    %slice3A_116 = vector.extract_strided_slice %dot_general3A_110 {offsets = [0, 1], sizes = [512, 511], strides = [1, 1]} : vector<512x512xf32> to vector<512x511xf32>
    %concatenate3A_117 = tpu.concatenate %slice3A_116, %broadcast_in_dim3A_112 in 1 : vector<512x511xf32>, vector<512x1xf32> -> vector<512x512xf32>
    %add3A_118 = arith.addf %add3A_115, %concatenate3A_117 : vector<512x512xf32>
    %add3A_119 = vector.broadcast %get3A_98 : vector<512x1xf32> to vector<512x512xf32>
    %add3A_120 = arith.addf %add3A_118, %add3A_119 : vector<512x512xf32>
    %max3A_121 = arith.constant 0.000000e+00 : f32
    %max3A_122 = vector.broadcast %max3A_121 : f32 to vector<512x512xf32>
    %max3A_123 = arith.maximumf %add3A_120, %max3A_122 : vector<512x512xf32>
    %get3A_124 = arith.constant 3 : index
    %get3A_125 = arith.constant 0 : index
    %get3A_126 = arith.constant 0 : index
    %get3A_127 = arith.constant 0 : index
    %get3A_128 = vector.load %arg2[%get3A_124, %get3A_125, %get3A_126, %get3A_127] : memref<4x3x512x1024xbf16, #tpu.memory_space<vmem>>, vector<1x3x512x1024xbf16>
    %get3A_129 = vector.shape_cast %get3A_128 : vector<1x3x512x1024xbf16> to vector<3x512x1024xbf16>
    %get3A_130 = arith.constant 3 : index
    %get3A_131 = arith.constant 0 : index
    %get3A_132 = arith.constant 0 : index
    %get3A_133 = vector.load %arg3[%get3A_130, %get3A_131, %get3A_132] : memref<4x512x128xf32, #tpu.memory_space<vmem>>, vector<1x512x1xf32>
    %get3A_134 = vector.shape_cast %get3A_133 : vector<1x512x1xf32> to vector<512x1xf32>
    %slice3A_135 = vector.extract_strided_slice %get3A_129 {offsets = [0, 0, 0], sizes = [1, 512, 1024], strides = [1, 1, 1]} : vector<3x512x1024xbf16> to vector<1x512x1024xbf16>
    %squeeze3A_136 = vector.shape_cast %slice3A_135 : vector<1x512x1024xbf16> to vector<512x1024xbf16>
    %dot_general3A_137 = arith.constant dense<0.000000e+00> : vector<512x512xf32>
    %dot_general3A_138 = tpu.matmul %squeeze3A_136, %convert_element_type3A_19, %dot_general3A_137 {dimension_numbers = #tpu.dot_dimension_numbers<[1], [0], [0], [1], [0, 0, 1, 1], [], []>, transpose_lhs_hint = false} : vector<512x1024xbf16>, vector<1024x512xbf16>, vector<512x512xf32> -> vector<512x512xf32>
    %slice3A_139 = vector.extract_strided_slice %get3A_129 {offsets = [1, 0, 0], sizes = [1, 512, 1024], strides = [1, 1, 1]} : vector<3x512x1024xbf16> to vector<1x512x1024xbf16>
    %squeeze3A_140 = vector.shape_cast %slice3A_139 : vector<1x512x1024xbf16> to vector<512x1024xbf16>
    %dot_general3A_141 = arith.constant dense<0.000000e+00> : vector<512x512xf32>
    %dot_general3A_142 = tpu.matmul %squeeze3A_140, %convert_element_type3A_19, %dot_general3A_141 {dimension_numbers = #tpu.dot_dimension_numbers<[1], [0], [0], [1], [0, 0, 1, 1], [], []>, transpose_lhs_hint = false} : vector<512x1024xbf16>, vector<1024x512xbf16>, vector<512x512xf32> -> vector<512x512xf32>
    %slice3A_143 = vector.extract_strided_slice %get3A_129 {offsets = [2, 0, 0], sizes = [1, 512, 1024], strides = [1, 1, 1]} : vector<3x512x1024xbf16> to vector<1x512x1024xbf16>
    %squeeze3A_144 = vector.shape_cast %slice3A_143 : vector<1x512x1024xbf16> to vector<512x1024xbf16>
    %dot_general3A_145 = arith.constant dense<0.000000e+00> : vector<512x512xf32>
    %dot_general3A_146 = tpu.matmul %squeeze3A_144, %convert_element_type3A_19, %dot_general3A_145 {dimension_numbers = #tpu.dot_dimension_numbers<[1], [0], [0], [1], [0, 0, 1, 1], [], []>, transpose_lhs_hint = false} : vector<512x1024xbf16>, vector<1024x512xbf16>, vector<512x512xf32> -> vector<512x512xf32>
    %broadcast_in_dim3A_147 = arith.constant 0.000000e+00 : f32
    %broadcast_in_dim3A_148 = vector.broadcast %broadcast_in_dim3A_147 : f32 to vector<512x1xf32>
    %slice3A_149 = vector.extract_strided_slice %dot_general3A_138 {offsets = [0, 0], sizes = [512, 511], strides = [1, 1]} : vector<512x512xf32> to vector<512x511xf32>
    %concatenate3A_150 = tpu.concatenate %broadcast_in_dim3A_148, %slice3A_149 in 1 : vector<512x1xf32>, vector<512x511xf32> -> vector<512x512xf32>
    %add3A_151 = arith.addf %dot_general3A_142, %concatenate3A_150 : vector<512x512xf32>
    %slice3A_152 = vector.extract_strided_slice %dot_general3A_146 {offsets = [0, 1], sizes = [512, 511], strides = [1, 1]} : vector<512x512xf32> to vector<512x511xf32>
    %concatenate3A_153 = tpu.concatenate %slice3A_152, %broadcast_in_dim3A_148 in 1 : vector<512x511xf32>, vector<512x1xf32> -> vector<512x512xf32>
    %add3A_154 = arith.addf %add3A_151, %concatenate3A_153 : vector<512x512xf32>
    %add3A_155 = vector.broadcast %get3A_134 : vector<512x1xf32> to vector<512x512xf32>
    %add3A_156 = arith.addf %add3A_154, %add3A_155 : vector<512x512xf32>
    %max3A_157 = arith.constant 0.000000e+00 : f32
    %max3A_158 = vector.broadcast %max3A_157 : f32 to vector<512x512xf32>
    %max3A_159 = arith.maximumf %add3A_156, %max3A_158 : vector<512x512xf32>
    %get3A_160 = arith.constant 0 : index
    %get3A_161 = arith.constant 0 : index
    %get3A_162 = vector.load %arg7[%get3A_160, %get3A_161] : memref<512x128xf32, #tpu.memory_space<vmem>>, vector<512x1xf32>
    %get3A_163 = arith.constant 0 : index
    %get3A_164 = arith.constant 0 : index
    %get3A_165 = arith.constant 0 : index
    %get3A_166 = vector.load %arg6[%get3A_163, %get3A_164, %get3A_165] : memref<3x512x2048xbf16, #tpu.memory_space<vmem>>, vector<1x512x2048xbf16>
    %get3A_167 = vector.shape_cast %get3A_166 : vector<1x512x2048xbf16> to vector<512x2048xbf16>
    %dot_general3A_168 = arith.constant dense<0.000000e+00> : vector<512x512xf32>
    %dot_general3A_169 = tpu.matmul %get3A_167, %convert_element_type3A_20, %dot_general3A_168 {dimension_numbers = #tpu.dot_dimension_numbers<[1], [0], [0], [1], [0, 0, 1, 1], [], []>, transpose_lhs_hint = false} : vector<512x2048xbf16>, vector<2048x512xbf16>, vector<512x512xf32> -> vector<512x512xf32>
    %get3A_170 = arith.constant 1 : index
    %get3A_171 = arith.constant 0 : index
    %get3A_172 = arith.constant 0 : index
    %get3A_173 = vector.load %arg6[%get3A_170, %get3A_171, %get3A_172] : memref<3x512x2048xbf16, #tpu.memory_space<vmem>>, vector<1x512x2048xbf16>
    %get3A_174 = vector.shape_cast %get3A_173 : vector<1x512x2048xbf16> to vector<512x2048xbf16>
    %dot_general3A_175 = arith.constant dense<0.000000e+00> : vector<512x512xf32>
    %dot_general3A_176 = tpu.matmul %get3A_174, %convert_element_type3A_20, %dot_general3A_175 {dimension_numbers = #tpu.dot_dimension_numbers<[1], [0], [0], [1], [0, 0, 1, 1], [], []>, transpose_lhs_hint = false} : vector<512x2048xbf16>, vector<2048x512xbf16>, vector<512x512xf32> -> vector<512x512xf32>
    %get3A_177 = arith.constant 2 : index
    %get3A_178 = arith.constant 0 : index
    %get3A_179 = arith.constant 0 : index
    %get3A_180 = vector.load %arg6[%get3A_177, %get3A_178, %get3A_179] : memref<3x512x2048xbf16, #tpu.memory_space<vmem>>, vector<1x512x2048xbf16>
    %get3A_181 = vector.shape_cast %get3A_180 : vector<1x512x2048xbf16> to vector<512x2048xbf16>
    %dot_general3A_182 = arith.constant dense<0.000000e+00> : vector<512x512xf32>
    %dot_general3A_183 = tpu.matmul %get3A_181, %convert_element_type3A_20, %dot_general3A_182 {dimension_numbers = #tpu.dot_dimension_numbers<[1], [0], [0], [1], [0, 0, 1, 1], [], []>, transpose_lhs_hint = false} : vector<512x2048xbf16>, vector<2048x512xbf16>, vector<512x512xf32> -> vector<512x512xf32>
    %broadcast_in_dim3A_184 = arith.constant 0.000000e+00 : f32
    %broadcast_in_dim3A_185 = vector.broadcast %broadcast_in_dim3A_184 : f32 to vector<512x1xf32>
    %slice3A_186 = vector.extract_strided_slice %dot_general3A_169 {offsets = [0, 0], sizes = [512, 511], strides = [1, 1]} : vector<512x512xf32> to vector<512x511xf32>
    %concatenate3A_187 = tpu.concatenate %broadcast_in_dim3A_185, %slice3A_186 in 1 : vector<512x1xf32>, vector<512x511xf32> -> vector<512x512xf32>
    %add3A_188 = arith.addf %dot_general3A_176, %concatenate3A_187 : vector<512x512xf32>
    %slice3A_189 = vector.extract_strided_slice %dot_general3A_183 {offsets = [0, 1], sizes = [512, 511], strides = [1, 1]} : vector<512x512xf32> to vector<512x511xf32>
    %concatenate3A_190 = tpu.concatenate %slice3A_189, %broadcast_in_dim3A_185 in 1 : vector<512x511xf32>, vector<512x1xf32> -> vector<512x512xf32>
    %add3A_191 = arith.addf %add3A_188, %concatenate3A_190 : vector<512x512xf32>
    %add3A_192 = vector.broadcast %get3A_162 : vector<512x1xf32> to vector<512x512xf32>
    %add3A_193 = arith.addf %add3A_191, %add3A_192 : vector<512x512xf32>
    %max3A_194 = arith.constant 0.000000e+00 : f32
    %max3A_195 = vector.broadcast %max3A_194 : f32 to vector<512x512xf32>
    %max3A_196 = arith.maximumf %add3A_193, %max3A_195 : vector<512x512xf32>
    %convert_element_type3A_197 = arith.truncf %max3A_51 : vector<512x512xf32> to vector<512x512xbf16>
    %convert_element_type3A_198 = arith.extf %convert_element_type3A_197 : vector<512x512xbf16> to vector<512x512xf32>
    %get3A_199 = arith.constant 0 : index
    %get3A_200 = arith.constant 0 : index
    %get3A_201 = arith.constant 0 : index
    %get3A_202 = vector.load %arg4[%get3A_199, %get3A_200, %get3A_201] : memref<4x512x128xf32, #tpu.memory_space<vmem>>, vector<1x512x1xf32>
    %get3A_203 = vector.shape_cast %get3A_202 : vector<1x512x1xf32> to vector<512x1xf32>
    %mul3A_204 = vector.broadcast %get3A_203 : vector<512x1xf32> to vector<512x512xf32>
    %mul3A_205 = arith.mulf %convert_element_type3A_198, %mul3A_204 : vector<512x512xf32>
    %reduce_sum3A = arith.constant dense<0.000000e+00> : vector<512xf32>
    %reduce_sum3A_206 = vector.multi_reduction <add>, %mul3A_205, %reduce_sum3A [0] : vector<512x512xf32> to vector<512xf32>
    %broadcast_in_dim3A_207 = vector.shape_cast %reduce_sum3A_206 : vector<512xf32> to vector<1x512xf32>
    %get3A_208 = arith.constant 0 : index
    %get3A_209 = arith.constant 0 : index
    %get3A_210 = arith.constant 0 : index
    %get3A_211 = vector.load %arg5[%get3A_208, %get3A_209, %get3A_210] : memref<4x8x128xf32, #tpu.memory_space<vmem>>, vector<1x1x1xf32>
    %get3A_212 = vector.shape_cast %get3A_211 : vector<1x1x1xf32> to vector<1x1xf32>
    %add3A_213 = vector.broadcast %get3A_212 : vector<1x1xf32> to vector<1x512xf32>
    %add3A_214 = arith.addf %broadcast_in_dim3A_207, %add3A_213 : vector<1x512xf32>
    %logistic3A = arith.negf %add3A_214 : vector<1x512xf32>
    %logistic3A_215 = math.exp %logistic3A : vector<1x512xf32>
    %logistic3A_216 = arith.constant 1.000000e+00 : f32
    %logistic3A_217 = vector.broadcast %logistic3A_216 : f32 to vector<1x512xf32>
    %logistic3A_218 = arith.addf %logistic3A_217, %logistic3A_215 : vector<1x512xf32>
    %logistic3A_219 = arith.divf %logistic3A_217, %logistic3A_218 : vector<1x512xf32>
    %convert_element_type3A_220 = arith.truncf %max3A_87 : vector<512x512xf32> to vector<512x512xbf16>
    %convert_element_type3A_221 = arith.extf %convert_element_type3A_220 : vector<512x512xbf16> to vector<512x512xf32>
    %get3A_222 = arith.constant 1 : index
    %get3A_223 = arith.constant 0 : index
    %get3A_224 = arith.constant 0 : index
    %get3A_225 = vector.load %arg4[%get3A_222, %get3A_223, %get3A_224] : memref<4x512x128xf32, #tpu.memory_space<vmem>>, vector<1x512x1xf32>
    %get3A_226 = vector.shape_cast %get3A_225 : vector<1x512x1xf32> to vector<512x1xf32>
    %mul3A_227 = vector.broadcast %get3A_226 : vector<512x1xf32> to vector<512x512xf32>
    %mul3A_228 = arith.mulf %convert_element_type3A_221, %mul3A_227 : vector<512x512xf32>
    %reduce_sum3A_229 = arith.constant dense<0.000000e+00> : vector<512xf32>
    %reduce_sum3A_230 = vector.multi_reduction <add>, %mul3A_228, %reduce_sum3A_229 [0] : vector<512x512xf32> to vector<512xf32>
    %broadcast_in_dim3A_231 = vector.shape_cast %reduce_sum3A_230 : vector<512xf32> to vector<1x512xf32>
    %get3A_232 = arith.constant 1 : index
    %get3A_233 = arith.constant 0 : index
    %get3A_234 = arith.constant 0 : index
    %get3A_235 = vector.load %arg5[%get3A_232, %get3A_233, %get3A_234] : memref<4x8x128xf32, #tpu.memory_space<vmem>>, vector<1x1x1xf32>
    %get3A_236 = vector.shape_cast %get3A_235 : vector<1x1x1xf32> to vector<1x1xf32>
    %add3A_237 = vector.broadcast %get3A_236 : vector<1x1xf32> to vector<1x512xf32>
    %add3A_238 = arith.addf %broadcast_in_dim3A_231, %add3A_237 : vector<1x512xf32>
    %logistic3A_239 = arith.negf %add3A_238 : vector<1x512xf32>
    %logistic3A_240 = math.exp %logistic3A_239 : vector<1x512xf32>
    %logistic3A_241 = arith.constant 1.000000e+00 : f32
    %logistic3A_242 = vector.broadcast %logistic3A_241 : f32 to vector<1x512xf32>
    %logistic3A_243 = arith.addf %logistic3A_242, %logistic3A_240 : vector<1x512xf32>
    %logistic3A_244 = arith.divf %logistic3A_242, %logistic3A_243 : vector<1x512xf32>
    %convert_element_type3A_245 = arith.truncf %max3A_123 : vector<512x512xf32> to vector<512x512xbf16>
    %convert_element_type3A_246 = arith.extf %convert_element_type3A_245 : vector<512x512xbf16> to vector<512x512xf32>
    %get3A_247 = arith.constant 2 : index
    %get3A_248 = arith.constant 0 : index
    %get3A_249 = arith.constant 0 : index
    %get3A_250 = vector.load %arg4[%get3A_247, %get3A_248, %get3A_249] : memref<4x512x128xf32, #tpu.memory_space<vmem>>, vector<1x512x1xf32>
    %get3A_251 = vector.shape_cast %get3A_250 : vector<1x512x1xf32> to vector<512x1xf32>
    %mul3A_252 = vector.broadcast %get3A_251 : vector<512x1xf32> to vector<512x512xf32>
    %mul3A_253 = arith.mulf %convert_element_type3A_246, %mul3A_252 : vector<512x512xf32>
    %reduce_sum3A_254 = arith.constant dense<0.000000e+00> : vector<512xf32>
    %reduce_sum3A_255 = vector.multi_reduction <add>, %mul3A_253, %reduce_sum3A_254 [0] : vector<512x512xf32> to vector<512xf32>
    %broadcast_in_dim3A_256 = vector.shape_cast %reduce_sum3A_255 : vector<512xf32> to vector<1x512xf32>
    %get3A_257 = arith.constant 2 : index
    %get3A_258 = arith.constant 0 : index
    %get3A_259 = arith.constant 0 : index
    %get3A_260 = vector.load %arg5[%get3A_257, %get3A_258, %get3A_259] : memref<4x8x128xf32, #tpu.memory_space<vmem>>, vector<1x1x1xf32>
    %get3A_261 = vector.shape_cast %get3A_260 : vector<1x1x1xf32> to vector<1x1xf32>
    %add3A_262 = vector.broadcast %get3A_261 : vector<1x1xf32> to vector<1x512xf32>
    %add3A_263 = arith.addf %broadcast_in_dim3A_256, %add3A_262 : vector<1x512xf32>
    %logistic3A_264 = arith.negf %add3A_263 : vector<1x512xf32>
    %logistic3A_265 = math.exp %logistic3A_264 : vector<1x512xf32>
    %logistic3A_266 = arith.constant 1.000000e+00 : f32
    %logistic3A_267 = vector.broadcast %logistic3A_266 : f32 to vector<1x512xf32>
    %logistic3A_268 = arith.addf %logistic3A_267, %logistic3A_265 : vector<1x512xf32>
    %logistic3A_269 = arith.divf %logistic3A_267, %logistic3A_268 : vector<1x512xf32>
    %convert_element_type3A_270 = arith.truncf %max3A_159 : vector<512x512xf32> to vector<512x512xbf16>
    %convert_element_type3A_271 = arith.extf %convert_element_type3A_270 : vector<512x512xbf16> to vector<512x512xf32>
    %get3A_272 = arith.constant 3 : index
    %get3A_273 = arith.constant 0 : index
    %get3A_274 = arith.constant 0 : index
    %get3A_275 = vector.load %arg4[%get3A_272, %get3A_273, %get3A_274] : memref<4x512x128xf32, #tpu.memory_space<vmem>>, vector<1x512x1xf32>
    %get3A_276 = vector.shape_cast %get3A_275 : vector<1x512x1xf32> to vector<512x1xf32>
    %mul3A_277 = vector.broadcast %get3A_276 : vector<512x1xf32> to vector<512x512xf32>
    %mul3A_278 = arith.mulf %convert_element_type3A_271, %mul3A_277 : vector<512x512xf32>
    %reduce_sum3A_279 = arith.constant dense<0.000000e+00> : vector<512xf32>
    %reduce_sum3A_280 = vector.multi_reduction <add>, %mul3A_278, %reduce_sum3A_279 [0] : vector<512x512xf32> to vector<512xf32>
    %broadcast_in_dim3A_281 = vector.shape_cast %reduce_sum3A_280 : vector<512xf32> to vector<1x512xf32>
    %get3A_282 = arith.constant 3 : index
    %get3A_283 = arith.constant 0 : index
    %get3A_284 = arith.constant 0 : index
    %get3A_285 = vector.load %arg5[%get3A_282, %get3A_283, %get3A_284] : memref<4x8x128xf32, #tpu.memory_space<vmem>>, vector<1x1x1xf32>
    %get3A_286 = vector.shape_cast %get3A_285 : vector<1x1x1xf32> to vector<1x1xf32>
    %add3A_287 = vector.broadcast %get3A_286 : vector<1x1xf32> to vector<1x512xf32>
    %add3A_288 = arith.addf %broadcast_in_dim3A_281, %add3A_287 : vector<1x512xf32>
    %logistic3A_289 = arith.negf %add3A_288 : vector<1x512xf32>
    %logistic3A_290 = math.exp %logistic3A_289 : vector<1x512xf32>
    %logistic3A_291 = arith.constant 1.000000e+00 : f32
    %logistic3A_292 = vector.broadcast %logistic3A_291 : f32 to vector<1x512xf32>
    %logistic3A_293 = arith.addf %logistic3A_292, %logistic3A_290 : vector<1x512xf32>
    %logistic3A_294 = arith.divf %logistic3A_292, %logistic3A_293 : vector<1x512xf32>
    %get3A_295 = arith.constant 0 : index
    %get3A_296 = arith.constant 0 : index
    %get3A_297 = vector.load %arg8[%get3A_295, %get3A_296] : memref<8x512xbf16, #tpu.memory_space<vmem>>, vector<8x512xbf16>
    %convert_element_type3A_298 = arith.truncf %max3A_196 : vector<512x512xf32> to vector<512x512xbf16>
    %dot_general3A_299 = arith.constant dense<0.000000e+00> : vector<8x512xf32>
    %dot_general3A_300 = tpu.matmul %get3A_297, %convert_element_type3A_298, %dot_general3A_299 {dimension_numbers = #tpu.dot_dimension_numbers<[1], [0], [0], [1], [0, 0, 1, 1], [], []>, transpose_lhs_hint = false} : vector<8x512xbf16>, vector<512x512xbf16>, vector<8x512xf32> -> vector<8x512xf32>
    %get3A_301 = arith.constant 0 : index
    %get3A_302 = arith.constant 0 : index
    %get3A_303 = vector.load %arg9[%get3A_301, %get3A_302] : memref<8x128xf32, #tpu.memory_space<vmem>>, vector<8x1xf32>
    %add3A_304 = vector.broadcast %get3A_303 : vector<8x1xf32> to vector<8x512xf32>
    %add3A_305 = arith.addf %dot_general3A_300, %add3A_304 : vector<8x512xf32>
    %slice3A_306 = vector.extract_strided_slice %add3A_305 {offsets = [0, 0], sizes = [4, 512], strides = [1, 1]} : vector<8x512xf32> to vector<4x512xf32>
    %reduce_max3A = arith.constant dense<0xFF800000> : vector<512xf32>
    %reduce_max3A_307 = vector.multi_reduction <maximumf>, %slice3A_306, %reduce_max3A [0] : vector<4x512xf32> to vector<512xf32>
    %broadcast_in_dim3A_308 = vector.shape_cast %reduce_max3A_307 : vector<512xf32> to vector<1x512xf32>
    %sub3A = vector.broadcast %broadcast_in_dim3A_308 : vector<1x512xf32> to vector<4x512xf32>
    %sub3A_309 = arith.subf %slice3A_306, %sub3A : vector<4x512xf32>
    %exp3A = math.exp %sub3A_309 : vector<4x512xf32>
    %reduce_sum3A_310 = arith.constant dense<0.000000e+00> : vector<512xf32>
    %reduce_sum3A_311 = vector.multi_reduction <add>, %exp3A, %reduce_sum3A_310 [0] : vector<4x512xf32> to vector<512xf32>
    %broadcast_in_dim3A_312 = vector.shape_cast %reduce_sum3A_311 : vector<512xf32> to vector<1x512xf32>
    %div3A = vector.broadcast %broadcast_in_dim3A_312 : vector<1x512xf32> to vector<4x512xf32>
    %div3A_313 = arith.divf %exp3A, %div3A : vector<4x512xf32>
    %slice3A_314 = vector.extract_strided_slice %div3A_313 {offsets = [0, 0], sizes = [1, 512], strides = [1, 1]} : vector<4x512xf32> to vector<1x512xf32>
    %mul3A_315 = arith.constant 5.000000e-01 : f32
    %mul3A_316 = vector.broadcast %mul3A_315 : f32 to vector<1x512xf32>
    %mul3A_317 = arith.mulf %mul3A_316, %slice3A_314 : vector<1x512xf32>
    %mul3A_318 = vector.broadcast %mul3A_317 : vector<1x512xf32> to vector<512x512xf32>
    %mul3A_319 = arith.mulf %mul3A_318, %max3A_51 : vector<512x512xf32>
    %slice3A_320 = vector.extract_strided_slice %div3A_313 {offsets = [1, 0], sizes = [1, 512], strides = [1, 1]} : vector<4x512xf32> to vector<1x512xf32>
    %mul3A_321 = arith.constant 5.000000e-01 : f32
    %mul3A_322 = vector.broadcast %mul3A_321 : f32 to vector<1x512xf32>
    %mul3A_323 = arith.mulf %mul3A_322, %slice3A_320 : vector<1x512xf32>
    %mul3A_324 = vector.broadcast %mul3A_323 : vector<1x512xf32> to vector<512x512xf32>
    %mul3A_325 = arith.mulf %mul3A_324, %max3A_87 : vector<512x512xf32>
    %add3A_326 = arith.addf %mul3A_319, %mul3A_325 : vector<512x512xf32>
    %slice3A_327 = vector.extract_strided_slice %div3A_313 {offsets = [2, 0], sizes = [1, 512], strides = [1, 1]} : vector<4x512xf32> to vector<1x512xf32>
    %mul3A_328 = arith.constant 7.500000e-01 : f32
    %mul3A_329 = vector.broadcast %mul3A_328 : f32 to vector<1x512xf32>
    %mul3A_330 = arith.mulf %mul3A_329, %slice3A_327 : vector<1x512xf32>
    %mul3A_331 = vector.broadcast %mul3A_330 : vector<1x512xf32> to vector<512x512xf32>
    %mul3A_332 = arith.mulf %mul3A_331, %max3A_123 : vector<512x512xf32>
    %add3A_333 = arith.addf %add3A_326, %mul3A_332 : vector<512x512xf32>
    %slice3A_334 = vector.extract_strided_slice %div3A_313 {offsets = [3, 0], sizes = [1, 512], strides = [1, 1]} : vector<4x512xf32> to vector<1x512xf32>
    %mul3A_335 = arith.constant 2.500000e-01 : f32
    %mul3A_336 = vector.broadcast %mul3A_335 : f32 to vector<1x512xf32>
    %mul3A_337 = arith.mulf %mul3A_336, %slice3A_334 : vector<1x512xf32>
    %mul3A_338 = vector.broadcast %mul3A_337 : vector<1x512xf32> to vector<512x512xf32>
    %mul3A_339 = arith.mulf %mul3A_338, %max3A_159 : vector<512x512xf32>
    %add3A_340 = arith.addf %add3A_333, %mul3A_339 : vector<512x512xf32>
    %get3A_341 = arith.constant 0 : index
    %get3A_342 = arith.constant 0 : index
    %get3A_343 = vector.load %arg10[%get3A_341, %get3A_342] : memref<20x512xbf16, #tpu.memory_space<vmem>>, vector<20x512xbf16>
    %convert_element_type3A_344 = arith.truncf %add3A_340 : vector<512x512xf32> to vector<512x512xbf16>
    %dot_general3A_345 = arith.constant dense<0.000000e+00> : vector<20x512xf32>
    %dot_general3A_346 = tpu.matmul %get3A_343, %convert_element_type3A_344, %dot_general3A_345 {dimension_numbers = #tpu.dot_dimension_numbers<[1], [0], [0], [1], [0, 0, 1, 1], [], []>, transpose_lhs_hint = false} : vector<20x512xbf16>, vector<512x512xbf16>, vector<20x512xf32> -> vector<20x512xf32>
    %get3A_347 = arith.constant 0 : index
    %get3A_348 = arith.constant 0 : index
    %get3A_349 = vector.load %arg11[%get3A_347, %get3A_348] : memref<20x128xf32, #tpu.memory_space<vmem>>, vector<20x1xf32>
    %add3A_350 = vector.broadcast %get3A_349 : vector<20x1xf32> to vector<20x512xf32>
    %add3A_351 = arith.addf %dot_general3A_346, %add3A_350 : vector<20x512xf32>
    %reduce_sum3A_352 = arith.constant dense<0.000000e+00> : vector<512xf32>
    %reduce_sum3A_353 = vector.multi_reduction <add>, %add3A_351, %reduce_sum3A_352 [0] : vector<20x512xf32> to vector<512xf32>
    %broadcast_in_dim3A_354 = vector.shape_cast %reduce_sum3A_353 : vector<512xf32> to vector<1x512xf32>
    %logistic3A_355 = arith.negf %broadcast_in_dim3A_354 : vector<1x512xf32>
    %logistic3A_356 = math.exp %logistic3A_355 : vector<1x512xf32>
    %logistic3A_357 = arith.constant 1.000000e+00 : f32
    %logistic3A_358 = vector.broadcast %logistic3A_357 : f32 to vector<1x512xf32>
    %logistic3A_359 = arith.addf %logistic3A_358, %logistic3A_356 : vector<1x512xf32>
    %logistic3A_360 = arith.divf %logistic3A_358, %logistic3A_359 : vector<1x512xf32>
    %min3A = arith.minimumf %logistic3A_219, %logistic3A_244 : vector<1x512xf32>
    %mul3A_361 = arith.constant 6.000000e-01 : f32
    %mul3A_362 = vector.broadcast %mul3A_361 : f32 to vector<1x512xf32>
    %mul3A_363 = arith.mulf %mul3A_362, %logistic3A_269 : vector<1x512xf32>
    %mul3A_364 = arith.constant 4.000000e-01 : f32
    %mul3A_365 = vector.broadcast %mul3A_364 : f32 to vector<1x512xf32>
    %mul3A_366 = arith.mulf %mul3A_365, %logistic3A_294 : vector<1x512xf32>
    %add3A_367 = arith.addf %mul3A_363, %mul3A_366 : vector<1x512xf32>
    %mul3A_368 = arith.constant 5.000000e-01 : f32
    %mul3A_369 = vector.broadcast %mul3A_368 : f32 to vector<1x512xf32>
    %mul3A_370 = arith.mulf %mul3A_369, %logistic3A_219 : vector<1x512xf32>
    %add3A_371 = arith.addf %add3A_367, %mul3A_370 : vector<1x512xf32>
    %mul3A_372 = arith.constant 5.000000e-01 : f32
    %mul3A_373 = vector.broadcast %mul3A_372 : f32 to vector<1x512xf32>
    %mul3A_374 = arith.mulf %mul3A_373, %logistic3A_244 : vector<1x512xf32>
    %add3A_375 = arith.addf %add3A_371, %mul3A_374 : vector<1x512xf32>
    %div3A_376 = arith.constant 4.000000e+00 : f32
    %div3A_377 = vector.broadcast %div3A_376 : f32 to vector<1x512xf32>
    %div3A_378 = arith.divf %add3A_375, %div3A_377 : vector<1x512xf32>
    %mul3A_379 = arith.constant 8.000000e-01 : f32
    %mul3A_380 = vector.broadcast %mul3A_379 : f32 to vector<1x512xf32>
    %mul3A_381 = arith.mulf %mul3A_380, %div3A_378 : vector<1x512xf32>
    %mul3A_382 = arith.constant 2.000000e-01 : f32
    %mul3A_383 = vector.broadcast %mul3A_382 : f32 to vector<1x512xf32>
    %mul3A_384 = arith.mulf %mul3A_383, %min3A : vector<1x512xf32>
    %add3A_385 = arith.addf %mul3A_381, %mul3A_384 : vector<1x512xf32>
    %iota3A = tpu.iota {dimensions = array<i32: 0>} : vector<500x1xi32>
    %iota3A_386 = tpu.iota {dimensions = array<i32: 1>} : vector<1x500xi32>
    %broadcast_in_dim3A_387 = arith.constant 0.000000e+00 : f32
    %broadcast_in_dim3A_388 = vector.broadcast %broadcast_in_dim3A_387 : f32 to vector<6x512xf32>
    %concatenate3A_389 = tpu.concatenate %logistic3A_360, %add3A_385, %broadcast_in_dim3A_388 in 0 : vector<1x512xf32>, vector<1x512xf32>, vector<6x512xf32> -> vector<8x512xf32>
    %transpose3A = tpu.transpose %concatenate3A_389, [1, 0] : vector<8x512xf32> -> vector<512x8xf32>
    %slice3A_390 = vector.extract_strided_slice %transpose3A {offsets = [0, 0], sizes = [500, 1], strides = [1, 1]} : vector<512x8xf32> to vector<500x1xf32>
    %slice3A_391 = vector.extract_strided_slice %logistic3A_360 {offsets = [0, 0], sizes = [1, 500], strides = [1, 1]} : vector<1x512xf32> to vector<1x500xf32>
    %gt3A = vector.broadcast %slice3A_390 : vector<500x1xf32> to vector<500x500xf32>
    %gt3A_392 = vector.broadcast %slice3A_391 : vector<1x500xf32> to vector<500x500xf32>
    %gt3A_393 = arith.cmpf ogt, %gt3A, %gt3A_392 : vector<500x500xf32>
    %convert_element_type3A_394 = arith.extui %gt3A_393 : vector<500x500xi1> to vector<500x500xi32>
    %eq3A = vector.broadcast %slice3A_390 : vector<500x1xf32> to vector<500x500xf32>
    %eq3A_395 = vector.broadcast %slice3A_391 : vector<1x500xf32> to vector<500x500xf32>
    %eq3A_396 = arith.cmpf oeq, %eq3A, %eq3A_395 : vector<500x500xf32>
    %lt3A = vector.broadcast %iota3A_386 : vector<1x500xi32> to vector<500x500xi32>
    %lt3A_397 = vector.broadcast %iota3A : vector<500x1xi32> to vector<500x500xi32>
    %lt3A_398 = arith.cmpi slt, %lt3A, %lt3A_397 : vector<500x500xi32>
    %and3A = arith.andi %eq3A_396, %lt3A_398 : vector<500x500xi1>
    %convert_element_type3A_399 = arith.extui %and3A : vector<500x500xi1> to vector<500x500xi32>
    %add3A_400 = arith.addi %convert_element_type3A_394, %convert_element_type3A_399 : vector<500x500xi32>
    %reduce_sum3A_401 = arith.constant dense<0> : vector<500xi32>
    %reduce_sum3A_402 = vector.multi_reduction <add>, %add3A_400, %reduce_sum3A_401 [1] : vector<500x500xi32> to vector<500xi32>
    %broadcast_in_dim3A_403 = vector.shape_cast %reduce_sum3A_402 : vector<500xi32> to vector<500x1xi32>
    %eq3A_404 = arith.constant 249 : i32
    %eq3A_405 = vector.broadcast %eq3A_404 : i32 to vector<500x1xi32>
    %eq3A_406 = arith.cmpi eq, %broadcast_in_dim3A_403, %eq3A_405 : vector<500x1xi32>
    %jit3A = arith.constant 0.000000e+00 : f32
    %broadcast_in_dim3A_407 = vector.broadcast %jit3A : f32 to vector<500x1xf32>
    %select_n3A = arith.select %eq3A_406, %slice3A_390, %broadcast_in_dim3A_407 : vector<500x1xi1>, vector<500x1xf32>
    %reduce_sum3A_408 = arith.constant dense<0.000000e+00> : vector<1xf32>
    %reduce_sum3A_409 = vector.multi_reduction <add>, %select_n3A, %reduce_sum3A_408 [0] : vector<500x1xf32> to vector<1xf32>
    %broadcast_in_dim3A_410 = vector.shape_cast %reduce_sum3A_409 : vector<1xf32> to vector<1x1xf32>
    %eq3A_411 = arith.constant 250 : i32
    %eq3A_412 = vector.broadcast %eq3A_411 : i32 to vector<500x1xi32>
    %eq3A_413 = arith.cmpi eq, %broadcast_in_dim3A_403, %eq3A_412 : vector<500x1xi32>
    %jit3A_414 = arith.constant 0.000000e+00 : f32
    %broadcast_in_dim3A_415 = vector.broadcast %jit3A_414 : f32 to vector<500x1xf32>
    %select_n3A_416 = arith.select %eq3A_413, %slice3A_390, %broadcast_in_dim3A_415 : vector<500x1xi1>, vector<500x1xf32>
    %reduce_sum3A_417 = arith.constant dense<0.000000e+00> : vector<1xf32>
    %reduce_sum3A_418 = vector.multi_reduction <add>, %select_n3A_416, %reduce_sum3A_417 [0] : vector<500x1xf32> to vector<1xf32>
    %broadcast_in_dim3A_419 = vector.shape_cast %reduce_sum3A_418 : vector<1xf32> to vector<1x1xf32>
    %mul3A_420 = arith.constant 5.000000e-01 : f32
    %mul3A_421 = vector.broadcast %mul3A_420 : f32 to vector<1x1xf32>
    %mul3A_422 = arith.mulf %broadcast_in_dim3A_410, %mul3A_421 : vector<1x1xf32>
    %mul3A_423 = arith.constant 5.000000e-01 : f32
    %mul3A_424 = vector.broadcast %mul3A_423 : f32 to vector<1x1xf32>
    %mul3A_425 = arith.mulf %broadcast_in_dim3A_419, %mul3A_424 : vector<1x1xf32>
    %add3A_426 = arith.addf %mul3A_422, %mul3A_425 : vector<1x1xf32>
    %slice3A_427 = vector.extract_strided_slice %transpose3A {offsets = [0, 1], sizes = [500, 1], strides = [1, 1]} : vector<512x8xf32> to vector<500x1xf32>
    %slice3A_428 = vector.extract_strided_slice %add3A_385 {offsets = [0, 0], sizes = [1, 500], strides = [1, 1]} : vector<1x512xf32> to vector<1x500xf32>
    %gt3A_429 = vector.broadcast %slice3A_427 : vector<500x1xf32> to vector<500x500xf32>
    %gt3A_430 = vector.broadcast %slice3A_428 : vector<1x500xf32> to vector<500x500xf32>
    %gt3A_431 = arith.cmpf ogt, %gt3A_429, %gt3A_430 : vector<500x500xf32>
    %convert_element_type3A_432 = arith.extui %gt3A_431 : vector<500x500xi1> to vector<500x500xi32>
    %eq3A_433 = vector.broadcast %slice3A_427 : vector<500x1xf32> to vector<500x500xf32>
    %eq3A_434 = vector.broadcast %slice3A_428 : vector<1x500xf32> to vector<500x500xf32>
    %eq3A_435 = arith.cmpf oeq, %eq3A_433, %eq3A_434 : vector<500x500xf32>
    %lt3A_436 = vector.broadcast %iota3A_386 : vector<1x500xi32> to vector<500x500xi32>
    %lt3A_437 = vector.broadcast %iota3A : vector<500x1xi32> to vector<500x500xi32>
    %lt3A_438 = arith.cmpi slt, %lt3A_436, %lt3A_437 : vector<500x500xi32>
    %and3A_439 = arith.andi %eq3A_435, %lt3A_438 : vector<500x500xi1>
    %convert_element_type3A_440 = arith.extui %and3A_439 : vector<500x500xi1> to vector<500x500xi32>
    %add3A_441 = arith.addi %convert_element_type3A_432, %convert_element_type3A_440 : vector<500x500xi32>
    %reduce_sum3A_442 = arith.constant dense<0> : vector<500xi32>
    %reduce_sum3A_443 = vector.multi_reduction <add>, %add3A_441, %reduce_sum3A_442 [1] : vector<500x500xi32> to vector<500xi32>
    %broadcast_in_dim3A_444 = vector.shape_cast %reduce_sum3A_443 : vector<500xi32> to vector<500x1xi32>
    %eq3A_445 = arith.constant 249 : i32
    %eq3A_446 = vector.broadcast %eq3A_445 : i32 to vector<500x1xi32>
    %eq3A_447 = arith.cmpi eq, %broadcast_in_dim3A_444, %eq3A_446 : vector<500x1xi32>
    %jit3A_448 = arith.constant 0.000000e+00 : f32
    %broadcast_in_dim3A_449 = vector.broadcast %jit3A_448 : f32 to vector<500x1xf32>
    %select_n3A_450 = arith.select %eq3A_447, %slice3A_427, %broadcast_in_dim3A_449 : vector<500x1xi1>, vector<500x1xf32>
    %reduce_sum3A_451 = arith.constant dense<0.000000e+00> : vector<1xf32>
    %reduce_sum3A_452 = vector.multi_reduction <add>, %select_n3A_450, %reduce_sum3A_451 [0] : vector<500x1xf32> to vector<1xf32>
    %broadcast_in_dim3A_453 = vector.shape_cast %reduce_sum3A_452 : vector<1xf32> to vector<1x1xf32>
    %eq3A_454 = arith.constant 250 : i32
    %eq3A_455 = vector.broadcast %eq3A_454 : i32 to vector<500x1xi32>
    %eq3A_456 = arith.cmpi eq, %broadcast_in_dim3A_444, %eq3A_455 : vector<500x1xi32>
    %jit3A_457 = arith.constant 0.000000e+00 : f32
    %broadcast_in_dim3A_458 = vector.broadcast %jit3A_457 : f32 to vector<500x1xf32>
    %select_n3A_459 = arith.select %eq3A_456, %slice3A_427, %broadcast_in_dim3A_458 : vector<500x1xi1>, vector<500x1xf32>
    %reduce_sum3A_460 = arith.constant dense<0.000000e+00> : vector<1xf32>
    %reduce_sum3A_461 = vector.multi_reduction <add>, %select_n3A_459, %reduce_sum3A_460 [0] : vector<500x1xf32> to vector<1xf32>
    %broadcast_in_dim3A_462 = vector.shape_cast %reduce_sum3A_461 : vector<1xf32> to vector<1x1xf32>
    %mul3A_463 = arith.constant 5.000000e-01 : f32
    %mul3A_464 = vector.broadcast %mul3A_463 : f32 to vector<1x1xf32>
    %mul3A_465 = arith.mulf %broadcast_in_dim3A_453, %mul3A_464 : vector<1x1xf32>
    %mul3A_466 = arith.constant 5.000000e-01 : f32
    %mul3A_467 = vector.broadcast %mul3A_466 : f32 to vector<1x1xf32>
    %mul3A_468 = arith.mulf %broadcast_in_dim3A_462, %mul3A_467 : vector<1x1xf32>
    %add3A_469 = arith.addf %mul3A_465, %mul3A_468 : vector<1x1xf32>
    %gt3A_470 = vector.broadcast %add3A_426 : vector<1x1xf32> to vector<1x512xf32>
    %gt3A_471 = arith.cmpf ogt, %logistic3A_360, %gt3A_470 : vector<1x512xf32>
    %jit3A_472 = arith.constant 1.000000e+00 : f32
    %jit3A_473 = arith.constant 0.000000e+00 : f32
    %broadcast_in_dim3A_474 = vector.broadcast %jit3A_472 : f32 to vector<1x512xf32>
    %broadcast_in_dim3A_475 = vector.broadcast %jit3A_473 : f32 to vector<1x512xf32>
    %select_n3A_476 = arith.select %gt3A_471, %broadcast_in_dim3A_474, %broadcast_in_dim3A_475 : vector<1x512xi1>, vector<1x512xf32>
    %gt3A_477 = vector.broadcast %add3A_469 : vector<1x1xf32> to vector<1x512xf32>
    %gt3A_478 = arith.cmpf ogt, %add3A_385, %gt3A_477 : vector<1x512xf32>
    %jit3A_479 = arith.constant 1.000000e+00 : f32
    %jit3A_480 = arith.constant 0.000000e+00 : f32
    %broadcast_in_dim3A_481 = vector.broadcast %jit3A_479 : f32 to vector<1x512xf32>
    %broadcast_in_dim3A_482 = vector.broadcast %jit3A_480 : f32 to vector<1x512xf32>
    %select_n3A_483 = arith.select %gt3A_478, %broadcast_in_dim3A_481, %broadcast_in_dim3A_482 : vector<1x512xi1>, vector<1x512xf32>
    %add3A_484 = arith.addf %select_n3A_476, %select_n3A_483 : vector<1x512xf32>
    %eq3A_485 = arith.constant 2.000000e+00 : f32
    %eq3A_486 = vector.broadcast %eq3A_485 : f32 to vector<1x512xf32>
    %eq3A_487 = arith.cmpf oeq, %add3A_484, %eq3A_486 : vector<1x512xf32>
    %jit3A_488 = arith.constant 1.000000e+00 : f32
    %jit3A_489 = arith.constant 0.000000e+00 : f32
    %broadcast_in_dim3A_490 = vector.broadcast %jit3A_488 : f32 to vector<1x512xf32>
    %broadcast_in_dim3A_491 = vector.broadcast %jit3A_489 : f32 to vector<1x512xf32>
    %select_n3A_492 = arith.select %eq3A_487, %broadcast_in_dim3A_490, %broadcast_in_dim3A_491 : vector<1x512xi1>, vector<1x512xf32>
    %eq3A_493 = arith.constant 0.000000e+00 : f32
    %eq3A_494 = vector.broadcast %eq3A_493 : f32 to vector<1x512xf32>
    %eq3A_495 = arith.cmpf oeq, %add3A_484, %eq3A_494 : vector<1x512xf32>
    %jit3A_496 = arith.constant 1.000000e+00 : f32
    %jit3A_497 = arith.constant 0.000000e+00 : f32
    %broadcast_in_dim3A_498 = vector.broadcast %jit3A_496 : f32 to vector<1x512xf32>
    %broadcast_in_dim3A_499 = vector.broadcast %jit3A_497 : f32 to vector<1x512xf32>
    %select_n3A_500 = arith.select %eq3A_495, %broadcast_in_dim3A_498, %broadcast_in_dim3A_499 : vector<1x512xi1>, vector<1x512xf32>
    %eq3A_501 = arith.constant 1.000000e+00 : f32
    %eq3A_502 = vector.broadcast %eq3A_501 : f32 to vector<1x512xf32>
    %eq3A_503 = arith.cmpf oeq, %add3A_484, %eq3A_502 : vector<1x512xf32>
    %jit3A_504 = arith.constant 1.000000e+00 : f32
    %jit3A_505 = arith.constant 0.000000e+00 : f32
    %broadcast_in_dim3A_506 = vector.broadcast %jit3A_504 : f32 to vector<1x512xf32>
    %broadcast_in_dim3A_507 = vector.broadcast %jit3A_505 : f32 to vector<1x512xf32>
    %select_n3A_508 = arith.select %eq3A_503, %broadcast_in_dim3A_506, %broadcast_in_dim3A_507 : vector<1x512xi1>, vector<1x512xf32>
    %slice3A_509 = vector.extract_strided_slice %logistic3A_360 {offsets = [0, 0], sizes = [1, 500], strides = [1, 1]} : vector<1x512xf32> to vector<1x500xf32>
    %reduce_max3A_510 = arith.constant dense<0xFF800000> : vector<1xf32>
    %reduce_max3A_511 = vector.multi_reduction <maximumf>, %slice3A_509, %reduce_max3A_510 [1] : vector<1x500xf32> to vector<1xf32>
    %broadcast_in_dim3A_512 = vector.shape_cast %reduce_max3A_511 : vector<1xf32> to vector<1x1xf32>
    %sub3A_513 = vector.broadcast %broadcast_in_dim3A_512 : vector<1x1xf32> to vector<1x512xf32>
    %sub3A_514 = arith.subf %sub3A_513, %logistic3A_360 : vector<1x512xf32>
    %mul3A_515 = arith.mulf %logistic3A_360, %select_n3A_492 : vector<1x512xf32>
    %mul3A_516 = arith.mulf %sub3A_514, %select_n3A_500 : vector<1x512xf32>
    %sub3A_517 = arith.constant 4.000000e-01 : f32
    %sub3A_518 = vector.broadcast %sub3A_517 : f32 to vector<1x512xf32>
    %sub3A_519 = arith.subf %logistic3A_360, %sub3A_518 : vector<1x512xf32>
    %mul3A_520 = arith.constant 5.000000e+00 : f32
    %mul3A_521 = vector.broadcast %mul3A_520 : f32 to vector<1x512xf32>
    %mul3A_522 = arith.mulf %sub3A_519, %mul3A_521 : vector<1x512xf32>
    %logistic3A_523 = arith.negf %mul3A_522 : vector<1x512xf32>
    %logistic3A_524 = math.exp %logistic3A_523 : vector<1x512xf32>
    %logistic3A_525 = arith.constant 1.000000e+00 : f32
    %logistic3A_526 = vector.broadcast %logistic3A_525 : f32 to vector<1x512xf32>
    %logistic3A_527 = arith.addf %logistic3A_526, %logistic3A_524 : vector<1x512xf32>
    %logistic3A_528 = arith.divf %logistic3A_526, %logistic3A_527 : vector<1x512xf32>
    %mul3A_529 = arith.mulf %logistic3A_360, %select_n3A_508 : vector<1x512xf32>
    %mul3A_530 = arith.mulf %mul3A_529, %logistic3A_528 : vector<1x512xf32>
    %sub3A_531 = arith.constant 3.000000e-01 : f32
    %sub3A_532 = vector.broadcast %sub3A_531 : f32 to vector<1x512xf32>
    %sub3A_533 = arith.subf %sub3A_532, %logistic3A_360 : vector<1x512xf32>
    %mul3A_534 = arith.constant 5.000000e+00 : f32
    %mul3A_535 = vector.broadcast %mul3A_534 : f32 to vector<1x512xf32>
    %mul3A_536 = arith.mulf %sub3A_533, %mul3A_535 : vector<1x512xf32>
    %logistic3A_537 = arith.negf %mul3A_536 : vector<1x512xf32>
    %logistic3A_538 = math.exp %logistic3A_537 : vector<1x512xf32>
    %logistic3A_539 = arith.constant 1.000000e+00 : f32
    %logistic3A_540 = vector.broadcast %logistic3A_539 : f32 to vector<1x512xf32>
    %logistic3A_541 = arith.addf %logistic3A_540, %logistic3A_538 : vector<1x512xf32>
    %logistic3A_542 = arith.divf %logistic3A_540, %logistic3A_541 : vector<1x512xf32>
    %mul3A_543 = arith.mulf %sub3A_514, %select_n3A_508 : vector<1x512xf32>
    %mul3A_544 = arith.mulf %logistic3A_542, %select_n3A_508 : vector<1x512xf32>
    %add3A_545 = arith.addf %mul3A_543, %mul3A_544 : vector<1x512xf32>
    %broadcast_in_dim3A_546 = arith.constant 0.000000e+00 : f32
    %broadcast_in_dim3A_547 = vector.broadcast %broadcast_in_dim3A_546 : f32 to vector<4x512xf32>
    %concatenate3A_548 = tpu.concatenate %mul3A_515, %mul3A_516, %mul3A_530, %add3A_545, %broadcast_in_dim3A_547 in 0 : vector<1x512xf32>, vector<1x512xf32>, vector<1x512xf32>, vector<1x512xf32>, vector<4x512xf32> -> vector<8x512xf32>
    %transpose3A_549 = tpu.transpose %concatenate3A_548, [1, 0] : vector<8x512xf32> -> vector<512x8xf32>
    %iota3A_550 = tpu.iota {dimensions = array<i32: 1>} : vector<1x128xi32>
    %slice3A_551 = vector.extract_strided_slice %transpose3A_549 {offsets = [0, 0], sizes = [500, 1], strides = [1, 1]} : vector<512x8xf32> to vector<500x1xf32>
    %slice3A_552 = vector.extract_strided_slice %mul3A_515 {offsets = [0, 0], sizes = [1, 500], strides = [1, 1]} : vector<1x512xf32> to vector<1x500xf32>
    %gt3A_553 = vector.broadcast %slice3A_552 : vector<1x500xf32> to vector<500x500xf32>
    %gt3A_554 = vector.broadcast %slice3A_551 : vector<500x1xf32> to vector<500x500xf32>
    %gt3A_555 = arith.cmpf ogt, %gt3A_553, %gt3A_554 : vector<500x500xf32>
    %convert_element_type3A_556 = arith.extui %gt3A_555 : vector<500x500xi1> to vector<500x500xi32>
    %eq3A_557 = vector.broadcast %slice3A_552 : vector<1x500xf32> to vector<500x500xf32>
    %eq3A_558 = vector.broadcast %slice3A_551 : vector<500x1xf32> to vector<500x500xf32>
    %eq3A_559 = arith.cmpf oeq, %eq3A_557, %eq3A_558 : vector<500x500xf32>
    %lt3A_560 = vector.broadcast %iota3A_386 : vector<1x500xi32> to vector<500x500xi32>
    %lt3A_561 = vector.broadcast %iota3A : vector<500x1xi32> to vector<500x500xi32>
    %lt3A_562 = arith.cmpi slt, %lt3A_560, %lt3A_561 : vector<500x500xi32>
    %and3A_563 = arith.andi %eq3A_559, %lt3A_562 : vector<500x500xi1>
    %convert_element_type3A_564 = arith.extui %and3A_563 : vector<500x500xi1> to vector<500x500xi32>
    %add3A_565 = arith.addi %convert_element_type3A_556, %convert_element_type3A_564 : vector<500x500xi32>
    %reduce_sum3A_566 = arith.constant dense<0> : vector<500xi32>
    %reduce_sum3A_567 = vector.multi_reduction <add>, %add3A_565, %reduce_sum3A_566 [1] : vector<500x500xi32> to vector<500xi32>
    %broadcast_in_dim3A_568 = vector.shape_cast %reduce_sum3A_567 : vector<500xi32> to vector<500x1xi32>
    %eq3A_569 = vector.broadcast %broadcast_in_dim3A_568 : vector<500x1xi32> to vector<500x128xi32>
    %eq3A_570 = vector.broadcast %iota3A_550 : vector<1x128xi32> to vector<500x128xi32>
    %eq3A_571 = arith.cmpi eq, %eq3A_569, %eq3A_570 : vector<500x128xi32>
    %convert_element_type3A_572 = arith.extui %eq3A_571 : vector<500x128xi1> to vector<500x128xi32>
    %mul3A_573 = vector.broadcast %iota3A : vector<500x1xi32> to vector<500x128xi32>
    %mul3A_574 = arith.muli %mul3A_573, %convert_element_type3A_572 : vector<500x128xi32>
    %reduce_sum3A_575 = arith.constant dense<0> : vector<128xi32>
    %reduce_sum3A_576 = vector.multi_reduction <add>, %mul3A_574, %reduce_sum3A_575 [0] : vector<500x128xi32> to vector<128xi32>
    %broadcast_in_dim3A_577 = vector.shape_cast %reduce_sum3A_576 : vector<128xi32> to vector<1x128xi32>
    %swap3A = arith.constant 0 : index
    %swap3A_578 = arith.constant 0 : index
    %swap3A_579 = arith.constant 0 : index
    %swap3A_580 = vector.load %arg17[%swap3A, %swap3A_578, %swap3A_579] : memref<1x8x128xi32, #tpu.memory_space<vmem>>, vector<1x1x128xi32>
    %swap3A_581 = vector.shape_cast %swap3A_580 : vector<1x1x128xi32> to vector<1x128xi32>
    %swap3A_582 = vector.shape_cast %broadcast_in_dim3A_577 : vector<1x128xi32> to vector<1x1x128xi32>
    tpu.vector_store %arg17[%swap3A, %swap3A_578, %swap3A_579], %swap3A_582 {strides = array<i32>} : memref<1x8x128xi32, #tpu.memory_space<vmem>>, vector<1x1x128xi32>,
    %slice3A_583 = vector.extract_strided_slice %transpose3A_549 {offsets = [0, 1], sizes = [500, 1], strides = [1, 1]} : vector<512x8xf32> to vector<500x1xf32>
    %slice3A_584 = vector.extract_strided_slice %mul3A_516 {offsets = [0, 0], sizes = [1, 500], strides = [1, 1]} : vector<1x512xf32> to vector<1x500xf32>
    %gt3A_585 = vector.broadcast %slice3A_584 : vector<1x500xf32> to vector<500x500xf32>
    %gt3A_586 = vector.broadcast %slice3A_583 : vector<500x1xf32> to vector<500x500xf32>
    %gt3A_587 = arith.cmpf ogt, %gt3A_585, %gt3A_586 : vector<500x500xf32>
    %convert_element_type3A_588 = arith.extui %gt3A_587 : vector<500x500xi1> to vector<500x500xi32>
    %eq3A_589 = vector.broadcast %slice3A_584 : vector<1x500xf32> to vector<500x500xf32>
    %eq3A_590 = vector.broadcast %slice3A_583 : vector<500x1xf32> to vector<500x500xf32>
    %eq3A_591 = arith.cmpf oeq, %eq3A_589, %eq3A_590 : vector<500x500xf32>
    %lt3A_592 = vector.broadcast %iota3A_386 : vector<1x500xi32> to vector<500x500xi32>
    %lt3A_593 = vector.broadcast %iota3A : vector<500x1xi32> to vector<500x500xi32>
    %lt3A_594 = arith.cmpi slt, %lt3A_592, %lt3A_593 : vector<500x500xi32>
    %and3A_595 = arith.andi %eq3A_591, %lt3A_594 : vector<500x500xi1>
    %convert_element_type3A_596 = arith.extui %and3A_595 : vector<500x500xi1> to vector<500x500xi32>
    %add3A_597 = arith.addi %convert_element_type3A_588, %convert_element_type3A_596 : vector<500x500xi32>
    %reduce_sum3A_598 = arith.constant dense<0> : vector<500xi32>
    %reduce_sum3A_599 = vector.multi_reduction <add>, %add3A_597, %reduce_sum3A_598 [1] : vector<500x500xi32> to vector<500xi32>
    %broadcast_in_dim3A_600 = vector.shape_cast %reduce_sum3A_599 : vector<500xi32> to vector<500x1xi32>
    %eq3A_601 = vector.broadcast %broadcast_in_dim3A_600 : vector<500x1xi32> to vector<500x128xi32>
    %eq3A_602 = vector.broadcast %iota3A_550 : vector<1x128xi32> to vector<500x128xi32>
    %eq3A_603 = arith.cmpi eq, %eq3A_601, %eq3A_602 : vector<500x128xi32>
    %convert_element_type3A_604 = arith.extui %eq3A_603 : vector<500x128xi1> to vector<500x128xi32>
    %mul3A_605 = vector.broadcast %iota3A : vector<500x1xi32> to vector<500x128xi32>
    %mul3A_606 = arith.muli %mul3A_605, %convert_element_type3A_604 : vector<500x128xi32>
    %reduce_sum3A_607 = arith.constant dense<0> : vector<128xi32>
    %reduce_sum3A_608 = vector.multi_reduction <add>, %mul3A_606, %reduce_sum3A_607 [0] : vector<500x128xi32> to vector<128xi32>
    %broadcast_in_dim3A_609 = vector.shape_cast %reduce_sum3A_608 : vector<128xi32> to vector<1x128xi32>
    %swap3A_610 = arith.constant 0 : index
    %swap3A_611 = arith.constant 1 : index
    %swap3A_612 = arith.constant 0 : index
    %swap3A_613 = vector.load %arg17[%swap3A_610, %swap3A_611, %swap3A_612] : memref<1x8x128xi32, #tpu.memory_space<vmem>>, vector<1x1x128xi32>
    %swap3A_614 = vector.shape_cast %swap3A_613 : vector<1x1x128xi32> to vector<1x128xi32>
    %swap3A_615 = vector.shape_cast %broadcast_in_dim3A_609 : vector<1x128xi32> to vector<1x1x128xi32>
    tpu.vector_store %arg17[%swap3A_610, %swap3A_611, %swap3A_612], %swap3A_615 {strides = array<i32>} : memref<1x8x128xi32, #tpu.memory_space<vmem>>, vector<1x1x128xi32>,
    %slice3A_616 = vector.extract_strided_slice %transpose3A_549 {offsets = [0, 2], sizes = [500, 1], strides = [1, 1]} : vector<512x8xf32> to vector<500x1xf32>
    %slice3A_617 = vector.extract_strided_slice %mul3A_530 {offsets = [0, 0], sizes = [1, 500], strides = [1, 1]} : vector<1x512xf32> to vector<1x500xf32>
    %gt3A_618 = vector.broadcast %slice3A_617 : vector<1x500xf32> to vector<500x500xf32>
    %gt3A_619 = vector.broadcast %slice3A_616 : vector<500x1xf32> to vector<500x500xf32>
    %gt3A_620 = arith.cmpf ogt, %gt3A_618, %gt3A_619 : vector<500x500xf32>
    %convert_element_type3A_621 = arith.extui %gt3A_620 : vector<500x500xi1> to vector<500x500xi32>
    %eq3A_622 = vector.broadcast %slice3A_617 : vector<1x500xf32> to vector<500x500xf32>
    %eq3A_623 = vector.broadcast %slice3A_616 : vector<500x1xf32> to vector<500x500xf32>
    %eq3A_624 = arith.cmpf oeq, %eq3A_622, %eq3A_623 : vector<500x500xf32>
    %lt3A_625 = vector.broadcast %iota3A_386 : vector<1x500xi32> to vector<500x500xi32>
    %lt3A_626 = vector.broadcast %iota3A : vector<500x1xi32> to vector<500x500xi32>
    %lt3A_627 = arith.cmpi slt, %lt3A_625, %lt3A_626 : vector<500x500xi32>
    %and3A_628 = arith.andi %eq3A_624, %lt3A_627 : vector<500x500xi1>
    %convert_element_type3A_629 = arith.extui %and3A_628 : vector<500x500xi1> to vector<500x500xi32>
    %add3A_630 = arith.addi %convert_element_type3A_621, %convert_element_type3A_629 : vector<500x500xi32>
    %reduce_sum3A_631 = arith.constant dense<0> : vector<500xi32>
    %reduce_sum3A_632 = vector.multi_reduction <add>, %add3A_630, %reduce_sum3A_631 [1] : vector<500x500xi32> to vector<500xi32>
    %broadcast_in_dim3A_633 = vector.shape_cast %reduce_sum3A_632 : vector<500xi32> to vector<500x1xi32>
    %eq3A_634 = vector.broadcast %broadcast_in_dim3A_633 : vector<500x1xi32> to vector<500x128xi32>
    %eq3A_635 = vector.broadcast %iota3A_550 : vector<1x128xi32> to vector<500x128xi32>
    %eq3A_636 = arith.cmpi eq, %eq3A_634, %eq3A_635 : vector<500x128xi32>
    %convert_element_type3A_637 = arith.extui %eq3A_636 : vector<500x128xi1> to vector<500x128xi32>
    %mul3A_638 = vector.broadcast %iota3A : vector<500x1xi32> to vector<500x128xi32>
    %mul3A_639 = arith.muli %mul3A_638, %convert_element_type3A_637 : vector<500x128xi32>
    %reduce_sum3A_640 = arith.constant dense<0> : vector<128xi32>
    %reduce_sum3A_641 = vector.multi_reduction <add>, %mul3A_639, %reduce_sum3A_640 [0] : vector<500x128xi32> to vector<128xi32>
    %broadcast_in_dim3A_642 = vector.shape_cast %reduce_sum3A_641 : vector<128xi32> to vector<1x128xi32>
    %swap3A_643 = arith.constant 0 : index
    %swap3A_644 = arith.constant 2 : index
    %swap3A_645 = arith.constant 0 : index
    %swap3A_646 = vector.load %arg17[%swap3A_643, %swap3A_644, %swap3A_645] : memref<1x8x128xi32, #tpu.memory_space<vmem>>, vector<1x1x128xi32>
    %swap3A_647 = vector.shape_cast %swap3A_646 : vector<1x1x128xi32> to vector<1x128xi32>
    %swap3A_648 = vector.shape_cast %broadcast_in_dim3A_642 : vector<1x128xi32> to vector<1x1x128xi32>
    tpu.vector_store %arg17[%swap3A_643, %swap3A_644, %swap3A_645], %swap3A_648 {strides = array<i32>} : memref<1x8x128xi32, #tpu.memory_space<vmem>>, vector<1x1x128xi32>,
    %slice3A_649 = vector.extract_strided_slice %transpose3A_549 {offsets = [0, 3], sizes = [500, 1], strides = [1, 1]} : vector<512x8xf32> to vector<500x1xf32>
    %slice3A_650 = vector.extract_strided_slice %add3A_545 {offsets = [0, 0], sizes = [1, 500], strides = [1, 1]} : vector<1x512xf32> to vector<1x500xf32>
    %gt3A_651 = vector.broadcast %slice3A_650 : vector<1x500xf32> to vector<500x500xf32>
    %gt3A_652 = vector.broadcast %slice3A_649 : vector<500x1xf32> to vector<500x500xf32>
    %gt3A_653 = arith.cmpf ogt, %gt3A_651, %gt3A_652 : vector<500x500xf32>
    %convert_element_type3A_654 = arith.extui %gt3A_653 : vector<500x500xi1> to vector<500x500xi32>
    %eq3A_655 = vector.broadcast %slice3A_650 : vector<1x500xf32> to vector<500x500xf32>
    %eq3A_656 = vector.broadcast %slice3A_649 : vector<500x1xf32> to vector<500x500xf32>
    %eq3A_657 = arith.cmpf oeq, %eq3A_655, %eq3A_656 : vector<500x500xf32>
    %lt3A_658 = vector.broadcast %iota3A_386 : vector<1x500xi32> to vector<500x500xi32>
    %lt3A_659 = vector.broadcast %iota3A : vector<500x1xi32> to vector<500x500xi32>
    %lt3A_660 = arith.cmpi slt, %lt3A_658, %lt3A_659 : vector<500x500xi32>
    %and3A_661 = arith.andi %eq3A_657, %lt3A_660 : vector<500x500xi1>
    %convert_element_type3A_662 = arith.extui %and3A_661 : vector<500x500xi1> to vector<500x500xi32>
    %add3A_663 = arith.addi %convert_element_type3A_654, %convert_element_type3A_662 : vector<500x500xi32>
    %reduce_sum3A_664 = arith.constant dense<0> : vector<500xi32>
    %reduce_sum3A_665 = vector.multi_reduction <add>, %add3A_663, %reduce_sum3A_664 [1] : vector<500x500xi32> to vector<500xi32>
    %broadcast_in_dim3A_666 = vector.shape_cast %reduce_sum3A_665 : vector<500xi32> to vector<500x1xi32>
    %eq3A_667 = vector.broadcast %broadcast_in_dim3A_666 : vector<500x1xi32> to vector<500x128xi32>
    %eq3A_668 = vector.broadcast %iota3A_550 : vector<1x128xi32> to vector<500x128xi32>
    %eq3A_669 = arith.cmpi eq, %eq3A_667, %eq3A_668 : vector<500x128xi32>
    %convert_element_type3A_670 = arith.extui %eq3A_669 : vector<500x128xi1> to vector<500x128xi32>
    %mul3A_671 = vector.broadcast %iota3A : vector<500x1xi32> to vector<500x128xi32>
    %mul3A_672 = arith.muli %mul3A_671, %convert_element_type3A_670 : vector<500x128xi32>
    %reduce_sum3A_673 = arith.constant dense<0> : vector<128xi32>
    %reduce_sum3A_674 = vector.multi_reduction <add>, %mul3A_672, %reduce_sum3A_673 [0] : vector<500x128xi32> to vector<128xi32>
    %broadcast_in_dim3A_675 = vector.shape_cast %reduce_sum3A_674 : vector<128xi32> to vector<1x128xi32>
    %swap3A_676 = arith.constant 0 : index
    %swap3A_677 = arith.constant 3 : index
    %swap3A_678 = arith.constant 0 : index
    %swap3A_679 = vector.load %arg17[%swap3A_676, %swap3A_677, %swap3A_678] : memref<1x8x128xi32, #tpu.memory_space<vmem>>, vector<1x1x128xi32>
    %swap3A_680 = vector.shape_cast %swap3A_679 : vector<1x1x128xi32> to vector<1x128xi32>
    %swap3A_681 = vector.shape_cast %broadcast_in_dim3A_675 : vector<1x128xi32> to vector<1x1x128xi32>
    tpu.vector_store %arg17[%swap3A_676, %swap3A_677, %swap3A_678], %swap3A_681 {strides = array<i32>} : memref<1x8x128xi32, #tpu.memory_space<vmem>>, vector<1x1x128xi32>,
    %swap3A_682 = arith.constant 0 : index
    %swap3A_683 = arith.constant 0 : index
    %swap3A_684 = arith.constant 0 : index
    %swap3A_685 = vector.load %arg12[%swap3A_682, %swap3A_683, %swap3A_684] : memref<1x512x512xf32, #tpu.memory_space<vmem>>, vector<1x512x512xf32>
    %swap3A_686 = vector.shape_cast %swap3A_685 : vector<1x512x512xf32> to vector<512x512xf32>
    %swap3A_687 = vector.shape_cast %max3A_51 : vector<512x512xf32> to vector<1x512x512xf32>
    tpu.vector_store %arg12[%swap3A_682, %swap3A_683, %swap3A_684], %swap3A_687 {strides = array<i32>} : memref<1x512x512xf32, #tpu.memory_space<vmem>>, vector<1x512x512xf32>,
    %swap3A_688 = arith.constant 0 : index
    %swap3A_689 = arith.constant 0 : index
    %swap3A_690 = arith.constant 0 : index
    %swap3A_691 = vector.load %arg13[%swap3A_688, %swap3A_689, %swap3A_690] : memref<1x512x512xf32, #tpu.memory_space<vmem>>, vector<1x512x512xf32>
    %swap3A_692 = vector.shape_cast %swap3A_691 : vector<1x512x512xf32> to vector<512x512xf32>
    %swap3A_693 = vector.shape_cast %max3A_87 : vector<512x512xf32> to vector<1x512x512xf32>
    tpu.vector_store %arg13[%swap3A_688, %swap3A_689, %swap3A_690], %swap3A_693 {strides = array<i32>} : memref<1x512x512xf32, #tpu.memory_space<vmem>>, vector<1x512x512xf32>,
    %swap3A_694 = arith.constant 0 : index
    %swap3A_695 = arith.constant 0 : index
    %swap3A_696 = arith.constant 0 : index
    %swap3A_697 = vector.load %arg14[%swap3A_694, %swap3A_695, %swap3A_696] : memref<1x512x512xf32, #tpu.memory_space<vmem>>, vector<1x512x512xf32>
    %swap3A_698 = vector.shape_cast %swap3A_697 : vector<1x512x512xf32> to vector<512x512xf32>
    %swap3A_699 = vector.shape_cast %add3A_340 : vector<512x512xf32> to vector<1x512x512xf32>
    tpu.vector_store %arg14[%swap3A_694, %swap3A_695, %swap3A_696], %swap3A_699 {strides = array<i32>} : memref<1x512x512xf32, #tpu.memory_space<vmem>>, vector<1x512x512xf32>,
    %swap3A_700 = arith.constant 0 : index
    %swap3A_701 = arith.constant 0 : index
    %swap3A_702 = arith.constant 0 : index
    %swap3A_703 = vector.load %arg15[%swap3A_700, %swap3A_701, %swap3A_702] : memref<1x20x512xf32, #tpu.memory_space<vmem>>, vector<1x20x512xf32>
    %swap3A_704 = vector.shape_cast %swap3A_703 : vector<1x20x512xf32> to vector<20x512xf32>
    %swap3A_705 = vector.shape_cast %add3A_351 : vector<20x512xf32> to vector<1x20x512xf32>
    tpu.vector_store %arg15[%swap3A_700, %swap3A_701, %swap3A_702], %swap3A_705 {strides = array<i32>} : memref<1x20x512xf32, #tpu.memory_space<vmem>>, vector<1x20x512xf32>,
    %swap3A_706 = arith.constant 0 : index
    %swap3A_707 = arith.constant 0 : index
    %swap3A_708 = arith.constant 0 : index
    %swap3A_709 = vector.load %arg16[%swap3A_706, %swap3A_707, %swap3A_708] : memref<1x8x512xf32, #tpu.memory_space<vmem>>, vector<1x1x512xf32>
    %swap3A_710 = vector.shape_cast %swap3A_709 : vector<1x1x512xf32> to vector<1x512xf32>
    %swap3A_711 = vector.shape_cast %logistic3A_219 : vector<1x512xf32> to vector<1x1x512xf32>
    tpu.vector_store %arg16[%swap3A_706, %swap3A_707, %swap3A_708], %swap3A_711 {strides = array<i32>} : memref<1x8x512xf32, #tpu.memory_space<vmem>>, vector<1x1x512xf32>,
    %swap3A_712 = arith.constant 0 : index
    %swap3A_713 = arith.constant 1 : index
    %swap3A_714 = arith.constant 0 : index
    %swap3A_715 = vector.load %arg16[%swap3A_712, %swap3A_713, %swap3A_714] : memref<1x8x512xf32, #tpu.memory_space<vmem>>, vector<1x1x512xf32>
    %swap3A_716 = vector.shape_cast %swap3A_715 : vector<1x1x512xf32> to vector<1x512xf32>
    %swap3A_717 = vector.shape_cast %logistic3A_244 : vector<1x512xf32> to vector<1x1x512xf32>
    tpu.vector_store %arg16[%swap3A_712, %swap3A_713, %swap3A_714], %swap3A_717 {strides = array<i32>} : memref<1x8x512xf32, #tpu.memory_space<vmem>>, vector<1x1x512xf32>,
    %swap3A_718 = arith.constant 0 : index
    %swap3A_719 = arith.constant 2 : index
    %swap3A_720 = arith.constant 0 : index
    %swap3A_721 = vector.load %arg16[%swap3A_718, %swap3A_719, %swap3A_720] : memref<1x8x512xf32, #tpu.memory_space<vmem>>, vector<1x1x512xf32>
    %swap3A_722 = vector.shape_cast %swap3A_721 : vector<1x1x512xf32> to vector<1x512xf32>
    %swap3A_723 = vector.shape_cast %logistic3A_360 : vector<1x512xf32> to vector<1x1x512xf32>
    tpu.vector_store %arg16[%swap3A_718, %swap3A_719, %swap3A_720], %swap3A_723 {strides = array<i32>} : memref<1x8x512xf32, #tpu.memory_space<vmem>>, vector<1x1x512xf32>,
    %swap3A_724 = arith.constant 0 : index
    %swap3A_725 = arith.constant 3 : index
    %swap3A_726 = arith.constant 0 : index
    %swap3A_727 = vector.load %arg16[%swap3A_724, %swap3A_725, %swap3A_726] : memref<1x8x512xf32, #tpu.memory_space<vmem>>, vector<1x1x512xf32>
    %swap3A_728 = vector.shape_cast %swap3A_727 : vector<1x1x512xf32> to vector<1x512xf32>
    %swap3A_729 = vector.shape_cast %add3A_385 : vector<1x512xf32> to vector<1x1x512xf32>
    tpu.vector_store %arg16[%swap3A_724, %swap3A_725, %swap3A_726], %swap3A_729 {strides = array<i32>} : memref<1x8x512xf32, #tpu.memory_space<vmem>>, vector<1x1x512xf32>,
    %swap3A_730 = arith.constant 0 : index
    %swap3A_731 = arith.constant 4 : index
    %swap3A_732 = arith.constant 0 : index
    %swap3A_733 = vector.load %arg16[%swap3A_730, %swap3A_731, %swap3A_732] : memref<1x8x512xf32, #tpu.memory_space<vmem>>, vector<1x1x512xf32>
    %swap3A_734 = vector.shape_cast %swap3A_733 : vector<1x1x512xf32> to vector<1x512xf32>
    %swap3A_735 = vector.shape_cast %select_n3A_476 : vector<1x512xf32> to vector<1x1x512xf32>
    tpu.vector_store %arg16[%swap3A_730, %swap3A_731, %swap3A_732], %swap3A_735 {strides = array<i32>} : memref<1x8x512xf32, #tpu.memory_space<vmem>>, vector<1x1x512xf32>,
    %swap3A_736 = arith.constant 0 : index
    %swap3A_737 = arith.constant 5 : index
    %swap3A_738 = arith.constant 0 : index
    %swap3A_739 = vector.load %arg16[%swap3A_736, %swap3A_737, %swap3A_738] : memref<1x8x512xf32, #tpu.memory_space<vmem>>, vector<1x1x512xf32>
    %swap3A_740 = vector.shape_cast %swap3A_739 : vector<1x1x512xf32> to vector<1x512xf32>
    %swap3A_741 = vector.shape_cast %select_n3A_483 : vector<1x512xf32> to vector<1x1x512xf32>
    tpu.vector_store %arg16[%swap3A_736, %swap3A_737, %swap3A_738], %swap3A_741 {strides = array<i32>} : memref<1x8x512xf32, #tpu.memory_space<vmem>>, vector<1x1x512xf32>,
    return
  }
  func.func @transform_0(%arg0: i32) -> (i32, i32, i32) {
    %c0_i32 = arith.constant 0 : i32
    %c0_i32_0 = arith.constant 0 : i32
    %c0_i32_1 = arith.constant 0 : i32
    return %arg0, %c0_i32, %c0_i32_0 : i32, i32, i32
  }
  func.func @transform_1(%arg0: i32) -> (i32, i32, i32, i32) {
    %c0_i32 = arith.constant 0 : i32
    %c0_i32_0 = arith.constant 0 : i32
    %c0_i32_1 = arith.constant 0 : i32
    %c0_i32_2 = arith.constant 0 : i32
    %c0_i32_3 = arith.constant 0 : i32
    return %c0_i32, %c0_i32_0, %c0_i32_1, %c0_i32_2 : i32, i32, i32, i32
  }
  func.func @transform_2(%arg0: i32) -> (i32, i32, i32) {
    %c0_i32 = arith.constant 0 : i32
    %c0_i32_0 = arith.constant 0 : i32
    %c0_i32_1 = arith.constant 0 : i32
    %c0_i32_2 = arith.constant 0 : i32
    return %c0_i32, %c0_i32_0, %c0_i32_1 : i32, i32, i32
  }
  func.func @transform_3(%arg0: i32) -> (i32, i32, i32) {
    %c0_i32 = arith.constant 0 : i32
    %c0_i32_0 = arith.constant 0 : i32
    %c0_i32_1 = arith.constant 0 : i32
    %c0_i32_2 = arith.constant 0 : i32
    return %c0_i32, %c0_i32_0, %c0_i32_1 : i32, i32, i32
  }
  func.func @transform_4(%arg0: i32) -> (i32, i32, i32) {
    %c0_i32 = arith.constant 0 : i32
    %c0_i32_0 = arith.constant 0 : i32
    %c0_i32_1 = arith.constant 0 : i32
    %c0_i32_2 = arith.constant 0 : i32
    return %c0_i32, %c0_i32_0, %c0_i32_1 : i32, i32, i32
  }
  func.func @transform_5(%arg0: i32) -> (i32, i32, i32) {
    %c0_i32 = arith.constant 0 : i32
    %c0_i32_0 = arith.constant 0 : i32
    %c0_i32_1 = arith.constant 0 : i32
    %c0_i32_2 = arith.constant 0 : i32
    return %c0_i32, %c0_i32_0, %c0_i32_1 : i32, i32, i32
  }
  func.func @transform_6(%arg0: i32) -> (i32, i32) {
    %c0_i32 = arith.constant 0 : i32
    %c0_i32_0 = arith.constant 0 : i32
    %c0_i32_1 = arith.constant 0 : i32
    return %c0_i32, %c0_i32_0 : i32, i32
  }
  func.func @transform_7(%arg0: i32) -> (i32, i32) {
    %c0_i32 = arith.constant 0 : i32
    %c0_i32_0 = arith.constant 0 : i32
    %c0_i32_1 = arith.constant 0 : i32
    return %c0_i32, %c0_i32_0 : i32, i32
  }
  func.func @transform_8(%arg0: i32) -> (i32, i32) {
    %c0_i32 = arith.constant 0 : i32
    %c0_i32_0 = arith.constant 0 : i32
    %c0_i32_1 = arith.constant 0 : i32
    return %c0_i32, %c0_i32_0 : i32, i32
  }
  func.func @transform_9(%arg0: i32) -> (i32, i32) {
    %c0_i32 = arith.constant 0 : i32
    %c0_i32_0 = arith.constant 0 : i32
    %c0_i32_1 = arith.constant 0 : i32
    return %c0_i32, %c0_i32_0 : i32, i32
  }
  func.func @transform_10(%arg0: i32) -> (i32, i32) {
    %c0_i32 = arith.constant 0 : i32
    %c0_i32_0 = arith.constant 0 : i32
    %c0_i32_1 = arith.constant 0 : i32
    return %c0_i32, %c0_i32_0 : i32, i32
  }
  func.func @transform_11(%arg0: i32) -> (i32, i32, i32) {
    %c0_i32 = arith.constant 0 : i32
    %c0_i32_0 = arith.constant 0 : i32
    %c0_i32_1 = arith.constant 0 : i32
    return %arg0, %c0_i32, %c0_i32_0 : i32, i32, i32
  }
  func.func @transform_12(%arg0: i32) -> (i32, i32, i32) {
    %c0_i32 = arith.constant 0 : i32
    %c0_i32_0 = arith.constant 0 : i32
    %c0_i32_1 = arith.constant 0 : i32
    return %arg0, %c0_i32, %c0_i32_0 : i32, i32, i32
  }
  func.func @transform_13(%arg0: i32) -> (i32, i32, i32) {
    %c0_i32 = arith.constant 0 : i32
    %c0_i32_0 = arith.constant 0 : i32
    %c0_i32_1 = arith.constant 0 : i32
    return %arg0, %c0_i32, %c0_i32_0 : i32, i32, i32
  }
  func.func @transform_14(%arg0: i32) -> (i32, i32, i32) {
    %c0_i32 = arith.constant 0 : i32
    %c0_i32_0 = arith.constant 0 : i32
    %c0_i32_1 = arith.constant 0 : i32
    return %arg0, %c0_i32, %c0_i32_0 : i32, i32, i32
  }
  func.func @transform_15(%arg0: i32) -> (i32, i32, i32) {
    %c0_i32 = arith.constant 0 : i32
    %c0_i32_0 = arith.constant 0 : i32
    %c0_i32_1 = arith.constant 0 : i32
    return %arg0, %c0_i32, %c0_i32_0 : i32, i32, i32
  }
  func.func @transform_16(%arg0: i32) -> (i32, i32, i32) {
    %c0_i32 = arith.constant 0 : i32
    %c0_i32_0 = arith.constant 0 : i32
    %c0_i32_1 = arith.constant 0 : i32
    return %arg0, %c0_i32, %c0_i32_0 : i32, i32, i32
  }
}

</mosaic_0001>

<sc_bundles>
// kernel: kernel.12.cloned.1.call-start
scs
__scs_entry_jumppad:
0x0: {  	(pc) =	sbr.rel $0x88, $3  }
0x1: {  	(tag) =	ssettag $0x0;
	lr =	simm.s32 $0x1  }
0x2: {  	[smem:$0x3F8A] =	sst lr;
	_ =	strace $0xD0000000  }
0x3: {  	_ = 	snop  }
0x4: {  	_ = 	snop  }
0x5: {  	_ = 	snop  }
0x6: {  	_ = 	snop  }
0x7: {  	_ = 	snop  }
__scs_overlays_trampoline_lowered:
0x8: {  	[smem:$0x3F99] =	sst s0  }
0x9: {  	[smem:$0x3F9A] =	sst s1  }
0xa: {  	[smem:$0x3F9B] =	sst s2  }
0xb: {  	[smem:$0x3F9C] =	sst s3  }
0xc: {  	[smem:$0x3F9D] =	sst s4  }
0xd: {  	[smem:$0x3F9E] =	sst s5  }
0xe: {  	[smem:$0x3F9F] =	sst s6  }
0xf: {  	[smem:$0x3FA0] =	sst s7  }
0x10: {  	[smem:$0x3FA1] =	sst s8  }
0x11: {  	[smem:$0x3FA2] =	sst s9;
	s0 =	simm.s32 @!p0 $0x0  }
0x12: {  	s1 =	sld [smem:$0x3F88];
	s0 =	simm.s32 @p0 $0x1  }
0x13: {  	[smem:$0x3FA3] =	sst s0;
	s0 =	simm.s32 @!p1 $0x0  }
0x14: {  	s2 =	sld [smem:$0x3F87];
	s0 =	simm.s32 @p1 $0x1  }
0x15: {  	[smem:$0x3FA4] =	sst s0;
	s0 =	simm.s32 @!p2 $0x0  }
0x16: {  	s3 =	sld [smem:$0x3FDB];
	s0 =	simm.s32 @p2 $0x1  }
0x17: {  	s4 =	simm.s32 $0x1BF5;
	[smem:$0x3FA6] =	sst s0  }
0x18: {  	s0 =	sld [smem:$0x3F89];
	_ =	swait.ge [sflag:s4], $0x0  }
0x19: {  	s7 =	sld [smem:$0x3F8A]  }
0x1a: {  	s8 =	sadd.s32 $0xFFFFE003, lr  }
0x1b: {  	s9 =	sadd.s32 $0xFFFFFEF7, lr;
	s5 =	simm.s32 $0xFFFFFFFF;
	p2 =	slt.u32 s8, $0xFFFFF086  }
0x1c: {  	p1 =	slt.u32 s9, $0xF7A;
	s5 =	simm.s32 @!p2 $0x0  }
0x1d: {  	s5 =	simm.s32 @p1 $0x1;
	p0 =	seq.s32 s7, s2  }
0x1e: {  	s7 =	smul.u32 @!p0 $0xF7A, s2;
	p2 =	seq.s32 @!p0 s5, $0x0  }
0x1f: {  	s9 =	smul.u32 $0xF7A, s1;
	s8 =	simm.s32 @!p0 $0x1BF5;
	p2 =	por !p2, p0  }
0x20: {  	[sflag:s8] =	ssyncset.s32 @!p0 $0xFFFFF086;
	s6 =	sadd.s32 @!p0 s3, s7;
	s7 =	simm.s32 @!p0 $0x108  }
0x21: {  	s3 =	sadd.s32 s3, s9;
	s6 =	sadd.s32 @!p0 $0x88, s6;
	s7 =	simm.s32 @p2 $0x1082  }
0x22: {  	[simem:s7], [sflag:s8] =	dma.local @!p0 [hbm:s6], $0xF7A  }
0x23: {  	s9 =	sor.u32 $0xD0000000, s2;
	s6 =	simm.s32 $0x108;
	_ =	swait.ge @!p0 [sflag:s8], $0x0  }
0x24: {  	s3 =	sadd.s32 $0x88, s3;
	s6 =	simm.s32 @!p1 $0x1082;
	[sflag:s4] =	ssyncset.s32 $0xFFFFF086  }
0x25: {  	[simem:s6], [sflag:s4] =	dma.local [hbm:s3], $0xF7A  }
0x26: {  	[smem:$0x3F8A] =	sst s1;
	(tag) =	ssettag s2;
	_ =	strace s9  }
0x27: {  	s1 =	sld [smem:$0x3F9A]  }
0x28: {  	s2 =	sld [smem:$0x3F9B]  }
0x29: {  	s4 =	sld [smem:$0x3F9D]  }
0x2a: {  	p0 =	seq.s32 s5, $0x0;
	s5 =	sld [smem:$0x3F9E]  }
0x2b: {  	s6 =	sld [smem:$0x3F9F]  }
0x2c: {  	s7 =	sld [smem:$0x3FA0]  }
0x2d: {  	s3 =	simm.s32 $0x108;
	s8 =	sld [smem:$0x3FA1]  }
0x2e: {  	s3 =	simm.s32 @!p0 $0x1082;
	s9 =	sld [smem:$0x3FA2]  }
0x2f: {  	lr =	sadd.s32 s0, s3;
	s0 =	sld [smem:$0x3F99]  }
0x30: {  	s3 =	sld [smem:$0x3F9C]  }
0x31: {  	[smem:$0x3FA5] =	sst s10  }
0x32: {  	s10 =	sld [smem:$0x3FA3];
	_ =	sdelay $0x3  }
0x33: {  	p0 =	seq.s32 s10, $0x1;
	s10 =	sld [smem:$0x3FA5];
	_ =	sdelay $0x3  }
0x34: {  	[smem:$0x3FA5] =	sst s10  }
0x35: {  	s10 =	sld [smem:$0x3FA4];
	_ =	sdelay $0x3  }
0x36: {  	p1 =	seq.s32 s10, $0x1;
	s10 =	sld [smem:$0x3FA5];
	_ =	sdelay $0x3  }
0x37: {  	[smem:$0x3FA5] =	sst s10  }
0x38: {  	s10 =	sld [smem:$0x3FA6]  }
0x39: {  	_ = 	snop;
	(pc) =	sbr.ind lr, $3  }
0x3a: {  	_ = 	snop  }
0x3b: {  	_ = 	snop  }
0x3c: {  	p2 =	seq.s32 s10, $0x1;
	s10 =	sld [smem:$0x3FA5]  }
0x3d: {  	_ =	shalt  }
0x3e: {  	_ =	shalt  }
0x3f: {  	_ =	shalt  }
0x40: {  	_ =	shalt  }
0x41: {  	_ =	shalt  }
0x42: {  	_ =	shalt  }
0x43: {  	_ =	shalt  }
0x44: {  	_ =	shalt  }
0x45: {  	_ =	shalt  }
0x46: {  	_ =	shalt  }
0x47: {  	_ =	shalt  }
0x48: {  	_ =	shalt  }
0x49: {  	_ =	shalt  }
0x4a: {  	_ =	shalt  }
0x4b: {  	_ =	shalt  }
0x4c: {  	_ =	shalt  }
0x4d: {  	_ =	shalt  }
0x4e: {  	_ =	shalt  }
0x4f: {  	_ =	shalt  }
0x50: {  	_ =	shalt  }
0x51: {  	_ =	shalt  }
0x52: {  	_ =	shalt  }
0x53: {  	_ =	shalt  }
0x54: {  	_ =	shalt  }
0x55: {  	_ =	shalt  }
0x56: {  	_ =	shalt  }
0x57: {  	_ =	shalt  }
0x58: {  	_ =	shalt  }
0x59: {  	_ =	shalt  }
0x5a: {  	_ =	shalt  }
0x5b: {  	_ =	shalt  }
0x5c: {  	_ =	shalt  }
0x5d: {  	_ =	shalt  }
0x5e: {  	_ =	shalt  }
0x5f: {  	_ =	shalt  }
0x60: {  	_ =	shalt  }
0x61: {  	_ =	shalt  }
0x62: {  	_ =	shalt  }
0x63: {  	_ =	shalt  }
0x64: {  	_ =	shalt  }
0x65: {  	_ =	shalt  }
0x66: {  	_ =	shalt  }
0x67: {  	_ =	shalt  }
0x68: {  	_ =	shalt  }
0x69: {  	_ =	shalt  }
0x6a: {  	_ =	shalt  }
0x6b: {  	_ =	shalt  }
0x6c: {  	_ =	shalt  }
0x6d: {  	_ =	shalt  }
0x6e: {  	_ =	shalt  }
0x6f: {  	_ =	shalt  }
0x70: {  	_ =	shalt  }
0x71: {  	_ =	shalt  }
0x72: {  	_ =	shalt  }
0x73: {  	_ =	shalt  }
0x74: {  	_ =	shalt  }
0x75: {  	_ =	shalt  }
0x76: {  	_ =	shalt  }
0x77: {  	_ =	shalt  }
0x78: {  	_ =	shalt  }
0x79: {  	_ =	shalt  }
0x7a: {  	_ =	shalt  }
0x7b: {  	_ =	shalt  }
0x7c: {  	_ =	shalt  }
0x7d: {  	_ =	shalt  }
0x7e: {  	_ =	shalt  }
0x7f: {  	_ =	shalt  }
0x80: {  	_ =	shalt  }
0x81: {  	_ =	shalt  }
0x82: {  	_ =	shalt  }
0x83: {  	_ =	shalt  }
0x84: {  	_ =	shalt  }
0x85: {  	_ =	shalt  }
0x86: {  	_ =	shalt  }
0x87: {  	_ =	shalt  }
.Lfunc_end0:
.L_simem_size_0:
called_computation.2_lowered:
.L_overlay_start_0:
0x88: {  	s2 =	sld [smem:$0x3FD9]  }
0x89: {  	s3 =	sld [smem:$0x3FFE];
	_ =	sdelay $0x1  }
0x8a: {  	s1 =	srdreg.scid  }
0x8b: {  	s0 =	sand.u32 $0x1, s1  }
0x8c: {  	s15 =	sshll.u32 s0, $0xA;
	s2 =	sadd.s32 s3, s2  }
0x8d: {  	s2 =	sadd.s32 s2, s15  }
0x8e: {  	[smem:$0x3FB1] =	sst s2  }
0x8f: {  	_ = 	snop  }
0x90: {  	s2 =	sld [smem:$0x3FD0];
	_ =	sdelay $0x3  }
0x91: {  	s16 =	simm.s32 $0xC;
	s4 =	simm.s32 $0x10;
	s2 =	sadd.s32 $0x1, s2  }
0x92: {  	[smem:s4], [sflag:s16] =	dma.local [hbm:s2], $0x1  }
0x93: {  	_ =	swait.eq [sflag:s16], $0x1  }
0x94: {  	[sflag:s16] =	ssyncset.done $0x0  }
0x95: {  	[sflag:s16] =	ssyncadd.s32 $0xFFFFFFFF  }
0x96: {  	s17 =	sld [smem:$0x14];
	(tm) =	ssettm $0x1  }
0x97: {  	s18 =	sld [smem:$0x3FFB];
	_ =	sdelay $0x3  }
0x98: {  	_ =	strace s18  }
0x99: {  	s2 =	sld [smem:$0x3FFC];
	_ =	sdelay $0x3  }
0x9a: {  	_ =	strace s2  }
0x9b: {  	s2 =	sld [smem:$0x3FFD];
	_ =	sdelay $0x3  }
0x9c: {  	_ =	strace s2  }
0x9d: {  	_ =	strace $0x8FFFFFFF  }
0x9e: {  	s19 =	sld [smem:$0x3FDB];
	_ =	sdelay $0x1  }
0x9f: {  	s20 =	simm.s32 $_scs_section_size  }
0xa0: {  	s5 =	simm.s32 $_size__tile_overlayer_lowered;
	s6 =	simm.s32 $_tile_overlayer_lowered  }
0xa1: {  	s7 =	simm.s32 $0x1BFF;
	s21 =	sshll.u32 s6, $0x1;
	s4 =	sadd.s32 s20, s19  }
0xa2: {  	s22 =	simm.s32 $0x0;
	s5 =	sshll.u32 s5, $0x1;
	s6 =	sadd.s32 s21, s4  }
0xa3: {  	[timem:s22], [sflag:s7] =	dma.local [hbm:s6], s5  }
0xa4: {  	_ =	swait.ge [sflag:s7], s5  }
0xa5: {  	s5 =	ssub.s32 $0x0, s5;
	[sflag:s7] =	ssyncset.done $0x0  }
0xa6: {  	[sflag:s7] =	ssyncadd.s32 s5;
	_ =	sdelay $0x1  }
0xa7: {  	s23 =	simm.s32 $0x1B8B  }
0xa8: {  	_ =	swait.ge [sflag:s23], $0x1  }
0xa9: {  	[sflag:s23] =	ssyncset.done $0x0  }
0xaa: {  	[sflag:s23] =	ssyncadd.s32 $0xFFFFFFFF  }
0xab: {  	s5 =	sld [smem:$0x0]  }
0xac: {  	s6 =	sand.u32 $0xFFFFFFFE, s1  }
0xad: {  	p0 =	sne.s32 s1, s6  }
0xae: {  	s6 =	sshll.u32 @p0 s6, $0xE  }
0xaf: {  	s6 =	sadd.s32 @p0 $0x11B8D, s6;
	s7 =	sshll.u32 @p0 s5, $0x11  }
0xb0: {  	s6 =	sor.u32 @p0 s7, s6  }
0xb1: {  	[sflag:s6] =	ssyncadd.remote.s32 @p0 $0x1;
	_ =	sdelay $0x1  }
0xb2: {  	s6 =	simm.s32 @p0 $0x1B8D  }
0xb3: {  	_ =	swait.eq @p0 [sflag:s6], $0x1  }
0xb4: {  	[sflag:s6] =	ssyncadd.s32 @p0 $0xFFFFFFFF  }
0xb5: {  	s7 =	sshll.u32 @!p0 s1, $0xE  }
0xb6: {  	s7 =	sor.u32 @!p0 $0x4000, s7;
	s6 =	simm.s32 @!p0 $0x1B8D  }
0xb7: {  	s5 =	sshll.u32 @!p0 s5, $0x11;
	s7 =	sadd.s32 @!p0 $0x11B8D, s7;
	_ =	swait.eq @!p0 [sflag:s6], $0x1  }
0xb8: {  	s5 =	sor.u32 @!p0 s5, s7;
	[sflag:s6] =	ssyncadd.s32 @!p0 $0xFFFFFFFF  }
0xb9: {  	s25 =	simm.s32 $0x1B8E;
	s24 =	sld [smem:$0x3FFE];
	[sflag:s5] =	ssyncadd.remote.s32 @!p0 $0x1  }
0xba: {  	s26 =	simm.s32 $execute0_lowered;
	[smem:$0x3FD2] =	sst s25  }
0xbb: {  	s6 =	sshll.u32 s26, $0x1;
	_ =	strace $0x8000005A;
	[dreg:$0x1] =	wrdreg $0xFFFFFFFF  }
0xbc: {  	s28 =	simm.s32 $_size_execute0_lowered;
	s4 =	sadd.s32 s4, s6;
	[dreg:$0x0] =	wrdreg $0x0  }
0xbd: {  	s6 =	sshll.u32 s28, $0x1;
	[dreg:$0x2] =	wrdreg s4  }
0xbe: {  	[dreg:$0x3] =	wrdreg s6  }
0xbf: {  	[dreg:$0x4] =	wrdreg $0xC0  }
0xc0: {  	_ =	task [dreg:s22], $0x5FFFF  }
0xc1: {  	[dreg:$0x1] =	wrdreg $0xFFFFFFFF  }
0xc2: {  	[dreg:$0x0] =	wrdreg $0x60  }
0xc3: {  	[dreg:$0x2] =	wrdreg s24  }
0xc4: {  	[dreg:$0x3] =	wrdreg s17  }
0xc5: {  	[dreg:$0x4] =	wrdreg $0xB  }
0xc6: {  	_ =	task.clear_ibuf [dreg:s22], $0x5FFFF;
	_ =	strace $0x9000005A  }
0xc7: {  	s29 =	simm.s32 $0xB;
	_ =	strace $0x80000063  }
0xc8: {  	_ =	swait.ge [sflag:s29], $0x1  }
0xc9: {  	[sflag:s29] =	ssyncadd.s32 $0xFFFFFFFF  }
0xca: {  	_ =	strace $0x90000063  }
0xcb: {  	_ =	sfence  }
0xcc: {  	s30 =	sld [smem:$0x0];
	_ =	sdelay $0x2  }
0xcd: {  	s31 =	sshll.u32 s1, $0xD;
	s1 =	sshrl.u32 s1, $0x2  }
0xce: {  	s4 =	sand.u32 $0x4000, s31;
	s1 =	sadd.s32 s1, s30  }
0xcf: {  	s0 =	sor.u32 s4, s0;
	s1 =	sshll.u32 s1, $0x11  }
0xd0: {  	s0 =	sor.u32 s1, s0  }
0xd1: {  	s0 =	sadd.s32 $0x8F2B, s0  }
0xd2: {  	[sflag:s0] =	ssyncadd.remote.s32 $0x1  }
0xd3: {  	_ =	sfence.sel $0xFFFF  }
0xd4: {  	[dreg:$0x0] =	wrdreg $0xFFFFFFFF;
	(pc) =	sbr.abs _section_cstart, $3  }
0xd5: {  	[dreg:$0x1] =	wrdreg $0xFFFFFFFF  }
0xd6: {  	_ =	task.clear_ibuf [dreg:s22], $0x2FFFF;
	_ =	strace $0x9FFFFFFF  }
0xd7: {  	(tm) =	ssettm $0x7FFFFFFF  }
tec
execute0_lowered:
.L_overlay_start_1:
0x0: {  	(tag) =	ssettag $0x1  }
0x1: {  	s10 =	rddreg [dreg:$0x0]  }
0x2: {  	s1 =	rddreg [dreg:$0x1]  }
0x3: {  	s0 =	rddreg [dreg:$0x2];
	s2 =	simm.s32 $0x0;
	s3 =	srdreg.scid  }
0x4: {  	s12 =	simm.s32 $0x5;
	s13 =	simm.s32 $0x0;
	[smem:$0x7FF] =	sst s2  }
0x5: {  	s6 =	sand.u32 $0x1, s3;
	s4 =	sadd.s32 $0x10A200, s10;
	s3 =	stileid.u32  }
0x6: {  	s5 =	sadd.s32 $0x1BC200, s10;
	s10 =	sadd.s32 $0x10A300, s10;
	s7 =	sshll.u32 s6, $0x4  }
0x7: {  	_ =	strace $0x8000005B;
	s8 =	ssub.s32 $0x2, s6;
	s30 =	sor.u32 s3, s7  }
0x8: {  	p0 =	slt.u32 s30, $0x12;
	s9 =	sshll.u32 s30, $0x1;
	s6 =	sadd.s32 $0x12, s30  }
0x9: {  	v2 =	vlaneseq.u32;
	s11 =	sshrl.u32 s8, $0x1;
	s7 =	simm.s32 $0x2;
	s6 =	smov.u32 @p0 s9  }
0xa: {  	vm0 =	vmmov $0xffff;
	v1 =	vshrl.u32 v2, $0x3;
	s11 =	ssub.s32 s8, s11;
	s7 =	simm.s32 @!p0 $0x1;
	s31 =	sshll.u32 s6, $0x4  }
0xb: {  	v0 =	vand.u32 $0x7, v2;
	v2 =	vor.u32 $0x8, v2;
	v1 =	vmul.u32 $0x8, v1;
	s11 =	smax.u32 s11, $0x1;
	s9 =	sadd.s32 $0xFFFFFFFF, s7;
	s8 =	sadd.s32 s1, s31  }
.LBB2_1:
0xc: {  	_ =	strace $0x8000005C;
	s20 =	simm.s32 $0x0  }
0xd: {  	s14 =	simm.s32 $0x0;
	s15 =	simm.s32 $0x0;
	s16 =	simm.s32 $0x0  }
0xe: {  	[tilespmem:s2], [sflag:$0x1] =	stream.linear.gather [hbm4b:s8+s2], $0x80, $0x200038;
	[tilespmem:$0x8100] =	vst v63  }
0xf: {  	s17 =	simm.s32 $0x1;
	s18 =	simm.s32 $0x0;
	_ =	strace $0x9000005C  }
.LBB2_2:
0x10: {  	s19 =	sadd.s32 $0x1, s20  }
0x11: {  	p0 =	seq.s32 s19, s7  }
0x12: {  	s19 =	simm.s32 @p0 $0x0  }
0x13: {  	p3 =	slt.s32 s18, s9;
	p1 =	sne.s32 s20, s19  }
0x14: {  	p0 =	por !p3, !p1  }
0x15: {  	p0 =	por !p0, !p0  }
0x16: {  	s21 =	sadd.s32 @p0 s6, s19  }
0x17: {  	s22 =	sand.u32 @p0 $0x1, s17;
	s21 =	sshll.u32 @p0 s21, $0x4  }
0x18: {  	_ =	strace @p0 $0x8000005D;
	s24 =	simm.s32 @p0 $0x0;
	s21 =	sand.u32 @p0 $0x1FFFFFF0, s21  }
0x19: {  	s23 =	sshll.u32 @p0 s22, $0x7;
	s22 =	sadd.s32 @p0 $0x1, s22;
	s21 =	sadd.s32 @p0 s1, s21  }
0x1a: {  	[tilespmem:s23], [sflag:s22] =	stream.linear.gather @p0 [hbm4b:s21+s24], $0x80, $0x200038;
	[tilespmem:$0x8100] =	vst v63  }
0x1b: {  	p2 =	seq.s32 s18, $0x0;
	s21 =	sor.u32 s9, s20  }
0x1c: {  	p3 =	seq.s32 @!p2 s21, $0x0  }
0x1d: {  	p2 =	por p2, !p3  }
0x1e: {  	_ =	strace @p0 $0x9000005D;
	s22 =	sand.u32 @p2 $0x1, s16  }
0x1f: {  	_ =	strace @p2 $0x8000005E;
	s22 =	sadd.s32 @p2 $0x1, s22  }
0x20: {  	_ =	swait.ge @p2 [sflag:s22], $0x80  }
0x21: {  	[sflag:s22] =	ssyncset.done @p2 $0x0  }
0x22: {  	[sflag:s22] =	ssyncadd.s32 @p2 $0xFFFFFF80  }
0x23: {  	s29 =	sshll.u32 s16, $0x7;
	_ =	strace @p2 $0x9000005E  }
0x24: {  	s22 =	sand.u32 $0x80, s29;
	_ =	strace $0x8000005F  }
0x25: {  	v3 =	vld [tilespmem:s22+$0x0];
	_ =	sdelay $0x4  }
0x26: {  	v4 =	vshll.u32 v3, $0x2  }
0x27: {  	v3 =	vand.u32 $0x7, v3;
	v4 =	vand.u32 $0xFFFFFFE0, v4  }
0x28: {  	v3 =	vor.u32 v3, v4  }
0x29: {  	v4 =	vperm.xlane v3, v0;
	_ =	sdelay $0x1  }
0x2a: {  	v4 =	vadd.s32 v1, v4;
	_ =	sdelay $0x1  }
0x2b: {  	s23 =	sand.u32 $0x1, s15;
	v3 =	vperm.xlane v3, v2  }
0x2c: {  	s24 =	sshll.u32 s23, $0xE  }
0x2d: {  	s25 =	sor.u32 $0x100, s24;
	v3 =	vadd.s32 v1, v3  }
0x2e: {  	[tilespmem:s25], [sflag:$0x5] =	stream.indirect_vreg.gather [hbm4b:s4+s2], $0x80, v4, vm0, $0x2000b8;
	[tilespmem:$0x8100] =	vst v63  }
0x2f: {  	s26 =	sor.u32 $0x900, s24  }
0x30: {  	[tilespmem:s26], [sflag:$0x5] =	stream.indirect_vreg.gather [hbm4b:s10+s2], $0x80, v4, vm0, $0x2000b8;
	[tilespmem:$0x8100] =	vst v63  }
0x31: {  	s30 =	sor.u32 $0x1100, s24  }
0x32: {  	[tilespmem:s30], [sflag:$0x5] =	stream.indirect_vreg.gather [hbm4b:s4+s2], $0x80, v3, vm0, $0x2000b8;
	[tilespmem:$0x8100] =	vst v63  }
0x33: {  	s31 =	sor.u32 $0x1900, s24  }
0x34: {  	[tilespmem:s31], [sflag:$0x5] =	stream.indirect_vreg.gather [hbm4b:s10+s2], $0x80, v3, vm0, $0x2000b8;
	[tilespmem:$0x8100] =	vst v63  }
0x35: {  	v3 =	vld [tilespmem:s22+$0x10];
	_ =	sdelay $0x4  }
0x36: {  	v63 =	vshll.u32 v3, $0x2  }
0x37: {  	v3 =	vand.u32 $0x7, v3;
	v4 =	vand.u32 $0xFFFFFFE0, v63  }
0x38: {  	v3 =	vor.u32 v3, v4  }
0x39: {  	v4 =	vperm.xlane v3, v0;
	_ =	sdelay $0x1  }
0x3a: {  	v4 =	vadd.s32 v1, v4;
	_ =	sdelay $0x1  }
0x3b: {  	v3 =	vperm.xlane v3, v2;
	_ =	sdelay $0x1  }
0x3c: {  	s28 =	sor.u32 $0x2100, s24;
	v3 =	vadd.s32 v1, v3  }
0x3d: {  	[tilespmem:s28], [sflag:$0x5] =	stream.indirect_vreg.gather [hbm4b:s4+s2], $0x80, v4, vm0, $0x2000b8;
	[tilespmem:$0x8100] =	vst v63  }
0x3e: {  	s29 =	sor.u32 $0x2900, s24  }
0x3f: {  	[tilespmem:s29], [sflag:$0x5] =	stream.indirect_vreg.gather [hbm4b:s10+s2], $0x80, v4, vm0, $0x2000b8;
	[tilespmem:$0x8100] =	vst v63  }
0x40: {  	p4 =	seq.s32 s9, s18;
	p6 =	sne.s32 s18, $0x0;
	s30 =	sor.u32 $0x3100, s24  }
0x41: {  	[tilespmem:s30], [sflag:$0x5] =	stream.indirect_vreg.gather [hbm4b:s4+s2], $0x80, v3, vm0, $0x2000b8;
	[tilespmem:$0x8100] =	vst v63  }
0x42: {  	p1 =	por p4, p1;
	s20 =	sadd.s32 s6, s20;
	s31 =	sor.u32 $0x3900, s24  }
0x43: {  	[tilespmem:s31], [sflag:$0x5] =	stream.indirect_vreg.gather [hbm4b:s10+s2], $0x80, v3, vm0, $0x2000b8;
	[tilespmem:$0x8100] =	vst v63  }
0x44: {  	p5 =	sne.s32 s21, $0x0;
	s20 =	sshll.u32 @p1 s20, $0xB;
	_ =	swait.ge [sflag:s12], $0x4000  }
0x45: {  	s21 =	simm.s32 $0x1;
	s20 =	sand.u32 @p1 $0x1FFFF800, s20;
	[sflag:s12] =	ssyncset.done $0x0  }
0x46: {  	s21 =	simm.s32 @!p0 $0x0;
	p2 =	por !p6, !p5;
	[sflag:s12] =	ssyncadd.s32 $0xFFFFC000  }
0x47: {  	s20 =	sadd.s32 @p1 s5, s20;
	p0 =	por !p2, !p2;
	_ =	strace $0x9000005F  }
0x48: {  	s22 =	sadd.s32 @p1 $0x3, s23;
	s23 =	simm.s32 @p1 $0x0;
	_ =	strace @p1 $0x80000060  }
0x49: {  	[hbm4b:s20+s23] =	stream.linear.scatter @p1 [tilespmem:s25], [sflag:s22], $0x4000, $0x200038;
	[tilespmem:$0x8100] =	vst v63  }
0x4a: {  	s18 =	sadd.s32 $0x1, s18;
	s20 =	simm.s32 $0x1;
	s22 =	sand.u32 @p0 $0x1, s14  }
0x4b: {  	_ =	strace @p1 $0x90000060;
	s20 =	simm.s32 @!p1 $0x0;
	p1 =	sne.s32 s7, s18  }
.Ltmp0:
0x4c: {  	s22 =	sadd.s32 @p0 $0x3, s22;
	_ =	strace @p0 $0x80000061;
	(pc) =	sbr.rel @p1 .LBB2_2-.Ltmp0, $4  }
0x4d: {  	s17 =	sadd.s32 s21, s17;
	s21 =	simm.s32 $0x1;
	_ =	swait.ge @p0 [sflag:s22], $0x4000  }
0x4e: {  	s21 =	simm.s32 @!p0 $0x0;
	[sflag:s22] =	ssyncset.done @p0 $0x0  }
0x4f: {  	s14 =	sadd.s32 s21, s14;
	s15 =	sadd.s32 s20, s15;
	[sflag:s22] =	ssyncadd.s32 @p0 $0xFFFFC000  }
0x50: {  	s16 =	sadd.s32 s20, s16;
	s20 =	smov.u32 s19;
	_ =	strace @p0 $0x90000061  }
0x51: {  	s13 =	sadd.s32 $0x1, s13  }
0x52: {  	s14 =	sand.u32 $0x1, s14;
	p0 =	sne.s32 s13, s11  }
.Ltmp1:
0x53: {  	_ =	strace $0x80000062;
	s14 =	sadd.s32 $0x3, s14;
	(pc) =	sbr.rel @p0 .LBB2_1-.Ltmp1, $4  }
0x54: {  	_ =	swait.ge [sflag:s14], $0x4000  }
0x55: {  	[sflag:s14] =	ssyncset.done $0x0  }
0x56: {  	[sflag:s14] =	ssyncadd.s32 $0xFFFFC000  }
0x57: {  	_ =	strace $0x90000062  }
0x58: {  	_ =	sfence.sel $0x180000  }
0x59: {  	[bflag:$0x0] =	sbarrier.arrive $0xFFFF  }
0x5a: {  	p0 =	sne.s32 s3, $0x0;
	_ =	strace $0x9000005B  }
0x5b: {  	s0 =	sadd.s32 @!p0 $0x100000, s0;
	[bflag:$0x2] =	sbarrier.arrive $0xFFFF  }
0x5c: {  	[sflag:s0] =	ssyncadd.tile.s32 @!p0 $0x1;
	_ =	shalt  }
.Lfunc_end2:
_tile_overlayer_lowered:
.L_overlay_start_2:
0x5d: {  	(tag) =	ssettag $0x2  }
0x5e: {  	s0 =	rddreg [dreg:$0x0];
	s2 =	stileid.u32  }
0x5f: {  	s1 =	rddreg [dreg:$0x1];
	p0 =	sne.s32 s2, $0x0  }
0x60: {  	s3 =	rddreg [dreg:$0x2];
	[bflag:$0x3] =	sbarrier.arrive $0xFFFF;
	s2 =	simm.s32 @!p0 $0x1C01  }
0x61: {  	[timem:s3], [sflag:s2] =	dma.local @!p0 [hbm:s0], s1  }
0x62: {  	s0 =	simm.s32 @!p0 $0x1  }
0x63: {  	_ =	swait.ge @!p0 [sflag:s0], s1  }
0x64: {  	s1 =	ssub.s32 @!p0 $0x0, s1;
	[sflag:s0] =	ssyncset.done @!p0 $0x0  }
0x65: {  	[sflag:s0] =	ssyncadd.s32 @!p0 s1  }
0x66: {  	[bflag:$0x3] =	sbarrier.arrive $0xFFFF  }
0x67: {  	_ =	shalt  }

// kernel: kernel.6.cloned.1.call-start
scs
__scs_entry_jumppad:
0x0: {  	(pc) =	sbr.rel $0x88, $3  }
0x1: {  	(tag) =	ssettag $0x0;
	lr =	simm.s32 $0x1  }
0x2: {  	[smem:$0x3F8A] =	sst lr;
	_ =	strace $0xD0000000  }
0x3: {  	_ = 	snop  }
0x4: {  	_ = 	snop  }
0x5: {  	_ = 	snop  }
0x6: {  	_ = 	snop  }
0x7: {  	_ = 	snop  }
__scs_overlays_trampoline_lowered:
0x8: {  	[smem:$0x3F99] =	sst s0  }
0x9: {  	[smem:$0x3F9A] =	sst s1  }
0xa: {  	[smem:$0x3F9B] =	sst s2  }
0xb: {  	[smem:$0x3F9C] =	sst s3  }
0xc: {  	[smem:$0x3F9D] =	sst s4  }
0xd: {  	[smem:$0x3F9E] =	sst s5  }
0xe: {  	[smem:$0x3F9F] =	sst s6  }
0xf: {  	[smem:$0x3FA0] =	sst s7  }
0x10: {  	[smem:$0x3FA1] =	sst s8  }
0x11: {  	[smem:$0x3FA2] =	sst s9;
	s0 =	simm.s32 @!p0 $0x0  }
0x12: {  	s1 =	sld [smem:$0x3F88];
	s0 =	simm.s32 @p0 $0x1  }
0x13: {  	[smem:$0x3FA3] =	sst s0;
	s0 =	simm.s32 @!p1 $0x0  }
0x14: {  	s2 =	sld [smem:$0x3F87];
	s0 =	simm.s32 @p1 $0x1  }
0x15: {  	[smem:$0x3FA4] =	sst s0;
	s0 =	simm.s32 @!p2 $0x0  }
0x16: {  	s3 =	sld [smem:$0x3FDB];
	s0 =	simm.s32 @p2 $0x1  }
0x17: {  	s4 =	simm.s32 $0x1BF5;
	[smem:$0x3FA6] =	sst s0  }
0x18: {  	s0 =	sld [smem:$0x3F89];
	_ =	swait.ge [sflag:s4], $0x0  }
0x19: {  	s7 =	sld [smem:$0x3F8A]  }
0x1a: {  	s8 =	sadd.s32 $0xFFFFE003, lr  }
0x1b: {  	s9 =	sadd.s32 $0xFFFFFEF7, lr;
	s5 =	simm.s32 $0xFFFFFFFF;
	p2 =	slt.u32 s8, $0xFFFFF086  }
0x1c: {  	p1 =	slt.u32 s9, $0xF7A;
	s5 =	simm.s32 @!p2 $0x0  }
0x1d: {  	s5 =	simm.s32 @p1 $0x1;
	p0 =	seq.s32 s7, s2  }
0x1e: {  	s7 =	smul.u32 @!p0 $0xF7A, s2;
	p2 =	seq.s32 @!p0 s5, $0x0  }
0x1f: {  	s9 =	smul.u32 $0xF7A, s1;
	s8 =	simm.s32 @!p0 $0x1BF5;
	p2 =	por !p2, p0  }
0x20: {  	[sflag:s8] =	ssyncset.s32 @!p0 $0xFFFFF086;
	s6 =	sadd.s32 @!p0 s3, s7;
	s7 =	simm.s32 @!p0 $0x108  }
0x21: {  	s3 =	sadd.s32 s3, s9;
	s6 =	sadd.s32 @!p0 $0x88, s6;
	s7 =	simm.s32 @p2 $0x1082  }
0x22: {  	[simem:s7], [sflag:s8] =	dma.local @!p0 [hbm:s6], $0xF7A  }
0x23: {  	s9 =	sor.u32 $0xD0000000, s2;
	s6 =	simm.s32 $0x108;
	_ =	swait.ge @!p0 [sflag:s8], $0x0  }
0x24: {  	s3 =	sadd.s32 $0x88, s3;
	s6 =	simm.s32 @!p1 $0x1082;
	[sflag:s4] =	ssyncset.s32 $0xFFFFF086  }
0x25: {  	[simem:s6], [sflag:s4] =	dma.local [hbm:s3], $0xF7A  }
0x26: {  	[smem:$0x3F8A] =	sst s1;
	(tag) =	ssettag s2;
	_ =	strace s9  }
0x27: {  	s1 =	sld [smem:$0x3F9A]  }
0x28: {  	s2 =	sld [smem:$0x3F9B]  }
0x29: {  	s4 =	sld [smem:$0x3F9D]  }
0x2a: {  	p0 =	seq.s32 s5, $0x0;
	s5 =	sld [smem:$0x3F9E]  }
0x2b: {  	s6 =	sld [smem:$0x3F9F]  }
0x2c: {  	s7 =	sld [smem:$0x3FA0]  }
0x2d: {  	s3 =	simm.s32 $0x108;
	s8 =	sld [smem:$0x3FA1]  }
0x2e: {  	s3 =	simm.s32 @!p0 $0x1082;
	s9 =	sld [smem:$0x3FA2]  }
0x2f: {  	lr =	sadd.s32 s0, s3;
	s0 =	sld [smem:$0x3F99]  }
0x30: {  	s3 =	sld [smem:$0x3F9C]  }
0x31: {  	[smem:$0x3FA5] =	sst s10  }
0x32: {  	s10 =	sld [smem:$0x3FA3];
	_ =	sdelay $0x3  }
0x33: {  	p0 =	seq.s32 s10, $0x1;
	s10 =	sld [smem:$0x3FA5];
	_ =	sdelay $0x3  }
0x34: {  	[smem:$0x3FA5] =	sst s10  }
0x35: {  	s10 =	sld [smem:$0x3FA4];
	_ =	sdelay $0x3  }
0x36: {  	p1 =	seq.s32 s10, $0x1;
	s10 =	sld [smem:$0x3FA5];
	_ =	sdelay $0x3  }
0x37: {  	[smem:$0x3FA5] =	sst s10  }
0x38: {  	s10 =	sld [smem:$0x3FA6]  }
0x39: {  	_ = 	snop;
	(pc) =	sbr.ind lr, $3  }
0x3a: {  	_ = 	snop  }
0x3b: {  	_ = 	snop  }
0x3c: {  	p2 =	seq.s32 s10, $0x1;
	s10 =	sld [smem:$0x3FA5]  }
0x3d: {  	_ =	shalt  }
0x3e: {  	_ =	shalt  }
0x3f: {  	_ =	shalt  }
0x40: {  	_ =	shalt  }
0x41: {  	_ =	shalt  }
0x42: {  	_ =	shalt  }
0x43: {  	_ =	shalt  }
0x44: {  	_ =	shalt  }
0x45: {  	_ =	shalt  }
0x46: {  	_ =	shalt  }
0x47: {  	_ =	shalt  }
0x48: {  	_ =	shalt  }
0x49: {  	_ =	shalt  }
0x4a: {  	_ =	shalt  }
0x4b: {  	_ =	shalt  }
0x4c: {  	_ =	shalt  }
0x4d: {  	_ =	shalt  }
0x4e: {  	_ =	shalt  }
0x4f: {  	_ =	shalt  }
0x50: {  	_ =	shalt  }
0x51: {  	_ =	shalt  }
0x52: {  	_ =	shalt  }
0x53: {  	_ =	shalt  }
0x54: {  	_ =	shalt  }
0x55: {  	_ =	shalt  }
0x56: {  	_ =	shalt  }
0x57: {  	_ =	shalt  }
0x58: {  	_ =	shalt  }
0x59: {  	_ =	shalt  }
0x5a: {  	_ =	shalt  }
0x5b: {  	_ =	shalt  }
0x5c: {  	_ =	shalt  }
0x5d: {  	_ =	shalt  }
0x5e: {  	_ =	shalt  }
0x5f: {  	_ =	shalt  }
0x60: {  	_ =	shalt  }
0x61: {  	_ =	shalt  }
0x62: {  	_ =	shalt  }
0x63: {  	_ =	shalt  }
0x64: {  	_ =	shalt  }
0x65: {  	_ =	shalt  }
0x66: {  	_ =	shalt  }
0x67: {  	_ =	shalt  }
0x68: {  	_ =	shalt  }
0x69: {  	_ =	shalt  }
0x6a: {  	_ =	shalt  }
0x6b: {  	_ =	shalt  }
0x6c: {  	_ =	shalt  }
0x6d: {  	_ =	shalt  }
0x6e: {  	_ =	shalt  }
0x6f: {  	_ =	shalt  }
0x70: {  	_ =	shalt  }
0x71: {  	_ =	shalt  }
0x72: {  	_ =	shalt  }
0x73: {  	_ =	shalt  }
0x74: {  	_ =	shalt  }
0x75: {  	_ =	shalt  }
0x76: {  	_ =	shalt  }
0x77: {  	_ =	shalt  }
0x78: {  	_ =	shalt  }
0x79: {  	_ =	shalt  }
0x7a: {  	_ =	shalt  }
0x7b: {  	_ =	shalt  }
0x7c: {  	_ =	shalt  }
0x7d: {  	_ =	shalt  }
0x7e: {  	_ =	shalt  }
0x7f: {  	_ =	shalt  }
0x80: {  	_ =	shalt  }
0x81: {  	_ =	shalt  }
0x82: {  	_ =	shalt  }
0x83: {  	_ =	shalt  }
0x84: {  	_ =	shalt  }
0x85: {  	_ =	shalt  }
0x86: {  	_ =	shalt  }
0x87: {  	_ =	shalt  }
.Lfunc_end0:
.L_simem_size_0:
called_computation_lowered:
.L_overlay_start_0:
0x88: {  	s2 =	sld [smem:$0x3FD9]  }
0x89: {  	s3 =	sld [smem:$0x3FFE];
	_ =	sdelay $0x1  }
0x8a: {  	s1 =	srdreg.scid  }
0x8b: {  	s0 =	sand.u32 $0x1, s1  }
0x8c: {  	s14 =	sshll.u32 s0, $0xA;
	s2 =	sadd.s32 s3, s2  }
0x8d: {  	s2 =	sadd.s32 s2, s14  }
0x8e: {  	[smem:$0x3FB1] =	sst s2  }
0x8f: {  	_ = 	snop  }
0x90: {  	s2 =	sld [smem:$0x3FD0];
	_ =	sdelay $0x3  }
0x91: {  	s15 =	simm.s32 $0xC;
	s4 =	simm.s32 $0x10;
	s2 =	sadd.s32 $0x1, s2  }
0x92: {  	[smem:s4], [sflag:s15] =	dma.local [hbm:s2], $0x1  }
0x93: {  	_ =	swait.eq [sflag:s15], $0x1  }
0x94: {  	[sflag:s15] =	ssyncset.done $0x0  }
0x95: {  	[sflag:s15] =	ssyncadd.s32 $0xFFFFFFFF  }
0x96: {  	s16 =	sld [smem:$0x16];
	(tm) =	ssettm $0x1  }
0x97: {  	s17 =	sld [smem:$0x3FFB];
	_ =	sdelay $0x3  }
0x98: {  	_ =	strace s17  }
0x99: {  	s3 =	sld [smem:$0x3FFC];
	_ =	sdelay $0x3  }
0x9a: {  	_ =	strace s3  }
0x9b: {  	s3 =	sld [smem:$0x3FFD];
	_ =	sdelay $0x3  }
0x9c: {  	_ =	strace s3  }
0x9d: {  	_ =	strace $0x8FFFFFFF  }
0x9e: {  	s18 =	sld [smem:$0x3FDB];
	_ =	sdelay $0x1  }
0x9f: {  	s19 =	simm.s32 $_scs_section_size  }
0xa0: {  	s5 =	simm.s32 $_size__tile_overlayer_lowered;
	s6 =	simm.s32 $_tile_overlayer_lowered  }
0xa1: {  	s22 =	simm.s32 $0x1BFF;
	s21 =	sshll.u32 s6, $0x1;
	s3 =	sadd.s32 s19, s18  }
0xa2: {  	s7 =	simm.s32 $0x0;
	s20 =	sshll.u32 s5, $0x1;
	s5 =	sadd.s32 s21, s3  }
0xa3: {  	[timem:s7], [sflag:s22] =	dma.local [hbm:s5], s20  }
0xa4: {  	_ =	swait.ge [sflag:s22], s20  }
0xa5: {  	s4 =	ssub.s32 $0x0, s20;
	[sflag:s22] =	ssyncset.done $0x0  }
0xa6: {  	[sflag:s22] =	ssyncadd.s32 s4;
	_ =	sdelay $0x1  }
0xa7: {  	s23 =	simm.s32 $0x1B8B  }
0xa8: {  	_ =	swait.ge [sflag:s23], $0x1  }
0xa9: {  	[sflag:s23] =	ssyncset.done $0x0  }
0xaa: {  	s25 =	simm.s32 $0x1B8E;
	s24 =	sld [smem:$0x3FFE];
	[sflag:s23] =	ssyncadd.s32 $0xFFFFFFFF  }
0xab: {  	s26 =	simm.s32 $execute0_lowered;
	[smem:$0x3FD2] =	sst s25  }
0xac: {  	s5 =	sshll.u32 s26, $0x1;
	_ =	strace $0x80000046;
	[dreg:$0x1] =	wrdreg $0xFFFFFFFF  }
0xad: {  	s28 =	simm.s32 $_size_execute0_lowered;
	s3 =	sadd.s32 s3, s5;
	[dreg:$0x0] =	wrdreg $0x0  }
0xae: {  	s5 =	sshll.u32 s28, $0x1;
	[dreg:$0x2] =	wrdreg s3  }
0xaf: {  	[dreg:$0x3] =	wrdreg s5  }
0xb0: {  	[dreg:$0x4] =	wrdreg $0xC0  }
0xb1: {  	_ =	task [dreg:s7], $0x5FFFF  }
0xb2: {  	[dreg:$0x1] =	wrdreg $0xFFFFFFFF  }
0xb3: {  	[dreg:$0x0] =	wrdreg $0x60  }
0xb4: {  	[dreg:$0x2] =	wrdreg s24  }
0xb5: {  	[dreg:$0x3] =	wrdreg s16  }
0xb6: {  	[dreg:$0x4] =	wrdreg $0x9  }
0xb7: {  	_ =	task.clear_ibuf [dreg:s7], $0x5FFFF;
	_ =	strace $0x90000046  }
0xb8: {  	s29 =	simm.s32 $0x9;
	_ =	strace $0x8000004F  }
0xb9: {  	_ =	swait.ge [sflag:s29], $0x1  }
0xba: {  	[sflag:s29] =	ssyncadd.s32 $0xFFFFFFFF  }
0xbb: {  	_ =	strace $0x9000004F  }
0xbc: {  	_ =	sfence  }
0xbd: {  	s30 =	sld [smem:$0x0];
	_ =	sdelay $0x2  }
0xbe: {  	s31 =	sshll.u32 s1, $0xD;
	s1 =	sshrl.u32 s1, $0x2  }
0xbf: {  	s3 =	sand.u32 $0x4000, s31;
	s1 =	sadd.s32 s1, s30  }
0xc0: {  	s0 =	sor.u32 s3, s0;
	s1 =	sshll.u32 s1, $0x11  }
0xc1: {  	s0 =	sor.u32 s1, s0  }
0xc2: {  	s0 =	sadd.s32 $0x8F2B, s0  }
0xc3: {  	[sflag:s0] =	ssyncadd.remote.s32 $0x1  }
0xc4: {  	_ =	sfence.sel $0xFFFF  }
0xc5: {  	[dreg:$0x0] =	wrdreg $0xFFFFFFFF;
	(pc) =	sbr.abs _section_cstart, $3  }
0xc6: {  	[dreg:$0x1] =	wrdreg $0xFFFFFFFF  }
0xc7: {  	_ =	task.clear_ibuf [dreg:s7], $0x2FFFF;
	_ =	strace $0x9FFFFFFF  }
0xc8: {  	(tm) =	ssettm $0x7FFFFFFF  }
0xc9: {  	_ =	shalt  }
tec
execute0_lowered:
.L_overlay_start_1:
0x0: {  	(tag) =	ssettag $0x1  }
0x1: {  	s10 =	rddreg [dreg:$0x0]  }
0x2: {  	s1 =	rddreg [dreg:$0x1]  }
0x3: {  	s0 =	rddreg [dreg:$0x2];
	s2 =	simm.s32 $0x0;
	s3 =	srdreg.scid  }
0x4: {  	s12 =	simm.s32 $0x5;
	s13 =	simm.s32 $0x0;
	[smem:$0x7FF] =	sst s2  }
0x5: {  	s6 =	sand.u32 $0x1, s3;
	s4 =	sadd.s32 $0xA200, s10;
	s3 =	stileid.u32  }
0x6: {  	s5 =	sadd.s32 $0x18A200, s10;
	s10 =	sadd.s32 $0xA300, s10;
	s7 =	sshll.u32 s6, $0x4  }
0x7: {  	_ =	strace $0x80000047;
	s8 =	ssub.s32 $0x2, s6;
	s30 =	sor.u32 s3, s7  }
0x8: {  	p0 =	slt.u32 s30, $0x12;
	s9 =	sshll.u32 s30, $0x1;
	s6 =	sadd.s32 $0x12, s30  }
0x9: {  	v2 =	vlaneseq.u32;
	s11 =	sshrl.u32 s8, $0x1;
	s7 =	simm.s32 $0x2;
	s6 =	smov.u32 @p0 s9  }
0xa: {  	vm0 =	vmmov $0xffff;
	v1 =	vshrl.u32 v2, $0x3;
	s11 =	ssub.s32 s8, s11;
	s7 =	simm.s32 @!p0 $0x1;
	s31 =	sshll.u32 s6, $0x4  }
0xb: {  	v0 =	vand.u32 $0x7, v2;
	v2 =	vor.u32 $0x8, v2;
	v1 =	vmul.u32 $0x8, v1;
	s11 =	smax.u32 s11, $0x1;
	s9 =	sadd.s32 $0xFFFFFFFF, s7;
	s8 =	sadd.s32 s1, s31  }
.LBB2_1:
0xc: {  	_ =	strace $0x80000048;
	s20 =	simm.s32 $0x0  }
0xd: {  	s14 =	simm.s32 $0x0;
	s15 =	simm.s32 $0x0;
	s16 =	simm.s32 $0x0  }
0xe: {  	[tilespmem:s2], [sflag:$0x1] =	stream.linear.gather [hbm4b:s8+s2], $0x80, $0x200038;
	[tilespmem:$0x8100] =	vst v63  }
0xf: {  	s17 =	simm.s32 $0x1;
	s18 =	simm.s32 $0x0;
	_ =	strace $0x90000048  }
.LBB2_2:
0x10: {  	s19 =	sadd.s32 $0x1, s20  }
0x11: {  	p0 =	seq.s32 s19, s7  }
0x12: {  	s19 =	simm.s32 @p0 $0x0  }
0x13: {  	p3 =	slt.s32 s18, s9;
	p1 =	sne.s32 s20, s19  }
0x14: {  	p0 =	por !p3, !p1  }
0x15: {  	p0 =	por !p0, !p0  }
0x16: {  	s21 =	sadd.s32 @p0 s6, s19  }
0x17: {  	s22 =	sand.u32 @p0 $0x1, s17;
	s21 =	sshll.u32 @p0 s21, $0x4  }
0x18: {  	_ =	strace @p0 $0x80000049;
	s24 =	simm.s32 @p0 $0x0;
	s21 =	sand.u32 @p0 $0x1FFFFFF0, s21  }
0x19: {  	s23 =	sshll.u32 @p0 s22, $0x7;
	s22 =	sadd.s32 @p0 $0x1, s22;
	s21 =	sadd.s32 @p0 s1, s21  }
0x1a: {  	[tilespmem:s23], [sflag:s22] =	stream.linear.gather @p0 [hbm4b:s21+s24], $0x80, $0x200038;
	[tilespmem:$0x8100] =	vst v63  }
0x1b: {  	p2 =	seq.s32 s18, $0x0;
	s21 =	sor.u32 s9, s20  }
0x1c: {  	p3 =	seq.s32 @!p2 s21, $0x0  }
0x1d: {  	p2 =	por p2, !p3  }
0x1e: {  	_ =	strace @p0 $0x90000049;
	s22 =	sand.u32 @p2 $0x1, s16  }
0x1f: {  	_ =	strace @p2 $0x8000004A;
	s22 =	sadd.s32 @p2 $0x1, s22  }
0x20: {  	_ =	swait.ge @p2 [sflag:s22], $0x80  }
0x21: {  	[sflag:s22] =	ssyncset.done @p2 $0x0  }
0x22: {  	[sflag:s22] =	ssyncadd.s32 @p2 $0xFFFFFF80  }
0x23: {  	s29 =	sshll.u32 s16, $0x7;
	_ =	strace @p2 $0x9000004A  }
0x24: {  	s22 =	sand.u32 $0x80, s29;
	_ =	strace $0x8000004B  }
0x25: {  	v3 =	vld [tilespmem:s22+$0x0];
	_ =	sdelay $0x4  }
0x26: {  	v4 =	vshll.u32 v3, $0x2  }
0x27: {  	v3 =	vand.u32 $0x7, v3;
	v4 =	vand.u32 $0xFFFFFFE0, v4  }
0x28: {  	v3 =	vor.u32 v3, v4  }
0x29: {  	v4 =	vperm.xlane v3, v0;
	_ =	sdelay $0x1  }
0x2a: {  	v4 =	vadd.s32 v1, v4;
	_ =	sdelay $0x1  }
0x2b: {  	s23 =	sand.u32 $0x1, s15;
	v3 =	vperm.xlane v3, v2  }
0x2c: {  	s24 =	sshll.u32 s23, $0xE  }
0x2d: {  	s25 =	sor.u32 $0x100, s24;
	v3 =	vadd.s32 v1, v3  }
0x2e: {  	[tilespmem:s25], [sflag:$0x5] =	stream.indirect_vreg.gather [hbm4b:s4+s2], $0x80, v4, vm0, $0x2000b8;
	[tilespmem:$0x8100] =	vst v63  }
0x2f: {  	s26 =	sor.u32 $0x900, s24  }
0x30: {  	[tilespmem:s26], [sflag:$0x5] =	stream.indirect_vreg.gather [hbm4b:s10+s2], $0x80, v4, vm0, $0x2000b8;
	[tilespmem:$0x8100] =	vst v63  }
0x31: {  	s30 =	sor.u32 $0x1100, s24  }
0x32: {  	[tilespmem:s30], [sflag:$0x5] =	stream.indirect_vreg.gather [hbm4b:s4+s2], $0x80, v3, vm0, $0x2000b8;
	[tilespmem:$0x8100] =	vst v63  }
0x33: {  	s31 =	sor.u32 $0x1900, s24  }
0x34: {  	[tilespmem:s31], [sflag:$0x5] =	stream.indirect_vreg.gather [hbm4b:s10+s2], $0x80, v3, vm0, $0x2000b8;
	[tilespmem:$0x8100] =	vst v63  }
0x35: {  	v3 =	vld [tilespmem:s22+$0x10];
	_ =	sdelay $0x4  }
0x36: {  	v63 =	vshll.u32 v3, $0x2  }
0x37: {  	v3 =	vand.u32 $0x7, v3;
	v4 =	vand.u32 $0xFFFFFFE0, v63  }
0x38: {  	v3 =	vor.u32 v3, v4  }
0x39: {  	v4 =	vperm.xlane v3, v0;
	_ =	sdelay $0x1  }
0x3a: {  	v4 =	vadd.s32 v1, v4;
	_ =	sdelay $0x1  }
0x3b: {  	v3 =	vperm.xlane v3, v2;
	_ =	sdelay $0x1  }
0x3c: {  	s28 =	sor.u32 $0x2100, s24;
	v3 =	vadd.s32 v1, v3  }
0x3d: {  	[tilespmem:s28], [sflag:$0x5] =	stream.indirect_vreg.gather [hbm4b:s4+s2], $0x80, v4, vm0, $0x2000b8;
	[tilespmem:$0x8100] =	vst v63  }
0x3e: {  	s29 =	sor.u32 $0x2900, s24  }
0x3f: {  	[tilespmem:s29], [sflag:$0x5] =	stream.indirect_vreg.gather [hbm4b:s10+s2], $0x80, v4, vm0, $0x2000b8;
	[tilespmem:$0x8100] =	vst v63  }
0x40: {  	p4 =	seq.s32 s9, s18;
	p6 =	sne.s32 s18, $0x0;
	s30 =	sor.u32 $0x3100, s24  }
0x41: {  	[tilespmem:s30], [sflag:$0x5] =	stream.indirect_vreg.gather [hbm4b:s4+s2], $0x80, v3, vm0, $0x2000b8;
	[tilespmem:$0x8100] =	vst v63  }
0x42: {  	p1 =	por p4, p1;
	s20 =	sadd.s32 s6, s20;
	s31 =	sor.u32 $0x3900, s24  }
0x43: {  	[tilespmem:s31], [sflag:$0x5] =	stream.indirect_vreg.gather [hbm4b:s10+s2], $0x80, v3, vm0, $0x2000b8;
	[tilespmem:$0x8100] =	vst v63  }
0x44: {  	p5 =	sne.s32 s21, $0x0;
	s20 =	sshll.u32 @p1 s20, $0xB;
	_ =	swait.ge [sflag:s12], $0x4000  }
0x45: {  	s21 =	simm.s32 $0x1;
	s20 =	sand.u32 @p1 $0x1FFFF800, s20;
	[sflag:s12] =	ssyncset.done $0x0  }
0x46: {  	s21 =	simm.s32 @!p0 $0x0;
	p2 =	por !p6, !p5;
	[sflag:s12] =	ssyncadd.s32 $0xFFFFC000  }
0x47: {  	s20 =	sadd.s32 @p1 s5, s20;
	p0 =	por !p2, !p2;
	_ =	strace $0x9000004B  }
0x48: {  	s22 =	sadd.s32 @p1 $0x3, s23;
	s23 =	simm.s32 @p1 $0x0;
	_ =	strace @p1 $0x8000004C  }
0x49: {  	[hbm4b:s20+s23] =	stream.linear.scatter @p1 [tilespmem:s25], [sflag:s22], $0x4000, $0x200038;
	[tilespmem:$0x8100] =	vst v63  }
0x4a: {  	s18 =	sadd.s32 $0x1, s18;
	s20 =	simm.s32 $0x1;
	s22 =	sand.u32 @p0 $0x1, s14  }
0x4b: {  	_ =	strace @p1 $0x9000004C;
	s20 =	simm.s32 @!p1 $0x0;
	p1 =	sne.s32 s7, s18  }
.Ltmp0:
0x4c: {  	s22 =	sadd.s32 @p0 $0x3, s22;
	_ =	strace @p0 $0x8000004D;
	(pc) =	sbr.rel @p1 .LBB2_2-.Ltmp0, $4  }
0x4d: {  	s17 =	sadd.s32 s21, s17;
	s21 =	simm.s32 $0x1;
	_ =	swait.ge @p0 [sflag:s22], $0x4000  }
0x4e: {  	s21 =	simm.s32 @!p0 $0x0;
	[sflag:s22] =	ssyncset.done @p0 $0x0  }
0x4f: {  	s14 =	sadd.s32 s21, s14;
	s15 =	sadd.s32 s20, s15;
	[sflag:s22] =	ssyncadd.s32 @p0 $0xFFFFC000  }
0x50: {  	s16 =	sadd.s32 s20, s16;
	s20 =	smov.u32 s19;
	_ =	strace @p0 $0x9000004D  }
0x51: {  	s13 =	sadd.s32 $0x1, s13  }
0x52: {  	s14 =	sand.u32 $0x1, s14;
	p0 =	sne.s32 s13, s11  }
.Ltmp1:
0x53: {  	_ =	strace $0x8000004E;
	s14 =	sadd.s32 $0x3, s14;
	(pc) =	sbr.rel @p0 .LBB2_1-.Ltmp1, $4  }
0x54: {  	_ =	swait.ge [sflag:s14], $0x4000  }
0x55: {  	[sflag:s14] =	ssyncset.done $0x0  }
0x56: {  	[sflag:s14] =	ssyncadd.s32 $0xFFFFC000  }
0x57: {  	_ =	strace $0x9000004E  }
0x58: {  	_ =	sfence.sel $0x180000  }
0x59: {  	[bflag:$0x0] =	sbarrier.arrive $0xFFFF  }
0x5a: {  	p0 =	sne.s32 s3, $0x0;
	_ =	strace $0x90000047  }
0x5b: {  	s0 =	sadd.s32 @!p0 $0x100000, s0;
	[bflag:$0x2] =	sbarrier.arrive $0xFFFF  }
0x5c: {  	[sflag:s0] =	ssyncadd.tile.s32 @!p0 $0x1;
	_ =	shalt  }
.Lfunc_end2:
_tile_overlayer_lowered:
.L_overlay_start_2:
0x5d: {  	(tag) =	ssettag $0x2  }
0x5e: {  	s0 =	rddreg [dreg:$0x0];
	s2 =	stileid.u32  }
0x5f: {  	s1 =	rddreg [dreg:$0x1];
	p0 =	sne.s32 s2, $0x0  }
0x60: {  	s3 =	rddreg [dreg:$0x2];
	[bflag:$0x3] =	sbarrier.arrive $0xFFFF;
	s2 =	simm.s32 @!p0 $0x1C01  }
0x61: {  	[timem:s3], [sflag:s2] =	dma.local @!p0 [hbm:s0], s1  }
0x62: {  	s0 =	simm.s32 @!p0 $0x1  }
0x63: {  	_ =	swait.ge @!p0 [sflag:s0], s1  }
0x64: {  	s1 =	ssub.s32 @!p0 $0x0, s1;
	[sflag:s0] =	ssyncset.done @!p0 $0x0  }
0x65: {  	[sflag:s0] =	ssyncadd.s32 @!p0 s1  }
0x66: {  	[bflag:$0x3] =	sbarrier.arrive $0xFFFF  }
0x67: {  	_ =	shalt  }

// kernel: kernel.9.cloned.1.call-start
scs
__scs_entry_jumppad:
0x0: {  	(pc) =	sbr.rel $0x88, $3  }
0x1: {  	(tag) =	ssettag $0x0;
	lr =	simm.s32 $0x1  }
0x2: {  	[smem:$0x3F8A] =	sst lr;
	_ =	strace $0xD0000000  }
0x3: {  	_ = 	snop  }
0x4: {  	_ = 	snop  }
0x5: {  	_ = 	snop  }
0x6: {  	_ = 	snop  }
0x7: {  	_ = 	snop  }
__scs_overlays_trampoline_lowered:
0x8: {  	[smem:$0x3F99] =	sst s0  }
0x9: {  	[smem:$0x3F9A] =	sst s1  }
0xa: {  	[smem:$0x3F9B] =	sst s2  }
0xb: {  	[smem:$0x3F9C] =	sst s3  }
0xc: {  	[smem:$0x3F9D] =	sst s4  }
0xd: {  	[smem:$0x3F9E] =	sst s5  }
0xe: {  	[smem:$0x3F9F] =	sst s6  }
0xf: {  	[smem:$0x3FA0] =	sst s7  }
0x10: {  	[smem:$0x3FA1] =	sst s8  }
0x11: {  	[smem:$0x3FA2] =	sst s9;
	s0 =	simm.s32 @!p0 $0x0  }
0x12: {  	s1 =	sld [smem:$0x3F88];
	s0 =	simm.s32 @p0 $0x1  }
0x13: {  	[smem:$0x3FA3] =	sst s0;
	s0 =	simm.s32 @!p1 $0x0  }
0x14: {  	s2 =	sld [smem:$0x3F87];
	s0 =	simm.s32 @p1 $0x1  }
0x15: {  	[smem:$0x3FA4] =	sst s0;
	s0 =	simm.s32 @!p2 $0x0  }
0x16: {  	s3 =	sld [smem:$0x3FDB];
	s0 =	simm.s32 @p2 $0x1  }
0x17: {  	s4 =	simm.s32 $0x1BF5;
	[smem:$0x3FA6] =	sst s0  }
0x18: {  	s0 =	sld [smem:$0x3F89];
	_ =	swait.ge [sflag:s4], $0x0  }
0x19: {  	s7 =	sld [smem:$0x3F8A]  }
0x1a: {  	s8 =	sadd.s32 $0xFFFFE003, lr  }
0x1b: {  	s9 =	sadd.s32 $0xFFFFFEF7, lr;
	s5 =	simm.s32 $0xFFFFFFFF;
	p2 =	slt.u32 s8, $0xFFFFF086  }
0x1c: {  	p1 =	slt.u32 s9, $0xF7A;
	s5 =	simm.s32 @!p2 $0x0  }
0x1d: {  	s5 =	simm.s32 @p1 $0x1;
	p0 =	seq.s32 s7, s2  }
0x1e: {  	s7 =	smul.u32 @!p0 $0xF7A, s2;
	p2 =	seq.s32 @!p0 s5, $0x0  }
0x1f: {  	s9 =	smul.u32 $0xF7A, s1;
	s8 =	simm.s32 @!p0 $0x1BF5;
	p2 =	por !p2, p0  }
0x20: {  	[sflag:s8] =	ssyncset.s32 @!p0 $0xFFFFF086;
	s6 =	sadd.s32 @!p0 s3, s7;
	s7 =	simm.s32 @!p0 $0x108  }
0x21: {  	s3 =	sadd.s32 s3, s9;
	s6 =	sadd.s32 @!p0 $0x88, s6;
	s7 =	simm.s32 @p2 $0x1082  }
0x22: {  	[simem:s7], [sflag:s8] =	dma.local @!p0 [hbm:s6], $0xF7A  }
0x23: {  	s9 =	sor.u32 $0xD0000000, s2;
	s6 =	simm.s32 $0x108;
	_ =	swait.ge @!p0 [sflag:s8], $0x0  }
0x24: {  	s3 =	sadd.s32 $0x88, s3;
	s6 =	simm.s32 @!p1 $0x1082;
	[sflag:s4] =	ssyncset.s32 $0xFFFFF086  }
0x25: {  	[simem:s6], [sflag:s4] =	dma.local [hbm:s3], $0xF7A  }
0x26: {  	[smem:$0x3F8A] =	sst s1;
	(tag) =	ssettag s2;
	_ =	strace s9  }
0x27: {  	s1 =	sld [smem:$0x3F9A]  }
0x28: {  	s2 =	sld [smem:$0x3F9B]  }
0x29: {  	s4 =	sld [smem:$0x3F9D]  }
0x2a: {  	p0 =	seq.s32 s5, $0x0;
	s5 =	sld [smem:$0x3F9E]  }
0x2b: {  	s6 =	sld [smem:$0x3F9F]  }
0x2c: {  	s7 =	sld [smem:$0x3FA0]  }
0x2d: {  	s3 =	simm.s32 $0x108;
	s8 =	sld [smem:$0x3FA1]  }
0x2e: {  	s3 =	simm.s32 @!p0 $0x1082;
	s9 =	sld [smem:$0x3FA2]  }
0x2f: {  	lr =	sadd.s32 s0, s3;
	s0 =	sld [smem:$0x3F99]  }
0x30: {  	s3 =	sld [smem:$0x3F9C]  }
0x31: {  	[smem:$0x3FA5] =	sst s10  }
0x32: {  	s10 =	sld [smem:$0x3FA3];
	_ =	sdelay $0x3  }
0x33: {  	p0 =	seq.s32 s10, $0x1;
	s10 =	sld [smem:$0x3FA5];
	_ =	sdelay $0x3  }
0x34: {  	[smem:$0x3FA5] =	sst s10  }
0x35: {  	s10 =	sld [smem:$0x3FA4];
	_ =	sdelay $0x3  }
0x36: {  	p1 =	seq.s32 s10, $0x1;
	s10 =	sld [smem:$0x3FA5];
	_ =	sdelay $0x3  }
0x37: {  	[smem:$0x3FA5] =	sst s10  }
0x38: {  	s10 =	sld [smem:$0x3FA6]  }
0x39: {  	_ = 	snop;
	(pc) =	sbr.ind lr, $3  }
0x3a: {  	_ = 	snop  }
0x3b: {  	_ = 	snop  }
0x3c: {  	p2 =	seq.s32 s10, $0x1;
	s10 =	sld [smem:$0x3FA5]  }
0x3d: {  	_ =	shalt  }
0x3e: {  	_ =	shalt  }
0x3f: {  	_ =	shalt  }
0x40: {  	_ =	shalt  }
0x41: {  	_ =	shalt  }
0x42: {  	_ =	shalt  }
0x43: {  	_ =	shalt  }
0x44: {  	_ =	shalt  }
0x45: {  	_ =	shalt  }
0x46: {  	_ =	shalt  }
0x47: {  	_ =	shalt  }
0x48: {  	_ =	shalt  }
0x49: {  	_ =	shalt  }
0x4a: {  	_ =	shalt  }
0x4b: {  	_ =	shalt  }
0x4c: {  	_ =	shalt  }
0x4d: {  	_ =	shalt  }
0x4e: {  	_ =	shalt  }
0x4f: {  	_ =	shalt  }
0x50: {  	_ =	shalt  }
0x51: {  	_ =	shalt  }
0x52: {  	_ =	shalt  }
0x53: {  	_ =	shalt  }
0x54: {  	_ =	shalt  }
0x55: {  	_ =	shalt  }
0x56: {  	_ =	shalt  }
0x57: {  	_ =	shalt  }
0x58: {  	_ =	shalt  }
0x59: {  	_ =	shalt  }
0x5a: {  	_ =	shalt  }
0x5b: {  	_ =	shalt  }
0x5c: {  	_ =	shalt  }
0x5d: {  	_ =	shalt  }
0x5e: {  	_ =	shalt  }
0x5f: {  	_ =	shalt  }
0x60: {  	_ =	shalt  }
0x61: {  	_ =	shalt  }
0x62: {  	_ =	shalt  }
0x63: {  	_ =	shalt  }
0x64: {  	_ =	shalt  }
0x65: {  	_ =	shalt  }
0x66: {  	_ =	shalt  }
0x67: {  	_ =	shalt  }
0x68: {  	_ =	shalt  }
0x69: {  	_ =	shalt  }
0x6a: {  	_ =	shalt  }
0x6b: {  	_ =	shalt  }
0x6c: {  	_ =	shalt  }
0x6d: {  	_ =	shalt  }
0x6e: {  	_ =	shalt  }
0x6f: {  	_ =	shalt  }
0x70: {  	_ =	shalt  }
0x71: {  	_ =	shalt  }
0x72: {  	_ =	shalt  }
0x73: {  	_ =	shalt  }
0x74: {  	_ =	shalt  }
0x75: {  	_ =	shalt  }
0x76: {  	_ =	shalt  }
0x77: {  	_ =	shalt  }
0x78: {  	_ =	shalt  }
0x79: {  	_ =	shalt  }
0x7a: {  	_ =	shalt  }
0x7b: {  	_ =	shalt  }
0x7c: {  	_ =	shalt  }
0x7d: {  	_ =	shalt  }
0x7e: {  	_ =	shalt  }
0x7f: {  	_ =	shalt  }
0x80: {  	_ =	shalt  }
0x81: {  	_ =	shalt  }
0x82: {  	_ =	shalt  }
0x83: {  	_ =	shalt  }
0x84: {  	_ =	shalt  }
0x85: {  	_ =	shalt  }
0x86: {  	_ =	shalt  }
0x87: {  	_ =	shalt  }
.Lfunc_end0:
.L_simem_size_0:
called_computation.1_lowered:
.L_overlay_start_0:
0x88: {  	s2 =	sld [smem:$0x3FD9]  }
0x89: {  	s3 =	sld [smem:$0x3FFE];
	_ =	sdelay $0x1  }
0x8a: {  	s1 =	srdreg.scid  }
0x8b: {  	s0 =	sand.u32 $0x1, s1  }
0x8c: {  	s15 =	sshll.u32 s0, $0xA;
	s2 =	sadd.s32 s3, s2  }
0x8d: {  	s2 =	sadd.s32 s2, s15  }
0x8e: {  	[smem:$0x3FB1] =	sst s2  }
0x8f: {  	_ = 	snop  }
0x90: {  	s2 =	sld [smem:$0x3FD0];
	_ =	sdelay $0x3  }
0x91: {  	s16 =	simm.s32 $0xC;
	s4 =	simm.s32 $0x10;
	s2 =	sadd.s32 $0x1, s2  }
0x92: {  	[smem:s4], [sflag:s16] =	dma.local [hbm:s2], $0x1  }
0x93: {  	_ =	swait.eq [sflag:s16], $0x1  }
0x94: {  	[sflag:s16] =	ssyncset.done $0x0  }
0x95: {  	[sflag:s16] =	ssyncadd.s32 $0xFFFFFFFF  }
0x96: {  	s17 =	sld [smem:$0x15];
	(tm) =	ssettm $0x1  }
0x97: {  	s18 =	sld [smem:$0x3FFB];
	_ =	sdelay $0x3  }
0x98: {  	_ =	strace s18  }
0x99: {  	s2 =	sld [smem:$0x3FFC];
	_ =	sdelay $0x3  }
0x9a: {  	_ =	strace s2  }
0x9b: {  	s2 =	sld [smem:$0x3FFD];
	_ =	sdelay $0x3  }
0x9c: {  	_ =	strace s2  }
0x9d: {  	_ =	strace $0x8FFFFFFF  }
0x9e: {  	s19 =	sld [smem:$0x3FDB];
	_ =	sdelay $0x1  }
0x9f: {  	s20 =	simm.s32 $_scs_section_size  }
0xa0: {  	s5 =	simm.s32 $_size__tile_overlayer_lowered;
	s6 =	simm.s32 $_tile_overlayer_lowered  }
0xa1: {  	s7 =	simm.s32 $0x1BFF;
	s21 =	sshll.u32 s6, $0x1;
	s4 =	sadd.s32 s20, s19  }
0xa2: {  	s22 =	simm.s32 $0x0;
	s5 =	sshll.u32 s5, $0x1;
	s6 =	sadd.s32 s21, s4  }
0xa3: {  	[timem:s22], [sflag:s7] =	dma.local [hbm:s6], s5  }
0xa4: {  	_ =	swait.ge [sflag:s7], s5  }
0xa5: {  	s5 =	ssub.s32 $0x0, s5;
	[sflag:s7] =	ssyncset.done $0x0  }
0xa6: {  	[sflag:s7] =	ssyncadd.s32 s5;
	_ =	sdelay $0x1  }
0xa7: {  	s23 =	simm.s32 $0x1B8B  }
0xa8: {  	_ =	swait.ge [sflag:s23], $0x1  }
0xa9: {  	[sflag:s23] =	ssyncset.done $0x0  }
0xaa: {  	[sflag:s23] =	ssyncadd.s32 $0xFFFFFFFF  }
0xab: {  	s5 =	sld [smem:$0x0]  }
0xac: {  	s6 =	sand.u32 $0xFFFFFFFE, s1  }
0xad: {  	p0 =	sne.s32 s1, s6  }
0xae: {  	s6 =	sshll.u32 @p0 s6, $0xE  }
0xaf: {  	s6 =	sadd.s32 @p0 $0x11B8D, s6;
	s7 =	sshll.u32 @p0 s5, $0x11  }
0xb0: {  	s6 =	sor.u32 @p0 s7, s6  }
0xb1: {  	[sflag:s6] =	ssyncadd.remote.s32 @p0 $0x1;
	_ =	sdelay $0x1  }
0xb2: {  	s6 =	simm.s32 @p0 $0x1B8D  }
0xb3: {  	_ =	swait.eq @p0 [sflag:s6], $0x1  }
0xb4: {  	[sflag:s6] =	ssyncadd.s32 @p0 $0xFFFFFFFF  }
0xb5: {  	s7 =	sshll.u32 @!p0 s1, $0xE  }
0xb6: {  	s7 =	sor.u32 @!p0 $0x4000, s7;
	s6 =	simm.s32 @!p0 $0x1B8D  }
0xb7: {  	s5 =	sshll.u32 @!p0 s5, $0x11;
	s7 =	sadd.s32 @!p0 $0x11B8D, s7;
	_ =	swait.eq @!p0 [sflag:s6], $0x1  }
0xb8: {  	s5 =	sor.u32 @!p0 s5, s7;
	[sflag:s6] =	ssyncadd.s32 @!p0 $0xFFFFFFFF  }
0xb9: {  	s25 =	simm.s32 $0x1B8E;
	s24 =	sld [smem:$0x3FFE];
	[sflag:s5] =	ssyncadd.remote.s32 @!p0 $0x1  }
0xba: {  	s26 =	simm.s32 $execute0_lowered;
	[smem:$0x3FD2] =	sst s25  }
0xbb: {  	s6 =	sshll.u32 s26, $0x1;
	_ =	strace $0x80000050;
	[dreg:$0x1] =	wrdreg $0xFFFFFFFF  }
0xbc: {  	s28 =	simm.s32 $_size_execute0_lowered;
	s4 =	sadd.s32 s4, s6;
	[dreg:$0x0] =	wrdreg $0x0  }
0xbd: {  	s6 =	sshll.u32 s28, $0x1;
	[dreg:$0x2] =	wrdreg s4  }
0xbe: {  	[dreg:$0x3] =	wrdreg s6  }
0xbf: {  	[dreg:$0x4] =	wrdreg $0xC0  }
0xc0: {  	_ =	task [dreg:s22], $0x5FFFF  }
0xc1: {  	[dreg:$0x1] =	wrdreg $0xFFFFFFFF  }
0xc2: {  	[dreg:$0x0] =	wrdreg $0x60  }
0xc3: {  	[dreg:$0x2] =	wrdreg s24  }
0xc4: {  	[dreg:$0x3] =	wrdreg s17  }
0xc5: {  	[dreg:$0x4] =	wrdreg $0xA  }
0xc6: {  	_ =	task.clear_ibuf [dreg:s22], $0x5FFFF;
	_ =	strace $0x90000050  }
0xc7: {  	s29 =	simm.s32 $0xA;
	_ =	strace $0x80000059  }
0xc8: {  	_ =	swait.ge [sflag:s29], $0x1  }
0xc9: {  	[sflag:s29] =	ssyncadd.s32 $0xFFFFFFFF  }
0xca: {  	_ =	strace $0x90000059  }
0xcb: {  	_ =	sfence  }
0xcc: {  	s30 =	sld [smem:$0x0];
	_ =	sdelay $0x2  }
0xcd: {  	s31 =	sshll.u32 s1, $0xD;
	s1 =	sshrl.u32 s1, $0x2  }
0xce: {  	s4 =	sand.u32 $0x4000, s31;
	s1 =	sadd.s32 s1, s30  }
0xcf: {  	s0 =	sor.u32 s4, s0;
	s1 =	sshll.u32 s1, $0x11  }
0xd0: {  	s0 =	sor.u32 s1, s0  }
0xd1: {  	s0 =	sadd.s32 $0x8F2B, s0  }
0xd2: {  	[sflag:s0] =	ssyncadd.remote.s32 $0x1  }
0xd3: {  	_ =	sfence.sel $0xFFFF  }
0xd4: {  	[dreg:$0x0] =	wrdreg $0xFFFFFFFF;
	(pc) =	sbr.abs _section_cstart, $3  }
0xd5: {  	[dreg:$0x1] =	wrdreg $0xFFFFFFFF  }
0xd6: {  	_ =	task.clear_ibuf [dreg:s22], $0x2FFFF;
	_ =	strace $0x9FFFFFFF  }
0xd7: {  	(tm) =	ssettm $0x7FFFFFFF  }
tec
execute0_lowered:
.L_overlay_start_1:
0x0: {  	(tag) =	ssettag $0x1  }
0x1: {  	s10 =	rddreg [dreg:$0x0]  }
0x2: {  	s1 =	rddreg [dreg:$0x1]  }
0x3: {  	s0 =	rddreg [dreg:$0x2];
	s2 =	simm.s32 $0x0;
	s3 =	srdreg.scid  }
0x4: {  	s12 =	simm.s32 $0x5;
	s13 =	simm.s32 $0x0;
	[smem:$0x7FF] =	sst s2  }
0x5: {  	s6 =	sand.u32 $0x1, s3;
	s4 =	sadd.s32 $0x8A200, s10;
	s3 =	stileid.u32  }
0x6: {  	s5 =	sadd.s32 $0x1A3200, s10;
	s10 =	sadd.s32 $0x8A300, s10;
	s7 =	sshll.u32 s6, $0x4  }
0x7: {  	_ =	strace $0x80000051;
	s8 =	ssub.s32 $0x2, s6;
	s30 =	sor.u32 s3, s7  }
0x8: {  	p0 =	slt.u32 s30, $0x12;
	s9 =	sshll.u32 s30, $0x1;
	s6 =	sadd.s32 $0x12, s30  }
0x9: {  	v2 =	vlaneseq.u32;
	s11 =	sshrl.u32 s8, $0x1;
	s7 =	simm.s32 $0x2;
	s6 =	smov.u32 @p0 s9  }
0xa: {  	vm0 =	vmmov $0xffff;
	v1 =	vshrl.u32 v2, $0x3;
	s11 =	ssub.s32 s8, s11;
	s7 =	simm.s32 @!p0 $0x1;
	s31 =	sshll.u32 s6, $0x4  }
0xb: {  	v0 =	vand.u32 $0x7, v2;
	v2 =	vor.u32 $0x8, v2;
	v1 =	vmul.u32 $0x8, v1;
	s11 =	smax.u32 s11, $0x1;
	s9 =	sadd.s32 $0xFFFFFFFF, s7;
	s8 =	sadd.s32 s1, s31  }
.LBB2_1:
0xc: {  	_ =	strace $0x80000052;
	s20 =	simm.s32 $0x0  }
0xd: {  	s14 =	simm.s32 $0x0;
	s15 =	simm.s32 $0x0;
	s16 =	simm.s32 $0x0  }
0xe: {  	[tilespmem:s2], [sflag:$0x1] =	stream.linear.gather [hbm4b:s8+s2], $0x80, $0x200038;
	[tilespmem:$0x8100] =	vst v63  }
0xf: {  	s17 =	simm.s32 $0x1;
	s18 =	simm.s32 $0x0;
	_ =	strace $0x90000052  }
.LBB2_2:
0x10: {  	s19 =	sadd.s32 $0x1, s20  }
0x11: {  	p0 =	seq.s32 s19, s7  }
0x12: {  	s19 =	simm.s32 @p0 $0x0  }
0x13: {  	p3 =	slt.s32 s18, s9;
	p1 =	sne.s32 s20, s19  }
0x14: {  	p0 =	por !p3, !p1  }
0x15: {  	p0 =	por !p0, !p0  }
0x16: {  	s21 =	sadd.s32 @p0 s6, s19  }
0x17: {  	s22 =	sand.u32 @p0 $0x1, s17;
	s21 =	sshll.u32 @p0 s21, $0x4  }
0x18: {  	_ =	strace @p0 $0x80000053;
	s24 =	simm.s32 @p0 $0x0;
	s21 =	sand.u32 @p0 $0x1FFFFFF0, s21  }
0x19: {  	s23 =	sshll.u32 @p0 s22, $0x7;
	s22 =	sadd.s32 @p0 $0x1, s22;
	s21 =	sadd.s32 @p0 s1, s21  }
0x1a: {  	[tilespmem:s23], [sflag:s22] =	stream.linear.gather @p0 [hbm4b:s21+s24], $0x80, $0x200038;
	[tilespmem:$0x8100] =	vst v63  }
0x1b: {  	p2 =	seq.s32 s18, $0x0;
	s21 =	sor.u32 s9, s20  }
0x1c: {  	p3 =	seq.s32 @!p2 s21, $0x0  }
0x1d: {  	p2 =	por p2, !p3  }
0x1e: {  	_ =	strace @p0 $0x90000053;
	s22 =	sand.u32 @p2 $0x1, s16  }
0x1f: {  	_ =	strace @p2 $0x80000054;
	s22 =	sadd.s32 @p2 $0x1, s22  }
0x20: {  	_ =	swait.ge @p2 [sflag:s22], $0x80  }
0x21: {  	[sflag:s22] =	ssyncset.done @p2 $0x0  }
0x22: {  	[sflag:s22] =	ssyncadd.s32 @p2 $0xFFFFFF80  }
0x23: {  	s29 =	sshll.u32 s16, $0x7;
	_ =	strace @p2 $0x90000054  }
0x24: {  	s22 =	sand.u32 $0x80, s29;
	_ =	strace $0x80000055  }
0x25: {  	v3 =	vld [tilespmem:s22+$0x0];
	_ =	sdelay $0x4  }
0x26: {  	v4 =	vshll.u32 v3, $0x2  }
0x27: {  	v3 =	vand.u32 $0x7, v3;
	v4 =	vand.u32 $0xFFFFFFE0, v4  }
0x28: {  	v3 =	vor.u32 v3, v4  }
0x29: {  	v4 =	vperm.xlane v3, v0;
	_ =	sdelay $0x1  }
0x2a: {  	v4 =	vadd.s32 v1, v4;
	_ =	sdelay $0x1  }
0x2b: {  	s23 =	sand.u32 $0x1, s15;
	v3 =	vperm.xlane v3, v2  }
0x2c: {  	s24 =	sshll.u32 s23, $0xE  }
0x2d: {  	s25 =	sor.u32 $0x100, s24;
	v3 =	vadd.s32 v1, v3  }
0x2e: {  	[tilespmem:s25], [sflag:$0x5] =	stream.indirect_vreg.gather [hbm4b:s4+s2], $0x80, v4, vm0, $0x2000b8;
	[tilespmem:$0x8100] =	vst v63  }
0x2f: {  	s26 =	sor.u32 $0x900, s24  }
0x30: {  	[tilespmem:s26], [sflag:$0x5] =	stream.indirect_vreg.gather [hbm4b:s10+s2], $0x80, v4, vm0, $0x2000b8;
	[tilespmem:$0x8100] =	vst v63  }
0x31: {  	s30 =	sor.u32 $0x1100, s24  }
0x32: {  	[tilespmem:s30], [sflag:$0x5] =	stream.indirect_vreg.gather [hbm4b:s4+s2], $0x80, v3, vm0, $0x2000b8;
	[tilespmem:$0x8100] =	vst v63  }
0x33: {  	s31 =	sor.u32 $0x1900, s24  }
0x34: {  	[tilespmem:s31], [sflag:$0x5] =	stream.indirect_vreg.gather [hbm4b:s10+s2], $0x80, v3, vm0, $0x2000b8;
	[tilespmem:$0x8100] =	vst v63  }
0x35: {  	v3 =	vld [tilespmem:s22+$0x10];
	_ =	sdelay $0x4  }
0x36: {  	v63 =	vshll.u32 v3, $0x2  }
0x37: {  	v3 =	vand.u32 $0x7, v3;
	v4 =	vand.u32 $0xFFFFFFE0, v63  }
0x38: {  	v3 =	vor.u32 v3, v4  }
0x39: {  	v4 =	vperm.xlane v3, v0;
	_ =	sdelay $0x1  }
0x3a: {  	v4 =	vadd.s32 v1, v4;
	_ =	sdelay $0x1  }
0x3b: {  	v3 =	vperm.xlane v3, v2;
	_ =	sdelay $0x1  }
0x3c: {  	s28 =	sor.u32 $0x2100, s24;
	v3 =	vadd.s32 v1, v3  }
0x3d: {  	[tilespmem:s28], [sflag:$0x5] =	stream.indirect_vreg.gather [hbm4b:s4+s2], $0x80, v4, vm0, $0x2000b8;
	[tilespmem:$0x8100] =	vst v63  }
0x3e: {  	s29 =	sor.u32 $0x2900, s24  }
0x3f: {  	[tilespmem:s29], [sflag:$0x5] =	stream.indirect_vreg.gather [hbm4b:s10+s2], $0x80, v4, vm0, $0x2000b8;
	[tilespmem:$0x8100] =	vst v63  }
0x40: {  	p4 =	seq.s32 s9, s18;
	p6 =	sne.s32 s18, $0x0;
	s30 =	sor.u32 $0x3100, s24  }
0x41: {  	[tilespmem:s30], [sflag:$0x5] =	stream.indirect_vreg.gather [hbm4b:s4+s2], $0x80, v3, vm0, $0x2000b8;
	[tilespmem:$0x8100] =	vst v63  }
0x42: {  	p1 =	por p4, p1;
	s20 =	sadd.s32 s6, s20;
	s31 =	sor.u32 $0x3900, s24  }
0x43: {  	[tilespmem:s31], [sflag:$0x5] =	stream.indirect_vreg.gather [hbm4b:s10+s2], $0x80, v3, vm0, $0x2000b8;
	[tilespmem:$0x8100] =	vst v63  }
0x44: {  	p5 =	sne.s32 s21, $0x0;
	s20 =	sshll.u32 @p1 s20, $0xB;
	_ =	swait.ge [sflag:s12], $0x4000  }
0x45: {  	s21 =	simm.s32 $0x1;
	s20 =	sand.u32 @p1 $0x1FFFF800, s20;
	[sflag:s12] =	ssyncset.done $0x0  }
0x46: {  	s21 =	simm.s32 @!p0 $0x0;
	p2 =	por !p6, !p5;
	[sflag:s12] =	ssyncadd.s32 $0xFFFFC000  }
0x47: {  	s20 =	sadd.s32 @p1 s5, s20;
	p0 =	por !p2, !p2;
	_ =	strace $0x90000055  }
0x48: {  	s22 =	sadd.s32 @p1 $0x3, s23;
	s23 =	simm.s32 @p1 $0x0;
	_ =	strace @p1 $0x80000056  }
0x49: {  	[hbm4b:s20+s23] =	stream.linear.scatter @p1 [tilespmem:s25], [sflag:s22], $0x4000, $0x200038;
	[tilespmem:$0x8100] =	vst v63  }
0x4a: {  	s18 =	sadd.s32 $0x1, s18;
	s20 =	simm.s32 $0x1;
	s22 =	sand.u32 @p0 $0x1, s14  }
0x4b: {  	_ =	strace @p1 $0x90000056;
	s20 =	simm.s32 @!p1 $0x0;
	p1 =	sne.s32 s7, s18  }
.Ltmp0:
0x4c: {  	s22 =	sadd.s32 @p0 $0x3, s22;
	_ =	strace @p0 $0x80000057;
	(pc) =	sbr.rel @p1 .LBB2_2-.Ltmp0, $4  }
0x4d: {  	s17 =	sadd.s32 s21, s17;
	s21 =	simm.s32 $0x1;
	_ =	swait.ge @p0 [sflag:s22], $0x4000  }
0x4e: {  	s21 =	simm.s32 @!p0 $0x0;
	[sflag:s22] =	ssyncset.done @p0 $0x0  }
0x4f: {  	s14 =	sadd.s32 s21, s14;
	s15 =	sadd.s32 s20, s15;
	[sflag:s22] =	ssyncadd.s32 @p0 $0xFFFFC000  }
0x50: {  	s16 =	sadd.s32 s20, s16;
	s20 =	smov.u32 s19;
	_ =	strace @p0 $0x90000057  }
0x51: {  	s13 =	sadd.s32 $0x1, s13  }
0x52: {  	s14 =	sand.u32 $0x1, s14;
	p0 =	sne.s32 s13, s11  }
.Ltmp1:
0x53: {  	_ =	strace $0x80000058;
	s14 =	sadd.s32 $0x3, s14;
	(pc) =	sbr.rel @p0 .LBB2_1-.Ltmp1, $4  }
0x54: {  	_ =	swait.ge [sflag:s14], $0x4000  }
0x55: {  	[sflag:s14] =	ssyncset.done $0x0  }
0x56: {  	[sflag:s14] =	ssyncadd.s32 $0xFFFFC000  }
0x57: {  	_ =	strace $0x90000058  }
0x58: {  	_ =	sfence.sel $0x180000  }
0x59: {  	[bflag:$0x0] =	sbarrier.arrive $0xFFFF  }
0x5a: {  	p0 =	sne.s32 s3, $0x0;
	_ =	strace $0x90000051  }
0x5b: {  	s0 =	sadd.s32 @!p0 $0x100000, s0;
	[bflag:$0x2] =	sbarrier.arrive $0xFFFF  }
0x5c: {  	[sflag:s0] =	ssyncadd.tile.s32 @!p0 $0x1;
	_ =	shalt  }
.Lfunc_end2:
_tile_overlayer_lowered:
.L_overlay_start_2:
0x5d: {  	(tag) =	ssettag $0x2  }
0x5e: {  	s0 =	rddreg [dreg:$0x0];
	s2 =	stileid.u32  }
0x5f: {  	s1 =	rddreg [dreg:$0x1];
	p0 =	sne.s32 s2, $0x0  }
0x60: {  	s3 =	rddreg [dreg:$0x2];
	[bflag:$0x3] =	sbarrier.arrive $0xFFFF;
	s2 =	simm.s32 @!p0 $0x1C01  }
0x61: {  	[timem:s3], [sflag:s2] =	dma.local @!p0 [hbm:s0], s1  }
0x62: {  	s0 =	simm.s32 @!p0 $0x1  }
0x63: {  	_ =	swait.ge @!p0 [sflag:s0], s1  }
0x64: {  	s1 =	ssub.s32 @!p0 $0x0, s1;
	[sflag:s0] =	ssyncset.done @!p0 $0x0  }
0x65: {  	[sflag:s0] =	ssyncadd.s32 @!p0 s1  }
0x66: {  	[bflag:$0x3] =	sbarrier.arrive $0xFFFF  }
0x67: {  	_ =	shalt  }

</sc_bundles>
